<compile_context>
chip_gen: v7x
topology: tpu7x:2x2x1
jax: 0.10.2.dev20260603
libtpu: 0.0.44.dev20260713+nightly
codegen_flags: <defaults>
</compile_context>

<pallas_src>
import functools

import jax
import jax.numpy as jnp
from jax import lax
from jax.experimental import pallas as pl
from jax.experimental.pallas import tpu as pltpu
from jax.experimental.pallas import tpu_sc as plsc

N = 10000
E = 320000
D = 128
L = 4

N_PAD = 10240
ROWS_PER_TILE = N_PAD // 16
CHUNK = 128
NUM_WORKERS = 32
CHUNKS_PER_WORKER = 80
EDGES_PER_WORKER = CHUNKS_PER_WORKER * CHUNK
E_PAD = NUM_WORKERS * EDGES_PER_WORKER


def _seg_sum_body(h_hbm, srci_hbm, dsti_hbm, zeros_hbm, out_hbm,
                  idx_s0, idx_s1, idx_d0, idx_d1, rows0, rows1, agg_sh,
                  isem0, isem1, gsem0, gsem1):
    c = lax.axis_index("c")
    s = lax.axis_index("s")
    wid = c * 16 + s
    base = wid * EDGES_PER_WORKER
    idx_s = (idx_s0, idx_s1)
    idx_d = (idx_d0, idx_d1)
    rows = (rows0, rows1)
    isems = (isem0, isem1)
    gsems = (gsem0, gsem1)

    def load_idx(j, p):
        pltpu.async_copy(srci_hbm.at[pl.ds(base + j * CHUNK, CHUNK)],
                         idx_s[p], isems[p])
        pltpu.async_copy(dsti_hbm.at[pl.ds(base + j * CHUNK, CHUNK)],
                         idx_d[p], isems[p])

    def wait_idx(p):
        pltpu.make_async_copy(srci_hbm.at[pl.ds(0, CHUNK)], idx_s[p],
                              isems[p]).wait()
        pltpu.make_async_copy(dsti_hbm.at[pl.ds(0, CHUNK)], idx_d[p],
                              isems[p]).wait()

    pltpu.sync_copy(zeros_hbm, rows0)
    for k in range(ROWS_PER_TILE // CHUNK):
        pltpu.sync_copy(rows0,
                        agg_sh.at[pl.ds(s * ROWS_PER_TILE + k * CHUNK, CHUNK)])
    plsc.subcore_barrier()

    load_idx(0, 0)
    load_idx(1, 1)
    wait_idx(0)
    pltpu.async_copy(h_hbm.at[idx_s0], rows0, gsem0)

    def step(k, carry):
        for p in range(2):
            j = 2 * k + p

            @pl.when(j + 1 < CHUNKS_PER_WORKER)
            def _():
                wait_idx(1 - p)
                pltpu.async_copy(h_hbm.at[idx_s[1 - p]], rows[1 - p],
                                 gsems[1 - p])
            pltpu.make_async_copy(h_hbm.at[pl.ds(0, CHUNK)], rows[p],
                                  gsems[p]).wait()
            pltpu.sync_copy(rows[p], agg_sh.at[idx_d[p]], add=True)

            @pl.when(j + 2 < CHUNKS_PER_WORKER)
            def _():
                load_idx(j + 2, p)
        return carry

    lax.fori_loop(0, CHUNKS_PER_WORKER // 2, step, 0)
    plsc.subcore_barrier()

    for k in range(ROWS_PER_TILE // CHUNK):
        off = s * ROWS_PER_TILE + k * CHUNK
        pltpu.sync_copy(agg_sh.at[pl.ds(off, CHUNK)], rows0)
        pltpu.sync_copy(rows0, out_hbm.at[pl.ds(c * N_PAD + off, CHUNK)])


_seg_sum = functools.partial(
    pl.kernel,
    out_type=jax.ShapeDtypeStruct((2 * N_PAD, D), jnp.float32),
    mesh=plsc.VectorSubcoreMesh(core_axis_name="c", subcore_axis_name="s"),
    scratch_types=[
        pltpu.VMEM((CHUNK,), jnp.int32),
        pltpu.VMEM((CHUNK,), jnp.int32),
        pltpu.VMEM((CHUNK,), jnp.int32),
        pltpu.VMEM((CHUNK,), jnp.int32),
        pltpu.VMEM((CHUNK, D), jnp.float32),
        pltpu.VMEM((CHUNK, D), jnp.float32),
        pltpu.VMEM_SHARED((N_PAD, D), jnp.float32),
    ] + [pltpu.SemaphoreType.DMA] * 4,
)(_seg_sum_body)


def _layer_body(h_ref, agg_ref, w1_ref, w2_ref, g1_ref, b1_ref, g2_ref,
                b2_ref, out_ref, pool_ref):
    agg = agg_ref[...]
    rst = h_ref[...] + agg[0, :N] + agg[1, :N]
    t = jnp.dot(rst, w1_ref[...], preferred_element_type=jnp.float32)
    mean = jnp.mean(t, axis=0)
    var = jnp.mean((t - mean) ** 2, axis=0)
    t = (t - mean) * lax.rsqrt(var + 1e-5) * g1_ref[...] + b1_ref[...]
    t = jnp.maximum(t, 0.0)
    h2 = jnp.dot(t, w2_ref[...], preferred_element_type=jnp.float32)
    mean2 = jnp.mean(h2, axis=0)
    var2 = jnp.mean((h2 - mean2) ** 2, axis=0)
    h2 = (h2 - mean2) * lax.rsqrt(var2 + 1e-5) * g2_ref[...] + b2_ref[...]
    h2 = jnp.maximum(h2, 0.0)
    out_ref[...] = h2
    pool_ref[...] = jnp.sum(h2, axis=0, keepdims=True)


def _tc_layer(h, agg, w1t, w2t, g1, b1, g2, b2):
    return pl.pallas_call(
        _layer_body,
        out_shape=(
            jax.ShapeDtypeStruct((N, D), jnp.float32),
            jax.ShapeDtypeStruct((1, D), jnp.float32),
        ),
    )(h, agg, w1t, w2t, g1, b1, g2, b2)


def _head_body(x_ref, pools_ref, wt_ref, b_ref, logp_ref, score_ref):
    score = jnp.sum(x_ref[...], axis=0, keepdims=True) @ wt_ref[0]
    score = score + b_ref[0:1, :]
    for i in range(L):
        score = score + pools_ref[i:i + 1, :] @ wt_ref[i + 1] + b_ref[i + 1:i + 2, :]
    m = jnp.max(score)
    lse = jnp.log(jnp.sum(jnp.exp(score - m))) + m
    logp_ref[...] = score - lse
    score_ref[...] = score


def _tc_head(x, pools, pred_wt, pred_b):
    return pl.pallas_call(
        _head_body,
        out_shape=(
            jax.ShapeDtypeStruct((1, D), jnp.float32),
            jax.ShapeDtypeStruct((1, D), jnp.float32),
        ),
    )(x, pools, pred_wt, pred_b)


def kernel(x, edge_index, mlp_W1, mlp_W2, mlp_bn_gamma, mlp_bn_beta,
           bn_gamma, bn_beta, pred_W, pred_b):
    n_fake = E_PAD - E
    fake_ar = jnp.arange(n_fake, dtype=jnp.int32)
    src = jnp.concatenate([edge_index[0].astype(jnp.int32),
                           (fake_ar * 37) % N])
    fake_dst = N + fake_ar % (N_PAD - N)
    dst = jnp.concatenate([edge_index[1].astype(jnp.int32), fake_dst])
    zeros = jnp.zeros((CHUNK, D), jnp.float32)
    w1t = mlp_W1.transpose(0, 2, 1)
    w2t = mlp_W2.transpose(0, 2, 1)
    pred_wt = pred_W.transpose(0, 2, 1)

    h = x
    pools = []
    for i in range(L):
        agg = _seg_sum(h, src, dst, zeros).reshape(2, N_PAD, D)
        h, pool = _tc_layer(h, agg, w1t[i], w2t[i], mlp_bn_gamma[i],
                            mlp_bn_beta[i], bn_gamma[i], bn_beta[i])
        pools.append(pool)
    pools = jnp.concatenate(pools, axis=0)
    logp, score = _tc_head(x, pools, pred_wt, pred_b)
    return (logp, score)

# --- scband reference (transcript-rebuilt; emitter-appended) ---
"""Pipeline reference for scband-gin-64106681860687 (READ-ONLY COPY).

The authoritative reference and input builder live on the scoring server;
editing this copy changes nothing except your own understanding.
"""

import jax, jax.numpy as jnp
import numpy as np

N, E, D, L = 10000, 320000, 128, 4

def _bn(h, gamma, beta):
    mean = jnp.mean(h, axis=0)
    var = jnp.var(h, axis=0)
    return (h - mean) / jnp.sqrt(var + 1e-5) * gamma + beta

def setup_inputs(seed: int = 0) -> dict:
    key = jax.random.key(seed)
    ks = jax.random.split(key, 12)
    scale = 0.05
    x = jax.random.normal(ks[0], (N, D), dtype=jnp.float32)
    edge_index = jax.random.randint(ks[1], (2, E), 0, N).astype(jnp.int64)
    mlp_W1 = jax.random.normal(ks[2], (L, D, D), dtype=jnp.float32) * scale
    mlp_W2 = jax.random.normal(ks[3], (L, D, D), dtype=jnp.float32) * scale
    mlp_bn_gamma = jnp.ones((L, D), dtype=jnp.float32)
    mlp_bn_beta = jnp.zeros((L, D), dtype=jnp.float32)
    bn_gamma = jnp.ones((L, D), dtype=jnp.float32)
    bn_beta = jnp.zeros((L, D), dtype=jnp.float32)
    pred_W = jax.random.normal(ks[4], (L + 1, D, D), dtype=jnp.float32) * scale
    pred_b = jax.random.normal(ks[5], (L + 1, D), dtype=jnp.float32) * scale
    return {"x": x, "edge_index": edge_index, "mlp_W1": mlp_W1, "mlp_W2": mlp_W2,
            "mlp_bn_gamma": mlp_bn_gamma, "mlp_bn_beta": mlp_bn_beta,
            "bn_gamma": bn_gamma, "bn_beta": bn_beta,
            "pred_W": pred_W, "pred_b": pred_b}

def reference(x, edge_index, mlp_W1, mlp_W2, mlp_bn_gamma, mlp_bn_beta, bn_gamma, bn_beta, pred_W, pred_b):
    src = edge_index[0]
    dst = edge_index[1]
    n = x.shape[0]
    h = x
    hidden_rep = [h]
    for i in range(L):
        # DGL GINConv, learn_eps=False (eps=0), sum aggregation:
        # rst = (1 + eps) * feat + sum_{j in N(i)} h_j
        agg = jax.ops.segment_sum(h[src], dst, num_segments=n)
        rst = h + agg
        # MLP apply_func: Linear -> BN -> ReLU -> Linear
        t = rst @ mlp_W1[i].T
        t = jax.nn.relu(_bn(t, mlp_bn_gamma[i], mlp_bn_beta[i]))
        h = t @ mlp_W2[i].T
        # outer BatchNorm + ReLU
        h = jax.nn.relu(_bn(h, bn_gamma[i], bn_beta[i]))
        hidden_rep.append(h)
    score = jnp.zeros((1, pred_W.shape[1]), dtype=jnp.float32)
    for i, hh in enumerate(hidden_rep):
        pooled = jnp.sum(hh, axis=0, keepdims=True)  # SumPooling over single graph
        score = score + pooled @ pred_W[i].T + pred_b[i]  # dropout = identity (eval)
    logp = jax.nn.log_softmax(score, axis=-1)
    return (logp, score)

if __name__ == "__main__":
    import jax
    _d = setup_inputs()
    print(jax.jit(kernel)(*tuple(_d.values())))

</pallas_src>

<mosaic_0001>
#map = affine_map<(d0, d1) -> (0, 0)>
#map1 = affine_map<(d0, d1) -> (0)>
module attributes {stable_mosaic.version = 14 : i64} {
  func.func @_seg_sum_body(%arg0: i32, %arg1: i32, %arg2: memref<10000x128xf32, #tpu.memory_space<hbm>>, %arg3: memref<327680xi32, #tpu.memory_space<hbm>>, %arg4: memref<327680xi32, #tpu.memory_space<hbm>>, %arg5: memref<128x128xf32, #tpu.memory_space<hbm>>, %arg6: memref<20480x128xf32, #tpu.memory_space<hbm>>, %arg7: memref<128xi32, #tpu.memory_space<vmem>>, %arg8: memref<128xi32, #tpu.memory_space<vmem>>, %arg9: memref<128xi32, #tpu.memory_space<vmem>>, %arg10: memref<128xi32, #tpu.memory_space<vmem>>, %arg11: memref<128x128xf32, #tpu.memory_space<vmem>>, %arg12: memref<128x128xf32, #tpu.memory_space<vmem>>, %arg13: memref<10240x128xf32, #tpu.memory_space<vmem_shared>>, %arg14: memref<!tpu.dma_semaphore, #tpu.memory_space<semaphore_mem>>, %arg15: memref<!tpu.dma_semaphore, #tpu.memory_space<semaphore_mem>>, %arg16: memref<!tpu.dma_semaphore, #tpu.memory_space<semaphore_mem>>, %arg17: memref<!tpu.dma_semaphore, #tpu.memory_space<semaphore_mem>>) attributes {dimension_semantics = [#tpu.dimension_semantics<core_parallel>, #tpu.dimension_semantics<subcore_parallel>], iteration_bounds = array<i64: 2, 16>, scalar_prefetch = 0 : i64, scratch_operands = 11 : i64, tpu.core_type = #tpu.core_type<sc_vector_subcore>, window_params = [{transform_indices = #map}, {transform_indices = #map1}, {transform_indices = #map1}, {transform_indices = #map}, {transform_indices = #map}]} {
    %mul3A = arith.constant 16 : i32
    %mul3A_0 = arith.muli %arg0, %mul3A : i32
    %add3A = arith.addi %mul3A_0, %arg1 : i32
    %mul3A_1 = arith.constant 10240 : i32
    %mul3A_2 = arith.muli %add3A, %mul3A_1 : i32
    "tpu.region"() ({
      %run_scoped3A = tpu.sem_alloc : memref<!tpu.dma_semaphore, #tpu.memory_space<semaphore_mem>>
      tpu.enqueue_dma source(%arg5 : memref<128x128xf32, #tpu.memory_space<hbm>>) target(%arg11 : memref<128x128xf32, #tpu.memory_space<vmem>>) target_semaphore(%run_scoped3A : memref<!tpu.dma_semaphore, #tpu.memory_space<semaphore_mem>>)
      tpu.wait_dma2 semaphore(%run_scoped3A : memref<!tpu.dma_semaphore, #tpu.memory_space<semaphore_mem>>) src(%arg5 : memref<128x128xf32, #tpu.memory_space<hbm>>) dst(%arg11 : memref<128x128xf32, #tpu.memory_space<vmem>>)
      tpu.yield
    }) : () -> ()
    %mul3A_3 = arith.constant 640 : i32
    %mul3A_4 = arith.muli %arg1, %mul3A_3 : i32
    %add3A_5 = arith.constant 0 : i32
    %add3A_6 = arith.addi %mul3A_4, %add3A_5 : i32
    "tpu.region"() ({
      %run_scoped3A = tpu.sem_alloc : memref<!tpu.dma_semaphore, #tpu.memory_space<semaphore_mem>>
      %dma_start3A_89 = arith.constant 0 : i32
      %dma_start3A_90 = tpu.memref_slice %arg13[%add3A_6, %dma_start3A_89] : memref<10240x128xf32, #tpu.memory_space<vmem_shared>> -> memref<128x128xf32, #tpu.memory_space<vmem_shared>>
      %dma_start3A_91 = arith.constant 0 : i32
      %dma_start3A_92 = tpu.memref_slice %arg13[%add3A_6, %dma_start3A_91] : memref<10240x128xf32, #tpu.memory_space<vmem_shared>> -> memref<128x128xf32, #tpu.memory_space<vmem_shared>>
      tpu.enqueue_dma source(%arg11 : memref<128x128xf32, #tpu.memory_space<vmem>>) target(%dma_start3A_92 : memref<128x128xf32, #tpu.memory_space<vmem_shared>>) target_semaphore(%run_scoped3A : memref<!tpu.dma_semaphore, #tpu.memory_space<semaphore_mem>>)
      %dma_wait3A_93 = arith.constant 0 : i32
      %dma_wait3A_94 = tpu.memref_slice %arg13[%add3A_6, %dma_wait3A_93] : memref<10240x128xf32, #tpu.memory_space<vmem_shared>> -> memref<128x128xf32, #tpu.memory_space<vmem_shared>>
      %dma_wait3A_95 = arith.constant 0 : i32
      %dma_wait3A_96 = tpu.memref_slice %arg13[%add3A_6, %dma_wait3A_95] : memref<10240x128xf32, #tpu.memory_space<vmem_shared>> -> memref<128x128xf32, #tpu.memory_space<vmem_shared>>
      tpu.wait_dma2 semaphore(%run_scoped3A : memref<!tpu.dma_semaphore, #tpu.memory_space<semaphore_mem>>) src(%arg11 : memref<128x128xf32, #tpu.memory_space<vmem>>) dst(%dma_wait3A_96 : memref<128x128xf32, #tpu.memory_space<vmem_shared>>)
      tpu.yield
    }) : () -> ()
    %mul3A_7 = arith.constant 640 : i32
    %mul3A_8 = arith.muli %arg1, %mul3A_7 : i32
    %add3A_9 = arith.constant 128 : i32
    %add3A_10 = arith.addi %mul3A_8, %add3A_9 : i32
    "tpu.region"() ({
      %run_scoped3A = tpu.sem_alloc : memref<!tpu.dma_semaphore, #tpu.memory_space<semaphore_mem>>
      %dma_start3A_89 = arith.constant 0 : i32
      %dma_start3A_90 = tpu.memref_slice %arg13[%add3A_10, %dma_start3A_89] : memref<10240x128xf32, #tpu.memory_space<vmem_shared>> -> memref<128x128xf32, #tpu.memory_space<vmem_shared>>
      %dma_start3A_91 = arith.constant 0 : i32
      %dma_start3A_92 = tpu.memref_slice %arg13[%add3A_10, %dma_start3A_91] : memref<10240x128xf32, #tpu.memory_space<vmem_shared>> -> memref<128x128xf32, #tpu.memory_space<vmem_shared>>
      tpu.enqueue_dma source(%arg11 : memref<128x128xf32, #tpu.memory_space<vmem>>) target(%dma_start3A_92 : memref<128x128xf32, #tpu.memory_space<vmem_shared>>) target_semaphore(%run_scoped3A : memref<!tpu.dma_semaphore, #tpu.memory_space<semaphore_mem>>)
      %dma_wait3A_93 = arith.constant 0 : i32
      %dma_wait3A_94 = tpu.memref_slice %arg13[%add3A_10, %dma_wait3A_93] : memref<10240x128xf32, #tpu.memory_space<vmem_shared>> -> memref<128x128xf32, #tpu.memory_space<vmem_shared>>
      %dma_wait3A_95 = arith.constant 0 : i32
      %dma_wait3A_96 = tpu.memref_slice %arg13[%add3A_10, %dma_wait3A_95] : memref<10240x128xf32, #tpu.memory_space<vmem_shared>> -> memref<128x128xf32, #tpu.memory_space<vmem_shared>>
      tpu.wait_dma2 semaphore(%run_scoped3A : memref<!tpu.dma_semaphore, #tpu.memory_space<semaphore_mem>>) src(%arg11 : memref<128x128xf32, #tpu.memory_space<vmem>>) dst(%dma_wait3A_96 : memref<128x128xf32, #tpu.memory_space<vmem_shared>>)
      tpu.yield
    }) : () -> ()
    %mul3A_11 = arith.constant 640 : i32
    %mul3A_12 = arith.muli %arg1, %mul3A_11 : i32
    %add3A_13 = arith.constant 256 : i32
    %add3A_14 = arith.addi %mul3A_12, %add3A_13 : i32
    "tpu.region"() ({
      %run_scoped3A = tpu.sem_alloc : memref<!tpu.dma_semaphore, #tpu.memory_space<semaphore_mem>>
      %dma_start3A_89 = arith.constant 0 : i32
      %dma_start3A_90 = tpu.memref_slice %arg13[%add3A_14, %dma_start3A_89] : memref<10240x128xf32, #tpu.memory_space<vmem_shared>> -> memref<128x128xf32, #tpu.memory_space<vmem_shared>>
      %dma_start3A_91 = arith.constant 0 : i32
      %dma_start3A_92 = tpu.memref_slice %arg13[%add3A_14, %dma_start3A_91] : memref<10240x128xf32, #tpu.memory_space<vmem_shared>> -> memref<128x128xf32, #tpu.memory_space<vmem_shared>>
      tpu.enqueue_dma source(%arg11 : memref<128x128xf32, #tpu.memory_space<vmem>>) target(%dma_start3A_92 : memref<128x128xf32, #tpu.memory_space<vmem_shared>>) target_semaphore(%run_scoped3A : memref<!tpu.dma_semaphore, #tpu.memory_space<semaphore_mem>>)
      %dma_wait3A_93 = arith.constant 0 : i32
      %dma_wait3A_94 = tpu.memref_slice %arg13[%add3A_14, %dma_wait3A_93] : memref<10240x128xf32, #tpu.memory_space<vmem_shared>> -> memref<128x128xf32, #tpu.memory_space<vmem_shared>>
      %dma_wait3A_95 = arith.constant 0 : i32
      %dma_wait3A_96 = tpu.memref_slice %arg13[%add3A_14, %dma_wait3A_95] : memref<10240x128xf32, #tpu.memory_space<vmem_shared>> -> memref<128x128xf32, #tpu.memory_space<vmem_shared>>
      tpu.wait_dma2 semaphore(%run_scoped3A : memref<!tpu.dma_semaphore, #tpu.memory_space<semaphore_mem>>) src(%arg11 : memref<128x128xf32, #tpu.memory_space<vmem>>) dst(%dma_wait3A_96 : memref<128x128xf32, #tpu.memory_space<vmem_shared>>)
      tpu.yield
    }) : () -> ()
    %mul3A_15 = arith.constant 640 : i32
    %mul3A_16 = arith.muli %arg1, %mul3A_15 : i32
    %add3A_17 = arith.constant 384 : i32
    %add3A_18 = arith.addi %mul3A_16, %add3A_17 : i32
    "tpu.region"() ({
      %run_scoped3A = tpu.sem_alloc : memref<!tpu.dma_semaphore, #tpu.memory_space<semaphore_mem>>
      %dma_start3A_89 = arith.constant 0 : i32
      %dma_start3A_90 = tpu.memref_slice %arg13[%add3A_18, %dma_start3A_89] : memref<10240x128xf32, #tpu.memory_space<vmem_shared>> -> memref<128x128xf32, #tpu.memory_space<vmem_shared>>
      %dma_start3A_91 = arith.constant 0 : i32
      %dma_start3A_92 = tpu.memref_slice %arg13[%add3A_18, %dma_start3A_91] : memref<10240x128xf32, #tpu.memory_space<vmem_shared>> -> memref<128x128xf32, #tpu.memory_space<vmem_shared>>
      tpu.enqueue_dma source(%arg11 : memref<128x128xf32, #tpu.memory_space<vmem>>) target(%dma_start3A_92 : memref<128x128xf32, #tpu.memory_space<vmem_shared>>) target_semaphore(%run_scoped3A : memref<!tpu.dma_semaphore, #tpu.memory_space<semaphore_mem>>)
      %dma_wait3A_93 = arith.constant 0 : i32
      %dma_wait3A_94 = tpu.memref_slice %arg13[%add3A_18, %dma_wait3A_93] : memref<10240x128xf32, #tpu.memory_space<vmem_shared>> -> memref<128x128xf32, #tpu.memory_space<vmem_shared>>
      %dma_wait3A_95 = arith.constant 0 : i32
      %dma_wait3A_96 = tpu.memref_slice %arg13[%add3A_18, %dma_wait3A_95] : memref<10240x128xf32, #tpu.memory_space<vmem_shared>> -> memref<128x128xf32, #tpu.memory_space<vmem_shared>>
      tpu.wait_dma2 semaphore(%run_scoped3A : memref<!tpu.dma_semaphore, #tpu.memory_space<semaphore_mem>>) src(%arg11 : memref<128x128xf32, #tpu.memory_space<vmem>>) dst(%dma_wait3A_96 : memref<128x128xf32, #tpu.memory_space<vmem_shared>>)
      tpu.yield
    }) : () -> ()
    %mul3A_19 = arith.constant 640 : i32
    %mul3A_20 = arith.muli %arg1, %mul3A_19 : i32
    %add3A_21 = arith.constant 512 : i32
    %add3A_22 = arith.addi %mul3A_20, %add3A_21 : i32
    "tpu.region"() ({
      %run_scoped3A = tpu.sem_alloc : memref<!tpu.dma_semaphore, #tpu.memory_space<semaphore_mem>>
      %dma_start3A_89 = arith.constant 0 : i32
      %dma_start3A_90 = tpu.memref_slice %arg13[%add3A_22, %dma_start3A_89] : memref<10240x128xf32, #tpu.memory_space<vmem_shared>> -> memref<128x128xf32, #tpu.memory_space<vmem_shared>>
      %dma_start3A_91 = arith.constant 0 : i32
      %dma_start3A_92 = tpu.memref_slice %arg13[%add3A_22, %dma_start3A_91] : memref<10240x128xf32, #tpu.memory_space<vmem_shared>> -> memref<128x128xf32, #tpu.memory_space<vmem_shared>>
      tpu.enqueue_dma source(%arg11 : memref<128x128xf32, #tpu.memory_space<vmem>>) target(%dma_start3A_92 : memref<128x128xf32, #tpu.memory_space<vmem_shared>>) target_semaphore(%run_scoped3A : memref<!tpu.dma_semaphore, #tpu.memory_space<semaphore_mem>>)
      %dma_wait3A_93 = arith.constant 0 : i32
      %dma_wait3A_94 = tpu.memref_slice %arg13[%add3A_22, %dma_wait3A_93] : memref<10240x128xf32, #tpu.memory_space<vmem_shared>> -> memref<128x128xf32, #tpu.memory_space<vmem_shared>>
      %dma_wait3A_95 = arith.constant 0 : i32
      %dma_wait3A_96 = tpu.memref_slice %arg13[%add3A_22, %dma_wait3A_95] : memref<10240x128xf32, #tpu.memory_space<vmem_shared>> -> memref<128x128xf32, #tpu.memory_space<vmem_shared>>
      tpu.wait_dma2 semaphore(%run_scoped3A : memref<!tpu.dma_semaphore, #tpu.memory_space<semaphore_mem>>) src(%arg11 : memref<128x128xf32, #tpu.memory_space<vmem>>) dst(%dma_wait3A_96 : memref<128x128xf32, #tpu.memory_space<vmem_shared>>)
      tpu.yield
    }) : () -> ()
    %barrier3A = arith.constant 0 : index
    tpu.barrier barrier_id(%barrier3A)
    %add3A_23 = arith.constant 0 : i32
    %add3A_24 = arith.addi %mul3A_2, %add3A_23 : i32
    %dma_start3A = tpu.memref_slice %arg3[%add3A_24] : memref<327680xi32, #tpu.memory_space<hbm>> -> memref<128xi32, #tpu.memory_space<hbm>>
    %dma_start3A_25 = tpu.memref_slice %arg3[%add3A_24] : memref<327680xi32, #tpu.memory_space<hbm>> -> memref<128xi32, #tpu.memory_space<hbm>>
    tpu.enqueue_dma source(%dma_start3A_25 : memref<128xi32, #tpu.memory_space<hbm>>) target(%arg7 : memref<128xi32, #tpu.memory_space<vmem>>) target_semaphore(%arg14 : memref<!tpu.dma_semaphore, #tpu.memory_space<semaphore_mem>>)
    %add3A_26 = arith.constant 0 : i32
    %add3A_27 = arith.addi %mul3A_2, %add3A_26 : i32
    %dma_start3A_28 = tpu.memref_slice %arg4[%add3A_27] : memref<327680xi32, #tpu.memory_space<hbm>> -> memref<128xi32, #tpu.memory_space<hbm>>
    %dma_start3A_29 = tpu.memref_slice %arg4[%add3A_27] : memref<327680xi32, #tpu.memory_space<hbm>> -> memref<128xi32, #tpu.memory_space<hbm>>
    tpu.enqueue_dma source(%dma_start3A_29 : memref<128xi32, #tpu.memory_space<hbm>>) target(%arg9 : memref<128xi32, #tpu.memory_space<vmem>>) target_semaphore(%arg14 : memref<!tpu.dma_semaphore, #tpu.memory_space<semaphore_mem>>)
    %add3A_30 = arith.constant 128 : i32
    %add3A_31 = arith.addi %mul3A_2, %add3A_30 : i32
    %dma_start3A_32 = tpu.memref_slice %arg3[%add3A_31] : memref<327680xi32, #tpu.memory_space<hbm>> -> memref<128xi32, #tpu.memory_space<hbm>>
    %dma_start3A_33 = tpu.memref_slice %arg3[%add3A_31] : memref<327680xi32, #tpu.memory_space<hbm>> -> memref<128xi32, #tpu.memory_space<hbm>>
    tpu.enqueue_dma source(%dma_start3A_33 : memref<128xi32, #tpu.memory_space<hbm>>) target(%arg8 : memref<128xi32, #tpu.memory_space<vmem>>) target_semaphore(%arg15 : memref<!tpu.dma_semaphore, #tpu.memory_space<semaphore_mem>>)
    %add3A_34 = arith.constant 128 : i32
    %add3A_35 = arith.addi %mul3A_2, %add3A_34 : i32
    %dma_start3A_36 = tpu.memref_slice %arg4[%add3A_35] : memref<327680xi32, #tpu.memory_space<hbm>> -> memref<128xi32, #tpu.memory_space<hbm>>
    %dma_start3A_37 = tpu.memref_slice %arg4[%add3A_35] : memref<327680xi32, #tpu.memory_space<hbm>> -> memref<128xi32, #tpu.memory_space<hbm>>
    tpu.enqueue_dma source(%dma_start3A_37 : memref<128xi32, #tpu.memory_space<hbm>>) target(%arg10 : memref<128xi32, #tpu.memory_space<vmem>>) target_semaphore(%arg15 : memref<!tpu.dma_semaphore, #tpu.memory_space<semaphore_mem>>)
    %dma_wait3A = arith.constant 0 : i32
    %dma_wait3A_38 = tpu.memref_slice %arg3[%dma_wait3A] : memref<327680xi32, #tpu.memory_space<hbm>> -> memref<128xi32, #tpu.memory_space<hbm>>
    %dma_wait3A_39 = arith.constant 0 : i32
    %dma_wait3A_40 = tpu.memref_slice %arg3[%dma_wait3A_39] : memref<327680xi32, #tpu.memory_space<hbm>> -> memref<128xi32, #tpu.memory_space<hbm>>
    tpu.wait_dma2 semaphore(%arg14 : memref<!tpu.dma_semaphore, #tpu.memory_space<semaphore_mem>>) src(%dma_wait3A_40 : memref<128xi32, #tpu.memory_space<hbm>>) dst(%arg7 : memref<128xi32, #tpu.memory_space<vmem>>)
    %dma_wait3A_41 = arith.constant 0 : i32
    %dma_wait3A_42 = tpu.memref_slice %arg4[%dma_wait3A_41] : memref<327680xi32, #tpu.memory_space<hbm>> -> memref<128xi32, #tpu.memory_space<hbm>>
    %dma_wait3A_43 = arith.constant 0 : i32
    %dma_wait3A_44 = tpu.memref_slice %arg4[%dma_wait3A_43] : memref<327680xi32, #tpu.memory_space<hbm>> -> memref<128xi32, #tpu.memory_space<hbm>>
    tpu.wait_dma2 semaphore(%arg14 : memref<!tpu.dma_semaphore, #tpu.memory_space<semaphore_mem>>) src(%dma_wait3A_44 : memref<128xi32, #tpu.memory_space<hbm>>) dst(%arg9 : memref<128xi32, #tpu.memory_space<vmem>>)
    %dma_start3A_45 = arith.constant 0 : i32
    %dma_start3A_46 = arith.constant 0 : i32
    %dma_start3A_47 = tpu.memref_slice %arg2[%dma_start3A_45, %dma_start3A_46] : memref<10000x128xf32, #tpu.memory_space<hbm>> -> memref<10000x128xf32, #tpu.memory_space<hbm>>
    tpu.enqueue_indirect_dma source(%dma_start3A_47 : memref<10000x128xf32, #tpu.memory_space<hbm>>) target(%arg11 : memref<128x128xf32, #tpu.memory_space<vmem>>) offsets(%arg7 : memref<128xi32, #tpu.memory_space<vmem>>) semaphore(%arg16 : memref<!tpu.dma_semaphore, #tpu.memory_space<semaphore_mem>>)
    %scan3A = arith.constant 0 : i32
    %scan3A_48 = arith.constant 0 : i32
    %scan3A_49 = arith.constant 40 : i32
    %scan3A_50 = arith.addi %scan3A_48, %scan3A_49 : i32
    %scan3A_51 = arith.constant 1 : i32
    scf.for %scan3A_89 = %scan3A_48 to %scan3A_50 step %scan3A_51  : i32 {
      %mul3A_90 = arith.constant 2 : i32
      %mul3A_91 = arith.muli %mul3A_90, %scan3A_89 : i32
      %add3A_92 = arith.constant 0 : i32
      %add3A_93 = arith.addi %mul3A_91, %add3A_92 : i32
      %add3A_94 = arith.constant 1 : i32
      %add3A_95 = arith.addi %add3A_93, %add3A_94 : i32
      %lt3A = arith.constant 80 : i32
      %lt3A_96 = arith.cmpi slt, %add3A_95, %lt3A : i32
      %convert_element_type3A = arith.extui %lt3A_96 : i1 to i32
      %cond3A = arith.constant 0 : i32
      %cond3A_97 = arith.cmpi ne, %convert_element_type3A, %cond3A : i32
      scf.if %cond3A_97 {
        %dma_wait3A_135 = arith.constant 0 : i32
        %dma_wait3A_136 = tpu.memref_slice %arg3[%dma_wait3A_135] : memref<327680xi32, #tpu.memory_space<hbm>> -> memref<128xi32, #tpu.memory_space<hbm>>
        %dma_wait3A_137 = arith.constant 0 : i32
        %dma_wait3A_138 = tpu.memref_slice %arg3[%dma_wait3A_137] : memref<327680xi32, #tpu.memory_space<hbm>> -> memref<128xi32, #tpu.memory_space<hbm>>
        tpu.wait_dma2 semaphore(%arg15 : memref<!tpu.dma_semaphore, #tpu.memory_space<semaphore_mem>>) src(%dma_wait3A_138 : memref<128xi32, #tpu.memory_space<hbm>>) dst(%arg8 : memref<128xi32, #tpu.memory_space<vmem>>)
        %dma_wait3A_139 = arith.constant 0 : i32
        %dma_wait3A_140 = tpu.memref_slice %arg4[%dma_wait3A_139] : memref<327680xi32, #tpu.memory_space<hbm>> -> memref<128xi32, #tpu.memory_space<hbm>>
        %dma_wait3A_141 = arith.constant 0 : i32
        %dma_wait3A_142 = tpu.memref_slice %arg4[%dma_wait3A_141] : memref<327680xi32, #tpu.memory_space<hbm>> -> memref<128xi32, #tpu.memory_space<hbm>>
        tpu.wait_dma2 semaphore(%arg15 : memref<!tpu.dma_semaphore, #tpu.memory_space<semaphore_mem>>) src(%dma_wait3A_142 : memref<128xi32, #tpu.memory_space<hbm>>) dst(%arg10 : memref<128xi32, #tpu.memory_space<vmem>>)
        %dma_start3A_143 = arith.constant 0 : i32
        %dma_start3A_144 = arith.constant 0 : i32
        %dma_start3A_145 = tpu.memref_slice %arg2[%dma_start3A_143, %dma_start3A_144] : memref<10000x128xf32, #tpu.memory_space<hbm>> -> memref<10000x128xf32, #tpu.memory_space<hbm>>
        tpu.enqueue_indirect_dma source(%dma_start3A_145 : memref<10000x128xf32, #tpu.memory_space<hbm>>) target(%arg12 : memref<128x128xf32, #tpu.memory_space<vmem>>) offsets(%arg8 : memref<128xi32, #tpu.memory_space<vmem>>) semaphore(%arg17 : memref<!tpu.dma_semaphore, #tpu.memory_space<semaphore_mem>>)
      } else {
      }
      %dma_wait3A_98 = arith.constant 0 : i32
      %dma_wait3A_99 = arith.constant 0 : i32
      %dma_wait3A_100 = tpu.memref_slice %arg2[%dma_wait3A_98, %dma_wait3A_99] : memref<10000x128xf32, #tpu.memory_space<hbm>> -> memref<128x128xf32, #tpu.memory_space<hbm>>
      %dma_wait3A_101 = arith.constant 0 : i32
      %dma_wait3A_102 = arith.constant 0 : i32
      %dma_wait3A_103 = tpu.memref_slice %arg2[%dma_wait3A_101, %dma_wait3A_102] : memref<10000x128xf32, #tpu.memory_space<hbm>> -> memref<128x128xf32, #tpu.memory_space<hbm>>
      tpu.wait_dma2 semaphore(%arg16 : memref<!tpu.dma_semaphore, #tpu.memory_space<semaphore_mem>>) src(%dma_wait3A_103 : memref<128x128xf32, #tpu.memory_space<hbm>>) dst(%arg11 : memref<128x128xf32, #tpu.memory_space<vmem>>)
      "tpu.region"() ({
        %run_scoped3A = tpu.sem_alloc : memref<!tpu.dma_semaphore, #tpu.memory_space<semaphore_mem>>
        %dma_start3A_135 = arith.constant 0 : i32
        %dma_start3A_136 = arith.constant 0 : i32
        %dma_start3A_137 = tpu.memref_slice %arg13[%dma_start3A_135, %dma_start3A_136] : memref<10240x128xf32, #tpu.memory_space<vmem_shared>> -> memref<10240x128xf32, #tpu.memory_space<vmem_shared>>
        tpu.enqueue_indirect_dma source(%arg11 : memref<128x128xf32, #tpu.memory_space<vmem>>) target(%dma_start3A_137 : memref<10240x128xf32, #tpu.memory_space<vmem_shared>>) offsets(%arg9 : memref<128xi32, #tpu.memory_space<vmem>>) semaphore(%run_scoped3A : memref<!tpu.dma_semaphore, #tpu.memory_space<semaphore_mem>>) {add = true}
        %dma_wait3A_138 = arith.constant 0 : i32
        %dma_wait3A_139 = arith.constant 0 : i32
        %dma_wait3A_140 = tpu.memref_slice %arg13[%dma_wait3A_138, %dma_wait3A_139] : memref<10240x128xf32, #tpu.memory_space<vmem_shared>> -> memref<10240x128xf32, #tpu.memory_space<vmem_shared>>
        tpu.wait_indirect_dma semaphore(%run_scoped3A : memref<!tpu.dma_semaphore, #tpu.memory_space<semaphore_mem>>) src(%arg11 : memref<128x128xf32, #tpu.memory_space<vmem>>) dst(%dma_wait3A_140 : memref<10240x128xf32, #tpu.memory_space<vmem_shared>>)
        tpu.yield
      }) : () -> ()
      %add3A_104 = arith.constant 2 : i32
      %add3A_105 = arith.addi %add3A_93, %add3A_104 : i32
      %lt3A_106 = arith.constant 80 : i32
      %lt3A_107 = arith.cmpi slt, %add3A_105, %lt3A_106 : i32
      %convert_element_type3A_108 = arith.extui %lt3A_107 : i1 to i32
      %cond3A_109 = arith.constant 0 : i32
      %cond3A_110 = arith.cmpi ne, %convert_element_type3A_108, %cond3A_109 : i32
      scf.if %cond3A_110 {
        %add3A_135 = arith.constant 2 : i32
        %add3A_136 = arith.addi %add3A_93, %add3A_135 : i32
        %mul3A_137 = arith.constant 128 : i32
        %mul3A_138 = arith.muli %add3A_136, %mul3A_137 : i32
        %add3A_139 = arith.addi %mul3A_2, %mul3A_138 : i32
        %dma_start3A_140 = tpu.memref_slice %arg3[%add3A_139] : memref<327680xi32, #tpu.memory_space<hbm>> -> memref<128xi32, #tpu.memory_space<hbm>>
        %dma_start3A_141 = tpu.memref_slice %arg3[%add3A_139] : memref<327680xi32, #tpu.memory_space<hbm>> -> memref<128xi32, #tpu.memory_space<hbm>>
        tpu.enqueue_dma source(%dma_start3A_141 : memref<128xi32, #tpu.memory_space<hbm>>) target(%arg7 : memref<128xi32, #tpu.memory_space<vmem>>) target_semaphore(%arg14 : memref<!tpu.dma_semaphore, #tpu.memory_space<semaphore_mem>>)
        %mul3A_142 = arith.constant 128 : i32
        %mul3A_143 = arith.muli %add3A_136, %mul3A_142 : i32
        %add3A_144 = arith.addi %mul3A_2, %mul3A_143 : i32
        %dma_start3A_145 = tpu.memref_slice %arg4[%add3A_144] : memref<327680xi32, #tpu.memory_space<hbm>> -> memref<128xi32, #tpu.memory_space<hbm>>
        %dma_start3A_146 = tpu.memref_slice %arg4[%add3A_144] : memref<327680xi32, #tpu.memory_space<hbm>> -> memref<128xi32, #tpu.memory_space<hbm>>
        tpu.enqueue_dma source(%dma_start3A_146 : memref<128xi32, #tpu.memory_space<hbm>>) target(%arg9 : memref<128xi32, #tpu.memory_space<vmem>>) target_semaphore(%arg14 : memref<!tpu.dma_semaphore, #tpu.memory_space<semaphore_mem>>)
      } else {
      }
      %mul3A_111 = arith.constant 2 : i32
      %mul3A_112 = arith.muli %mul3A_111, %scan3A_89 : i32
      %add3A_113 = arith.constant 1 : i32
      %add3A_114 = arith.addi %mul3A_112, %add3A_113 : i32
      %add3A_115 = arith.constant 1 : i32
      %add3A_116 = arith.addi %add3A_114, %add3A_115 : i32
      %lt3A_117 = arith.constant 80 : i32
      %lt3A_118 = arith.cmpi slt, %add3A_116, %lt3A_117 : i32
      %convert_element_type3A_119 = arith.extui %lt3A_118 : i1 to i32
      %cond3A_120 = arith.constant 0 : i32
      %cond3A_121 = arith.cmpi ne, %convert_element_type3A_119, %cond3A_120 : i32
      scf.if %cond3A_121 {
        %dma_wait3A_135 = arith.constant 0 : i32
        %dma_wait3A_136 = tpu.memref_slice %arg3[%dma_wait3A_135] : memref<327680xi32, #tpu.memory_space<hbm>> -> memref<128xi32, #tpu.memory_space<hbm>>
        %dma_wait3A_137 = arith.constant 0 : i32
        %dma_wait3A_138 = tpu.memref_slice %arg3[%dma_wait3A_137] : memref<327680xi32, #tpu.memory_space<hbm>> -> memref<128xi32, #tpu.memory_space<hbm>>
        tpu.wait_dma2 semaphore(%arg14 : memref<!tpu.dma_semaphore, #tpu.memory_space<semaphore_mem>>) src(%dma_wait3A_138 : memref<128xi32, #tpu.memory_space<hbm>>) dst(%arg7 : memref<128xi32, #tpu.memory_space<vmem>>)
        %dma_wait3A_139 = arith.constant 0 : i32
        %dma_wait3A_140 = tpu.memref_slice %arg4[%dma_wait3A_139] : memref<327680xi32, #tpu.memory_space<hbm>> -> memref<128xi32, #tpu.memory_space<hbm>>
        %dma_wait3A_141 = arith.constant 0 : i32
        %dma_wait3A_142 = tpu.memref_slice %arg4[%dma_wait3A_141] : memref<327680xi32, #tpu.memory_space<hbm>> -> memref<128xi32, #tpu.memory_space<hbm>>
        tpu.wait_dma2 semaphore(%arg14 : memref<!tpu.dma_semaphore, #tpu.memory_space<semaphore_mem>>) src(%dma_wait3A_142 : memref<128xi32, #tpu.memory_space<hbm>>) dst(%arg9 : memref<128xi32, #tpu.memory_space<vmem>>)
        %dma_start3A_143 = arith.constant 0 : i32
        %dma_start3A_144 = arith.constant 0 : i32
        %dma_start3A_145 = tpu.memref_slice %arg2[%dma_start3A_143, %dma_start3A_144] : memref<10000x128xf32, #tpu.memory_space<hbm>> -> memref<10000x128xf32, #tpu.memory_space<hbm>>
        tpu.enqueue_indirect_dma source(%dma_start3A_145 : memref<10000x128xf32, #tpu.memory_space<hbm>>) target(%arg11 : memref<128x128xf32, #tpu.memory_space<vmem>>) offsets(%arg7 : memref<128xi32, #tpu.memory_space<vmem>>) semaphore(%arg16 : memref<!tpu.dma_semaphore, #tpu.memory_space<semaphore_mem>>)
      } else {
      }
      %dma_wait3A_122 = arith.constant 0 : i32
      %dma_wait3A_123 = arith.constant 0 : i32
      %dma_wait3A_124 = tpu.memref_slice %arg2[%dma_wait3A_122, %dma_wait3A_123] : memref<10000x128xf32, #tpu.memory_space<hbm>> -> memref<128x128xf32, #tpu.memory_space<hbm>>
      %dma_wait3A_125 = arith.constant 0 : i32
      %dma_wait3A_126 = arith.constant 0 : i32
      %dma_wait3A_127 = tpu.memref_slice %arg2[%dma_wait3A_125, %dma_wait3A_126] : memref<10000x128xf32, #tpu.memory_space<hbm>> -> memref<128x128xf32, #tpu.memory_space<hbm>>
      tpu.wait_dma2 semaphore(%arg17 : memref<!tpu.dma_semaphore, #tpu.memory_space<semaphore_mem>>) src(%dma_wait3A_127 : memref<128x128xf32, #tpu.memory_space<hbm>>) dst(%arg12 : memref<128x128xf32, #tpu.memory_space<vmem>>)
      "tpu.region"() ({
        %run_scoped3A = tpu.sem_alloc : memref<!tpu.dma_semaphore, #tpu.memory_space<semaphore_mem>>
        %dma_start3A_135 = arith.constant 0 : i32
        %dma_start3A_136 = arith.constant 0 : i32
        %dma_start3A_137 = tpu.memref_slice %arg13[%dma_start3A_135, %dma_start3A_136] : memref<10240x128xf32, #tpu.memory_space<vmem_shared>> -> memref<10240x128xf32, #tpu.memory_space<vmem_shared>>
        tpu.enqueue_indirect_dma source(%arg12 : memref<128x128xf32, #tpu.memory_space<vmem>>) target(%dma_start3A_137 : memref<10240x128xf32, #tpu.memory_space<vmem_shared>>) offsets(%arg10 : memref<128xi32, #tpu.memory_space<vmem>>) semaphore(%run_scoped3A : memref<!tpu.dma_semaphore, #tpu.memory_space<semaphore_mem>>) {add = true}
        %dma_wait3A_138 = arith.constant 0 : i32
        %dma_wait3A_139 = arith.constant 0 : i32
        %dma_wait3A_140 = tpu.memref_slice %arg13[%dma_wait3A_138, %dma_wait3A_139] : memref<10240x128xf32, #tpu.memory_space<vmem_shared>> -> memref<10240x128xf32, #tpu.memory_space<vmem_shared>>
        tpu.wait_indirect_dma semaphore(%run_scoped3A : memref<!tpu.dma_semaphore, #tpu.memory_space<semaphore_mem>>) src(%arg12 : memref<128x128xf32, #tpu.memory_space<vmem>>) dst(%dma_wait3A_140 : memref<10240x128xf32, #tpu.memory_space<vmem_shared>>)
        tpu.yield
      }) : () -> ()
      %add3A_128 = arith.constant 2 : i32
      %add3A_129 = arith.addi %add3A_114, %add3A_128 : i32
      %lt3A_130 = arith.constant 80 : i32
      %lt3A_131 = arith.cmpi slt, %add3A_129, %lt3A_130 : i32
      %convert_element_type3A_132 = arith.extui %lt3A_131 : i1 to i32
      %cond3A_133 = arith.constant 0 : i32
      %cond3A_134 = arith.cmpi ne, %convert_element_type3A_132, %cond3A_133 : i32
      scf.if %cond3A_134 {
        %add3A_135 = arith.constant 2 : i32
        %add3A_136 = arith.addi %add3A_114, %add3A_135 : i32
        %mul3A_137 = arith.constant 128 : i32
        %mul3A_138 = arith.muli %add3A_136, %mul3A_137 : i32
        %add3A_139 = arith.addi %mul3A_2, %mul3A_138 : i32
        %dma_start3A_140 = tpu.memref_slice %arg3[%add3A_139] : memref<327680xi32, #tpu.memory_space<hbm>> -> memref<128xi32, #tpu.memory_space<hbm>>
        %dma_start3A_141 = tpu.memref_slice %arg3[%add3A_139] : memref<327680xi32, #tpu.memory_space<hbm>> -> memref<128xi32, #tpu.memory_space<hbm>>
        tpu.enqueue_dma source(%dma_start3A_141 : memref<128xi32, #tpu.memory_space<hbm>>) target(%arg8 : memref<128xi32, #tpu.memory_space<vmem>>) target_semaphore(%arg15 : memref<!tpu.dma_semaphore, #tpu.memory_space<semaphore_mem>>)
        %mul3A_142 = arith.constant 128 : i32
        %mul3A_143 = arith.muli %add3A_136, %mul3A_142 : i32
        %add3A_144 = arith.addi %mul3A_2, %mul3A_143 : i32
        %dma_start3A_145 = tpu.memref_slice %arg4[%add3A_144] : memref<327680xi32, #tpu.memory_space<hbm>> -> memref<128xi32, #tpu.memory_space<hbm>>
        %dma_start3A_146 = tpu.memref_slice %arg4[%add3A_144] : memref<327680xi32, #tpu.memory_space<hbm>> -> memref<128xi32, #tpu.memory_space<hbm>>
        tpu.enqueue_dma source(%dma_start3A_146 : memref<128xi32, #tpu.memory_space<hbm>>) target(%arg10 : memref<128xi32, #tpu.memory_space<vmem>>) target_semaphore(%arg15 : memref<!tpu.dma_semaphore, #tpu.memory_space<semaphore_mem>>)
      } else {
      }
    }
    %scan3A_52 = arith.constant 40 : i32
    %barrier3A_53 = arith.constant 0 : index
    tpu.barrier barrier_id(%barrier3A_53)
    %mul3A_54 = arith.constant 640 : i32
    %mul3A_55 = arith.muli %arg1, %mul3A_54 : i32
    %add3A_56 = arith.constant 0 : i32
    %add3A_57 = arith.addi %mul3A_55, %add3A_56 : i32
    "tpu.region"() ({
      %run_scoped3A = tpu.sem_alloc : memref<!tpu.dma_semaphore, #tpu.memory_space<semaphore_mem>>
      %dma_start3A_89 = arith.constant 0 : i32
      %dma_start3A_90 = tpu.memref_slice %arg13[%add3A_57, %dma_start3A_89] : memref<10240x128xf32, #tpu.memory_space<vmem_shared>> -> memref<128x128xf32, #tpu.memory_space<vmem_shared>>
      %dma_start3A_91 = arith.constant 0 : i32
      %dma_start3A_92 = tpu.memref_slice %arg13[%add3A_57, %dma_start3A_91] : memref<10240x128xf32, #tpu.memory_space<vmem_shared>> -> memref<128x128xf32, #tpu.memory_space<vmem_shared>>
      tpu.enqueue_dma source(%dma_start3A_92 : memref<128x128xf32, #tpu.memory_space<vmem_shared>>) target(%arg11 : memref<128x128xf32, #tpu.memory_space<vmem>>) target_semaphore(%run_scoped3A : memref<!tpu.dma_semaphore, #tpu.memory_space<semaphore_mem>>)
      %dma_wait3A_93 = arith.constant 0 : i32
      %dma_wait3A_94 = tpu.memref_slice %arg13[%add3A_57, %dma_wait3A_93] : memref<10240x128xf32, #tpu.memory_space<vmem_shared>> -> memref<128x128xf32, #tpu.memory_space<vmem_shared>>
      %dma_wait3A_95 = arith.constant 0 : i32
      %dma_wait3A_96 = tpu.memref_slice %arg13[%add3A_57, %dma_wait3A_95] : memref<10240x128xf32, #tpu.memory_space<vmem_shared>> -> memref<128x128xf32, #tpu.memory_space<vmem_shared>>
      tpu.wait_dma2 semaphore(%run_scoped3A : memref<!tpu.dma_semaphore, #tpu.memory_space<semaphore_mem>>) src(%dma_wait3A_96 : memref<128x128xf32, #tpu.memory_space<vmem_shared>>) dst(%arg11 : memref<128x128xf32, #tpu.memory_space<vmem>>)
      tpu.yield
    }) : () -> ()
    %mul3A_58 = arith.constant 10240 : i32
    %mul3A_59 = arith.muli %arg0, %mul3A_58 : i32
    %add3A_60 = arith.addi %mul3A_59, %add3A_57 : i32
    "tpu.region"() ({
      %run_scoped3A = tpu.sem_alloc : memref<!tpu.dma_semaphore, #tpu.memory_space<semaphore_mem>>
      %dma_start3A_89 = arith.constant 0 : i32
      %dma_start3A_90 = tpu.memref_slice %arg6[%add3A_60, %dma_start3A_89] : memref<20480x128xf32, #tpu.memory_space<hbm>> -> memref<128x128xf32, #tpu.memory_space<hbm>>
      %dma_start3A_91 = arith.constant 0 : i32
      %dma_start3A_92 = tpu.memref_slice %arg6[%add3A_60, %dma_start3A_91] : memref<20480x128xf32, #tpu.memory_space<hbm>> -> memref<128x128xf32, #tpu.memory_space<hbm>>
      tpu.enqueue_dma source(%arg11 : memref<128x128xf32, #tpu.memory_space<vmem>>) target(%dma_start3A_92 : memref<128x128xf32, #tpu.memory_space<hbm>>) target_semaphore(%run_scoped3A : memref<!tpu.dma_semaphore, #tpu.memory_space<semaphore_mem>>)
      %dma_wait3A_93 = arith.constant 0 : i32
      %dma_wait3A_94 = tpu.memref_slice %arg6[%add3A_60, %dma_wait3A_93] : memref<20480x128xf32, #tpu.memory_space<hbm>> -> memref<128x128xf32, #tpu.memory_space<hbm>>
      %dma_wait3A_95 = arith.constant 0 : i32
      %dma_wait3A_96 = tpu.memref_slice %arg6[%add3A_60, %dma_wait3A_95] : memref<20480x128xf32, #tpu.memory_space<hbm>> -> memref<128x128xf32, #tpu.memory_space<hbm>>
      tpu.wait_dma2 semaphore(%run_scoped3A : memref<!tpu.dma_semaphore, #tpu.memory_space<semaphore_mem>>) src(%arg11 : memref<128x128xf32, #tpu.memory_space<vmem>>) dst(%dma_wait3A_96 : memref<128x128xf32, #tpu.memory_space<hbm>>)
      tpu.yield
    }) : () -> ()
    %mul3A_61 = arith.constant 640 : i32
    %mul3A_62 = arith.muli %arg1, %mul3A_61 : i32
    %add3A_63 = arith.constant 128 : i32
    %add3A_64 = arith.addi %mul3A_62, %add3A_63 : i32
    "tpu.region"() ({
      %run_scoped3A = tpu.sem_alloc : memref<!tpu.dma_semaphore, #tpu.memory_space<semaphore_mem>>
      %dma_start3A_89 = arith.constant 0 : i32
      %dma_start3A_90 = tpu.memref_slice %arg13[%add3A_64, %dma_start3A_89] : memref<10240x128xf32, #tpu.memory_space<vmem_shared>> -> memref<128x128xf32, #tpu.memory_space<vmem_shared>>
      %dma_start3A_91 = arith.constant 0 : i32
      %dma_start3A_92 = tpu.memref_slice %arg13[%add3A_64, %dma_start3A_91] : memref<10240x128xf32, #tpu.memory_space<vmem_shared>> -> memref<128x128xf32, #tpu.memory_space<vmem_shared>>
      tpu.enqueue_dma source(%dma_start3A_92 : memref<128x128xf32, #tpu.memory_space<vmem_shared>>) target(%arg11 : memref<128x128xf32, #tpu.memory_space<vmem>>) target_semaphore(%run_scoped3A : memref<!tpu.dma_semaphore, #tpu.memory_space<semaphore_mem>>)
      %dma_wait3A_93 = arith.constant 0 : i32
      %dma_wait3A_94 = tpu.memref_slice %arg13[%add3A_64, %dma_wait3A_93] : memref<10240x128xf32, #tpu.memory_space<vmem_shared>> -> memref<128x128xf32, #tpu.memory_space<vmem_shared>>
      %dma_wait3A_95 = arith.constant 0 : i32
      %dma_wait3A_96 = tpu.memref_slice %arg13[%add3A_64, %dma_wait3A_95] : memref<10240x128xf32, #tpu.memory_space<vmem_shared>> -> memref<128x128xf32, #tpu.memory_space<vmem_shared>>
      tpu.wait_dma2 semaphore(%run_scoped3A : memref<!tpu.dma_semaphore, #tpu.memory_space<semaphore_mem>>) src(%dma_wait3A_96 : memref<128x128xf32, #tpu.memory_space<vmem_shared>>) dst(%arg11 : memref<128x128xf32, #tpu.memory_space<vmem>>)
      tpu.yield
    }) : () -> ()
    %mul3A_65 = arith.constant 10240 : i32
    %mul3A_66 = arith.muli %arg0, %mul3A_65 : i32
    %add3A_67 = arith.addi %mul3A_66, %add3A_64 : i32
    "tpu.region"() ({
      %run_scoped3A = tpu.sem_alloc : memref<!tpu.dma_semaphore, #tpu.memory_space<semaphore_mem>>
      %dma_start3A_89 = arith.constant 0 : i32
      %dma_start3A_90 = tpu.memref_slice %arg6[%add3A_67, %dma_start3A_89] : memref<20480x128xf32, #tpu.memory_space<hbm>> -> memref<128x128xf32, #tpu.memory_space<hbm>>
      %dma_start3A_91 = arith.constant 0 : i32
      %dma_start3A_92 = tpu.memref_slice %arg6[%add3A_67, %dma_start3A_91] : memref<20480x128xf32, #tpu.memory_space<hbm>> -> memref<128x128xf32, #tpu.memory_space<hbm>>
      tpu.enqueue_dma source(%arg11 : memref<128x128xf32, #tpu.memory_space<vmem>>) target(%dma_start3A_92 : memref<128x128xf32, #tpu.memory_space<hbm>>) target_semaphore(%run_scoped3A : memref<!tpu.dma_semaphore, #tpu.memory_space<semaphore_mem>>)
      %dma_wait3A_93 = arith.constant 0 : i32
      %dma_wait3A_94 = tpu.memref_slice %arg6[%add3A_67, %dma_wait3A_93] : memref<20480x128xf32, #tpu.memory_space<hbm>> -> memref<128x128xf32, #tpu.memory_space<hbm>>
      %dma_wait3A_95 = arith.constant 0 : i32
      %dma_wait3A_96 = tpu.memref_slice %arg6[%add3A_67, %dma_wait3A_95] : memref<20480x128xf32, #tpu.memory_space<hbm>> -> memref<128x128xf32, #tpu.memory_space<hbm>>
      tpu.wait_dma2 semaphore(%run_scoped3A : memref<!tpu.dma_semaphore, #tpu.memory_space<semaphore_mem>>) src(%arg11 : memref<128x128xf32, #tpu.memory_space<vmem>>) dst(%dma_wait3A_96 : memref<128x128xf32, #tpu.memory_space<hbm>>)
      tpu.yield
    }) : () -> ()
    %mul3A_68 = arith.constant 640 : i32
    %mul3A_69 = arith.muli %arg1, %mul3A_68 : i32
    %add3A_70 = arith.constant 256 : i32
    %add3A_71 = arith.addi %mul3A_69, %add3A_70 : i32
    "tpu.region"() ({
      %run_scoped3A = tpu.sem_alloc : memref<!tpu.dma_semaphore, #tpu.memory_space<semaphore_mem>>
      %dma_start3A_89 = arith.constant 0 : i32
      %dma_start3A_90 = tpu.memref_slice %arg13[%add3A_71, %dma_start3A_89] : memref<10240x128xf32, #tpu.memory_space<vmem_shared>> -> memref<128x128xf32, #tpu.memory_space<vmem_shared>>
      %dma_start3A_91 = arith.constant 0 : i32
      %dma_start3A_92 = tpu.memref_slice %arg13[%add3A_71, %dma_start3A_91] : memref<10240x128xf32, #tpu.memory_space<vmem_shared>> -> memref<128x128xf32, #tpu.memory_space<vmem_shared>>
      tpu.enqueue_dma source(%dma_start3A_92 : memref<128x128xf32, #tpu.memory_space<vmem_shared>>) target(%arg11 : memref<128x128xf32, #tpu.memory_space<vmem>>) target_semaphore(%run_scoped3A : memref<!tpu.dma_semaphore, #tpu.memory_space<semaphore_mem>>)
      %dma_wait3A_93 = arith.constant 0 : i32
      %dma_wait3A_94 = tpu.memref_slice %arg13[%add3A_71, %dma_wait3A_93] : memref<10240x128xf32, #tpu.memory_space<vmem_shared>> -> memref<128x128xf32, #tpu.memory_space<vmem_shared>>
      %dma_wait3A_95 = arith.constant 0 : i32
      %dma_wait3A_96 = tpu.memref_slice %arg13[%add3A_71, %dma_wait3A_95] : memref<10240x128xf32, #tpu.memory_space<vmem_shared>> -> memref<128x128xf32, #tpu.memory_space<vmem_shared>>
      tpu.wait_dma2 semaphore(%run_scoped3A : memref<!tpu.dma_semaphore, #tpu.memory_space<semaphore_mem>>) src(%dma_wait3A_96 : memref<128x128xf32, #tpu.memory_space<vmem_shared>>) dst(%arg11 : memref<128x128xf32, #tpu.memory_space<vmem>>)
      tpu.yield
    }) : () -> ()
    %mul3A_72 = arith.constant 10240 : i32
    %mul3A_73 = arith.muli %arg0, %mul3A_72 : i32
    %add3A_74 = arith.addi %mul3A_73, %add3A_71 : i32
    "tpu.region"() ({
      %run_scoped3A = tpu.sem_alloc : memref<!tpu.dma_semaphore, #tpu.memory_space<semaphore_mem>>
      %dma_start3A_89 = arith.constant 0 : i32
      %dma_start3A_90 = tpu.memref_slice %arg6[%add3A_74, %dma_start3A_89] : memref<20480x128xf32, #tpu.memory_space<hbm>> -> memref<128x128xf32, #tpu.memory_space<hbm>>
      %dma_start3A_91 = arith.constant 0 : i32
      %dma_start3A_92 = tpu.memref_slice %arg6[%add3A_74, %dma_start3A_91] : memref<20480x128xf32, #tpu.memory_space<hbm>> -> memref<128x128xf32, #tpu.memory_space<hbm>>
      tpu.enqueue_dma source(%arg11 : memref<128x128xf32, #tpu.memory_space<vmem>>) target(%dma_start3A_92 : memref<128x128xf32, #tpu.memory_space<hbm>>) target_semaphore(%run_scoped3A : memref<!tpu.dma_semaphore, #tpu.memory_space<semaphore_mem>>)
      %dma_wait3A_93 = arith.constant 0 : i32
      %dma_wait3A_94 = tpu.memref_slice %arg6[%add3A_74, %dma_wait3A_93] : memref<20480x128xf32, #tpu.memory_space<hbm>> -> memref<128x128xf32, #tpu.memory_space<hbm>>
      %dma_wait3A_95 = arith.constant 0 : i32
      %dma_wait3A_96 = tpu.memref_slice %arg6[%add3A_74, %dma_wait3A_95] : memref<20480x128xf32, #tpu.memory_space<hbm>> -> memref<128x128xf32, #tpu.memory_space<hbm>>
      tpu.wait_dma2 semaphore(%run_scoped3A : memref<!tpu.dma_semaphore, #tpu.memory_space<semaphore_mem>>) src(%arg11 : memref<128x128xf32, #tpu.memory_space<vmem>>) dst(%dma_wait3A_96 : memref<128x128xf32, #tpu.memory_space<hbm>>)
      tpu.yield
    }) : () -> ()
    %mul3A_75 = arith.constant 640 : i32
    %mul3A_76 = arith.muli %arg1, %mul3A_75 : i32
    %add3A_77 = arith.constant 384 : i32
    %add3A_78 = arith.addi %mul3A_76, %add3A_77 : i32
    "tpu.region"() ({
      %run_scoped3A = tpu.sem_alloc : memref<!tpu.dma_semaphore, #tpu.memory_space<semaphore_mem>>
      %dma_start3A_89 = arith.constant 0 : i32
      %dma_start3A_90 = tpu.memref_slice %arg13[%add3A_78, %dma_start3A_89] : memref<10240x128xf32, #tpu.memory_space<vmem_shared>> -> memref<128x128xf32, #tpu.memory_space<vmem_shared>>
      %dma_start3A_91 = arith.constant 0 : i32
      %dma_start3A_92 = tpu.memref_slice %arg13[%add3A_78, %dma_start3A_91] : memref<10240x128xf32, #tpu.memory_space<vmem_shared>> -> memref<128x128xf32, #tpu.memory_space<vmem_shared>>
      tpu.enqueue_dma source(%dma_start3A_92 : memref<128x128xf32, #tpu.memory_space<vmem_shared>>) target(%arg11 : memref<128x128xf32, #tpu.memory_space<vmem>>) target_semaphore(%run_scoped3A : memref<!tpu.dma_semaphore, #tpu.memory_space<semaphore_mem>>)
      %dma_wait3A_93 = arith.constant 0 : i32
      %dma_wait3A_94 = tpu.memref_slice %arg13[%add3A_78, %dma_wait3A_93] : memref<10240x128xf32, #tpu.memory_space<vmem_shared>> -> memref<128x128xf32, #tpu.memory_space<vmem_shared>>
      %dma_wait3A_95 = arith.constant 0 : i32
      %dma_wait3A_96 = tpu.memref_slice %arg13[%add3A_78, %dma_wait3A_95] : memref<10240x128xf32, #tpu.memory_space<vmem_shared>> -> memref<128x128xf32, #tpu.memory_space<vmem_shared>>
      tpu.wait_dma2 semaphore(%run_scoped3A : memref<!tpu.dma_semaphore, #tpu.memory_space<semaphore_mem>>) src(%dma_wait3A_96 : memref<128x128xf32, #tpu.memory_space<vmem_shared>>) dst(%arg11 : memref<128x128xf32, #tpu.memory_space<vmem>>)
      tpu.yield
    }) : () -> ()
    %mul3A_79 = arith.constant 10240 : i32
    %mul3A_80 = arith.muli %arg0, %mul3A_79 : i32
    %add3A_81 = arith.addi %mul3A_80, %add3A_78 : i32
    "tpu.region"() ({
      %run_scoped3A = tpu.sem_alloc : memref<!tpu.dma_semaphore, #tpu.memory_space<semaphore_mem>>
      %dma_start3A_89 = arith.constant 0 : i32
      %dma_start3A_90 = tpu.memref_slice %arg6[%add3A_81, %dma_start3A_89] : memref<20480x128xf32, #tpu.memory_space<hbm>> -> memref<128x128xf32, #tpu.memory_space<hbm>>
      %dma_start3A_91 = arith.constant 0 : i32
      %dma_start3A_92 = tpu.memref_slice %arg6[%add3A_81, %dma_start3A_91] : memref<20480x128xf32, #tpu.memory_space<hbm>> -> memref<128x128xf32, #tpu.memory_space<hbm>>
      tpu.enqueue_dma source(%arg11 : memref<128x128xf32, #tpu.memory_space<vmem>>) target(%dma_start3A_92 : memref<128x128xf32, #tpu.memory_space<hbm>>) target_semaphore(%run_scoped3A : memref<!tpu.dma_semaphore, #tpu.memory_space<semaphore_mem>>)
      %dma_wait3A_93 = arith.constant 0 : i32
      %dma_wait3A_94 = tpu.memref_slice %arg6[%add3A_81, %dma_wait3A_93] : memref<20480x128xf32, #tpu.memory_space<hbm>> -> memref<128x128xf32, #tpu.memory_space<hbm>>
      %dma_wait3A_95 = arith.constant 0 : i32
      %dma_wait3A_96 = tpu.memref_slice %arg6[%add3A_81, %dma_wait3A_95] : memref<20480x128xf32, #tpu.memory_space<hbm>> -> memref<128x128xf32, #tpu.memory_space<hbm>>
      tpu.wait_dma2 semaphore(%run_scoped3A : memref<!tpu.dma_semaphore, #tpu.memory_space<semaphore_mem>>) src(%arg11 : memref<128x128xf32, #tpu.memory_space<vmem>>) dst(%dma_wait3A_96 : memref<128x128xf32, #tpu.memory_space<hbm>>)
      tpu.yield
    }) : () -> ()
    %mul3A_82 = arith.constant 640 : i32
    %mul3A_83 = arith.muli %arg1, %mul3A_82 : i32
    %add3A_84 = arith.constant 512 : i32
    %add3A_85 = arith.addi %mul3A_83, %add3A_84 : i32
    "tpu.region"() ({
      %run_scoped3A = tpu.sem_alloc : memref<!tpu.dma_semaphore, #tpu.memory_space<semaphore_mem>>
      %dma_start3A_89 = arith.constant 0 : i32
      %dma_start3A_90 = tpu.memref_slice %arg13[%add3A_85, %dma_start3A_89] : memref<10240x128xf32, #tpu.memory_space<vmem_shared>> -> memref<128x128xf32, #tpu.memory_space<vmem_shared>>
      %dma_start3A_91 = arith.constant 0 : i32
      %dma_start3A_92 = tpu.memref_slice %arg13[%add3A_85, %dma_start3A_91] : memref<10240x128xf32, #tpu.memory_space<vmem_shared>> -> memref<128x128xf32, #tpu.memory_space<vmem_shared>>
      tpu.enqueue_dma source(%dma_start3A_92 : memref<128x128xf32, #tpu.memory_space<vmem_shared>>) target(%arg11 : memref<128x128xf32, #tpu.memory_space<vmem>>) target_semaphore(%run_scoped3A : memref<!tpu.dma_semaphore, #tpu.memory_space<semaphore_mem>>)
      %dma_wait3A_93 = arith.constant 0 : i32
      %dma_wait3A_94 = tpu.memref_slice %arg13[%add3A_85, %dma_wait3A_93] : memref<10240x128xf32, #tpu.memory_space<vmem_shared>> -> memref<128x128xf32, #tpu.memory_space<vmem_shared>>
      %dma_wait3A_95 = arith.constant 0 : i32
      %dma_wait3A_96 = tpu.memref_slice %arg13[%add3A_85, %dma_wait3A_95] : memref<10240x128xf32, #tpu.memory_space<vmem_shared>> -> memref<128x128xf32, #tpu.memory_space<vmem_shared>>
      tpu.wait_dma2 semaphore(%run_scoped3A : memref<!tpu.dma_semaphore, #tpu.memory_space<semaphore_mem>>) src(%dma_wait3A_96 : memref<128x128xf32, #tpu.memory_space<vmem_shared>>) dst(%arg11 : memref<128x128xf32, #tpu.memory_space<vmem>>)
      tpu.yield
    }) : () -> ()
    %mul3A_86 = arith.constant 10240 : i32
    %mul3A_87 = arith.muli %arg0, %mul3A_86 : i32
    %add3A_88 = arith.addi %mul3A_87, %add3A_85 : i32
    "tpu.region"() ({
      %run_scoped3A = tpu.sem_alloc : memref<!tpu.dma_semaphore, #tpu.memory_space<semaphore_mem>>
      %dma_start3A_89 = arith.constant 0 : i32
      %dma_start3A_90 = tpu.memref_slice %arg6[%add3A_88, %dma_start3A_89] : memref<20480x128xf32, #tpu.memory_space<hbm>> -> memref<128x128xf32, #tpu.memory_space<hbm>>
      %dma_start3A_91 = arith.constant 0 : i32
      %dma_start3A_92 = tpu.memref_slice %arg6[%add3A_88, %dma_start3A_91] : memref<20480x128xf32, #tpu.memory_space<hbm>> -> memref<128x128xf32, #tpu.memory_space<hbm>>
      tpu.enqueue_dma source(%arg11 : memref<128x128xf32, #tpu.memory_space<vmem>>) target(%dma_start3A_92 : memref<128x128xf32, #tpu.memory_space<hbm>>) target_semaphore(%run_scoped3A : memref<!tpu.dma_semaphore, #tpu.memory_space<semaphore_mem>>)
      %dma_wait3A_93 = arith.constant 0 : i32
      %dma_wait3A_94 = tpu.memref_slice %arg6[%add3A_88, %dma_wait3A_93] : memref<20480x128xf32, #tpu.memory_space<hbm>> -> memref<128x128xf32, #tpu.memory_space<hbm>>
      %dma_wait3A_95 = arith.constant 0 : i32
      %dma_wait3A_96 = tpu.memref_slice %arg6[%add3A_88, %dma_wait3A_95] : memref<20480x128xf32, #tpu.memory_space<hbm>> -> memref<128x128xf32, #tpu.memory_space<hbm>>
      tpu.wait_dma2 semaphore(%run_scoped3A : memref<!tpu.dma_semaphore, #tpu.memory_space<semaphore_mem>>) src(%arg11 : memref<128x128xf32, #tpu.memory_space<vmem>>) dst(%dma_wait3A_96 : memref<128x128xf32, #tpu.memory_space<hbm>>)
      tpu.yield
    }) : () -> ()
    return
  }
}

#map = affine_map<(d0, d1) -> (0, 0)>
#map1 = affine_map<(d0, d1) -> (0)>
module attributes {stable_mosaic.version = 14 : i64} {
  func.func @_seg_sum_body(%arg0: i32, %arg1: i32, %arg2: memref<10000x128xf32, #tpu.memory_space<hbm>>, %arg3: memref<327680xi32, #tpu.memory_space<hbm>>, %arg4: memref<327680xi32, #tpu.memory_space<hbm>>, %arg5: memref<128x128xf32, #tpu.memory_space<hbm>>, %arg6: memref<20480x128xf32, #tpu.memory_space<hbm>>, %arg7: memref<128xi32, #tpu.memory_space<vmem>>, %arg8: memref<128xi32, #tpu.memory_space<vmem>>, %arg9: memref<128xi32, #tpu.memory_space<vmem>>, %arg10: memref<128xi32, #tpu.memory_space<vmem>>, %arg11: memref<128x128xf32, #tpu.memory_space<vmem>>, %arg12: memref<128x128xf32, #tpu.memory_space<vmem>>, %arg13: memref<10240x128xf32, #tpu.memory_space<vmem_shared>>, %arg14: memref<!tpu.dma_semaphore, #tpu.memory_space<semaphore_mem>>, %arg15: memref<!tpu.dma_semaphore, #tpu.memory_space<semaphore_mem>>, %arg16: memref<!tpu.dma_semaphore, #tpu.memory_space<semaphore_mem>>, %arg17: memref<!tpu.dma_semaphore, #tpu.memory_space<semaphore_mem>>) attributes {dimension_semantics = [#tpu.dimension_semantics<core_parallel>, #tpu.dimension_semantics<subcore_parallel>], iteration_bounds = array<i64: 2, 16>, scalar_prefetch = 0 : i64, scratch_operands = 11 : i64, tpu.core_type = #tpu.core_type<sc_vector_subcore>, window_params = [{transform_indices = #map}, {transform_indices = #map1}, {transform_indices = #map1}, {transform_indices = #map}, {transform_indices = #map}]} {
    %mul3A = arith.constant 16 : i32
    %mul3A_0 = arith.muli %arg0, %mul3A : i32
    %add3A = arith.addi %mul3A_0, %arg1 : i32
    %mul3A_1 = arith.constant 10240 : i32
    %mul3A_2 = arith.muli %add3A, %mul3A_1 : i32
    "tpu.region"() ({
      %run_scoped3A = tpu.sem_alloc : memref<!tpu.dma_semaphore, #tpu.memory_space<semaphore_mem>>
      tpu.enqueue_dma source(%arg5 : memref<128x128xf32, #tpu.memory_space<hbm>>) target(%arg11 : memref<128x128xf32, #tpu.memory_space<vmem>>) target_semaphore(%run_scoped3A : memref<!tpu.dma_semaphore, #tpu.memory_space<semaphore_mem>>)
      tpu.wait_dma2 semaphore(%run_scoped3A : memref<!tpu.dma_semaphore, #tpu.memory_space<semaphore_mem>>) src(%arg5 : memref<128x128xf32, #tpu.memory_space<hbm>>) dst(%arg11 : memref<128x128xf32, #tpu.memory_space<vmem>>)
      tpu.yield
    }) : () -> ()
    %mul3A_3 = arith.constant 640 : i32
    %mul3A_4 = arith.muli %arg1, %mul3A_3 : i32
    %add3A_5 = arith.constant 0 : i32
    %add3A_6 = arith.addi %mul3A_4, %add3A_5 : i32
    "tpu.region"() ({
      %run_scoped3A = tpu.sem_alloc : memref<!tpu.dma_semaphore, #tpu.memory_space<semaphore_mem>>
      %dma_start3A_89 = arith.constant 0 : i32
      %dma_start3A_90 = tpu.memref_slice %arg13[%add3A_6, %dma_start3A_89] : memref<10240x128xf32, #tpu.memory_space<vmem_shared>> -> memref<128x128xf32, #tpu.memory_space<vmem_shared>>
      %dma_start3A_91 = arith.constant 0 : i32
      %dma_start3A_92 = tpu.memref_slice %arg13[%add3A_6, %dma_start3A_91] : memref<10240x128xf32, #tpu.memory_space<vmem_shared>> -> memref<128x128xf32, #tpu.memory_space<vmem_shared>>
      tpu.enqueue_dma source(%arg11 : memref<128x128xf32, #tpu.memory_space<vmem>>) target(%dma_start3A_92 : memref<128x128xf32, #tpu.memory_space<vmem_shared>>) target_semaphore(%run_scoped3A : memref<!tpu.dma_semaphore, #tpu.memory_space<semaphore_mem>>)
      %dma_wait3A_93 = arith.constant 0 : i32
      %dma_wait3A_94 = tpu.memref_slice %arg13[%add3A_6, %dma_wait3A_93] : memref<10240x128xf32, #tpu.memory_space<vmem_shared>> -> memref<128x128xf32, #tpu.memory_space<vmem_shared>>
      %dma_wait3A_95 = arith.constant 0 : i32
      %dma_wait3A_96 = tpu.memref_slice %arg13[%add3A_6, %dma_wait3A_95] : memref<10240x128xf32, #tpu.memory_space<vmem_shared>> -> memref<128x128xf32, #tpu.memory_space<vmem_shared>>
      tpu.wait_dma2 semaphore(%run_scoped3A : memref<!tpu.dma_semaphore, #tpu.memory_space<semaphore_mem>>) src(%arg11 : memref<128x128xf32, #tpu.memory_space<vmem>>) dst(%dma_wait3A_96 : memref<128x128xf32, #tpu.memory_space<vmem_shared>>)
      tpu.yield
    }) : () -> ()
    %mul3A_7 = arith.constant 640 : i32
    %mul3A_8 = arith.muli %arg1, %mul3A_7 : i32
    %add3A_9 = arith.constant 128 : i32
    %add3A_10 = arith.addi %mul3A_8, %add3A_9 : i32
    "tpu.region"() ({
      %run_scoped3A = tpu.sem_alloc : memref<!tpu.dma_semaphore, #tpu.memory_space<semaphore_mem>>
      %dma_start3A_89 = arith.constant 0 : i32
      %dma_start3A_90 = tpu.memref_slice %arg13[%add3A_10, %dma_start3A_89] : memref<10240x128xf32, #tpu.memory_space<vmem_shared>> -> memref<128x128xf32, #tpu.memory_space<vmem_shared>>
      %dma_start3A_91 = arith.constant 0 : i32
      %dma_start3A_92 = tpu.memref_slice %arg13[%add3A_10, %dma_start3A_91] : memref<10240x128xf32, #tpu.memory_space<vmem_shared>> -> memref<128x128xf32, #tpu.memory_space<vmem_shared>>
      tpu.enqueue_dma source(%arg11 : memref<128x128xf32, #tpu.memory_space<vmem>>) target(%dma_start3A_92 : memref<128x128xf32, #tpu.memory_space<vmem_shared>>) target_semaphore(%run_scoped3A : memref<!tpu.dma_semaphore, #tpu.memory_space<semaphore_mem>>)
      %dma_wait3A_93 = arith.constant 0 : i32
      %dma_wait3A_94 = tpu.memref_slice %arg13[%add3A_10, %dma_wait3A_93] : memref<10240x128xf32, #tpu.memory_space<vmem_shared>> -> memref<128x128xf32, #tpu.memory_space<vmem_shared>>
      %dma_wait3A_95 = arith.constant 0 : i32
      %dma_wait3A_96 = tpu.memref_slice %arg13[%add3A_10, %dma_wait3A_95] : memref<10240x128xf32, #tpu.memory_space<vmem_shared>> -> memref<128x128xf32, #tpu.memory_space<vmem_shared>>
      tpu.wait_dma2 semaphore(%run_scoped3A : memref<!tpu.dma_semaphore, #tpu.memory_space<semaphore_mem>>) src(%arg11 : memref<128x128xf32, #tpu.memory_space<vmem>>) dst(%dma_wait3A_96 : memref<128x128xf32, #tpu.memory_space<vmem_shared>>)
      tpu.yield
    }) : () -> ()
    %mul3A_11 = arith.constant 640 : i32
    %mul3A_12 = arith.muli %arg1, %mul3A_11 : i32
    %add3A_13 = arith.constant 256 : i32
    %add3A_14 = arith.addi %mul3A_12, %add3A_13 : i32
    "tpu.region"() ({
      %run_scoped3A = tpu.sem_alloc : memref<!tpu.dma_semaphore, #tpu.memory_space<semaphore_mem>>
      %dma_start3A_89 = arith.constant 0 : i32
      %dma_start3A_90 = tpu.memref_slice %arg13[%add3A_14, %dma_start3A_89] : memref<10240x128xf32, #tpu.memory_space<vmem_shared>> -> memref<128x128xf32, #tpu.memory_space<vmem_shared>>
      %dma_start3A_91 = arith.constant 0 : i32
      %dma_start3A_92 = tpu.memref_slice %arg13[%add3A_14, %dma_start3A_91] : memref<10240x128xf32, #tpu.memory_space<vmem_shared>> -> memref<128x128xf32, #tpu.memory_space<vmem_shared>>
      tpu.enqueue_dma source(%arg11 : memref<128x128xf32, #tpu.memory_space<vmem>>) target(%dma_start3A_92 : memref<128x128xf32, #tpu.memory_space<vmem_shared>>) target_semaphore(%run_scoped3A : memref<!tpu.dma_semaphore, #tpu.memory_space<semaphore_mem>>)
      %dma_wait3A_93 = arith.constant 0 : i32
      %dma_wait3A_94 = tpu.memref_slice %arg13[%add3A_14, %dma_wait3A_93] : memref<10240x128xf32, #tpu.memory_space<vmem_shared>> -> memref<128x128xf32, #tpu.memory_space<vmem_shared>>
      %dma_wait3A_95 = arith.constant 0 : i32
      %dma_wait3A_96 = tpu.memref_slice %arg13[%add3A_14, %dma_wait3A_95] : memref<10240x128xf32, #tpu.memory_space<vmem_shared>> -> memref<128x128xf32, #tpu.memory_space<vmem_shared>>
      tpu.wait_dma2 semaphore(%run_scoped3A : memref<!tpu.dma_semaphore, #tpu.memory_space<semaphore_mem>>) src(%arg11 : memref<128x128xf32, #tpu.memory_space<vmem>>) dst(%dma_wait3A_96 : memref<128x128xf32, #tpu.memory_space<vmem_shared>>)
      tpu.yield
    }) : () -> ()
    %mul3A_15 = arith.constant 640 : i32
    %mul3A_16 = arith.muli %arg1, %mul3A_15 : i32
    %add3A_17 = arith.constant 384 : i32
    %add3A_18 = arith.addi %mul3A_16, %add3A_17 : i32
    "tpu.region"() ({
      %run_scoped3A = tpu.sem_alloc : memref<!tpu.dma_semaphore, #tpu.memory_space<semaphore_mem>>
      %dma_start3A_89 = arith.constant 0 : i32
      %dma_start3A_90 = tpu.memref_slice %arg13[%add3A_18, %dma_start3A_89] : memref<10240x128xf32, #tpu.memory_space<vmem_shared>> -> memref<128x128xf32, #tpu.memory_space<vmem_shared>>
      %dma_start3A_91 = arith.constant 0 : i32
      %dma_start3A_92 = tpu.memref_slice %arg13[%add3A_18, %dma_start3A_91] : memref<10240x128xf32, #tpu.memory_space<vmem_shared>> -> memref<128x128xf32, #tpu.memory_space<vmem_shared>>
      tpu.enqueue_dma source(%arg11 : memref<128x128xf32, #tpu.memory_space<vmem>>) target(%dma_start3A_92 : memref<128x128xf32, #tpu.memory_space<vmem_shared>>) target_semaphore(%run_scoped3A : memref<!tpu.dma_semaphore, #tpu.memory_space<semaphore_mem>>)
      %dma_wait3A_93 = arith.constant 0 : i32
      %dma_wait3A_94 = tpu.memref_slice %arg13[%add3A_18, %dma_wait3A_93] : memref<10240x128xf32, #tpu.memory_space<vmem_shared>> -> memref<128x128xf32, #tpu.memory_space<vmem_shared>>
      %dma_wait3A_95 = arith.constant 0 : i32
      %dma_wait3A_96 = tpu.memref_slice %arg13[%add3A_18, %dma_wait3A_95] : memref<10240x128xf32, #tpu.memory_space<vmem_shared>> -> memref<128x128xf32, #tpu.memory_space<vmem_shared>>
      tpu.wait_dma2 semaphore(%run_scoped3A : memref<!tpu.dma_semaphore, #tpu.memory_space<semaphore_mem>>) src(%arg11 : memref<128x128xf32, #tpu.memory_space<vmem>>) dst(%dma_wait3A_96 : memref<128x128xf32, #tpu.memory_space<vmem_shared>>)
      tpu.yield
    }) : () -> ()
    %mul3A_19 = arith.constant 640 : i32
    %mul3A_20 = arith.muli %arg1, %mul3A_19 : i32
    %add3A_21 = arith.constant 512 : i32
    %add3A_22 = arith.addi %mul3A_20, %add3A_21 : i32
    "tpu.region"() ({
      %run_scoped3A = tpu.sem_alloc : memref<!tpu.dma_semaphore, #tpu.memory_space<semaphore_mem>>
      %dma_start3A_89 = arith.constant 0 : i32
      %dma_start3A_90 = tpu.memref_slice %arg13[%add3A_22, %dma_start3A_89] : memref<10240x128xf32, #tpu.memory_space<vmem_shared>> -> memref<128x128xf32, #tpu.memory_space<vmem_shared>>
      %dma_start3A_91 = arith.constant 0 : i32
      %dma_start3A_92 = tpu.memref_slice %arg13[%add3A_22, %dma_start3A_91] : memref<10240x128xf32, #tpu.memory_space<vmem_shared>> -> memref<128x128xf32, #tpu.memory_space<vmem_shared>>
      tpu.enqueue_dma source(%arg11 : memref<128x128xf32, #tpu.memory_space<vmem>>) target(%dma_start3A_92 : memref<128x128xf32, #tpu.memory_space<vmem_shared>>) target_semaphore(%run_scoped3A : memref<!tpu.dma_semaphore, #tpu.memory_space<semaphore_mem>>)
      %dma_wait3A_93 = arith.constant 0 : i32
      %dma_wait3A_94 = tpu.memref_slice %arg13[%add3A_22, %dma_wait3A_93] : memref<10240x128xf32, #tpu.memory_space<vmem_shared>> -> memref<128x128xf32, #tpu.memory_space<vmem_shared>>
      %dma_wait3A_95 = arith.constant 0 : i32
      %dma_wait3A_96 = tpu.memref_slice %arg13[%add3A_22, %dma_wait3A_95] : memref<10240x128xf32, #tpu.memory_space<vmem_shared>> -> memref<128x128xf32, #tpu.memory_space<vmem_shared>>
      tpu.wait_dma2 semaphore(%run_scoped3A : memref<!tpu.dma_semaphore, #tpu.memory_space<semaphore_mem>>) src(%arg11 : memref<128x128xf32, #tpu.memory_space<vmem>>) dst(%dma_wait3A_96 : memref<128x128xf32, #tpu.memory_space<vmem_shared>>)
      tpu.yield
    }) : () -> ()
    %barrier3A = arith.constant 0 : index
    tpu.barrier barrier_id(%barrier3A)
    %add3A_23 = arith.constant 0 : i32
    %add3A_24 = arith.addi %mul3A_2, %add3A_23 : i32
    %dma_start3A = tpu.memref_slice %arg3[%add3A_24] : memref<327680xi32, #tpu.memory_space<hbm>> -> memref<128xi32, #tpu.memory_space<hbm>>
    %dma_start3A_25 = tpu.memref_slice %arg3[%add3A_24] : memref<327680xi32, #tpu.memory_space<hbm>> -> memref<128xi32, #tpu.memory_space<hbm>>
    tpu.enqueue_dma source(%dma_start3A_25 : memref<128xi32, #tpu.memory_space<hbm>>) target(%arg7 : memref<128xi32, #tpu.memory_space<vmem>>) target_semaphore(%arg14 : memref<!tpu.dma_semaphore, #tpu.memory_space<semaphore_mem>>)
    %add3A_26 = arith.constant 0 : i32
    %add3A_27 = arith.addi %mul3A_2, %add3A_26 : i32
    %dma_start3A_28 = tpu.memref_slice %arg4[%add3A_27] : memref<327680xi32, #tpu.memory_space<hbm>> -> memref<128xi32, #tpu.memory_space<hbm>>
    %dma_start3A_29 = tpu.memref_slice %arg4[%add3A_27] : memref<327680xi32, #tpu.memory_space<hbm>> -> memref<128xi32, #tpu.memory_space<hbm>>
    tpu.enqueue_dma source(%dma_start3A_29 : memref<128xi32, #tpu.memory_space<hbm>>) target(%arg9 : memref<128xi32, #tpu.memory_space<vmem>>) target_semaphore(%arg14 : memref<!tpu.dma_semaphore, #tpu.memory_space<semaphore_mem>>)
    %add3A_30 = arith.constant 128 : i32
    %add3A_31 = arith.addi %mul3A_2, %add3A_30 : i32
    %dma_start3A_32 = tpu.memref_slice %arg3[%add3A_31] : memref<327680xi32, #tpu.memory_space<hbm>> -> memref<128xi32, #tpu.memory_space<hbm>>
    %dma_start3A_33 = tpu.memref_slice %arg3[%add3A_31] : memref<327680xi32, #tpu.memory_space<hbm>> -> memref<128xi32, #tpu.memory_space<hbm>>
    tpu.enqueue_dma source(%dma_start3A_33 : memref<128xi32, #tpu.memory_space<hbm>>) target(%arg8 : memref<128xi32, #tpu.memory_space<vmem>>) target_semaphore(%arg15 : memref<!tpu.dma_semaphore, #tpu.memory_space<semaphore_mem>>)
    %add3A_34 = arith.constant 128 : i32
    %add3A_35 = arith.addi %mul3A_2, %add3A_34 : i32
    %dma_start3A_36 = tpu.memref_slice %arg4[%add3A_35] : memref<327680xi32, #tpu.memory_space<hbm>> -> memref<128xi32, #tpu.memory_space<hbm>>
    %dma_start3A_37 = tpu.memref_slice %arg4[%add3A_35] : memref<327680xi32, #tpu.memory_space<hbm>> -> memref<128xi32, #tpu.memory_space<hbm>>
    tpu.enqueue_dma source(%dma_start3A_37 : memref<128xi32, #tpu.memory_space<hbm>>) target(%arg10 : memref<128xi32, #tpu.memory_space<vmem>>) target_semaphore(%arg15 : memref<!tpu.dma_semaphore, #tpu.memory_space<semaphore_mem>>)
    %dma_wait3A = arith.constant 0 : i32
    %dma_wait3A_38 = tpu.memref_slice %arg3[%dma_wait3A] : memref<327680xi32, #tpu.memory_space<hbm>> -> memref<128xi32, #tpu.memory_space<hbm>>
    %dma_wait3A_39 = arith.constant 0 : i32
    %dma_wait3A_40 = tpu.memref_slice %arg3[%dma_wait3A_39] : memref<327680xi32, #tpu.memory_space<hbm>> -> memref<128xi32, #tpu.memory_space<hbm>>
    tpu.wait_dma2 semaphore(%arg14 : memref<!tpu.dma_semaphore, #tpu.memory_space<semaphore_mem>>) src(%dma_wait3A_40 : memref<128xi32, #tpu.memory_space<hbm>>) dst(%arg7 : memref<128xi32, #tpu.memory_space<vmem>>)
    %dma_wait3A_41 = arith.constant 0 : i32
    %dma_wait3A_42 = tpu.memref_slice %arg4[%dma_wait3A_41] : memref<327680xi32, #tpu.memory_space<hbm>> -> memref<128xi32, #tpu.memory_space<hbm>>
    %dma_wait3A_43 = arith.constant 0 : i32
    %dma_wait3A_44 = tpu.memref_slice %arg4[%dma_wait3A_43] : memref<327680xi32, #tpu.memory_space<hbm>> -> memref<128xi32, #tpu.memory_space<hbm>>
    tpu.wait_dma2 semaphore(%arg14 : memref<!tpu.dma_semaphore, #tpu.memory_space<semaphore_mem>>) src(%dma_wait3A_44 : memref<128xi32, #tpu.memory_space<hbm>>) dst(%arg9 : memref<128xi32, #tpu.memory_space<vmem>>)
    %dma_start3A_45 = arith.constant 0 : i32
    %dma_start3A_46 = arith.constant 0 : i32
    %dma_start3A_47 = tpu.memref_slice %arg2[%dma_start3A_45, %dma_start3A_46] : memref<10000x128xf32, #tpu.memory_space<hbm>> -> memref<10000x128xf32, #tpu.memory_space<hbm>>
    tpu.enqueue_indirect_dma source(%dma_start3A_47 : memref<10000x128xf32, #tpu.memory_space<hbm>>) target(%arg11 : memref<128x128xf32, #tpu.memory_space<vmem>>) offsets(%arg7 : memref<128xi32, #tpu.memory_space<vmem>>) semaphore(%arg16 : memref<!tpu.dma_semaphore, #tpu.memory_space<semaphore_mem>>)
    %scan3A = arith.constant 0 : i32
    %scan3A_48 = arith.constant 0 : i32
    %scan3A_49 = arith.constant 40 : i32
    %scan3A_50 = arith.addi %scan3A_48, %scan3A_49 : i32
    %scan3A_51 = arith.constant 1 : i32
    scf.for %scan3A_89 = %scan3A_48 to %scan3A_50 step %scan3A_51  : i32 {
      %mul3A_90 = arith.constant 2 : i32
      %mul3A_91 = arith.muli %mul3A_90, %scan3A_89 : i32
      %add3A_92 = arith.constant 0 : i32
      %add3A_93 = arith.addi %mul3A_91, %add3A_92 : i32
      %add3A_94 = arith.constant 1 : i32
      %add3A_95 = arith.addi %add3A_93, %add3A_94 : i32
      %lt3A = arith.constant 80 : i32
      %lt3A_96 = arith.cmpi slt, %add3A_95, %lt3A : i32
      %convert_element_type3A = arith.extui %lt3A_96 : i1 to i32
      %cond3A = arith.constant 0 : i32
      %cond3A_97 = arith.cmpi ne, %convert_element_type3A, %cond3A : i32
      scf.if %cond3A_97 {
        %dma_wait3A_135 = arith.constant 0 : i32
        %dma_wait3A_136 = tpu.memref_slice %arg3[%dma_wait3A_135] : memref<327680xi32, #tpu.memory_space<hbm>> -> memref<128xi32, #tpu.memory_space<hbm>>
        %dma_wait3A_137 = arith.constant 0 : i32
        %dma_wait3A_138 = tpu.memref_slice %arg3[%dma_wait3A_137] : memref<327680xi32, #tpu.memory_space<hbm>> -> memref<128xi32, #tpu.memory_space<hbm>>
        tpu.wait_dma2 semaphore(%arg15 : memref<!tpu.dma_semaphore, #tpu.memory_space<semaphore_mem>>) src(%dma_wait3A_138 : memref<128xi32, #tpu.memory_space<hbm>>) dst(%arg8 : memref<128xi32, #tpu.memory_space<vmem>>)
        %dma_wait3A_139 = arith.constant 0 : i32
        %dma_wait3A_140 = tpu.memref_slice %arg4[%dma_wait3A_139] : memref<327680xi32, #tpu.memory_space<hbm>> -> memref<128xi32, #tpu.memory_space<hbm>>
        %dma_wait3A_141 = arith.constant 0 : i32
        %dma_wait3A_142 = tpu.memref_slice %arg4[%dma_wait3A_141] : memref<327680xi32, #tpu.memory_space<hbm>> -> memref<128xi32, #tpu.memory_space<hbm>>
        tpu.wait_dma2 semaphore(%arg15 : memref<!tpu.dma_semaphore, #tpu.memory_space<semaphore_mem>>) src(%dma_wait3A_142 : memref<128xi32, #tpu.memory_space<hbm>>) dst(%arg10 : memref<128xi32, #tpu.memory_space<vmem>>)
        %dma_start3A_143 = arith.constant 0 : i32
        %dma_start3A_144 = arith.constant 0 : i32
        %dma_start3A_145 = tpu.memref_slice %arg2[%dma_start3A_143, %dma_start3A_144] : memref<10000x128xf32, #tpu.memory_space<hbm>> -> memref<10000x128xf32, #tpu.memory_space<hbm>>
        tpu.enqueue_indirect_dma source(%dma_start3A_145 : memref<10000x128xf32, #tpu.memory_space<hbm>>) target(%arg12 : memref<128x128xf32, #tpu.memory_space<vmem>>) offsets(%arg8 : memref<128xi32, #tpu.memory_space<vmem>>) semaphore(%arg17 : memref<!tpu.dma_semaphore, #tpu.memory_space<semaphore_mem>>)
      } else {
      }
      %dma_wait3A_98 = arith.constant 0 : i32
      %dma_wait3A_99 = arith.constant 0 : i32
      %dma_wait3A_100 = tpu.memref_slice %arg2[%dma_wait3A_98, %dma_wait3A_99] : memref<10000x128xf32, #tpu.memory_space<hbm>> -> memref<128x128xf32, #tpu.memory_space<hbm>>
      %dma_wait3A_101 = arith.constant 0 : i32
      %dma_wait3A_102 = arith.constant 0 : i32
      %dma_wait3A_103 = tpu.memref_slice %arg2[%dma_wait3A_101, %dma_wait3A_102] : memref<10000x128xf32, #tpu.memory_space<hbm>> -> memref<128x128xf32, #tpu.memory_space<hbm>>
      tpu.wait_dma2 semaphore(%arg16 : memref<!tpu.dma_semaphore, #tpu.memory_space<semaphore_mem>>) src(%dma_wait3A_103 : memref<128x128xf32, #tpu.memory_space<hbm>>) dst(%arg11 : memref<128x128xf32, #tpu.memory_space<vmem>>)
      "tpu.region"() ({
        %run_scoped3A = tpu.sem_alloc : memref<!tpu.dma_semaphore, #tpu.memory_space<semaphore_mem>>
        %dma_start3A_135 = arith.constant 0 : i32
        %dma_start3A_136 = arith.constant 0 : i32
        %dma_start3A_137 = tpu.memref_slice %arg13[%dma_start3A_135, %dma_start3A_136] : memref<10240x128xf32, #tpu.memory_space<vmem_shared>> -> memref<10240x128xf32, #tpu.memory_space<vmem_shared>>
        tpu.enqueue_indirect_dma source(%arg11 : memref<128x128xf32, #tpu.memory_space<vmem>>) target(%dma_start3A_137 : memref<10240x128xf32, #tpu.memory_space<vmem_shared>>) offsets(%arg9 : memref<128xi32, #tpu.memory_space<vmem>>) semaphore(%run_scoped3A : memref<!tpu.dma_semaphore, #tpu.memory_space<semaphore_mem>>) {add = true}
        %dma_wait3A_138 = arith.constant 0 : i32
        %dma_wait3A_139 = arith.constant 0 : i32
        %dma_wait3A_140 = tpu.memref_slice %arg13[%dma_wait3A_138, %dma_wait3A_139] : memref<10240x128xf32, #tpu.memory_space<vmem_shared>> -> memref<10240x128xf32, #tpu.memory_space<vmem_shared>>
        tpu.wait_indirect_dma semaphore(%run_scoped3A : memref<!tpu.dma_semaphore, #tpu.memory_space<semaphore_mem>>) src(%arg11 : memref<128x128xf32, #tpu.memory_space<vmem>>) dst(%dma_wait3A_140 : memref<10240x128xf32, #tpu.memory_space<vmem_shared>>)
        tpu.yield
      }) : () -> ()
      %add3A_104 = arith.constant 2 : i32
      %add3A_105 = arith.addi %add3A_93, %add3A_104 : i32
      %lt3A_106 = arith.constant 80 : i32
      %lt3A_107 = arith.cmpi slt, %add3A_105, %lt3A_106 : i32
      %convert_element_type3A_108 = arith.extui %lt3A_107 : i1 to i32
      %cond3A_109 = arith.constant 0 : i32
      %cond3A_110 = arith.cmpi ne, %convert_element_type3A_108, %cond3A_109 : i32
      scf.if %cond3A_110 {
        %add3A_135 = arith.constant 2 : i32
        %add3A_136 = arith.addi %add3A_93, %add3A_135 : i32
        %mul3A_137 = arith.constant 128 : i32
        %mul3A_138 = arith.muli %add3A_136, %mul3A_137 : i32
        %add3A_139 = arith.addi %mul3A_2, %mul3A_138 : i32
        %dma_start3A_140 = tpu.memref_slice %arg3[%add3A_139] : memref<327680xi32, #tpu.memory_space<hbm>> -> memref<128xi32, #tpu.memory_space<hbm>>
        %dma_start3A_141 = tpu.memref_slice %arg3[%add3A_139] : memref<327680xi32, #tpu.memory_space<hbm>> -> memref<128xi32, #tpu.memory_space<hbm>>
        tpu.enqueue_dma source(%dma_start3A_141 : memref<128xi32, #tpu.memory_space<hbm>>) target(%arg7 : memref<128xi32, #tpu.memory_space<vmem>>) target_semaphore(%arg14 : memref<!tpu.dma_semaphore, #tpu.memory_space<semaphore_mem>>)
        %mul3A_142 = arith.constant 128 : i32
        %mul3A_143 = arith.muli %add3A_136, %mul3A_142 : i32
        %add3A_144 = arith.addi %mul3A_2, %mul3A_143 : i32
        %dma_start3A_145 = tpu.memref_slice %arg4[%add3A_144] : memref<327680xi32, #tpu.memory_space<hbm>> -> memref<128xi32, #tpu.memory_space<hbm>>
        %dma_start3A_146 = tpu.memref_slice %arg4[%add3A_144] : memref<327680xi32, #tpu.memory_space<hbm>> -> memref<128xi32, #tpu.memory_space<hbm>>
        tpu.enqueue_dma source(%dma_start3A_146 : memref<128xi32, #tpu.memory_space<hbm>>) target(%arg9 : memref<128xi32, #tpu.memory_space<vmem>>) target_semaphore(%arg14 : memref<!tpu.dma_semaphore, #tpu.memory_space<semaphore_mem>>)
      } else {
      }
      %mul3A_111 = arith.constant 2 : i32
      %mul3A_112 = arith.muli %mul3A_111, %scan3A_89 : i32
      %add3A_113 = arith.constant 1 : i32
      %add3A_114 = arith.addi %mul3A_112, %add3A_113 : i32
      %add3A_115 = arith.constant 1 : i32
      %add3A_116 = arith.addi %add3A_114, %add3A_115 : i32
      %lt3A_117 = arith.constant 80 : i32
      %lt3A_118 = arith.cmpi slt, %add3A_116, %lt3A_117 : i32
      %convert_element_type3A_119 = arith.extui %lt3A_118 : i1 to i32
      %cond3A_120 = arith.constant 0 : i32
      %cond3A_121 = arith.cmpi ne, %convert_element_type3A_119, %cond3A_120 : i32
      scf.if %cond3A_121 {
        %dma_wait3A_135 = arith.constant 0 : i32
        %dma_wait3A_136 = tpu.memref_slice %arg3[%dma_wait3A_135] : memref<327680xi32, #tpu.memory_space<hbm>> -> memref<128xi32, #tpu.memory_space<hbm>>
        %dma_wait3A_137 = arith.constant 0 : i32
        %dma_wait3A_138 = tpu.memref_slice %arg3[%dma_wait3A_137] : memref<327680xi32, #tpu.memory_space<hbm>> -> memref<128xi32, #tpu.memory_space<hbm>>
        tpu.wait_dma2 semaphore(%arg14 : memref<!tpu.dma_semaphore, #tpu.memory_space<semaphore_mem>>) src(%dma_wait3A_138 : memref<128xi32, #tpu.memory_space<hbm>>) dst(%arg7 : memref<128xi32, #tpu.memory_space<vmem>>)
        %dma_wait3A_139 = arith.constant 0 : i32
        %dma_wait3A_140 = tpu.memref_slice %arg4[%dma_wait3A_139] : memref<327680xi32, #tpu.memory_space<hbm>> -> memref<128xi32, #tpu.memory_space<hbm>>
        %dma_wait3A_141 = arith.constant 0 : i32
        %dma_wait3A_142 = tpu.memref_slice %arg4[%dma_wait3A_141] : memref<327680xi32, #tpu.memory_space<hbm>> -> memref<128xi32, #tpu.memory_space<hbm>>
        tpu.wait_dma2 semaphore(%arg14 : memref<!tpu.dma_semaphore, #tpu.memory_space<semaphore_mem>>) src(%dma_wait3A_142 : memref<128xi32, #tpu.memory_space<hbm>>) dst(%arg9 : memref<128xi32, #tpu.memory_space<vmem>>)
        %dma_start3A_143 = arith.constant 0 : i32
        %dma_start3A_144 = arith.constant 0 : i32
        %dma_start3A_145 = tpu.memref_slice %arg2[%dma_start3A_143, %dma_start3A_144] : memref<10000x128xf32, #tpu.memory_space<hbm>> -> memref<10000x128xf32, #tpu.memory_space<hbm>>
        tpu.enqueue_indirect_dma source(%dma_start3A_145 : memref<10000x128xf32, #tpu.memory_space<hbm>>) target(%arg11 : memref<128x128xf32, #tpu.memory_space<vmem>>) offsets(%arg7 : memref<128xi32, #tpu.memory_space<vmem>>) semaphore(%arg16 : memref<!tpu.dma_semaphore, #tpu.memory_space<semaphore_mem>>)
      } else {
      }
      %dma_wait3A_122 = arith.constant 0 : i32
      %dma_wait3A_123 = arith.constant 0 : i32
      %dma_wait3A_124 = tpu.memref_slice %arg2[%dma_wait3A_122, %dma_wait3A_123] : memref<10000x128xf32, #tpu.memory_space<hbm>> -> memref<128x128xf32, #tpu.memory_space<hbm>>
      %dma_wait3A_125 = arith.constant 0 : i32
      %dma_wait3A_126 = arith.constant 0 : i32
      %dma_wait3A_127 = tpu.memref_slice %arg2[%dma_wait3A_125, %dma_wait3A_126] : memref<10000x128xf32, #tpu.memory_space<hbm>> -> memref<128x128xf32, #tpu.memory_space<hbm>>
      tpu.wait_dma2 semaphore(%arg17 : memref<!tpu.dma_semaphore, #tpu.memory_space<semaphore_mem>>) src(%dma_wait3A_127 : memref<128x128xf32, #tpu.memory_space<hbm>>) dst(%arg12 : memref<128x128xf32, #tpu.memory_space<vmem>>)
      "tpu.region"() ({
        %run_scoped3A = tpu.sem_alloc : memref<!tpu.dma_semaphore, #tpu.memory_space<semaphore_mem>>
        %dma_start3A_135 = arith.constant 0 : i32
        %dma_start3A_136 = arith.constant 0 : i32
        %dma_start3A_137 = tpu.memref_slice %arg13[%dma_start3A_135, %dma_start3A_136] : memref<10240x128xf32, #tpu.memory_space<vmem_shared>> -> memref<10240x128xf32, #tpu.memory_space<vmem_shared>>
        tpu.enqueue_indirect_dma source(%arg12 : memref<128x128xf32, #tpu.memory_space<vmem>>) target(%dma_start3A_137 : memref<10240x128xf32, #tpu.memory_space<vmem_shared>>) offsets(%arg10 : memref<128xi32, #tpu.memory_space<vmem>>) semaphore(%run_scoped3A : memref<!tpu.dma_semaphore, #tpu.memory_space<semaphore_mem>>) {add = true}
        %dma_wait3A_138 = arith.constant 0 : i32
        %dma_wait3A_139 = arith.constant 0 : i32
        %dma_wait3A_140 = tpu.memref_slice %arg13[%dma_wait3A_138, %dma_wait3A_139] : memref<10240x128xf32, #tpu.memory_space<vmem_shared>> -> memref<10240x128xf32, #tpu.memory_space<vmem_shared>>
        tpu.wait_indirect_dma semaphore(%run_scoped3A : memref<!tpu.dma_semaphore, #tpu.memory_space<semaphore_mem>>) src(%arg12 : memref<128x128xf32, #tpu.memory_space<vmem>>) dst(%dma_wait3A_140 : memref<10240x128xf32, #tpu.memory_space<vmem_shared>>)
        tpu.yield
      }) : () -> ()
      %add3A_128 = arith.constant 2 : i32
      %add3A_129 = arith.addi %add3A_114, %add3A_128 : i32
      %lt3A_130 = arith.constant 80 : i32
      %lt3A_131 = arith.cmpi slt, %add3A_129, %lt3A_130 : i32
      %convert_element_type3A_132 = arith.extui %lt3A_131 : i1 to i32
      %cond3A_133 = arith.constant 0 : i32
      %cond3A_134 = arith.cmpi ne, %convert_element_type3A_132, %cond3A_133 : i32
      scf.if %cond3A_134 {
        %add3A_135 = arith.constant 2 : i32
        %add3A_136 = arith.addi %add3A_114, %add3A_135 : i32
        %mul3A_137 = arith.constant 128 : i32
        %mul3A_138 = arith.muli %add3A_136, %mul3A_137 : i32
        %add3A_139 = arith.addi %mul3A_2, %mul3A_138 : i32
        %dma_start3A_140 = tpu.memref_slice %arg3[%add3A_139] : memref<327680xi32, #tpu.memory_space<hbm>> -> memref<128xi32, #tpu.memory_space<hbm>>
        %dma_start3A_141 = tpu.memref_slice %arg3[%add3A_139] : memref<327680xi32, #tpu.memory_space<hbm>> -> memref<128xi32, #tpu.memory_space<hbm>>
        tpu.enqueue_dma source(%dma_start3A_141 : memref<128xi32, #tpu.memory_space<hbm>>) target(%arg8 : memref<128xi32, #tpu.memory_space<vmem>>) target_semaphore(%arg15 : memref<!tpu.dma_semaphore, #tpu.memory_space<semaphore_mem>>)
        %mul3A_142 = arith.constant 128 : i32
        %mul3A_143 = arith.muli %add3A_136, %mul3A_142 : i32
        %add3A_144 = arith.addi %mul3A_2, %mul3A_143 : i32
        %dma_start3A_145 = tpu.memref_slice %arg4[%add3A_144] : memref<327680xi32, #tpu.memory_space<hbm>> -> memref<128xi32, #tpu.memory_space<hbm>>
        %dma_start3A_146 = tpu.memref_slice %arg4[%add3A_144] : memref<327680xi32, #tpu.memory_space<hbm>> -> memref<128xi32, #tpu.memory_space<hbm>>
        tpu.enqueue_dma source(%dma_start3A_146 : memref<128xi32, #tpu.memory_space<hbm>>) target(%arg10 : memref<128xi32, #tpu.memory_space<vmem>>) target_semaphore(%arg15 : memref<!tpu.dma_semaphore, #tpu.memory_space<semaphore_mem>>)
      } else {
      }
    }
    %scan3A_52 = arith.constant 40 : i32
    %barrier3A_53 = arith.constant 0 : index
    tpu.barrier barrier_id(%barrier3A_53)
    %mul3A_54 = arith.constant 640 : i32
    %mul3A_55 = arith.muli %arg1, %mul3A_54 : i32
    %add3A_56 = arith.constant 0 : i32
    %add3A_57 = arith.addi %mul3A_55, %add3A_56 : i32
    "tpu.region"() ({
      %run_scoped3A = tpu.sem_alloc : memref<!tpu.dma_semaphore, #tpu.memory_space<semaphore_mem>>
      %dma_start3A_89 = arith.constant 0 : i32
      %dma_start3A_90 = tpu.memref_slice %arg13[%add3A_57, %dma_start3A_89] : memref<10240x128xf32, #tpu.memory_space<vmem_shared>> -> memref<128x128xf32, #tpu.memory_space<vmem_shared>>
      %dma_start3A_91 = arith.constant 0 : i32
      %dma_start3A_92 = tpu.memref_slice %arg13[%add3A_57, %dma_start3A_91] : memref<10240x128xf32, #tpu.memory_space<vmem_shared>> -> memref<128x128xf32, #tpu.memory_space<vmem_shared>>
      tpu.enqueue_dma source(%dma_start3A_92 : memref<128x128xf32, #tpu.memory_space<vmem_shared>>) target(%arg11 : memref<128x128xf32, #tpu.memory_space<vmem>>) target_semaphore(%run_scoped3A : memref<!tpu.dma_semaphore, #tpu.memory_space<semaphore_mem>>)
      %dma_wait3A_93 = arith.constant 0 : i32
      %dma_wait3A_94 = tpu.memref_slice %arg13[%add3A_57, %dma_wait3A_93] : memref<10240x128xf32, #tpu.memory_space<vmem_shared>> -> memref<128x128xf32, #tpu.memory_space<vmem_shared>>
      %dma_wait3A_95 = arith.constant 0 : i32
      %dma_wait3A_96 = tpu.memref_slice %arg13[%add3A_57, %dma_wait3A_95] : memref<10240x128xf32, #tpu.memory_space<vmem_shared>> -> memref<128x128xf32, #tpu.memory_space<vmem_shared>>
      tpu.wait_dma2 semaphore(%run_scoped3A : memref<!tpu.dma_semaphore, #tpu.memory_space<semaphore_mem>>) src(%dma_wait3A_96 : memref<128x128xf32, #tpu.memory_space<vmem_shared>>) dst(%arg11 : memref<128x128xf32, #tpu.memory_space<vmem>>)
      tpu.yield
    }) : () -> ()
    %mul3A_58 = arith.constant 10240 : i32
    %mul3A_59 = arith.muli %arg0, %mul3A_58 : i32
    %add3A_60 = arith.addi %mul3A_59, %add3A_57 : i32
    "tpu.region"() ({
      %run_scoped3A = tpu.sem_alloc : memref<!tpu.dma_semaphore, #tpu.memory_space<semaphore_mem>>
      %dma_start3A_89 = arith.constant 0 : i32
      %dma_start3A_90 = tpu.memref_slice %arg6[%add3A_60, %dma_start3A_89] : memref<20480x128xf32, #tpu.memory_space<hbm>> -> memref<128x128xf32, #tpu.memory_space<hbm>>
      %dma_start3A_91 = arith.constant 0 : i32
      %dma_start3A_92 = tpu.memref_slice %arg6[%add3A_60, %dma_start3A_91] : memref<20480x128xf32, #tpu.memory_space<hbm>> -> memref<128x128xf32, #tpu.memory_space<hbm>>
      tpu.enqueue_dma source(%arg11 : memref<128x128xf32, #tpu.memory_space<vmem>>) target(%dma_start3A_92 : memref<128x128xf32, #tpu.memory_space<hbm>>) target_semaphore(%run_scoped3A : memref<!tpu.dma_semaphore, #tpu.memory_space<semaphore_mem>>)
      %dma_wait3A_93 = arith.constant 0 : i32
      %dma_wait3A_94 = tpu.memref_slice %arg6[%add3A_60, %dma_wait3A_93] : memref<20480x128xf32, #tpu.memory_space<hbm>> -> memref<128x128xf32, #tpu.memory_space<hbm>>
      %dma_wait3A_95 = arith.constant 0 : i32
      %dma_wait3A_96 = tpu.memref_slice %arg6[%add3A_60, %dma_wait3A_95] : memref<20480x128xf32, #tpu.memory_space<hbm>> -> memref<128x128xf32, #tpu.memory_space<hbm>>
      tpu.wait_dma2 semaphore(%run_scoped3A : memref<!tpu.dma_semaphore, #tpu.memory_space<semaphore_mem>>) src(%arg11 : memref<128x128xf32, #tpu.memory_space<vmem>>) dst(%dma_wait3A_96 : memref<128x128xf32, #tpu.memory_space<hbm>>)
      tpu.yield
    }) : () -> ()
    %mul3A_61 = arith.constant 640 : i32
    %mul3A_62 = arith.muli %arg1, %mul3A_61 : i32
    %add3A_63 = arith.constant 128 : i32
    %add3A_64 = arith.addi %mul3A_62, %add3A_63 : i32
    "tpu.region"() ({
      %run_scoped3A = tpu.sem_alloc : memref<!tpu.dma_semaphore, #tpu.memory_space<semaphore_mem>>
      %dma_start3A_89 = arith.constant 0 : i32
      %dma_start3A_90 = tpu.memref_slice %arg13[%add3A_64, %dma_start3A_89] : memref<10240x128xf32, #tpu.memory_space<vmem_shared>> -> memref<128x128xf32, #tpu.memory_space<vmem_shared>>
      %dma_start3A_91 = arith.constant 0 : i32
      %dma_start3A_92 = tpu.memref_slice %arg13[%add3A_64, %dma_start3A_91] : memref<10240x128xf32, #tpu.memory_space<vmem_shared>> -> memref<128x128xf32, #tpu.memory_space<vmem_shared>>
      tpu.enqueue_dma source(%dma_start3A_92 : memref<128x128xf32, #tpu.memory_space<vmem_shared>>) target(%arg11 : memref<128x128xf32, #tpu.memory_space<vmem>>) target_semaphore(%run_scoped3A : memref<!tpu.dma_semaphore, #tpu.memory_space<semaphore_mem>>)
      %dma_wait3A_93 = arith.constant 0 : i32
      %dma_wait3A_94 = tpu.memref_slice %arg13[%add3A_64, %dma_wait3A_93] : memref<10240x128xf32, #tpu.memory_space<vmem_shared>> -> memref<128x128xf32, #tpu.memory_space<vmem_shared>>
      %dma_wait3A_95 = arith.constant 0 : i32
      %dma_wait3A_96 = tpu.memref_slice %arg13[%add3A_64, %dma_wait3A_95] : memref<10240x128xf32, #tpu.memory_space<vmem_shared>> -> memref<128x128xf32, #tpu.memory_space<vmem_shared>>
      tpu.wait_dma2 semaphore(%run_scoped3A : memref<!tpu.dma_semaphore, #tpu.memory_space<semaphore_mem>>) src(%dma_wait3A_96 : memref<128x128xf32, #tpu.memory_space<vmem_shared>>) dst(%arg11 : memref<128x128xf32, #tpu.memory_space<vmem>>)
      tpu.yield
    }) : () -> ()
    %mul3A_65 = arith.constant 10240 : i32
    %mul3A_66 = arith.muli %arg0, %mul3A_65 : i32
    %add3A_67 = arith.addi %mul3A_66, %add3A_64 : i32
    "tpu.region"() ({
      %run_scoped3A = tpu.sem_alloc : memref<!tpu.dma_semaphore, #tpu.memory_space<semaphore_mem>>
      %dma_start3A_89 = arith.constant 0 : i32
      %dma_start3A_90 = tpu.memref_slice %arg6[%add3A_67, %dma_start3A_89] : memref<20480x128xf32, #tpu.memory_space<hbm>> -> memref<128x128xf32, #tpu.memory_space<hbm>>
      %dma_start3A_91 = arith.constant 0 : i32
      %dma_start3A_92 = tpu.memref_slice %arg6[%add3A_67, %dma_start3A_91] : memref<20480x128xf32, #tpu.memory_space<hbm>> -> memref<128x128xf32, #tpu.memory_space<hbm>>
      tpu.enqueue_dma source(%arg11 : memref<128x128xf32, #tpu.memory_space<vmem>>) target(%dma_start3A_92 : memref<128x128xf32, #tpu.memory_space<hbm>>) target_semaphore(%run_scoped3A : memref<!tpu.dma_semaphore, #tpu.memory_space<semaphore_mem>>)
      %dma_wait3A_93 = arith.constant 0 : i32
      %dma_wait3A_94 = tpu.memref_slice %arg6[%add3A_67, %dma_wait3A_93] : memref<20480x128xf32, #tpu.memory_space<hbm>> -> memref<128x128xf32, #tpu.memory_space<hbm>>
      %dma_wait3A_95 = arith.constant 0 : i32
      %dma_wait3A_96 = tpu.memref_slice %arg6[%add3A_67, %dma_wait3A_95] : memref<20480x128xf32, #tpu.memory_space<hbm>> -> memref<128x128xf32, #tpu.memory_space<hbm>>
      tpu.wait_dma2 semaphore(%run_scoped3A : memref<!tpu.dma_semaphore, #tpu.memory_space<semaphore_mem>>) src(%arg11 : memref<128x128xf32, #tpu.memory_space<vmem>>) dst(%dma_wait3A_96 : memref<128x128xf32, #tpu.memory_space<hbm>>)
      tpu.yield
    }) : () -> ()
    %mul3A_68 = arith.constant 640 : i32
    %mul3A_69 = arith.muli %arg1, %mul3A_68 : i32
    %add3A_70 = arith.constant 256 : i32
    %add3A_71 = arith.addi %mul3A_69, %add3A_70 : i32
    "tpu.region"() ({
      %run_scoped3A = tpu.sem_alloc : memref<!tpu.dma_semaphore, #tpu.memory_space<semaphore_mem>>
      %dma_start3A_89 = arith.constant 0 : i32
      %dma_start3A_90 = tpu.memref_slice %arg13[%add3A_71, %dma_start3A_89] : memref<10240x128xf32, #tpu.memory_space<vmem_shared>> -> memref<128x128xf32, #tpu.memory_space<vmem_shared>>
      %dma_start3A_91 = arith.constant 0 : i32
      %dma_start3A_92 = tpu.memref_slice %arg13[%add3A_71, %dma_start3A_91] : memref<10240x128xf32, #tpu.memory_space<vmem_shared>> -> memref<128x128xf32, #tpu.memory_space<vmem_shared>>
      tpu.enqueue_dma source(%dma_start3A_92 : memref<128x128xf32, #tpu.memory_space<vmem_shared>>) target(%arg11 : memref<128x128xf32, #tpu.memory_space<vmem>>) target_semaphore(%run_scoped3A : memref<!tpu.dma_semaphore, #tpu.memory_space<semaphore_mem>>)
      %dma_wait3A_93 = arith.constant 0 : i32
      %dma_wait3A_94 = tpu.memref_slice %arg13[%add3A_71, %dma_wait3A_93] : memref<10240x128xf32, #tpu.memory_space<vmem_shared>> -> memref<128x128xf32, #tpu.memory_space<vmem_shared>>
      %dma_wait3A_95 = arith.constant 0 : i32
      %dma_wait3A_96 = tpu.memref_slice %arg13[%add3A_71, %dma_wait3A_95] : memref<10240x128xf32, #tpu.memory_space<vmem_shared>> -> memref<128x128xf32, #tpu.memory_space<vmem_shared>>
      tpu.wait_dma2 semaphore(%run_scoped3A : memref<!tpu.dma_semaphore, #tpu.memory_space<semaphore_mem>>) src(%dma_wait3A_96 : memref<128x128xf32, #tpu.memory_space<vmem_shared>>) dst(%arg11 : memref<128x128xf32, #tpu.memory_space<vmem>>)
      tpu.yield
    }) : () -> ()
    %mul3A_72 = arith.constant 10240 : i32
    %mul3A_73 = arith.muli %arg0, %mul3A_72 : i32
    %add3A_74 = arith.addi %mul3A_73, %add3A_71 : i32
    "tpu.region"() ({
      %run_scoped3A = tpu.sem_alloc : memref<!tpu.dma_semaphore, #tpu.memory_space<semaphore_mem>>
      %dma_start3A_89 = arith.constant 0 : i32
      %dma_start3A_90 = tpu.memref_slice %arg6[%add3A_74, %dma_start3A_89] : memref<20480x128xf32, #tpu.memory_space<hbm>> -> memref<128x128xf32, #tpu.memory_space<hbm>>
      %dma_start3A_91 = arith.constant 0 : i32
      %dma_start3A_92 = tpu.memref_slice %arg6[%add3A_74, %dma_start3A_91] : memref<20480x128xf32, #tpu.memory_space<hbm>> -> memref<128x128xf32, #tpu.memory_space<hbm>>
      tpu.enqueue_dma source(%arg11 : memref<128x128xf32, #tpu.memory_space<vmem>>) target(%dma_start3A_92 : memref<128x128xf32, #tpu.memory_space<hbm>>) target_semaphore(%run_scoped3A : memref<!tpu.dma_semaphore, #tpu.memory_space<semaphore_mem>>)
      %dma_wait3A_93 = arith.constant 0 : i32
      %dma_wait3A_94 = tpu.memref_slice %arg6[%add3A_74, %dma_wait3A_93] : memref<20480x128xf32, #tpu.memory_space<hbm>> -> memref<128x128xf32, #tpu.memory_space<hbm>>
      %dma_wait3A_95 = arith.constant 0 : i32
      %dma_wait3A_96 = tpu.memref_slice %arg6[%add3A_74, %dma_wait3A_95] : memref<20480x128xf32, #tpu.memory_space<hbm>> -> memref<128x128xf32, #tpu.memory_space<hbm>>
      tpu.wait_dma2 semaphore(%run_scoped3A : memref<!tpu.dma_semaphore, #tpu.memory_space<semaphore_mem>>) src(%arg11 : memref<128x128xf32, #tpu.memory_space<vmem>>) dst(%dma_wait3A_96 : memref<128x128xf32, #tpu.memory_space<hbm>>)
      tpu.yield
    }) : () -> ()
    %mul3A_75 = arith.constant 640 : i32
    %mul3A_76 = arith.muli %arg1, %mul3A_75 : i32
    %add3A_77 = arith.constant 384 : i32
    %add3A_78 = arith.addi %mul3A_76, %add3A_77 : i32
    "tpu.region"() ({
      %run_scoped3A = tpu.sem_alloc : memref<!tpu.dma_semaphore, #tpu.memory_space<semaphore_mem>>
      %dma_start3A_89 = arith.constant 0 : i32
      %dma_start3A_90 = tpu.memref_slice %arg13[%add3A_78, %dma_start3A_89] : memref<10240x128xf32, #tpu.memory_space<vmem_shared>> -> memref<128x128xf32, #tpu.memory_space<vmem_shared>>
      %dma_start3A_91 = arith.constant 0 : i32
      %dma_start3A_92 = tpu.memref_slice %arg13[%add3A_78, %dma_start3A_91] : memref<10240x128xf32, #tpu.memory_space<vmem_shared>> -> memref<128x128xf32, #tpu.memory_space<vmem_shared>>
      tpu.enqueue_dma source(%dma_start3A_92 : memref<128x128xf32, #tpu.memory_space<vmem_shared>>) target(%arg11 : memref<128x128xf32, #tpu.memory_space<vmem>>) target_semaphore(%run_scoped3A : memref<!tpu.dma_semaphore, #tpu.memory_space<semaphore_mem>>)
      %dma_wait3A_93 = arith.constant 0 : i32
      %dma_wait3A_94 = tpu.memref_slice %arg13[%add3A_78, %dma_wait3A_93] : memref<10240x128xf32, #tpu.memory_space<vmem_shared>> -> memref<128x128xf32, #tpu.memory_space<vmem_shared>>
      %dma_wait3A_95 = arith.constant 0 : i32
      %dma_wait3A_96 = tpu.memref_slice %arg13[%add3A_78, %dma_wait3A_95] : memref<10240x128xf32, #tpu.memory_space<vmem_shared>> -> memref<128x128xf32, #tpu.memory_space<vmem_shared>>
      tpu.wait_dma2 semaphore(%run_scoped3A : memref<!tpu.dma_semaphore, #tpu.memory_space<semaphore_mem>>) src(%dma_wait3A_96 : memref<128x128xf32, #tpu.memory_space<vmem_shared>>) dst(%arg11 : memref<128x128xf32, #tpu.memory_space<vmem>>)
      tpu.yield
    }) : () -> ()
    %mul3A_79 = arith.constant 10240 : i32
    %mul3A_80 = arith.muli %arg0, %mul3A_79 : i32
    %add3A_81 = arith.addi %mul3A_80, %add3A_78 : i32
    "tpu.region"() ({
      %run_scoped3A = tpu.sem_alloc : memref<!tpu.dma_semaphore, #tpu.memory_space<semaphore_mem>>
      %dma_start3A_89 = arith.constant 0 : i32
      %dma_start3A_90 = tpu.memref_slice %arg6[%add3A_81, %dma_start3A_89] : memref<20480x128xf32, #tpu.memory_space<hbm>> -> memref<128x128xf32, #tpu.memory_space<hbm>>
      %dma_start3A_91 = arith.constant 0 : i32
      %dma_start3A_92 = tpu.memref_slice %arg6[%add3A_81, %dma_start3A_91] : memref<20480x128xf32, #tpu.memory_space<hbm>> -> memref<128x128xf32, #tpu.memory_space<hbm>>
      tpu.enqueue_dma source(%arg11 : memref<128x128xf32, #tpu.memory_space<vmem>>) target(%dma_start3A_92 : memref<128x128xf32, #tpu.memory_space<hbm>>) target_semaphore(%run_scoped3A : memref<!tpu.dma_semaphore, #tpu.memory_space<semaphore_mem>>)
      %dma_wait3A_93 = arith.constant 0 : i32
      %dma_wait3A_94 = tpu.memref_slice %arg6[%add3A_81, %dma_wait3A_93] : memref<20480x128xf32, #tpu.memory_space<hbm>> -> memref<128x128xf32, #tpu.memory_space<hbm>>
      %dma_wait3A_95 = arith.constant 0 : i32
      %dma_wait3A_96 = tpu.memref_slice %arg6[%add3A_81, %dma_wait3A_95] : memref<20480x128xf32, #tpu.memory_space<hbm>> -> memref<128x128xf32, #tpu.memory_space<hbm>>
      tpu.wait_dma2 semaphore(%run_scoped3A : memref<!tpu.dma_semaphore, #tpu.memory_space<semaphore_mem>>) src(%arg11 : memref<128x128xf32, #tpu.memory_space<vmem>>) dst(%dma_wait3A_96 : memref<128x128xf32, #tpu.memory_space<hbm>>)
      tpu.yield
    }) : () -> ()
    %mul3A_82 = arith.constant 640 : i32
    %mul3A_83 = arith.muli %arg1, %mul3A_82 : i32
    %add3A_84 = arith.constant 512 : i32
    %add3A_85 = arith.addi %mul3A_83, %add3A_84 : i32
    "tpu.region"() ({
      %run_scoped3A = tpu.sem_alloc : memref<!tpu.dma_semaphore, #tpu.memory_space<semaphore_mem>>
      %dma_start3A_89 = arith.constant 0 : i32
      %dma_start3A_90 = tpu.memref_slice %arg13[%add3A_85, %dma_start3A_89] : memref<10240x128xf32, #tpu.memory_space<vmem_shared>> -> memref<128x128xf32, #tpu.memory_space<vmem_shared>>
      %dma_start3A_91 = arith.constant 0 : i32
      %dma_start3A_92 = tpu.memref_slice %arg13[%add3A_85, %dma_start3A_91] : memref<10240x128xf32, #tpu.memory_space<vmem_shared>> -> memref<128x128xf32, #tpu.memory_space<vmem_shared>>
      tpu.enqueue_dma source(%dma_start3A_92 : memref<128x128xf32, #tpu.memory_space<vmem_shared>>) target(%arg11 : memref<128x128xf32, #tpu.memory_space<vmem>>) target_semaphore(%run_scoped3A : memref<!tpu.dma_semaphore, #tpu.memory_space<semaphore_mem>>)
      %dma_wait3A_93 = arith.constant 0 : i32
      %dma_wait3A_94 = tpu.memref_slice %arg13[%add3A_85, %dma_wait3A_93] : memref<10240x128xf32, #tpu.memory_space<vmem_shared>> -> memref<128x128xf32, #tpu.memory_space<vmem_shared>>
      %dma_wait3A_95 = arith.constant 0 : i32
      %dma_wait3A_96 = tpu.memref_slice %arg13[%add3A_85, %dma_wait3A_95] : memref<10240x128xf32, #tpu.memory_space<vmem_shared>> -> memref<128x128xf32, #tpu.memory_space<vmem_shared>>
      tpu.wait_dma2 semaphore(%run_scoped3A : memref<!tpu.dma_semaphore, #tpu.memory_space<semaphore_mem>>) src(%dma_wait3A_96 : memref<128x128xf32, #tpu.memory_space<vmem_shared>>) dst(%arg11 : memref<128x128xf32, #tpu.memory_space<vmem>>)
      tpu.yield
    }) : () -> ()
    %mul3A_86 = arith.constant 10240 : i32
    %mul3A_87 = arith.muli %arg0, %mul3A_86 : i32
    %add3A_88 = arith.addi %mul3A_87, %add3A_85 : i32
    "tpu.region"() ({
      %run_scoped3A = tpu.sem_alloc : memref<!tpu.dma_semaphore, #tpu.memory_space<semaphore_mem>>
      %dma_start3A_89 = arith.constant 0 : i32
      %dma_start3A_90 = tpu.memref_slice %arg6[%add3A_88, %dma_start3A_89] : memref<20480x128xf32, #tpu.memory_space<hbm>> -> memref<128x128xf32, #tpu.memory_space<hbm>>
      %dma_start3A_91 = arith.constant 0 : i32
      %dma_start3A_92 = tpu.memref_slice %arg6[%add3A_88, %dma_start3A_91] : memref<20480x128xf32, #tpu.memory_space<hbm>> -> memref<128x128xf32, #tpu.memory_space<hbm>>
      tpu.enqueue_dma source(%arg11 : memref<128x128xf32, #tpu.memory_space<vmem>>) target(%dma_start3A_92 : memref<128x128xf32, #tpu.memory_space<hbm>>) target_semaphore(%run_scoped3A : memref<!tpu.dma_semaphore, #tpu.memory_space<semaphore_mem>>)
      %dma_wait3A_93 = arith.constant 0 : i32
      %dma_wait3A_94 = tpu.memref_slice %arg6[%add3A_88, %dma_wait3A_93] : memref<20480x128xf32, #tpu.memory_space<hbm>> -> memref<128x128xf32, #tpu.memory_space<hbm>>
      %dma_wait3A_95 = arith.constant 0 : i32
      %dma_wait3A_96 = tpu.memref_slice %arg6[%add3A_88, %dma_wait3A_95] : memref<20480x128xf32, #tpu.memory_space<hbm>> -> memref<128x128xf32, #tpu.memory_space<hbm>>
      tpu.wait_dma2 semaphore(%run_scoped3A : memref<!tpu.dma_semaphore, #tpu.memory_space<semaphore_mem>>) src(%arg11 : memref<128x128xf32, #tpu.memory_space<vmem>>) dst(%dma_wait3A_96 : memref<128x128xf32, #tpu.memory_space<hbm>>)
      tpu.yield
    }) : () -> ()
    return
  }
}

#map = affine_map<(d0, d1) -> (0, 0)>
#map1 = affine_map<(d0, d1) -> (0)>
module attributes {stable_mosaic.version = 14 : i64} {
  func.func @_seg_sum_body(%arg0: i32, %arg1: i32, %arg2: memref<10000x128xf32, #tpu.memory_space<hbm>>, %arg3: memref<327680xi32, #tpu.memory_space<hbm>>, %arg4: memref<327680xi32, #tpu.memory_space<hbm>>, %arg5: memref<128x128xf32, #tpu.memory_space<hbm>>, %arg6: memref<20480x128xf32, #tpu.memory_space<hbm>>, %arg7: memref<128xi32, #tpu.memory_space<vmem>>, %arg8: memref<128xi32, #tpu.memory_space<vmem>>, %arg9: memref<128xi32, #tpu.memory_space<vmem>>, %arg10: memref<128xi32, #tpu.memory_space<vmem>>, %arg11: memref<128x128xf32, #tpu.memory_space<vmem>>, %arg12: memref<128x128xf32, #tpu.memory_space<vmem>>, %arg13: memref<10240x128xf32, #tpu.memory_space<vmem_shared>>, %arg14: memref<!tpu.dma_semaphore, #tpu.memory_space<semaphore_mem>>, %arg15: memref<!tpu.dma_semaphore, #tpu.memory_space<semaphore_mem>>, %arg16: memref<!tpu.dma_semaphore, #tpu.memory_space<semaphore_mem>>, %arg17: memref<!tpu.dma_semaphore, #tpu.memory_space<semaphore_mem>>) attributes {dimension_semantics = [#tpu.dimension_semantics<core_parallel>, #tpu.dimension_semantics<subcore_parallel>], iteration_bounds = array<i64: 2, 16>, scalar_prefetch = 0 : i64, scratch_operands = 11 : i64, tpu.core_type = #tpu.core_type<sc_vector_subcore>, window_params = [{transform_indices = #map}, {transform_indices = #map1}, {transform_indices = #map1}, {transform_indices = #map}, {transform_indices = #map}]} {
    %mul3A = arith.constant 16 : i32
    %mul3A_0 = arith.muli %arg0, %mul3A : i32
    %add3A = arith.addi %mul3A_0, %arg1 : i32
    %mul3A_1 = arith.constant 10240 : i32
    %mul3A_2 = arith.muli %add3A, %mul3A_1 : i32
    "tpu.region"() ({
      %run_scoped3A = tpu.sem_alloc : memref<!tpu.dma_semaphore, #tpu.memory_space<semaphore_mem>>
      tpu.enqueue_dma source(%arg5 : memref<128x128xf32, #tpu.memory_space<hbm>>) target(%arg11 : memref<128x128xf32, #tpu.memory_space<vmem>>) target_semaphore(%run_scoped3A : memref<!tpu.dma_semaphore, #tpu.memory_space<semaphore_mem>>)
      tpu.wait_dma2 semaphore(%run_scoped3A : memref<!tpu.dma_semaphore, #tpu.memory_space<semaphore_mem>>) src(%arg5 : memref<128x128xf32, #tpu.memory_space<hbm>>) dst(%arg11 : memref<128x128xf32, #tpu.memory_space<vmem>>)
      tpu.yield
    }) : () -> ()
    %mul3A_3 = arith.constant 640 : i32
    %mul3A_4 = arith.muli %arg1, %mul3A_3 : i32
    %add3A_5 = arith.constant 0 : i32
    %add3A_6 = arith.addi %mul3A_4, %add3A_5 : i32
    "tpu.region"() ({
      %run_scoped3A = tpu.sem_alloc : memref<!tpu.dma_semaphore, #tpu.memory_space<semaphore_mem>>
      %dma_start3A_89 = arith.constant 0 : i32
      %dma_start3A_90 = tpu.memref_slice %arg13[%add3A_6, %dma_start3A_89] : memref<10240x128xf32, #tpu.memory_space<vmem_shared>> -> memref<128x128xf32, #tpu.memory_space<vmem_shared>>
      %dma_start3A_91 = arith.constant 0 : i32
      %dma_start3A_92 = tpu.memref_slice %arg13[%add3A_6, %dma_start3A_91] : memref<10240x128xf32, #tpu.memory_space<vmem_shared>> -> memref<128x128xf32, #tpu.memory_space<vmem_shared>>
      tpu.enqueue_dma source(%arg11 : memref<128x128xf32, #tpu.memory_space<vmem>>) target(%dma_start3A_92 : memref<128x128xf32, #tpu.memory_space<vmem_shared>>) target_semaphore(%run_scoped3A : memref<!tpu.dma_semaphore, #tpu.memory_space<semaphore_mem>>)
      %dma_wait3A_93 = arith.constant 0 : i32
      %dma_wait3A_94 = tpu.memref_slice %arg13[%add3A_6, %dma_wait3A_93] : memref<10240x128xf32, #tpu.memory_space<vmem_shared>> -> memref<128x128xf32, #tpu.memory_space<vmem_shared>>
      %dma_wait3A_95 = arith.constant 0 : i32
      %dma_wait3A_96 = tpu.memref_slice %arg13[%add3A_6, %dma_wait3A_95] : memref<10240x128xf32, #tpu.memory_space<vmem_shared>> -> memref<128x128xf32, #tpu.memory_space<vmem_shared>>
      tpu.wait_dma2 semaphore(%run_scoped3A : memref<!tpu.dma_semaphore, #tpu.memory_space<semaphore_mem>>) src(%arg11 : memref<128x128xf32, #tpu.memory_space<vmem>>) dst(%dma_wait3A_96 : memref<128x128xf32, #tpu.memory_space<vmem_shared>>)
      tpu.yield
    }) : () -> ()
    %mul3A_7 = arith.constant 640 : i32
    %mul3A_8 = arith.muli %arg1, %mul3A_7 : i32
    %add3A_9 = arith.constant 128 : i32
    %add3A_10 = arith.addi %mul3A_8, %add3A_9 : i32
    "tpu.region"() ({
      %run_scoped3A = tpu.sem_alloc : memref<!tpu.dma_semaphore, #tpu.memory_space<semaphore_mem>>
      %dma_start3A_89 = arith.constant 0 : i32
      %dma_start3A_90 = tpu.memref_slice %arg13[%add3A_10, %dma_start3A_89] : memref<10240x128xf32, #tpu.memory_space<vmem_shared>> -> memref<128x128xf32, #tpu.memory_space<vmem_shared>>
      %dma_start3A_91 = arith.constant 0 : i32
      %dma_start3A_92 = tpu.memref_slice %arg13[%add3A_10, %dma_start3A_91] : memref<10240x128xf32, #tpu.memory_space<vmem_shared>> -> memref<128x128xf32, #tpu.memory_space<vmem_shared>>
      tpu.enqueue_dma source(%arg11 : memref<128x128xf32, #tpu.memory_space<vmem>>) target(%dma_start3A_92 : memref<128x128xf32, #tpu.memory_space<vmem_shared>>) target_semaphore(%run_scoped3A : memref<!tpu.dma_semaphore, #tpu.memory_space<semaphore_mem>>)
      %dma_wait3A_93 = arith.constant 0 : i32
      %dma_wait3A_94 = tpu.memref_slice %arg13[%add3A_10, %dma_wait3A_93] : memref<10240x128xf32, #tpu.memory_space<vmem_shared>> -> memref<128x128xf32, #tpu.memory_space<vmem_shared>>
      %dma_wait3A_95 = arith.constant 0 : i32
      %dma_wait3A_96 = tpu.memref_slice %arg13[%add3A_10, %dma_wait3A_95] : memref<10240x128xf32, #tpu.memory_space<vmem_shared>> -> memref<128x128xf32, #tpu.memory_space<vmem_shared>>
      tpu.wait_dma2 semaphore(%run_scoped3A : memref<!tpu.dma_semaphore, #tpu.memory_space<semaphore_mem>>) src(%arg11 : memref<128x128xf32, #tpu.memory_space<vmem>>) dst(%dma_wait3A_96 : memref<128x128xf32, #tpu.memory_space<vmem_shared>>)
      tpu.yield
    }) : () -> ()
    %mul3A_11 = arith.constant 640 : i32
    %mul3A_12 = arith.muli %arg1, %mul3A_11 : i32
    %add3A_13 = arith.constant 256 : i32
    %add3A_14 = arith.addi %mul3A_12, %add3A_13 : i32
    "tpu.region"() ({
      %run_scoped3A = tpu.sem_alloc : memref<!tpu.dma_semaphore, #tpu.memory_space<semaphore_mem>>
      %dma_start3A_89 = arith.constant 0 : i32
      %dma_start3A_90 = tpu.memref_slice %arg13[%add3A_14, %dma_start3A_89] : memref<10240x128xf32, #tpu.memory_space<vmem_shared>> -> memref<128x128xf32, #tpu.memory_space<vmem_shared>>
      %dma_start3A_91 = arith.constant 0 : i32
      %dma_start3A_92 = tpu.memref_slice %arg13[%add3A_14, %dma_start3A_91] : memref<10240x128xf32, #tpu.memory_space<vmem_shared>> -> memref<128x128xf32, #tpu.memory_space<vmem_shared>>
      tpu.enqueue_dma source(%arg11 : memref<128x128xf32, #tpu.memory_space<vmem>>) target(%dma_start3A_92 : memref<128x128xf32, #tpu.memory_space<vmem_shared>>) target_semaphore(%run_scoped3A : memref<!tpu.dma_semaphore, #tpu.memory_space<semaphore_mem>>)
      %dma_wait3A_93 = arith.constant 0 : i32
      %dma_wait3A_94 = tpu.memref_slice %arg13[%add3A_14, %dma_wait3A_93] : memref<10240x128xf32, #tpu.memory_space<vmem_shared>> -> memref<128x128xf32, #tpu.memory_space<vmem_shared>>
      %dma_wait3A_95 = arith.constant 0 : i32
      %dma_wait3A_96 = tpu.memref_slice %arg13[%add3A_14, %dma_wait3A_95] : memref<10240x128xf32, #tpu.memory_space<vmem_shared>> -> memref<128x128xf32, #tpu.memory_space<vmem_shared>>
      tpu.wait_dma2 semaphore(%run_scoped3A : memref<!tpu.dma_semaphore, #tpu.memory_space<semaphore_mem>>) src(%arg11 : memref<128x128xf32, #tpu.memory_space<vmem>>) dst(%dma_wait3A_96 : memref<128x128xf32, #tpu.memory_space<vmem_shared>>)
      tpu.yield
    }) : () -> ()
    %mul3A_15 = arith.constant 640 : i32
    %mul3A_16 = arith.muli %arg1, %mul3A_15 : i32
    %add3A_17 = arith.constant 384 : i32
    %add3A_18 = arith.addi %mul3A_16, %add3A_17 : i32
    "tpu.region"() ({
      %run_scoped3A = tpu.sem_alloc : memref<!tpu.dma_semaphore, #tpu.memory_space<semaphore_mem>>
      %dma_start3A_89 = arith.constant 0 : i32
      %dma_start3A_90 = tpu.memref_slice %arg13[%add3A_18, %dma_start3A_89] : memref<10240x128xf32, #tpu.memory_space<vmem_shared>> -> memref<128x128xf32, #tpu.memory_space<vmem_shared>>
      %dma_start3A_91 = arith.constant 0 : i32
      %dma_start3A_92 = tpu.memref_slice %arg13[%add3A_18, %dma_start3A_91] : memref<10240x128xf32, #tpu.memory_space<vmem_shared>> -> memref<128x128xf32, #tpu.memory_space<vmem_shared>>
      tpu.enqueue_dma source(%arg11 : memref<128x128xf32, #tpu.memory_space<vmem>>) target(%dma_start3A_92 : memref<128x128xf32, #tpu.memory_space<vmem_shared>>) target_semaphore(%run_scoped3A : memref<!tpu.dma_semaphore, #tpu.memory_space<semaphore_mem>>)
      %dma_wait3A_93 = arith.constant 0 : i32
      %dma_wait3A_94 = tpu.memref_slice %arg13[%add3A_18, %dma_wait3A_93] : memref<10240x128xf32, #tpu.memory_space<vmem_shared>> -> memref<128x128xf32, #tpu.memory_space<vmem_shared>>
      %dma_wait3A_95 = arith.constant 0 : i32
      %dma_wait3A_96 = tpu.memref_slice %arg13[%add3A_18, %dma_wait3A_95] : memref<10240x128xf32, #tpu.memory_space<vmem_shared>> -> memref<128x128xf32, #tpu.memory_space<vmem_shared>>
      tpu.wait_dma2 semaphore(%run_scoped3A : memref<!tpu.dma_semaphore, #tpu.memory_space<semaphore_mem>>) src(%arg11 : memref<128x128xf32, #tpu.memory_space<vmem>>) dst(%dma_wait3A_96 : memref<128x128xf32, #tpu.memory_space<vmem_shared>>)
      tpu.yield
    }) : () -> ()
    %mul3A_19 = arith.constant 640 : i32
    %mul3A_20 = arith.muli %arg1, %mul3A_19 : i32
    %add3A_21 = arith.constant 512 : i32
    %add3A_22 = arith.addi %mul3A_20, %add3A_21 : i32
    "tpu.region"() ({
      %run_scoped3A = tpu.sem_alloc : memref<!tpu.dma_semaphore, #tpu.memory_space<semaphore_mem>>
      %dma_start3A_89 = arith.constant 0 : i32
      %dma_start3A_90 = tpu.memref_slice %arg13[%add3A_22, %dma_start3A_89] : memref<10240x128xf32, #tpu.memory_space<vmem_shared>> -> memref<128x128xf32, #tpu.memory_space<vmem_shared>>
      %dma_start3A_91 = arith.constant 0 : i32
      %dma_start3A_92 = tpu.memref_slice %arg13[%add3A_22, %dma_start3A_91] : memref<10240x128xf32, #tpu.memory_space<vmem_shared>> -> memref<128x128xf32, #tpu.memory_space<vmem_shared>>
      tpu.enqueue_dma source(%arg11 : memref<128x128xf32, #tpu.memory_space<vmem>>) target(%dma_start3A_92 : memref<128x128xf32, #tpu.memory_space<vmem_shared>>) target_semaphore(%run_scoped3A : memref<!tpu.dma_semaphore, #tpu.memory_space<semaphore_mem>>)
      %dma_wait3A_93 = arith.constant 0 : i32
      %dma_wait3A_94 = tpu.memref_slice %arg13[%add3A_22, %dma_wait3A_93] : memref<10240x128xf32, #tpu.memory_space<vmem_shared>> -> memref<128x128xf32, #tpu.memory_space<vmem_shared>>
      %dma_wait3A_95 = arith.constant 0 : i32
      %dma_wait3A_96 = tpu.memref_slice %arg13[%add3A_22, %dma_wait3A_95] : memref<10240x128xf32, #tpu.memory_space<vmem_shared>> -> memref<128x128xf32, #tpu.memory_space<vmem_shared>>
      tpu.wait_dma2 semaphore(%run_scoped3A : memref<!tpu.dma_semaphore, #tpu.memory_space<semaphore_mem>>) src(%arg11 : memref<128x128xf32, #tpu.memory_space<vmem>>) dst(%dma_wait3A_96 : memref<128x128xf32, #tpu.memory_space<vmem_shared>>)
      tpu.yield
    }) : () -> ()
    %barrier3A = arith.constant 0 : index
    tpu.barrier barrier_id(%barrier3A)
    %add3A_23 = arith.constant 0 : i32
    %add3A_24 = arith.addi %mul3A_2, %add3A_23 : i32
    %dma_start3A = tpu.memref_slice %arg3[%add3A_24] : memref<327680xi32, #tpu.memory_space<hbm>> -> memref<128xi32, #tpu.memory_space<hbm>>
    %dma_start3A_25 = tpu.memref_slice %arg3[%add3A_24] : memref<327680xi32, #tpu.memory_space<hbm>> -> memref<128xi32, #tpu.memory_space<hbm>>
    tpu.enqueue_dma source(%dma_start3A_25 : memref<128xi32, #tpu.memory_space<hbm>>) target(%arg7 : memref<128xi32, #tpu.memory_space<vmem>>) target_semaphore(%arg14 : memref<!tpu.dma_semaphore, #tpu.memory_space<semaphore_mem>>)
    %add3A_26 = arith.constant 0 : i32
    %add3A_27 = arith.addi %mul3A_2, %add3A_26 : i32
    %dma_start3A_28 = tpu.memref_slice %arg4[%add3A_27] : memref<327680xi32, #tpu.memory_space<hbm>> -> memref<128xi32, #tpu.memory_space<hbm>>
    %dma_start3A_29 = tpu.memref_slice %arg4[%add3A_27] : memref<327680xi32, #tpu.memory_space<hbm>> -> memref<128xi32, #tpu.memory_space<hbm>>
    tpu.enqueue_dma source(%dma_start3A_29 : memref<128xi32, #tpu.memory_space<hbm>>) target(%arg9 : memref<128xi32, #tpu.memory_space<vmem>>) target_semaphore(%arg14 : memref<!tpu.dma_semaphore, #tpu.memory_space<semaphore_mem>>)
    %add3A_30 = arith.constant 128 : i32
    %add3A_31 = arith.addi %mul3A_2, %add3A_30 : i32
    %dma_start3A_32 = tpu.memref_slice %arg3[%add3A_31] : memref<327680xi32, #tpu.memory_space<hbm>> -> memref<128xi32, #tpu.memory_space<hbm>>
    %dma_start3A_33 = tpu.memref_slice %arg3[%add3A_31] : memref<327680xi32, #tpu.memory_space<hbm>> -> memref<128xi32, #tpu.memory_space<hbm>>
    tpu.enqueue_dma source(%dma_start3A_33 : memref<128xi32, #tpu.memory_space<hbm>>) target(%arg8 : memref<128xi32, #tpu.memory_space<vmem>>) target_semaphore(%arg15 : memref<!tpu.dma_semaphore, #tpu.memory_space<semaphore_mem>>)
    %add3A_34 = arith.constant 128 : i32
    %add3A_35 = arith.addi %mul3A_2, %add3A_34 : i32
    %dma_start3A_36 = tpu.memref_slice %arg4[%add3A_35] : memref<327680xi32, #tpu.memory_space<hbm>> -> memref<128xi32, #tpu.memory_space<hbm>>
    %dma_start3A_37 = tpu.memref_slice %arg4[%add3A_35] : memref<327680xi32, #tpu.memory_space<hbm>> -> memref<128xi32, #tpu.memory_space<hbm>>
    tpu.enqueue_dma source(%dma_start3A_37 : memref<128xi32, #tpu.memory_space<hbm>>) target(%arg10 : memref<128xi32, #tpu.memory_space<vmem>>) target_semaphore(%arg15 : memref<!tpu.dma_semaphore, #tpu.memory_space<semaphore_mem>>)
    %dma_wait3A = arith.constant 0 : i32
    %dma_wait3A_38 = tpu.memref_slice %arg3[%dma_wait3A] : memref<327680xi32, #tpu.memory_space<hbm>> -> memref<128xi32, #tpu.memory_space<hbm>>
    %dma_wait3A_39 = arith.constant 0 : i32
    %dma_wait3A_40 = tpu.memref_slice %arg3[%dma_wait3A_39] : memref<327680xi32, #tpu.memory_space<hbm>> -> memref<128xi32, #tpu.memory_space<hbm>>
    tpu.wait_dma2 semaphore(%arg14 : memref<!tpu.dma_semaphore, #tpu.memory_space<semaphore_mem>>) src(%dma_wait3A_40 : memref<128xi32, #tpu.memory_space<hbm>>) dst(%arg7 : memref<128xi32, #tpu.memory_space<vmem>>)
    %dma_wait3A_41 = arith.constant 0 : i32
    %dma_wait3A_42 = tpu.memref_slice %arg4[%dma_wait3A_41] : memref<327680xi32, #tpu.memory_space<hbm>> -> memref<128xi32, #tpu.memory_space<hbm>>
    %dma_wait3A_43 = arith.constant 0 : i32
    %dma_wait3A_44 = tpu.memref_slice %arg4[%dma_wait3A_43] : memref<327680xi32, #tpu.memory_space<hbm>> -> memref<128xi32, #tpu.memory_space<hbm>>
    tpu.wait_dma2 semaphore(%arg14 : memref<!tpu.dma_semaphore, #tpu.memory_space<semaphore_mem>>) src(%dma_wait3A_44 : memref<128xi32, #tpu.memory_space<hbm>>) dst(%arg9 : memref<128xi32, #tpu.memory_space<vmem>>)
    %dma_start3A_45 = arith.constant 0 : i32
    %dma_start3A_46 = arith.constant 0 : i32
    %dma_start3A_47 = tpu.memref_slice %arg2[%dma_start3A_45, %dma_start3A_46] : memref<10000x128xf32, #tpu.memory_space<hbm>> -> memref<10000x128xf32, #tpu.memory_space<hbm>>
    tpu.enqueue_indirect_dma source(%dma_start3A_47 : memref<10000x128xf32, #tpu.memory_space<hbm>>) target(%arg11 : memref<128x128xf32, #tpu.memory_space<vmem>>) offsets(%arg7 : memref<128xi32, #tpu.memory_space<vmem>>) semaphore(%arg16 : memref<!tpu.dma_semaphore, #tpu.memory_space<semaphore_mem>>)
    %scan3A = arith.constant 0 : i32
    %scan3A_48 = arith.constant 0 : i32
    %scan3A_49 = arith.constant 40 : i32
    %scan3A_50 = arith.addi %scan3A_48, %scan3A_49 : i32
    %scan3A_51 = arith.constant 1 : i32
    scf.for %scan3A_89 = %scan3A_48 to %scan3A_50 step %scan3A_51  : i32 {
      %mul3A_90 = arith.constant 2 : i32
      %mul3A_91 = arith.muli %mul3A_90, %scan3A_89 : i32
      %add3A_92 = arith.constant 0 : i32
      %add3A_93 = arith.addi %mul3A_91, %add3A_92 : i32
      %add3A_94 = arith.constant 1 : i32
      %add3A_95 = arith.addi %add3A_93, %add3A_94 : i32
      %lt3A = arith.constant 80 : i32
      %lt3A_96 = arith.cmpi slt, %add3A_95, %lt3A : i32
      %convert_element_type3A = arith.extui %lt3A_96 : i1 to i32
      %cond3A = arith.constant 0 : i32
      %cond3A_97 = arith.cmpi ne, %convert_element_type3A, %cond3A : i32
      scf.if %cond3A_97 {
        %dma_wait3A_135 = arith.constant 0 : i32
        %dma_wait3A_136 = tpu.memref_slice %arg3[%dma_wait3A_135] : memref<327680xi32, #tpu.memory_space<hbm>> -> memref<128xi32, #tpu.memory_space<hbm>>
        %dma_wait3A_137 = arith.constant 0 : i32
        %dma_wait3A_138 = tpu.memref_slice %arg3[%dma_wait3A_137] : memref<327680xi32, #tpu.memory_space<hbm>> -> memref<128xi32, #tpu.memory_space<hbm>>
        tpu.wait_dma2 semaphore(%arg15 : memref<!tpu.dma_semaphore, #tpu.memory_space<semaphore_mem>>) src(%dma_wait3A_138 : memref<128xi32, #tpu.memory_space<hbm>>) dst(%arg8 : memref<128xi32, #tpu.memory_space<vmem>>)
        %dma_wait3A_139 = arith.constant 0 : i32
        %dma_wait3A_140 = tpu.memref_slice %arg4[%dma_wait3A_139] : memref<327680xi32, #tpu.memory_space<hbm>> -> memref<128xi32, #tpu.memory_space<hbm>>
        %dma_wait3A_141 = arith.constant 0 : i32
        %dma_wait3A_142 = tpu.memref_slice %arg4[%dma_wait3A_141] : memref<327680xi32, #tpu.memory_space<hbm>> -> memref<128xi32, #tpu.memory_space<hbm>>
        tpu.wait_dma2 semaphore(%arg15 : memref<!tpu.dma_semaphore, #tpu.memory_space<semaphore_mem>>) src(%dma_wait3A_142 : memref<128xi32, #tpu.memory_space<hbm>>) dst(%arg10 : memref<128xi32, #tpu.memory_space<vmem>>)
        %dma_start3A_143 = arith.constant 0 : i32
        %dma_start3A_144 = arith.constant 0 : i32
        %dma_start3A_145 = tpu.memref_slice %arg2[%dma_start3A_143, %dma_start3A_144] : memref<10000x128xf32, #tpu.memory_space<hbm>> -> memref<10000x128xf32, #tpu.memory_space<hbm>>
        tpu.enqueue_indirect_dma source(%dma_start3A_145 : memref<10000x128xf32, #tpu.memory_space<hbm>>) target(%arg12 : memref<128x128xf32, #tpu.memory_space<vmem>>) offsets(%arg8 : memref<128xi32, #tpu.memory_space<vmem>>) semaphore(%arg17 : memref<!tpu.dma_semaphore, #tpu.memory_space<semaphore_mem>>)
      } else {
      }
      %dma_wait3A_98 = arith.constant 0 : i32
      %dma_wait3A_99 = arith.constant 0 : i32
      %dma_wait3A_100 = tpu.memref_slice %arg2[%dma_wait3A_98, %dma_wait3A_99] : memref<10000x128xf32, #tpu.memory_space<hbm>> -> memref<128x128xf32, #tpu.memory_space<hbm>>
      %dma_wait3A_101 = arith.constant 0 : i32
      %dma_wait3A_102 = arith.constant 0 : i32
      %dma_wait3A_103 = tpu.memref_slice %arg2[%dma_wait3A_101, %dma_wait3A_102] : memref<10000x128xf32, #tpu.memory_space<hbm>> -> memref<128x128xf32, #tpu.memory_space<hbm>>
      tpu.wait_dma2 semaphore(%arg16 : memref<!tpu.dma_semaphore, #tpu.memory_space<semaphore_mem>>) src(%dma_wait3A_103 : memref<128x128xf32, #tpu.memory_space<hbm>>) dst(%arg11 : memref<128x128xf32, #tpu.memory_space<vmem>>)
      "tpu.region"() ({
        %run_scoped3A = tpu.sem_alloc : memref<!tpu.dma_semaphore, #tpu.memory_space<semaphore_mem>>
        %dma_start3A_135 = arith.constant 0 : i32
        %dma_start3A_136 = arith.constant 0 : i32
        %dma_start3A_137 = tpu.memref_slice %arg13[%dma_start3A_135, %dma_start3A_136] : memref<10240x128xf32, #tpu.memory_space<vmem_shared>> -> memref<10240x128xf32, #tpu.memory_space<vmem_shared>>
        tpu.enqueue_indirect_dma source(%arg11 : memref<128x128xf32, #tpu.memory_space<vmem>>) target(%dma_start3A_137 : memref<10240x128xf32, #tpu.memory_space<vmem_shared>>) offsets(%arg9 : memref<128xi32, #tpu.memory_space<vmem>>) semaphore(%run_scoped3A : memref<!tpu.dma_semaphore, #tpu.memory_space<semaphore_mem>>) {add = true}
        %dma_wait3A_138 = arith.constant 0 : i32
        %dma_wait3A_139 = arith.constant 0 : i32
        %dma_wait3A_140 = tpu.memref_slice %arg13[%dma_wait3A_138, %dma_wait3A_139] : memref<10240x128xf32, #tpu.memory_space<vmem_shared>> -> memref<10240x128xf32, #tpu.memory_space<vmem_shared>>
        tpu.wait_indirect_dma semaphore(%run_scoped3A : memref<!tpu.dma_semaphore, #tpu.memory_space<semaphore_mem>>) src(%arg11 : memref<128x128xf32, #tpu.memory_space<vmem>>) dst(%dma_wait3A_140 : memref<10240x128xf32, #tpu.memory_space<vmem_shared>>)
        tpu.yield
      }) : () -> ()
      %add3A_104 = arith.constant 2 : i32
      %add3A_105 = arith.addi %add3A_93, %add3A_104 : i32
      %lt3A_106 = arith.constant 80 : i32
      %lt3A_107 = arith.cmpi slt, %add3A_105, %lt3A_106 : i32
      %convert_element_type3A_108 = arith.extui %lt3A_107 : i1 to i32
      %cond3A_109 = arith.constant 0 : i32
      %cond3A_110 = arith.cmpi ne, %convert_element_type3A_108, %cond3A_109 : i32
      scf.if %cond3A_110 {
        %add3A_135 = arith.constant 2 : i32
        %add3A_136 = arith.addi %add3A_93, %add3A_135 : i32
        %mul3A_137 = arith.constant 128 : i32
        %mul3A_138 = arith.muli %add3A_136, %mul3A_137 : i32
        %add3A_139 = arith.addi %mul3A_2, %mul3A_138 : i32
        %dma_start3A_140 = tpu.memref_slice %arg3[%add3A_139] : memref<327680xi32, #tpu.memory_space<hbm>> -> memref<128xi32, #tpu.memory_space<hbm>>
        %dma_start3A_141 = tpu.memref_slice %arg3[%add3A_139] : memref<327680xi32, #tpu.memory_space<hbm>> -> memref<128xi32, #tpu.memory_space<hbm>>
        tpu.enqueue_dma source(%dma_start3A_141 : memref<128xi32, #tpu.memory_space<hbm>>) target(%arg7 : memref<128xi32, #tpu.memory_space<vmem>>) target_semaphore(%arg14 : memref<!tpu.dma_semaphore, #tpu.memory_space<semaphore_mem>>)
        %mul3A_142 = arith.constant 128 : i32
        %mul3A_143 = arith.muli %add3A_136, %mul3A_142 : i32
        %add3A_144 = arith.addi %mul3A_2, %mul3A_143 : i32
        %dma_start3A_145 = tpu.memref_slice %arg4[%add3A_144] : memref<327680xi32, #tpu.memory_space<hbm>> -> memref<128xi32, #tpu.memory_space<hbm>>
        %dma_start3A_146 = tpu.memref_slice %arg4[%add3A_144] : memref<327680xi32, #tpu.memory_space<hbm>> -> memref<128xi32, #tpu.memory_space<hbm>>
        tpu.enqueue_dma source(%dma_start3A_146 : memref<128xi32, #tpu.memory_space<hbm>>) target(%arg9 : memref<128xi32, #tpu.memory_space<vmem>>) target_semaphore(%arg14 : memref<!tpu.dma_semaphore, #tpu.memory_space<semaphore_mem>>)
      } else {
      }
      %mul3A_111 = arith.constant 2 : i32
      %mul3A_112 = arith.muli %mul3A_111, %scan3A_89 : i32
      %add3A_113 = arith.constant 1 : i32
      %add3A_114 = arith.addi %mul3A_112, %add3A_113 : i32
      %add3A_115 = arith.constant 1 : i32
      %add3A_116 = arith.addi %add3A_114, %add3A_115 : i32
      %lt3A_117 = arith.constant 80 : i32
      %lt3A_118 = arith.cmpi slt, %add3A_116, %lt3A_117 : i32
      %convert_element_type3A_119 = arith.extui %lt3A_118 : i1 to i32
      %cond3A_120 = arith.constant 0 : i32
      %cond3A_121 = arith.cmpi ne, %convert_element_type3A_119, %cond3A_120 : i32
      scf.if %cond3A_121 {
        %dma_wait3A_135 = arith.constant 0 : i32
        %dma_wait3A_136 = tpu.memref_slice %arg3[%dma_wait3A_135] : memref<327680xi32, #tpu.memory_space<hbm>> -> memref<128xi32, #tpu.memory_space<hbm>>
        %dma_wait3A_137 = arith.constant 0 : i32
        %dma_wait3A_138 = tpu.memref_slice %arg3[%dma_wait3A_137] : memref<327680xi32, #tpu.memory_space<hbm>> -> memref<128xi32, #tpu.memory_space<hbm>>
        tpu.wait_dma2 semaphore(%arg14 : memref<!tpu.dma_semaphore, #tpu.memory_space<semaphore_mem>>) src(%dma_wait3A_138 : memref<128xi32, #tpu.memory_space<hbm>>) dst(%arg7 : memref<128xi32, #tpu.memory_space<vmem>>)
        %dma_wait3A_139 = arith.constant 0 : i32
        %dma_wait3A_140 = tpu.memref_slice %arg4[%dma_wait3A_139] : memref<327680xi32, #tpu.memory_space<hbm>> -> memref<128xi32, #tpu.memory_space<hbm>>
        %dma_wait3A_141 = arith.constant 0 : i32
        %dma_wait3A_142 = tpu.memref_slice %arg4[%dma_wait3A_141] : memref<327680xi32, #tpu.memory_space<hbm>> -> memref<128xi32, #tpu.memory_space<hbm>>
        tpu.wait_dma2 semaphore(%arg14 : memref<!tpu.dma_semaphore, #tpu.memory_space<semaphore_mem>>) src(%dma_wait3A_142 : memref<128xi32, #tpu.memory_space<hbm>>) dst(%arg9 : memref<128xi32, #tpu.memory_space<vmem>>)
        %dma_start3A_143 = arith.constant 0 : i32
        %dma_start3A_144 = arith.constant 0 : i32
        %dma_start3A_145 = tpu.memref_slice %arg2[%dma_start3A_143, %dma_start3A_144] : memref<10000x128xf32, #tpu.memory_space<hbm>> -> memref<10000x128xf32, #tpu.memory_space<hbm>>
        tpu.enqueue_indirect_dma source(%dma_start3A_145 : memref<10000x128xf32, #tpu.memory_space<hbm>>) target(%arg11 : memref<128x128xf32, #tpu.memory_space<vmem>>) offsets(%arg7 : memref<128xi32, #tpu.memory_space<vmem>>) semaphore(%arg16 : memref<!tpu.dma_semaphore, #tpu.memory_space<semaphore_mem>>)
      } else {
      }
      %dma_wait3A_122 = arith.constant 0 : i32
      %dma_wait3A_123 = arith.constant 0 : i32
      %dma_wait3A_124 = tpu.memref_slice %arg2[%dma_wait3A_122, %dma_wait3A_123] : memref<10000x128xf32, #tpu.memory_space<hbm>> -> memref<128x128xf32, #tpu.memory_space<hbm>>
      %dma_wait3A_125 = arith.constant 0 : i32
      %dma_wait3A_126 = arith.constant 0 : i32
      %dma_wait3A_127 = tpu.memref_slice %arg2[%dma_wait3A_125, %dma_wait3A_126] : memref<10000x128xf32, #tpu.memory_space<hbm>> -> memref<128x128xf32, #tpu.memory_space<hbm>>
      tpu.wait_dma2 semaphore(%arg17 : memref<!tpu.dma_semaphore, #tpu.memory_space<semaphore_mem>>) src(%dma_wait3A_127 : memref<128x128xf32, #tpu.memory_space<hbm>>) dst(%arg12 : memref<128x128xf32, #tpu.memory_space<vmem>>)
      "tpu.region"() ({
        %run_scoped3A = tpu.sem_alloc : memref<!tpu.dma_semaphore, #tpu.memory_space<semaphore_mem>>
        %dma_start3A_135 = arith.constant 0 : i32
        %dma_start3A_136 = arith.constant 0 : i32
        %dma_start3A_137 = tpu.memref_slice %arg13[%dma_start3A_135, %dma_start3A_136] : memref<10240x128xf32, #tpu.memory_space<vmem_shared>> -> memref<10240x128xf32, #tpu.memory_space<vmem_shared>>
        tpu.enqueue_indirect_dma source(%arg12 : memref<128x128xf32, #tpu.memory_space<vmem>>) target(%dma_start3A_137 : memref<10240x128xf32, #tpu.memory_space<vmem_shared>>) offsets(%arg10 : memref<128xi32, #tpu.memory_space<vmem>>) semaphore(%run_scoped3A : memref<!tpu.dma_semaphore, #tpu.memory_space<semaphore_mem>>) {add = true}
        %dma_wait3A_138 = arith.constant 0 : i32
        %dma_wait3A_139 = arith.constant 0 : i32
        %dma_wait3A_140 = tpu.memref_slice %arg13[%dma_wait3A_138, %dma_wait3A_139] : memref<10240x128xf32, #tpu.memory_space<vmem_shared>> -> memref<10240x128xf32, #tpu.memory_space<vmem_shared>>
        tpu.wait_indirect_dma semaphore(%run_scoped3A : memref<!tpu.dma_semaphore, #tpu.memory_space<semaphore_mem>>) src(%arg12 : memref<128x128xf32, #tpu.memory_space<vmem>>) dst(%dma_wait3A_140 : memref<10240x128xf32, #tpu.memory_space<vmem_shared>>)
        tpu.yield
      }) : () -> ()
      %add3A_128 = arith.constant 2 : i32
      %add3A_129 = arith.addi %add3A_114, %add3A_128 : i32
      %lt3A_130 = arith.constant 80 : i32
      %lt3A_131 = arith.cmpi slt, %add3A_129, %lt3A_130 : i32
      %convert_element_type3A_132 = arith.extui %lt3A_131 : i1 to i32
      %cond3A_133 = arith.constant 0 : i32
      %cond3A_134 = arith.cmpi ne, %convert_element_type3A_132, %cond3A_133 : i32
      scf.if %cond3A_134 {
        %add3A_135 = arith.constant 2 : i32
        %add3A_136 = arith.addi %add3A_114, %add3A_135 : i32
        %mul3A_137 = arith.constant 128 : i32
        %mul3A_138 = arith.muli %add3A_136, %mul3A_137 : i32
        %add3A_139 = arith.addi %mul3A_2, %mul3A_138 : i32
        %dma_start3A_140 = tpu.memref_slice %arg3[%add3A_139] : memref<327680xi32, #tpu.memory_space<hbm>> -> memref<128xi32, #tpu.memory_space<hbm>>
        %dma_start3A_141 = tpu.memref_slice %arg3[%add3A_139] : memref<327680xi32, #tpu.memory_space<hbm>> -> memref<128xi32, #tpu.memory_space<hbm>>
        tpu.enqueue_dma source(%dma_start3A_141 : memref<128xi32, #tpu.memory_space<hbm>>) target(%arg8 : memref<128xi32, #tpu.memory_space<vmem>>) target_semaphore(%arg15 : memref<!tpu.dma_semaphore, #tpu.memory_space<semaphore_mem>>)
        %mul3A_142 = arith.constant 128 : i32
        %mul3A_143 = arith.muli %add3A_136, %mul3A_142 : i32
        %add3A_144 = arith.addi %mul3A_2, %mul3A_143 : i32
        %dma_start3A_145 = tpu.memref_slice %arg4[%add3A_144] : memref<327680xi32, #tpu.memory_space<hbm>> -> memref<128xi32, #tpu.memory_space<hbm>>
        %dma_start3A_146 = tpu.memref_slice %arg4[%add3A_144] : memref<327680xi32, #tpu.memory_space<hbm>> -> memref<128xi32, #tpu.memory_space<hbm>>
        tpu.enqueue_dma source(%dma_start3A_146 : memref<128xi32, #tpu.memory_space<hbm>>) target(%arg10 : memref<128xi32, #tpu.memory_space<vmem>>) target_semaphore(%arg15 : memref<!tpu.dma_semaphore, #tpu.memory_space<semaphore_mem>>)
      } else {
      }
    }
    %scan3A_52 = arith.constant 40 : i32
    %barrier3A_53 = arith.constant 0 : index
    tpu.barrier barrier_id(%barrier3A_53)
    %mul3A_54 = arith.constant 640 : i32
    %mul3A_55 = arith.muli %arg1, %mul3A_54 : i32
    %add3A_56 = arith.constant 0 : i32
    %add3A_57 = arith.addi %mul3A_55, %add3A_56 : i32
    "tpu.region"() ({
      %run_scoped3A = tpu.sem_alloc : memref<!tpu.dma_semaphore, #tpu.memory_space<semaphore_mem>>
      %dma_start3A_89 = arith.constant 0 : i32
      %dma_start3A_90 = tpu.memref_slice %arg13[%add3A_57, %dma_start3A_89] : memref<10240x128xf32, #tpu.memory_space<vmem_shared>> -> memref<128x128xf32, #tpu.memory_space<vmem_shared>>
      %dma_start3A_91 = arith.constant 0 : i32
      %dma_start3A_92 = tpu.memref_slice %arg13[%add3A_57, %dma_start3A_91] : memref<10240x128xf32, #tpu.memory_space<vmem_shared>> -> memref<128x128xf32, #tpu.memory_space<vmem_shared>>
      tpu.enqueue_dma source(%dma_start3A_92 : memref<128x128xf32, #tpu.memory_space<vmem_shared>>) target(%arg11 : memref<128x128xf32, #tpu.memory_space<vmem>>) target_semaphore(%run_scoped3A : memref<!tpu.dma_semaphore, #tpu.memory_space<semaphore_mem>>)
      %dma_wait3A_93 = arith.constant 0 : i32
      %dma_wait3A_94 = tpu.memref_slice %arg13[%add3A_57, %dma_wait3A_93] : memref<10240x128xf32, #tpu.memory_space<vmem_shared>> -> memref<128x128xf32, #tpu.memory_space<vmem_shared>>
      %dma_wait3A_95 = arith.constant 0 : i32
      %dma_wait3A_96 = tpu.memref_slice %arg13[%add3A_57, %dma_wait3A_95] : memref<10240x128xf32, #tpu.memory_space<vmem_shared>> -> memref<128x128xf32, #tpu.memory_space<vmem_shared>>
      tpu.wait_dma2 semaphore(%run_scoped3A : memref<!tpu.dma_semaphore, #tpu.memory_space<semaphore_mem>>) src(%dma_wait3A_96 : memref<128x128xf32, #tpu.memory_space<vmem_shared>>) dst(%arg11 : memref<128x128xf32, #tpu.memory_space<vmem>>)
      tpu.yield
    }) : () -> ()
    %mul3A_58 = arith.constant 10240 : i32
    %mul3A_59 = arith.muli %arg0, %mul3A_58 : i32
    %add3A_60 = arith.addi %mul3A_59, %add3A_57 : i32
    "tpu.region"() ({
      %run_scoped3A = tpu.sem_alloc : memref<!tpu.dma_semaphore, #tpu.memory_space<semaphore_mem>>
      %dma_start3A_89 = arith.constant 0 : i32
      %dma_start3A_90 = tpu.memref_slice %arg6[%add3A_60, %dma_start3A_89] : memref<20480x128xf32, #tpu.memory_space<hbm>> -> memref<128x128xf32, #tpu.memory_space<hbm>>
      %dma_start3A_91 = arith.constant 0 : i32
      %dma_start3A_92 = tpu.memref_slice %arg6[%add3A_60, %dma_start3A_91] : memref<20480x128xf32, #tpu.memory_space<hbm>> -> memref<128x128xf32, #tpu.memory_space<hbm>>
      tpu.enqueue_dma source(%arg11 : memref<128x128xf32, #tpu.memory_space<vmem>>) target(%dma_start3A_92 : memref<128x128xf32, #tpu.memory_space<hbm>>) target_semaphore(%run_scoped3A : memref<!tpu.dma_semaphore, #tpu.memory_space<semaphore_mem>>)
      %dma_wait3A_93 = arith.constant 0 : i32
      %dma_wait3A_94 = tpu.memref_slice %arg6[%add3A_60, %dma_wait3A_93] : memref<20480x128xf32, #tpu.memory_space<hbm>> -> memref<128x128xf32, #tpu.memory_space<hbm>>
      %dma_wait3A_95 = arith.constant 0 : i32
      %dma_wait3A_96 = tpu.memref_slice %arg6[%add3A_60, %dma_wait3A_95] : memref<20480x128xf32, #tpu.memory_space<hbm>> -> memref<128x128xf32, #tpu.memory_space<hbm>>
      tpu.wait_dma2 semaphore(%run_scoped3A : memref<!tpu.dma_semaphore, #tpu.memory_space<semaphore_mem>>) src(%arg11 : memref<128x128xf32, #tpu.memory_space<vmem>>) dst(%dma_wait3A_96 : memref<128x128xf32, #tpu.memory_space<hbm>>)
      tpu.yield
    }) : () -> ()
    %mul3A_61 = arith.constant 640 : i32
    %mul3A_62 = arith.muli %arg1, %mul3A_61 : i32
    %add3A_63 = arith.constant 128 : i32
    %add3A_64 = arith.addi %mul3A_62, %add3A_63 : i32
    "tpu.region"() ({
      %run_scoped3A = tpu.sem_alloc : memref<!tpu.dma_semaphore, #tpu.memory_space<semaphore_mem>>
      %dma_start3A_89 = arith.constant 0 : i32
      %dma_start3A_90 = tpu.memref_slice %arg13[%add3A_64, %dma_start3A_89] : memref<10240x128xf32, #tpu.memory_space<vmem_shared>> -> memref<128x128xf32, #tpu.memory_space<vmem_shared>>
      %dma_start3A_91 = arith.constant 0 : i32
      %dma_start3A_92 = tpu.memref_slice %arg13[%add3A_64, %dma_start3A_91] : memref<10240x128xf32, #tpu.memory_space<vmem_shared>> -> memref<128x128xf32, #tpu.memory_space<vmem_shared>>
      tpu.enqueue_dma source(%dma_start3A_92 : memref<128x128xf32, #tpu.memory_space<vmem_shared>>) target(%arg11 : memref<128x128xf32, #tpu.memory_space<vmem>>) target_semaphore(%run_scoped3A : memref<!tpu.dma_semaphore, #tpu.memory_space<semaphore_mem>>)
      %dma_wait3A_93 = arith.constant 0 : i32
      %dma_wait3A_94 = tpu.memref_slice %arg13[%add3A_64, %dma_wait3A_93] : memref<10240x128xf32, #tpu.memory_space<vmem_shared>> -> memref<128x128xf32, #tpu.memory_space<vmem_shared>>
      %dma_wait3A_95 = arith.constant 0 : i32
      %dma_wait3A_96 = tpu.memref_slice %arg13[%add3A_64, %dma_wait3A_95] : memref<10240x128xf32, #tpu.memory_space<vmem_shared>> -> memref<128x128xf32, #tpu.memory_space<vmem_shared>>
      tpu.wait_dma2 semaphore(%run_scoped3A : memref<!tpu.dma_semaphore, #tpu.memory_space<semaphore_mem>>) src(%dma_wait3A_96 : memref<128x128xf32, #tpu.memory_space<vmem_shared>>) dst(%arg11 : memref<128x128xf32, #tpu.memory_space<vmem>>)
      tpu.yield
    }) : () -> ()
    %mul3A_65 = arith.constant 10240 : i32
    %mul3A_66 = arith.muli %arg0, %mul3A_65 : i32
    %add3A_67 = arith.addi %mul3A_66, %add3A_64 : i32
    "tpu.region"() ({
      %run_scoped3A = tpu.sem_alloc : memref<!tpu.dma_semaphore, #tpu.memory_space<semaphore_mem>>
      %dma_start3A_89 = arith.constant 0 : i32
      %dma_start3A_90 = tpu.memref_slice %arg6[%add3A_67, %dma_start3A_89] : memref<20480x128xf32, #tpu.memory_space<hbm>> -> memref<128x128xf32, #tpu.memory_space<hbm>>
      %dma_start3A_91 = arith.constant 0 : i32
      %dma_start3A_92 = tpu.memref_slice %arg6[%add3A_67, %dma_start3A_91] : memref<20480x128xf32, #tpu.memory_space<hbm>> -> memref<128x128xf32, #tpu.memory_space<hbm>>
      tpu.enqueue_dma source(%arg11 : memref<128x128xf32, #tpu.memory_space<vmem>>) target(%dma_start3A_92 : memref<128x128xf32, #tpu.memory_space<hbm>>) target_semaphore(%run_scoped3A : memref<!tpu.dma_semaphore, #tpu.memory_space<semaphore_mem>>)
      %dma_wait3A_93 = arith.constant 0 : i32
      %dma_wait3A_94 = tpu.memref_slice %arg6[%add3A_67, %dma_wait3A_93] : memref<20480x128xf32, #tpu.memory_space<hbm>> -> memref<128x128xf32, #tpu.memory_space<hbm>>
      %dma_wait3A_95 = arith.constant 0 : i32
      %dma_wait3A_96 = tpu.memref_slice %arg6[%add3A_67, %dma_wait3A_95] : memref<20480x128xf32, #tpu.memory_space<hbm>> -> memref<128x128xf32, #tpu.memory_space<hbm>>
      tpu.wait_dma2 semaphore(%run_scoped3A : memref<!tpu.dma_semaphore, #tpu.memory_space<semaphore_mem>>) src(%arg11 : memref<128x128xf32, #tpu.memory_space<vmem>>) dst(%dma_wait3A_96 : memref<128x128xf32, #tpu.memory_space<hbm>>)
      tpu.yield
    }) : () -> ()
    %mul3A_68 = arith.constant 640 : i32
    %mul3A_69 = arith.muli %arg1, %mul3A_68 : i32
    %add3A_70 = arith.constant 256 : i32
    %add3A_71 = arith.addi %mul3A_69, %add3A_70 : i32
    "tpu.region"() ({
      %run_scoped3A = tpu.sem_alloc : memref<!tpu.dma_semaphore, #tpu.memory_space<semaphore_mem>>
      %dma_start3A_89 = arith.constant 0 : i32
      %dma_start3A_90 = tpu.memref_slice %arg13[%add3A_71, %dma_start3A_89] : memref<10240x128xf32, #tpu.memory_space<vmem_shared>> -> memref<128x128xf32, #tpu.memory_space<vmem_shared>>
      %dma_start3A_91 = arith.constant 0 : i32
      %dma_start3A_92 = tpu.memref_slice %arg13[%add3A_71, %dma_start3A_91] : memref<10240x128xf32, #tpu.memory_space<vmem_shared>> -> memref<128x128xf32, #tpu.memory_space<vmem_shared>>
      tpu.enqueue_dma source(%dma_start3A_92 : memref<128x128xf32, #tpu.memory_space<vmem_shared>>) target(%arg11 : memref<128x128xf32, #tpu.memory_space<vmem>>) target_semaphore(%run_scoped3A : memref<!tpu.dma_semaphore, #tpu.memory_space<semaphore_mem>>)
      %dma_wait3A_93 = arith.constant 0 : i32
      %dma_wait3A_94 = tpu.memref_slice %arg13[%add3A_71, %dma_wait3A_93] : memref<10240x128xf32, #tpu.memory_space<vmem_shared>> -> memref<128x128xf32, #tpu.memory_space<vmem_shared>>
      %dma_wait3A_95 = arith.constant 0 : i32
      %dma_wait3A_96 = tpu.memref_slice %arg13[%add3A_71, %dma_wait3A_95] : memref<10240x128xf32, #tpu.memory_space<vmem_shared>> -> memref<128x128xf32, #tpu.memory_space<vmem_shared>>
      tpu.wait_dma2 semaphore(%run_scoped3A : memref<!tpu.dma_semaphore, #tpu.memory_space<semaphore_mem>>) src(%dma_wait3A_96 : memref<128x128xf32, #tpu.memory_space<vmem_shared>>) dst(%arg11 : memref<128x128xf32, #tpu.memory_space<vmem>>)
      tpu.yield
    }) : () -> ()
    %mul3A_72 = arith.constant 10240 : i32
    %mul3A_73 = arith.muli %arg0, %mul3A_72 : i32
    %add3A_74 = arith.addi %mul3A_73, %add3A_71 : i32
    "tpu.region"() ({
      %run_scoped3A = tpu.sem_alloc : memref<!tpu.dma_semaphore, #tpu.memory_space<semaphore_mem>>
      %dma_start3A_89 = arith.constant 0 : i32
      %dma_start3A_90 = tpu.memref_slice %arg6[%add3A_74, %dma_start3A_89] : memref<20480x128xf32, #tpu.memory_space<hbm>> -> memref<128x128xf32, #tpu.memory_space<hbm>>
      %dma_start3A_91 = arith.constant 0 : i32
      %dma_start3A_92 = tpu.memref_slice %arg6[%add3A_74, %dma_start3A_91] : memref<20480x128xf32, #tpu.memory_space<hbm>> -> memref<128x128xf32, #tpu.memory_space<hbm>>
      tpu.enqueue_dma source(%arg11 : memref<128x128xf32, #tpu.memory_space<vmem>>) target(%dma_start3A_92 : memref<128x128xf32, #tpu.memory_space<hbm>>) target_semaphore(%run_scoped3A : memref<!tpu.dma_semaphore, #tpu.memory_space<semaphore_mem>>)
      %dma_wait3A_93 = arith.constant 0 : i32
      %dma_wait3A_94 = tpu.memref_slice %arg6[%add3A_74, %dma_wait3A_93] : memref<20480x128xf32, #tpu.memory_space<hbm>> -> memref<128x128xf32, #tpu.memory_space<hbm>>
      %dma_wait3A_95 = arith.constant 0 : i32
      %dma_wait3A_96 = tpu.memref_slice %arg6[%add3A_74, %dma_wait3A_95] : memref<20480x128xf32, #tpu.memory_space<hbm>> -> memref<128x128xf32, #tpu.memory_space<hbm>>
      tpu.wait_dma2 semaphore(%run_scoped3A : memref<!tpu.dma_semaphore, #tpu.memory_space<semaphore_mem>>) src(%arg11 : memref<128x128xf32, #tpu.memory_space<vmem>>) dst(%dma_wait3A_96 : memref<128x128xf32, #tpu.memory_space<hbm>>)
      tpu.yield
    }) : () -> ()
    %mul3A_75 = arith.constant 640 : i32
    %mul3A_76 = arith.muli %arg1, %mul3A_75 : i32
    %add3A_77 = arith.constant 384 : i32
    %add3A_78 = arith.addi %mul3A_76, %add3A_77 : i32
    "tpu.region"() ({
      %run_scoped3A = tpu.sem_alloc : memref<!tpu.dma_semaphore, #tpu.memory_space<semaphore_mem>>
      %dma_start3A_89 = arith.constant 0 : i32
      %dma_start3A_90 = tpu.memref_slice %arg13[%add3A_78, %dma_start3A_89] : memref<10240x128xf32, #tpu.memory_space<vmem_shared>> -> memref<128x128xf32, #tpu.memory_space<vmem_shared>>
      %dma_start3A_91 = arith.constant 0 : i32
      %dma_start3A_92 = tpu.memref_slice %arg13[%add3A_78, %dma_start3A_91] : memref<10240x128xf32, #tpu.memory_space<vmem_shared>> -> memref<128x128xf32, #tpu.memory_space<vmem_shared>>
      tpu.enqueue_dma source(%dma_start3A_92 : memref<128x128xf32, #tpu.memory_space<vmem_shared>>) target(%arg11 : memref<128x128xf32, #tpu.memory_space<vmem>>) target_semaphore(%run_scoped3A : memref<!tpu.dma_semaphore, #tpu.memory_space<semaphore_mem>>)
      %dma_wait3A_93 = arith.constant 0 : i32
      %dma_wait3A_94 = tpu.memref_slice %arg13[%add3A_78, %dma_wait3A_93] : memref<10240x128xf32, #tpu.memory_space<vmem_shared>> -> memref<128x128xf32, #tpu.memory_space<vmem_shared>>
      %dma_wait3A_95 = arith.constant 0 : i32
      %dma_wait3A_96 = tpu.memref_slice %arg13[%add3A_78, %dma_wait3A_95] : memref<10240x128xf32, #tpu.memory_space<vmem_shared>> -> memref<128x128xf32, #tpu.memory_space<vmem_shared>>
      tpu.wait_dma2 semaphore(%run_scoped3A : memref<!tpu.dma_semaphore, #tpu.memory_space<semaphore_mem>>) src(%dma_wait3A_96 : memref<128x128xf32, #tpu.memory_space<vmem_shared>>) dst(%arg11 : memref<128x128xf32, #tpu.memory_space<vmem>>)
      tpu.yield
    }) : () -> ()
    %mul3A_79 = arith.constant 10240 : i32
    %mul3A_80 = arith.muli %arg0, %mul3A_79 : i32
    %add3A_81 = arith.addi %mul3A_80, %add3A_78 : i32
    "tpu.region"() ({
      %run_scoped3A = tpu.sem_alloc : memref<!tpu.dma_semaphore, #tpu.memory_space<semaphore_mem>>
      %dma_start3A_89 = arith.constant 0 : i32
      %dma_start3A_90 = tpu.memref_slice %arg6[%add3A_81, %dma_start3A_89] : memref<20480x128xf32, #tpu.memory_space<hbm>> -> memref<128x128xf32, #tpu.memory_space<hbm>>
      %dma_start3A_91 = arith.constant 0 : i32
      %dma_start3A_92 = tpu.memref_slice %arg6[%add3A_81, %dma_start3A_91] : memref<20480x128xf32, #tpu.memory_space<hbm>> -> memref<128x128xf32, #tpu.memory_space<hbm>>
      tpu.enqueue_dma source(%arg11 : memref<128x128xf32, #tpu.memory_space<vmem>>) target(%dma_start3A_92 : memref<128x128xf32, #tpu.memory_space<hbm>>) target_semaphore(%run_scoped3A : memref<!tpu.dma_semaphore, #tpu.memory_space<semaphore_mem>>)
      %dma_wait3A_93 = arith.constant 0 : i32
      %dma_wait3A_94 = tpu.memref_slice %arg6[%add3A_81, %dma_wait3A_93] : memref<20480x128xf32, #tpu.memory_space<hbm>> -> memref<128x128xf32, #tpu.memory_space<hbm>>
      %dma_wait3A_95 = arith.constant 0 : i32
      %dma_wait3A_96 = tpu.memref_slice %arg6[%add3A_81, %dma_wait3A_95] : memref<20480x128xf32, #tpu.memory_space<hbm>> -> memref<128x128xf32, #tpu.memory_space<hbm>>
      tpu.wait_dma2 semaphore(%run_scoped3A : memref<!tpu.dma_semaphore, #tpu.memory_space<semaphore_mem>>) src(%arg11 : memref<128x128xf32, #tpu.memory_space<vmem>>) dst(%dma_wait3A_96 : memref<128x128xf32, #tpu.memory_space<hbm>>)
      tpu.yield
    }) : () -> ()
    %mul3A_82 = arith.constant 640 : i32
    %mul3A_83 = arith.muli %arg1, %mul3A_82 : i32
    %add3A_84 = arith.constant 512 : i32
    %add3A_85 = arith.addi %mul3A_83, %add3A_84 : i32
    "tpu.region"() ({
      %run_scoped3A = tpu.sem_alloc : memref<!tpu.dma_semaphore, #tpu.memory_space<semaphore_mem>>
      %dma_start3A_89 = arith.constant 0 : i32
      %dma_start3A_90 = tpu.memref_slice %arg13[%add3A_85, %dma_start3A_89] : memref<10240x128xf32, #tpu.memory_space<vmem_shared>> -> memref<128x128xf32, #tpu.memory_space<vmem_shared>>
      %dma_start3A_91 = arith.constant 0 : i32
      %dma_start3A_92 = tpu.memref_slice %arg13[%add3A_85, %dma_start3A_91] : memref<10240x128xf32, #tpu.memory_space<vmem_shared>> -> memref<128x128xf32, #tpu.memory_space<vmem_shared>>
      tpu.enqueue_dma source(%dma_start3A_92 : memref<128x128xf32, #tpu.memory_space<vmem_shared>>) target(%arg11 : memref<128x128xf32, #tpu.memory_space<vmem>>) target_semaphore(%run_scoped3A : memref<!tpu.dma_semaphore, #tpu.memory_space<semaphore_mem>>)
      %dma_wait3A_93 = arith.constant 0 : i32
      %dma_wait3A_94 = tpu.memref_slice %arg13[%add3A_85, %dma_wait3A_93] : memref<10240x128xf32, #tpu.memory_space<vmem_shared>> -> memref<128x128xf32, #tpu.memory_space<vmem_shared>>
      %dma_wait3A_95 = arith.constant 0 : i32
      %dma_wait3A_96 = tpu.memref_slice %arg13[%add3A_85, %dma_wait3A_95] : memref<10240x128xf32, #tpu.memory_space<vmem_shared>> -> memref<128x128xf32, #tpu.memory_space<vmem_shared>>
      tpu.wait_dma2 semaphore(%run_scoped3A : memref<!tpu.dma_semaphore, #tpu.memory_space<semaphore_mem>>) src(%dma_wait3A_96 : memref<128x128xf32, #tpu.memory_space<vmem_shared>>) dst(%arg11 : memref<128x128xf32, #tpu.memory_space<vmem>>)
      tpu.yield
    }) : () -> ()
    %mul3A_86 = arith.constant 10240 : i32
    %mul3A_87 = arith.muli %arg0, %mul3A_86 : i32
    %add3A_88 = arith.addi %mul3A_87, %add3A_85 : i32
    "tpu.region"() ({
      %run_scoped3A = tpu.sem_alloc : memref<!tpu.dma_semaphore, #tpu.memory_space<semaphore_mem>>
      %dma_start3A_89 = arith.constant 0 : i32
      %dma_start3A_90 = tpu.memref_slice %arg6[%add3A_88, %dma_start3A_89] : memref<20480x128xf32, #tpu.memory_space<hbm>> -> memref<128x128xf32, #tpu.memory_space<hbm>>
      %dma_start3A_91 = arith.constant 0 : i32
      %dma_start3A_92 = tpu.memref_slice %arg6[%add3A_88, %dma_start3A_91] : memref<20480x128xf32, #tpu.memory_space<hbm>> -> memref<128x128xf32, #tpu.memory_space<hbm>>
      tpu.enqueue_dma source(%arg11 : memref<128x128xf32, #tpu.memory_space<vmem>>) target(%dma_start3A_92 : memref<128x128xf32, #tpu.memory_space<hbm>>) target_semaphore(%run_scoped3A : memref<!tpu.dma_semaphore, #tpu.memory_space<semaphore_mem>>)
      %dma_wait3A_93 = arith.constant 0 : i32
      %dma_wait3A_94 = tpu.memref_slice %arg6[%add3A_88, %dma_wait3A_93] : memref<20480x128xf32, #tpu.memory_space<hbm>> -> memref<128x128xf32, #tpu.memory_space<hbm>>
      %dma_wait3A_95 = arith.constant 0 : i32
      %dma_wait3A_96 = tpu.memref_slice %arg6[%add3A_88, %dma_wait3A_95] : memref<20480x128xf32, #tpu.memory_space<hbm>> -> memref<128x128xf32, #tpu.memory_space<hbm>>
      tpu.wait_dma2 semaphore(%run_scoped3A : memref<!tpu.dma_semaphore, #tpu.memory_space<semaphore_mem>>) src(%arg11 : memref<128x128xf32, #tpu.memory_space<vmem>>) dst(%dma_wait3A_96 : memref<128x128xf32, #tpu.memory_space<hbm>>)
      tpu.yield
    }) : () -> ()
    return
  }
}

#map = affine_map<(d0, d1) -> (0, 0)>
#map1 = affine_map<(d0, d1) -> (0)>
module attributes {stable_mosaic.version = 14 : i64} {
  func.func @_seg_sum_body(%arg0: i32, %arg1: i32, %arg2: memref<10000x128xf32, #tpu.memory_space<hbm>>, %arg3: memref<327680xi32, #tpu.memory_space<hbm>>, %arg4: memref<327680xi32, #tpu.memory_space<hbm>>, %arg5: memref<128x128xf32, #tpu.memory_space<hbm>>, %arg6: memref<20480x128xf32, #tpu.memory_space<hbm>>, %arg7: memref<128xi32, #tpu.memory_space<vmem>>, %arg8: memref<128xi32, #tpu.memory_space<vmem>>, %arg9: memref<128xi32, #tpu.memory_space<vmem>>, %arg10: memref<128xi32, #tpu.memory_space<vmem>>, %arg11: memref<128x128xf32, #tpu.memory_space<vmem>>, %arg12: memref<128x128xf32, #tpu.memory_space<vmem>>, %arg13: memref<10240x128xf32, #tpu.memory_space<vmem_shared>>, %arg14: memref<!tpu.dma_semaphore, #tpu.memory_space<semaphore_mem>>, %arg15: memref<!tpu.dma_semaphore, #tpu.memory_space<semaphore_mem>>, %arg16: memref<!tpu.dma_semaphore, #tpu.memory_space<semaphore_mem>>, %arg17: memref<!tpu.dma_semaphore, #tpu.memory_space<semaphore_mem>>) attributes {dimension_semantics = [#tpu.dimension_semantics<core_parallel>, #tpu.dimension_semantics<subcore_parallel>], iteration_bounds = array<i64: 2, 16>, scalar_prefetch = 0 : i64, scratch_operands = 11 : i64, tpu.core_type = #tpu.core_type<sc_vector_subcore>, window_params = [{transform_indices = #map}, {transform_indices = #map1}, {transform_indices = #map1}, {transform_indices = #map}, {transform_indices = #map}]} {
    %mul3A = arith.constant 16 : i32
    %mul3A_0 = arith.muli %arg0, %mul3A : i32
    %add3A = arith.addi %mul3A_0, %arg1 : i32
    %mul3A_1 = arith.constant 10240 : i32
    %mul3A_2 = arith.muli %add3A, %mul3A_1 : i32
    "tpu.region"() ({
      %run_scoped3A = tpu.sem_alloc : memref<!tpu.dma_semaphore, #tpu.memory_space<semaphore_mem>>
      tpu.enqueue_dma source(%arg5 : memref<128x128xf32, #tpu.memory_space<hbm>>) target(%arg11 : memref<128x128xf32, #tpu.memory_space<vmem>>) target_semaphore(%run_scoped3A : memref<!tpu.dma_semaphore, #tpu.memory_space<semaphore_mem>>)
      tpu.wait_dma2 semaphore(%run_scoped3A : memref<!tpu.dma_semaphore, #tpu.memory_space<semaphore_mem>>) src(%arg5 : memref<128x128xf32, #tpu.memory_space<hbm>>) dst(%arg11 : memref<128x128xf32, #tpu.memory_space<vmem>>)
      tpu.yield
    }) : () -> ()
    %mul3A_3 = arith.constant 640 : i32
    %mul3A_4 = arith.muli %arg1, %mul3A_3 : i32
    %add3A_5 = arith.constant 0 : i32
    %add3A_6 = arith.addi %mul3A_4, %add3A_5 : i32
    "tpu.region"() ({
      %run_scoped3A = tpu.sem_alloc : memref<!tpu.dma_semaphore, #tpu.memory_space<semaphore_mem>>
      %dma_start3A_89 = arith.constant 0 : i32
      %dma_start3A_90 = tpu.memref_slice %arg13[%add3A_6, %dma_start3A_89] : memref<10240x128xf32, #tpu.memory_space<vmem_shared>> -> memref<128x128xf32, #tpu.memory_space<vmem_shared>>
      %dma_start3A_91 = arith.constant 0 : i32
      %dma_start3A_92 = tpu.memref_slice %arg13[%add3A_6, %dma_start3A_91] : memref<10240x128xf32, #tpu.memory_space<vmem_shared>> -> memref<128x128xf32, #tpu.memory_space<vmem_shared>>
      tpu.enqueue_dma source(%arg11 : memref<128x128xf32, #tpu.memory_space<vmem>>) target(%dma_start3A_92 : memref<128x128xf32, #tpu.memory_space<vmem_shared>>) target_semaphore(%run_scoped3A : memref<!tpu.dma_semaphore, #tpu.memory_space<semaphore_mem>>)
      %dma_wait3A_93 = arith.constant 0 : i32
      %dma_wait3A_94 = tpu.memref_slice %arg13[%add3A_6, %dma_wait3A_93] : memref<10240x128xf32, #tpu.memory_space<vmem_shared>> -> memref<128x128xf32, #tpu.memory_space<vmem_shared>>
      %dma_wait3A_95 = arith.constant 0 : i32
      %dma_wait3A_96 = tpu.memref_slice %arg13[%add3A_6, %dma_wait3A_95] : memref<10240x128xf32, #tpu.memory_space<vmem_shared>> -> memref<128x128xf32, #tpu.memory_space<vmem_shared>>
      tpu.wait_dma2 semaphore(%run_scoped3A : memref<!tpu.dma_semaphore, #tpu.memory_space<semaphore_mem>>) src(%arg11 : memref<128x128xf32, #tpu.memory_space<vmem>>) dst(%dma_wait3A_96 : memref<128x128xf32, #tpu.memory_space<vmem_shared>>)
      tpu.yield
    }) : () -> ()
    %mul3A_7 = arith.constant 640 : i32
    %mul3A_8 = arith.muli %arg1, %mul3A_7 : i32
    %add3A_9 = arith.constant 128 : i32
    %add3A_10 = arith.addi %mul3A_8, %add3A_9 : i32
    "tpu.region"() ({
      %run_scoped3A = tpu.sem_alloc : memref<!tpu.dma_semaphore, #tpu.memory_space<semaphore_mem>>
      %dma_start3A_89 = arith.constant 0 : i32
      %dma_start3A_90 = tpu.memref_slice %arg13[%add3A_10, %dma_start3A_89] : memref<10240x128xf32, #tpu.memory_space<vmem_shared>> -> memref<128x128xf32, #tpu.memory_space<vmem_shared>>
      %dma_start3A_91 = arith.constant 0 : i32
      %dma_start3A_92 = tpu.memref_slice %arg13[%add3A_10, %dma_start3A_91] : memref<10240x128xf32, #tpu.memory_space<vmem_shared>> -> memref<128x128xf32, #tpu.memory_space<vmem_shared>>
      tpu.enqueue_dma source(%arg11 : memref<128x128xf32, #tpu.memory_space<vmem>>) target(%dma_start3A_92 : memref<128x128xf32, #tpu.memory_space<vmem_shared>>) target_semaphore(%run_scoped3A : memref<!tpu.dma_semaphore, #tpu.memory_space<semaphore_mem>>)
      %dma_wait3A_93 = arith.constant 0 : i32
      %dma_wait3A_94 = tpu.memref_slice %arg13[%add3A_10, %dma_wait3A_93] : memref<10240x128xf32, #tpu.memory_space<vmem_shared>> -> memref<128x128xf32, #tpu.memory_space<vmem_shared>>
      %dma_wait3A_95 = arith.constant 0 : i32
      %dma_wait3A_96 = tpu.memref_slice %arg13[%add3A_10, %dma_wait3A_95] : memref<10240x128xf32, #tpu.memory_space<vmem_shared>> -> memref<128x128xf32, #tpu.memory_space<vmem_shared>>
      tpu.wait_dma2 semaphore(%run_scoped3A : memref<!tpu.dma_semaphore, #tpu.memory_space<semaphore_mem>>) src(%arg11 : memref<128x128xf32, #tpu.memory_space<vmem>>) dst(%dma_wait3A_96 : memref<128x128xf32, #tpu.memory_space<vmem_shared>>)
      tpu.yield
    }) : () -> ()
    %mul3A_11 = arith.constant 640 : i32
    %mul3A_12 = arith.muli %arg1, %mul3A_11 : i32
    %add3A_13 = arith.constant 256 : i32
    %add3A_14 = arith.addi %mul3A_12, %add3A_13 : i32
    "tpu.region"() ({
      %run_scoped3A = tpu.sem_alloc : memref<!tpu.dma_semaphore, #tpu.memory_space<semaphore_mem>>
      %dma_start3A_89 = arith.constant 0 : i32
      %dma_start3A_90 = tpu.memref_slice %arg13[%add3A_14, %dma_start3A_89] : memref<10240x128xf32, #tpu.memory_space<vmem_shared>> -> memref<128x128xf32, #tpu.memory_space<vmem_shared>>
      %dma_start3A_91 = arith.constant 0 : i32
      %dma_start3A_92 = tpu.memref_slice %arg13[%add3A_14, %dma_start3A_91] : memref<10240x128xf32, #tpu.memory_space<vmem_shared>> -> memref<128x128xf32, #tpu.memory_space<vmem_shared>>
      tpu.enqueue_dma source(%arg11 : memref<128x128xf32, #tpu.memory_space<vmem>>) target(%dma_start3A_92 : memref<128x128xf32, #tpu.memory_space<vmem_shared>>) target_semaphore(%run_scoped3A : memref<!tpu.dma_semaphore, #tpu.memory_space<semaphore_mem>>)
      %dma_wait3A_93 = arith.constant 0 : i32
      %dma_wait3A_94 = tpu.memref_slice %arg13[%add3A_14, %dma_wait3A_93] : memref<10240x128xf32, #tpu.memory_space<vmem_shared>> -> memref<128x128xf32, #tpu.memory_space<vmem_shared>>
      %dma_wait3A_95 = arith.constant 0 : i32
      %dma_wait3A_96 = tpu.memref_slice %arg13[%add3A_14, %dma_wait3A_95] : memref<10240x128xf32, #tpu.memory_space<vmem_shared>> -> memref<128x128xf32, #tpu.memory_space<vmem_shared>>
      tpu.wait_dma2 semaphore(%run_scoped3A : memref<!tpu.dma_semaphore, #tpu.memory_space<semaphore_mem>>) src(%arg11 : memref<128x128xf32, #tpu.memory_space<vmem>>) dst(%dma_wait3A_96 : memref<128x128xf32, #tpu.memory_space<vmem_shared>>)
      tpu.yield
    }) : () -> ()
    %mul3A_15 = arith.constant 640 : i32
    %mul3A_16 = arith.muli %arg1, %mul3A_15 : i32
    %add3A_17 = arith.constant 384 : i32
    %add3A_18 = arith.addi %mul3A_16, %add3A_17 : i32
    "tpu.region"() ({
      %run_scoped3A = tpu.sem_alloc : memref<!tpu.dma_semaphore, #tpu.memory_space<semaphore_mem>>
      %dma_start3A_89 = arith.constant 0 : i32
      %dma_start3A_90 = tpu.memref_slice %arg13[%add3A_18, %dma_start3A_89] : memref<10240x128xf32, #tpu.memory_space<vmem_shared>> -> memref<128x128xf32, #tpu.memory_space<vmem_shared>>
      %dma_start3A_91 = arith.constant 0 : i32
      %dma_start3A_92 = tpu.memref_slice %arg13[%add3A_18, %dma_start3A_91] : memref<10240x128xf32, #tpu.memory_space<vmem_shared>> -> memref<128x128xf32, #tpu.memory_space<vmem_shared>>
      tpu.enqueue_dma source(%arg11 : memref<128x128xf32, #tpu.memory_space<vmem>>) target(%dma_start3A_92 : memref<128x128xf32, #tpu.memory_space<vmem_shared>>) target_semaphore(%run_scoped3A : memref<!tpu.dma_semaphore, #tpu.memory_space<semaphore_mem>>)
      %dma_wait3A_93 = arith.constant 0 : i32
      %dma_wait3A_94 = tpu.memref_slice %arg13[%add3A_18, %dma_wait3A_93] : memref<10240x128xf32, #tpu.memory_space<vmem_shared>> -> memref<128x128xf32, #tpu.memory_space<vmem_shared>>
      %dma_wait3A_95 = arith.constant 0 : i32
      %dma_wait3A_96 = tpu.memref_slice %arg13[%add3A_18, %dma_wait3A_95] : memref<10240x128xf32, #tpu.memory_space<vmem_shared>> -> memref<128x128xf32, #tpu.memory_space<vmem_shared>>
      tpu.wait_dma2 semaphore(%run_scoped3A : memref<!tpu.dma_semaphore, #tpu.memory_space<semaphore_mem>>) src(%arg11 : memref<128x128xf32, #tpu.memory_space<vmem>>) dst(%dma_wait3A_96 : memref<128x128xf32, #tpu.memory_space<vmem_shared>>)
      tpu.yield
    }) : () -> ()
    %mul3A_19 = arith.constant 640 : i32
    %mul3A_20 = arith.muli %arg1, %mul3A_19 : i32
    %add3A_21 = arith.constant 512 : i32
    %add3A_22 = arith.addi %mul3A_20, %add3A_21 : i32
    "tpu.region"() ({
      %run_scoped3A = tpu.sem_alloc : memref<!tpu.dma_semaphore, #tpu.memory_space<semaphore_mem>>
      %dma_start3A_89 = arith.constant 0 : i32
      %dma_start3A_90 = tpu.memref_slice %arg13[%add3A_22, %dma_start3A_89] : memref<10240x128xf32, #tpu.memory_space<vmem_shared>> -> memref<128x128xf32, #tpu.memory_space<vmem_shared>>
      %dma_start3A_91 = arith.constant 0 : i32
      %dma_start3A_92 = tpu.memref_slice %arg13[%add3A_22, %dma_start3A_91] : memref<10240x128xf32, #tpu.memory_space<vmem_shared>> -> memref<128x128xf32, #tpu.memory_space<vmem_shared>>
      tpu.enqueue_dma source(%arg11 : memref<128x128xf32, #tpu.memory_space<vmem>>) target(%dma_start3A_92 : memref<128x128xf32, #tpu.memory_space<vmem_shared>>) target_semaphore(%run_scoped3A : memref<!tpu.dma_semaphore, #tpu.memory_space<semaphore_mem>>)
      %dma_wait3A_93 = arith.constant 0 : i32
      %dma_wait3A_94 = tpu.memref_slice %arg13[%add3A_22, %dma_wait3A_93] : memref<10240x128xf32, #tpu.memory_space<vmem_shared>> -> memref<128x128xf32, #tpu.memory_space<vmem_shared>>
      %dma_wait3A_95 = arith.constant 0 : i32
      %dma_wait3A_96 = tpu.memref_slice %arg13[%add3A_22, %dma_wait3A_95] : memref<10240x128xf32, #tpu.memory_space<vmem_shared>> -> memref<128x128xf32, #tpu.memory_space<vmem_shared>>
      tpu.wait_dma2 semaphore(%run_scoped3A : memref<!tpu.dma_semaphore, #tpu.memory_space<semaphore_mem>>) src(%arg11 : memref<128x128xf32, #tpu.memory_space<vmem>>) dst(%dma_wait3A_96 : memref<128x128xf32, #tpu.memory_space<vmem_shared>>)
      tpu.yield
    }) : () -> ()
    %barrier3A = arith.constant 0 : index
    tpu.barrier barrier_id(%barrier3A)
    %add3A_23 = arith.constant 0 : i32
    %add3A_24 = arith.addi %mul3A_2, %add3A_23 : i32
    %dma_start3A = tpu.memref_slice %arg3[%add3A_24] : memref<327680xi32, #tpu.memory_space<hbm>> -> memref<128xi32, #tpu.memory_space<hbm>>
    %dma_start3A_25 = tpu.memref_slice %arg3[%add3A_24] : memref<327680xi32, #tpu.memory_space<hbm>> -> memref<128xi32, #tpu.memory_space<hbm>>
    tpu.enqueue_dma source(%dma_start3A_25 : memref<128xi32, #tpu.memory_space<hbm>>) target(%arg7 : memref<128xi32, #tpu.memory_space<vmem>>) target_semaphore(%arg14 : memref<!tpu.dma_semaphore, #tpu.memory_space<semaphore_mem>>)
    %add3A_26 = arith.constant 0 : i32
    %add3A_27 = arith.addi %mul3A_2, %add3A_26 : i32
    %dma_start3A_28 = tpu.memref_slice %arg4[%add3A_27] : memref<327680xi32, #tpu.memory_space<hbm>> -> memref<128xi32, #tpu.memory_space<hbm>>
    %dma_start3A_29 = tpu.memref_slice %arg4[%add3A_27] : memref<327680xi32, #tpu.memory_space<hbm>> -> memref<128xi32, #tpu.memory_space<hbm>>
    tpu.enqueue_dma source(%dma_start3A_29 : memref<128xi32, #tpu.memory_space<hbm>>) target(%arg9 : memref<128xi32, #tpu.memory_space<vmem>>) target_semaphore(%arg14 : memref<!tpu.dma_semaphore, #tpu.memory_space<semaphore_mem>>)
    %add3A_30 = arith.constant 128 : i32
    %add3A_31 = arith.addi %mul3A_2, %add3A_30 : i32
    %dma_start3A_32 = tpu.memref_slice %arg3[%add3A_31] : memref<327680xi32, #tpu.memory_space<hbm>> -> memref<128xi32, #tpu.memory_space<hbm>>
    %dma_start3A_33 = tpu.memref_slice %arg3[%add3A_31] : memref<327680xi32, #tpu.memory_space<hbm>> -> memref<128xi32, #tpu.memory_space<hbm>>
    tpu.enqueue_dma source(%dma_start3A_33 : memref<128xi32, #tpu.memory_space<hbm>>) target(%arg8 : memref<128xi32, #tpu.memory_space<vmem>>) target_semaphore(%arg15 : memref<!tpu.dma_semaphore, #tpu.memory_space<semaphore_mem>>)
    %add3A_34 = arith.constant 128 : i32
    %add3A_35 = arith.addi %mul3A_2, %add3A_34 : i32
    %dma_start3A_36 = tpu.memref_slice %arg4[%add3A_35] : memref<327680xi32, #tpu.memory_space<hbm>> -> memref<128xi32, #tpu.memory_space<hbm>>
    %dma_start3A_37 = tpu.memref_slice %arg4[%add3A_35] : memref<327680xi32, #tpu.memory_space<hbm>> -> memref<128xi32, #tpu.memory_space<hbm>>
    tpu.enqueue_dma source(%dma_start3A_37 : memref<128xi32, #tpu.memory_space<hbm>>) target(%arg10 : memref<128xi32, #tpu.memory_space<vmem>>) target_semaphore(%arg15 : memref<!tpu.dma_semaphore, #tpu.memory_space<semaphore_mem>>)
    %dma_wait3A = arith.constant 0 : i32
    %dma_wait3A_38 = tpu.memref_slice %arg3[%dma_wait3A] : memref<327680xi32, #tpu.memory_space<hbm>> -> memref<128xi32, #tpu.memory_space<hbm>>
    %dma_wait3A_39 = arith.constant 0 : i32
    %dma_wait3A_40 = tpu.memref_slice %arg3[%dma_wait3A_39] : memref<327680xi32, #tpu.memory_space<hbm>> -> memref<128xi32, #tpu.memory_space<hbm>>
    tpu.wait_dma2 semaphore(%arg14 : memref<!tpu.dma_semaphore, #tpu.memory_space<semaphore_mem>>) src(%dma_wait3A_40 : memref<128xi32, #tpu.memory_space<hbm>>) dst(%arg7 : memref<128xi32, #tpu.memory_space<vmem>>)
    %dma_wait3A_41 = arith.constant 0 : i32
    %dma_wait3A_42 = tpu.memref_slice %arg4[%dma_wait3A_41] : memref<327680xi32, #tpu.memory_space<hbm>> -> memref<128xi32, #tpu.memory_space<hbm>>
    %dma_wait3A_43 = arith.constant 0 : i32
    %dma_wait3A_44 = tpu.memref_slice %arg4[%dma_wait3A_43] : memref<327680xi32, #tpu.memory_space<hbm>> -> memref<128xi32, #tpu.memory_space<hbm>>
    tpu.wait_dma2 semaphore(%arg14 : memref<!tpu.dma_semaphore, #tpu.memory_space<semaphore_mem>>) src(%dma_wait3A_44 : memref<128xi32, #tpu.memory_space<hbm>>) dst(%arg9 : memref<128xi32, #tpu.memory_space<vmem>>)
    %dma_start3A_45 = arith.constant 0 : i32
    %dma_start3A_46 = arith.constant 0 : i32
    %dma_start3A_47 = tpu.memref_slice %arg2[%dma_start3A_45, %dma_start3A_46] : memref<10000x128xf32, #tpu.memory_space<hbm>> -> memref<10000x128xf32, #tpu.memory_space<hbm>>
    tpu.enqueue_indirect_dma source(%dma_start3A_47 : memref<10000x128xf32, #tpu.memory_space<hbm>>) target(%arg11 : memref<128x128xf32, #tpu.memory_space<vmem>>) offsets(%arg7 : memref<128xi32, #tpu.memory_space<vmem>>) semaphore(%arg16 : memref<!tpu.dma_semaphore, #tpu.memory_space<semaphore_mem>>)
    %scan3A = arith.constant 0 : i32
    %scan3A_48 = arith.constant 0 : i32
    %scan3A_49 = arith.constant 40 : i32
    %scan3A_50 = arith.addi %scan3A_48, %scan3A_49 : i32
    %scan3A_51 = arith.constant 1 : i32
    scf.for %scan3A_89 = %scan3A_48 to %scan3A_50 step %scan3A_51  : i32 {
      %mul3A_90 = arith.constant 2 : i32
      %mul3A_91 = arith.muli %mul3A_90, %scan3A_89 : i32
      %add3A_92 = arith.constant 0 : i32
      %add3A_93 = arith.addi %mul3A_91, %add3A_92 : i32
      %add3A_94 = arith.constant 1 : i32
      %add3A_95 = arith.addi %add3A_93, %add3A_94 : i32
      %lt3A = arith.constant 80 : i32
      %lt3A_96 = arith.cmpi slt, %add3A_95, %lt3A : i32
      %convert_element_type3A = arith.extui %lt3A_96 : i1 to i32
      %cond3A = arith.constant 0 : i32
      %cond3A_97 = arith.cmpi ne, %convert_element_type3A, %cond3A : i32
      scf.if %cond3A_97 {
        %dma_wait3A_135 = arith.constant 0 : i32
        %dma_wait3A_136 = tpu.memref_slice %arg3[%dma_wait3A_135] : memref<327680xi32, #tpu.memory_space<hbm>> -> memref<128xi32, #tpu.memory_space<hbm>>
        %dma_wait3A_137 = arith.constant 0 : i32
        %dma_wait3A_138 = tpu.memref_slice %arg3[%dma_wait3A_137] : memref<327680xi32, #tpu.memory_space<hbm>> -> memref<128xi32, #tpu.memory_space<hbm>>
        tpu.wait_dma2 semaphore(%arg15 : memref<!tpu.dma_semaphore, #tpu.memory_space<semaphore_mem>>) src(%dma_wait3A_138 : memref<128xi32, #tpu.memory_space<hbm>>) dst(%arg8 : memref<128xi32, #tpu.memory_space<vmem>>)
        %dma_wait3A_139 = arith.constant 0 : i32
        %dma_wait3A_140 = tpu.memref_slice %arg4[%dma_wait3A_139] : memref<327680xi32, #tpu.memory_space<hbm>> -> memref<128xi32, #tpu.memory_space<hbm>>
        %dma_wait3A_141 = arith.constant 0 : i32
        %dma_wait3A_142 = tpu.memref_slice %arg4[%dma_wait3A_141] : memref<327680xi32, #tpu.memory_space<hbm>> -> memref<128xi32, #tpu.memory_space<hbm>>
        tpu.wait_dma2 semaphore(%arg15 : memref<!tpu.dma_semaphore, #tpu.memory_space<semaphore_mem>>) src(%dma_wait3A_142 : memref<128xi32, #tpu.memory_space<hbm>>) dst(%arg10 : memref<128xi32, #tpu.memory_space<vmem>>)
        %dma_start3A_143 = arith.constant 0 : i32
        %dma_start3A_144 = arith.constant 0 : i32
        %dma_start3A_145 = tpu.memref_slice %arg2[%dma_start3A_143, %dma_start3A_144] : memref<10000x128xf32, #tpu.memory_space<hbm>> -> memref<10000x128xf32, #tpu.memory_space<hbm>>
        tpu.enqueue_indirect_dma source(%dma_start3A_145 : memref<10000x128xf32, #tpu.memory_space<hbm>>) target(%arg12 : memref<128x128xf32, #tpu.memory_space<vmem>>) offsets(%arg8 : memref<128xi32, #tpu.memory_space<vmem>>) semaphore(%arg17 : memref<!tpu.dma_semaphore, #tpu.memory_space<semaphore_mem>>)
      } else {
      }
      %dma_wait3A_98 = arith.constant 0 : i32
      %dma_wait3A_99 = arith.constant 0 : i32
      %dma_wait3A_100 = tpu.memref_slice %arg2[%dma_wait3A_98, %dma_wait3A_99] : memref<10000x128xf32, #tpu.memory_space<hbm>> -> memref<128x128xf32, #tpu.memory_space<hbm>>
      %dma_wait3A_101 = arith.constant 0 : i32
      %dma_wait3A_102 = arith.constant 0 : i32
      %dma_wait3A_103 = tpu.memref_slice %arg2[%dma_wait3A_101, %dma_wait3A_102] : memref<10000x128xf32, #tpu.memory_space<hbm>> -> memref<128x128xf32, #tpu.memory_space<hbm>>
      tpu.wait_dma2 semaphore(%arg16 : memref<!tpu.dma_semaphore, #tpu.memory_space<semaphore_mem>>) src(%dma_wait3A_103 : memref<128x128xf32, #tpu.memory_space<hbm>>) dst(%arg11 : memref<128x128xf32, #tpu.memory_space<vmem>>)
      "tpu.region"() ({
        %run_scoped3A = tpu.sem_alloc : memref<!tpu.dma_semaphore, #tpu.memory_space<semaphore_mem>>
        %dma_start3A_135 = arith.constant 0 : i32
        %dma_start3A_136 = arith.constant 0 : i32
        %dma_start3A_137 = tpu.memref_slice %arg13[%dma_start3A_135, %dma_start3A_136] : memref<10240x128xf32, #tpu.memory_space<vmem_shared>> -> memref<10240x128xf32, #tpu.memory_space<vmem_shared>>
        tpu.enqueue_indirect_dma source(%arg11 : memref<128x128xf32, #tpu.memory_space<vmem>>) target(%dma_start3A_137 : memref<10240x128xf32, #tpu.memory_space<vmem_shared>>) offsets(%arg9 : memref<128xi32, #tpu.memory_space<vmem>>) semaphore(%run_scoped3A : memref<!tpu.dma_semaphore, #tpu.memory_space<semaphore_mem>>) {add = true}
        %dma_wait3A_138 = arith.constant 0 : i32
        %dma_wait3A_139 = arith.constant 0 : i32
        %dma_wait3A_140 = tpu.memref_slice %arg13[%dma_wait3A_138, %dma_wait3A_139] : memref<10240x128xf32, #tpu.memory_space<vmem_shared>> -> memref<10240x128xf32, #tpu.memory_space<vmem_shared>>
        tpu.wait_indirect_dma semaphore(%run_scoped3A : memref<!tpu.dma_semaphore, #tpu.memory_space<semaphore_mem>>) src(%arg11 : memref<128x128xf32, #tpu.memory_space<vmem>>) dst(%dma_wait3A_140 : memref<10240x128xf32, #tpu.memory_space<vmem_shared>>)
        tpu.yield
      }) : () -> ()
      %add3A_104 = arith.constant 2 : i32
      %add3A_105 = arith.addi %add3A_93, %add3A_104 : i32
      %lt3A_106 = arith.constant 80 : i32
      %lt3A_107 = arith.cmpi slt, %add3A_105, %lt3A_106 : i32
      %convert_element_type3A_108 = arith.extui %lt3A_107 : i1 to i32
      %cond3A_109 = arith.constant 0 : i32
      %cond3A_110 = arith.cmpi ne, %convert_element_type3A_108, %cond3A_109 : i32
      scf.if %cond3A_110 {
        %add3A_135 = arith.constant 2 : i32
        %add3A_136 = arith.addi %add3A_93, %add3A_135 : i32
        %mul3A_137 = arith.constant 128 : i32
        %mul3A_138 = arith.muli %add3A_136, %mul3A_137 : i32
        %add3A_139 = arith.addi %mul3A_2, %mul3A_138 : i32
        %dma_start3A_140 = tpu.memref_slice %arg3[%add3A_139] : memref<327680xi32, #tpu.memory_space<hbm>> -> memref<128xi32, #tpu.memory_space<hbm>>
        %dma_start3A_141 = tpu.memref_slice %arg3[%add3A_139] : memref<327680xi32, #tpu.memory_space<hbm>> -> memref<128xi32, #tpu.memory_space<hbm>>
        tpu.enqueue_dma source(%dma_start3A_141 : memref<128xi32, #tpu.memory_space<hbm>>) target(%arg7 : memref<128xi32, #tpu.memory_space<vmem>>) target_semaphore(%arg14 : memref<!tpu.dma_semaphore, #tpu.memory_space<semaphore_mem>>)
        %mul3A_142 = arith.constant 128 : i32
        %mul3A_143 = arith.muli %add3A_136, %mul3A_142 : i32
        %add3A_144 = arith.addi %mul3A_2, %mul3A_143 : i32
        %dma_start3A_145 = tpu.memref_slice %arg4[%add3A_144] : memref<327680xi32, #tpu.memory_space<hbm>> -> memref<128xi32, #tpu.memory_space<hbm>>
        %dma_start3A_146 = tpu.memref_slice %arg4[%add3A_144] : memref<327680xi32, #tpu.memory_space<hbm>> -> memref<128xi32, #tpu.memory_space<hbm>>
        tpu.enqueue_dma source(%dma_start3A_146 : memref<128xi32, #tpu.memory_space<hbm>>) target(%arg9 : memref<128xi32, #tpu.memory_space<vmem>>) target_semaphore(%arg14 : memref<!tpu.dma_semaphore, #tpu.memory_space<semaphore_mem>>)
      } else {
      }
      %mul3A_111 = arith.constant 2 : i32
      %mul3A_112 = arith.muli %mul3A_111, %scan3A_89 : i32
      %add3A_113 = arith.constant 1 : i32
      %add3A_114 = arith.addi %mul3A_112, %add3A_113 : i32
      %add3A_115 = arith.constant 1 : i32
      %add3A_116 = arith.addi %add3A_114, %add3A_115 : i32
      %lt3A_117 = arith.constant 80 : i32
      %lt3A_118 = arith.cmpi slt, %add3A_116, %lt3A_117 : i32
      %convert_element_type3A_119 = arith.extui %lt3A_118 : i1 to i32
      %cond3A_120 = arith.constant 0 : i32
      %cond3A_121 = arith.cmpi ne, %convert_element_type3A_119, %cond3A_120 : i32
      scf.if %cond3A_121 {
        %dma_wait3A_135 = arith.constant 0 : i32
        %dma_wait3A_136 = tpu.memref_slice %arg3[%dma_wait3A_135] : memref<327680xi32, #tpu.memory_space<hbm>> -> memref<128xi32, #tpu.memory_space<hbm>>
        %dma_wait3A_137 = arith.constant 0 : i32
        %dma_wait3A_138 = tpu.memref_slice %arg3[%dma_wait3A_137] : memref<327680xi32, #tpu.memory_space<hbm>> -> memref<128xi32, #tpu.memory_space<hbm>>
        tpu.wait_dma2 semaphore(%arg14 : memref<!tpu.dma_semaphore, #tpu.memory_space<semaphore_mem>>) src(%dma_wait3A_138 : memref<128xi32, #tpu.memory_space<hbm>>) dst(%arg7 : memref<128xi32, #tpu.memory_space<vmem>>)
        %dma_wait3A_139 = arith.constant 0 : i32
        %dma_wait3A_140 = tpu.memref_slice %arg4[%dma_wait3A_139] : memref<327680xi32, #tpu.memory_space<hbm>> -> memref<128xi32, #tpu.memory_space<hbm>>
        %dma_wait3A_141 = arith.constant 0 : i32
        %dma_wait3A_142 = tpu.memref_slice %arg4[%dma_wait3A_141] : memref<327680xi32, #tpu.memory_space<hbm>> -> memref<128xi32, #tpu.memory_space<hbm>>
        tpu.wait_dma2 semaphore(%arg14 : memref<!tpu.dma_semaphore, #tpu.memory_space<semaphore_mem>>) src(%dma_wait3A_142 : memref<128xi32, #tpu.memory_space<hbm>>) dst(%arg9 : memref<128xi32, #tpu.memory_space<vmem>>)
        %dma_start3A_143 = arith.constant 0 : i32
        %dma_start3A_144 = arith.constant 0 : i32
        %dma_start3A_145 = tpu.memref_slice %arg2[%dma_start3A_143, %dma_start3A_144] : memref<10000x128xf32, #tpu.memory_space<hbm>> -> memref<10000x128xf32, #tpu.memory_space<hbm>>
        tpu.enqueue_indirect_dma source(%dma_start3A_145 : memref<10000x128xf32, #tpu.memory_space<hbm>>) target(%arg11 : memref<128x128xf32, #tpu.memory_space<vmem>>) offsets(%arg7 : memref<128xi32, #tpu.memory_space<vmem>>) semaphore(%arg16 : memref<!tpu.dma_semaphore, #tpu.memory_space<semaphore_mem>>)
      } else {
      }
      %dma_wait3A_122 = arith.constant 0 : i32
      %dma_wait3A_123 = arith.constant 0 : i32
      %dma_wait3A_124 = tpu.memref_slice %arg2[%dma_wait3A_122, %dma_wait3A_123] : memref<10000x128xf32, #tpu.memory_space<hbm>> -> memref<128x128xf32, #tpu.memory_space<hbm>>
      %dma_wait3A_125 = arith.constant 0 : i32
      %dma_wait3A_126 = arith.constant 0 : i32
      %dma_wait3A_127 = tpu.memref_slice %arg2[%dma_wait3A_125, %dma_wait3A_126] : memref<10000x128xf32, #tpu.memory_space<hbm>> -> memref<128x128xf32, #tpu.memory_space<hbm>>
      tpu.wait_dma2 semaphore(%arg17 : memref<!tpu.dma_semaphore, #tpu.memory_space<semaphore_mem>>) src(%dma_wait3A_127 : memref<128x128xf32, #tpu.memory_space<hbm>>) dst(%arg12 : memref<128x128xf32, #tpu.memory_space<vmem>>)
      "tpu.region"() ({
        %run_scoped3A = tpu.sem_alloc : memref<!tpu.dma_semaphore, #tpu.memory_space<semaphore_mem>>
        %dma_start3A_135 = arith.constant 0 : i32
        %dma_start3A_136 = arith.constant 0 : i32
        %dma_start3A_137 = tpu.memref_slice %arg13[%dma_start3A_135, %dma_start3A_136] : memref<10240x128xf32, #tpu.memory_space<vmem_shared>> -> memref<10240x128xf32, #tpu.memory_space<vmem_shared>>
        tpu.enqueue_indirect_dma source(%arg12 : memref<128x128xf32, #tpu.memory_space<vmem>>) target(%dma_start3A_137 : memref<10240x128xf32, #tpu.memory_space<vmem_shared>>) offsets(%arg10 : memref<128xi32, #tpu.memory_space<vmem>>) semaphore(%run_scoped3A : memref<!tpu.dma_semaphore, #tpu.memory_space<semaphore_mem>>) {add = true}
        %dma_wait3A_138 = arith.constant 0 : i32
        %dma_wait3A_139 = arith.constant 0 : i32
        %dma_wait3A_140 = tpu.memref_slice %arg13[%dma_wait3A_138, %dma_wait3A_139] : memref<10240x128xf32, #tpu.memory_space<vmem_shared>> -> memref<10240x128xf32, #tpu.memory_space<vmem_shared>>
        tpu.wait_indirect_dma semaphore(%run_scoped3A : memref<!tpu.dma_semaphore, #tpu.memory_space<semaphore_mem>>) src(%arg12 : memref<128x128xf32, #tpu.memory_space<vmem>>) dst(%dma_wait3A_140 : memref<10240x128xf32, #tpu.memory_space<vmem_shared>>)
        tpu.yield
      }) : () -> ()
      %add3A_128 = arith.constant 2 : i32
      %add3A_129 = arith.addi %add3A_114, %add3A_128 : i32
      %lt3A_130 = arith.constant 80 : i32
      %lt3A_131 = arith.cmpi slt, %add3A_129, %lt3A_130 : i32
      %convert_element_type3A_132 = arith.extui %lt3A_131 : i1 to i32
      %cond3A_133 = arith.constant 0 : i32
      %cond3A_134 = arith.cmpi ne, %convert_element_type3A_132, %cond3A_133 : i32
      scf.if %cond3A_134 {
        %add3A_135 = arith.constant 2 : i32
        %add3A_136 = arith.addi %add3A_114, %add3A_135 : i32
        %mul3A_137 = arith.constant 128 : i32
        %mul3A_138 = arith.muli %add3A_136, %mul3A_137 : i32
        %add3A_139 = arith.addi %mul3A_2, %mul3A_138 : i32
        %dma_start3A_140 = tpu.memref_slice %arg3[%add3A_139] : memref<327680xi32, #tpu.memory_space<hbm>> -> memref<128xi32, #tpu.memory_space<hbm>>
        %dma_start3A_141 = tpu.memref_slice %arg3[%add3A_139] : memref<327680xi32, #tpu.memory_space<hbm>> -> memref<128xi32, #tpu.memory_space<hbm>>
        tpu.enqueue_dma source(%dma_start3A_141 : memref<128xi32, #tpu.memory_space<hbm>>) target(%arg8 : memref<128xi32, #tpu.memory_space<vmem>>) target_semaphore(%arg15 : memref<!tpu.dma_semaphore, #tpu.memory_space<semaphore_mem>>)
        %mul3A_142 = arith.constant 128 : i32
        %mul3A_143 = arith.muli %add3A_136, %mul3A_142 : i32
        %add3A_144 = arith.addi %mul3A_2, %mul3A_143 : i32
        %dma_start3A_145 = tpu.memref_slice %arg4[%add3A_144] : memref<327680xi32, #tpu.memory_space<hbm>> -> memref<128xi32, #tpu.memory_space<hbm>>
        %dma_start3A_146 = tpu.memref_slice %arg4[%add3A_144] : memref<327680xi32, #tpu.memory_space<hbm>> -> memref<128xi32, #tpu.memory_space<hbm>>
        tpu.enqueue_dma source(%dma_start3A_146 : memref<128xi32, #tpu.memory_space<hbm>>) target(%arg10 : memref<128xi32, #tpu.memory_space<vmem>>) target_semaphore(%arg15 : memref<!tpu.dma_semaphore, #tpu.memory_space<semaphore_mem>>)
      } else {
      }
    }
    %scan3A_52 = arith.constant 40 : i32
    %barrier3A_53 = arith.constant 0 : index
    tpu.barrier barrier_id(%barrier3A_53)
    %mul3A_54 = arith.constant 640 : i32
    %mul3A_55 = arith.muli %arg1, %mul3A_54 : i32
    %add3A_56 = arith.constant 0 : i32
    %add3A_57 = arith.addi %mul3A_55, %add3A_56 : i32
    "tpu.region"() ({
      %run_scoped3A = tpu.sem_alloc : memref<!tpu.dma_semaphore, #tpu.memory_space<semaphore_mem>>
      %dma_start3A_89 = arith.constant 0 : i32
      %dma_start3A_90 = tpu.memref_slice %arg13[%add3A_57, %dma_start3A_89] : memref<10240x128xf32, #tpu.memory_space<vmem_shared>> -> memref<128x128xf32, #tpu.memory_space<vmem_shared>>
      %dma_start3A_91 = arith.constant 0 : i32
      %dma_start3A_92 = tpu.memref_slice %arg13[%add3A_57, %dma_start3A_91] : memref<10240x128xf32, #tpu.memory_space<vmem_shared>> -> memref<128x128xf32, #tpu.memory_space<vmem_shared>>
      tpu.enqueue_dma source(%dma_start3A_92 : memref<128x128xf32, #tpu.memory_space<vmem_shared>>) target(%arg11 : memref<128x128xf32, #tpu.memory_space<vmem>>) target_semaphore(%run_scoped3A : memref<!tpu.dma_semaphore, #tpu.memory_space<semaphore_mem>>)
      %dma_wait3A_93 = arith.constant 0 : i32
      %dma_wait3A_94 = tpu.memref_slice %arg13[%add3A_57, %dma_wait3A_93] : memref<10240x128xf32, #tpu.memory_space<vmem_shared>> -> memref<128x128xf32, #tpu.memory_space<vmem_shared>>
      %dma_wait3A_95 = arith.constant 0 : i32
      %dma_wait3A_96 = tpu.memref_slice %arg13[%add3A_57, %dma_wait3A_95] : memref<10240x128xf32, #tpu.memory_space<vmem_shared>> -> memref<128x128xf32, #tpu.memory_space<vmem_shared>>
      tpu.wait_dma2 semaphore(%run_scoped3A : memref<!tpu.dma_semaphore, #tpu.memory_space<semaphore_mem>>) src(%dma_wait3A_96 : memref<128x128xf32, #tpu.memory_space<vmem_shared>>) dst(%arg11 : memref<128x128xf32, #tpu.memory_space<vmem>>)
      tpu.yield
    }) : () -> ()
    %mul3A_58 = arith.constant 10240 : i32
    %mul3A_59 = arith.muli %arg0, %mul3A_58 : i32
    %add3A_60 = arith.addi %mul3A_59, %add3A_57 : i32
    "tpu.region"() ({
      %run_scoped3A = tpu.sem_alloc : memref<!tpu.dma_semaphore, #tpu.memory_space<semaphore_mem>>
      %dma_start3A_89 = arith.constant 0 : i32
      %dma_start3A_90 = tpu.memref_slice %arg6[%add3A_60, %dma_start3A_89] : memref<20480x128xf32, #tpu.memory_space<hbm>> -> memref<128x128xf32, #tpu.memory_space<hbm>>
      %dma_start3A_91 = arith.constant 0 : i32
      %dma_start3A_92 = tpu.memref_slice %arg6[%add3A_60, %dma_start3A_91] : memref<20480x128xf32, #tpu.memory_space<hbm>> -> memref<128x128xf32, #tpu.memory_space<hbm>>
      tpu.enqueue_dma source(%arg11 : memref<128x128xf32, #tpu.memory_space<vmem>>) target(%dma_start3A_92 : memref<128x128xf32, #tpu.memory_space<hbm>>) target_semaphore(%run_scoped3A : memref<!tpu.dma_semaphore, #tpu.memory_space<semaphore_mem>>)
      %dma_wait3A_93 = arith.constant 0 : i32
      %dma_wait3A_94 = tpu.memref_slice %arg6[%add3A_60, %dma_wait3A_93] : memref<20480x128xf32, #tpu.memory_space<hbm>> -> memref<128x128xf32, #tpu.memory_space<hbm>>
      %dma_wait3A_95 = arith.constant 0 : i32
      %dma_wait3A_96 = tpu.memref_slice %arg6[%add3A_60, %dma_wait3A_95] : memref<20480x128xf32, #tpu.memory_space<hbm>> -> memref<128x128xf32, #tpu.memory_space<hbm>>
      tpu.wait_dma2 semaphore(%run_scoped3A : memref<!tpu.dma_semaphore, #tpu.memory_space<semaphore_mem>>) src(%arg11 : memref<128x128xf32, #tpu.memory_space<vmem>>) dst(%dma_wait3A_96 : memref<128x128xf32, #tpu.memory_space<hbm>>)
      tpu.yield
    }) : () -> ()
    %mul3A_61 = arith.constant 640 : i32
    %mul3A_62 = arith.muli %arg1, %mul3A_61 : i32
    %add3A_63 = arith.constant 128 : i32
    %add3A_64 = arith.addi %mul3A_62, %add3A_63 : i32
    "tpu.region"() ({
      %run_scoped3A = tpu.sem_alloc : memref<!tpu.dma_semaphore, #tpu.memory_space<semaphore_mem>>
      %dma_start3A_89 = arith.constant 0 : i32
      %dma_start3A_90 = tpu.memref_slice %arg13[%add3A_64, %dma_start3A_89] : memref<10240x128xf32, #tpu.memory_space<vmem_shared>> -> memref<128x128xf32, #tpu.memory_space<vmem_shared>>
      %dma_start3A_91 = arith.constant 0 : i32
      %dma_start3A_92 = tpu.memref_slice %arg13[%add3A_64, %dma_start3A_91] : memref<10240x128xf32, #tpu.memory_space<vmem_shared>> -> memref<128x128xf32, #tpu.memory_space<vmem_shared>>
      tpu.enqueue_dma source(%dma_start3A_92 : memref<128x128xf32, #tpu.memory_space<vmem_shared>>) target(%arg11 : memref<128x128xf32, #tpu.memory_space<vmem>>) target_semaphore(%run_scoped3A : memref<!tpu.dma_semaphore, #tpu.memory_space<semaphore_mem>>)
      %dma_wait3A_93 = arith.constant 0 : i32
      %dma_wait3A_94 = tpu.memref_slice %arg13[%add3A_64, %dma_wait3A_93] : memref<10240x128xf32, #tpu.memory_space<vmem_shared>> -> memref<128x128xf32, #tpu.memory_space<vmem_shared>>
      %dma_wait3A_95 = arith.constant 0 : i32
      %dma_wait3A_96 = tpu.memref_slice %arg13[%add3A_64, %dma_wait3A_95] : memref<10240x128xf32, #tpu.memory_space<vmem_shared>> -> memref<128x128xf32, #tpu.memory_space<vmem_shared>>
      tpu.wait_dma2 semaphore(%run_scoped3A : memref<!tpu.dma_semaphore, #tpu.memory_space<semaphore_mem>>) src(%dma_wait3A_96 : memref<128x128xf32, #tpu.memory_space<vmem_shared>>) dst(%arg11 : memref<128x128xf32, #tpu.memory_space<vmem>>)
      tpu.yield
    }) : () -> ()
    %mul3A_65 = arith.constant 10240 : i32
    %mul3A_66 = arith.muli %arg0, %mul3A_65 : i32
    %add3A_67 = arith.addi %mul3A_66, %add3A_64 : i32
    "tpu.region"() ({
      %run_scoped3A = tpu.sem_alloc : memref<!tpu.dma_semaphore, #tpu.memory_space<semaphore_mem>>
      %dma_start3A_89 = arith.constant 0 : i32
      %dma_start3A_90 = tpu.memref_slice %arg6[%add3A_67, %dma_start3A_89] : memref<20480x128xf32, #tpu.memory_space<hbm>> -> memref<128x128xf32, #tpu.memory_space<hbm>>
      %dma_start3A_91 = arith.constant 0 : i32
      %dma_start3A_92 = tpu.memref_slice %arg6[%add3A_67, %dma_start3A_91] : memref<20480x128xf32, #tpu.memory_space<hbm>> -> memref<128x128xf32, #tpu.memory_space<hbm>>
      tpu.enqueue_dma source(%arg11 : memref<128x128xf32, #tpu.memory_space<vmem>>) target(%dma_start3A_92 : memref<128x128xf32, #tpu.memory_space<hbm>>) target_semaphore(%run_scoped3A : memref<!tpu.dma_semaphore, #tpu.memory_space<semaphore_mem>>)
      %dma_wait3A_93 = arith.constant 0 : i32
      %dma_wait3A_94 = tpu.memref_slice %arg6[%add3A_67, %dma_wait3A_93] : memref<20480x128xf32, #tpu.memory_space<hbm>> -> memref<128x128xf32, #tpu.memory_space<hbm>>
      %dma_wait3A_95 = arith.constant 0 : i32
      %dma_wait3A_96 = tpu.memref_slice %arg6[%add3A_67, %dma_wait3A_95] : memref<20480x128xf32, #tpu.memory_space<hbm>> -> memref<128x128xf32, #tpu.memory_space<hbm>>
      tpu.wait_dma2 semaphore(%run_scoped3A : memref<!tpu.dma_semaphore, #tpu.memory_space<semaphore_mem>>) src(%arg11 : memref<128x128xf32, #tpu.memory_space<vmem>>) dst(%dma_wait3A_96 : memref<128x128xf32, #tpu.memory_space<hbm>>)
      tpu.yield
    }) : () -> ()
    %mul3A_68 = arith.constant 640 : i32
    %mul3A_69 = arith.muli %arg1, %mul3A_68 : i32
    %add3A_70 = arith.constant 256 : i32
    %add3A_71 = arith.addi %mul3A_69, %add3A_70 : i32
    "tpu.region"() ({
      %run_scoped3A = tpu.sem_alloc : memref<!tpu.dma_semaphore, #tpu.memory_space<semaphore_mem>>
      %dma_start3A_89 = arith.constant 0 : i32
      %dma_start3A_90 = tpu.memref_slice %arg13[%add3A_71, %dma_start3A_89] : memref<10240x128xf32, #tpu.memory_space<vmem_shared>> -> memref<128x128xf32, #tpu.memory_space<vmem_shared>>
      %dma_start3A_91 = arith.constant 0 : i32
      %dma_start3A_92 = tpu.memref_slice %arg13[%add3A_71, %dma_start3A_91] : memref<10240x128xf32, #tpu.memory_space<vmem_shared>> -> memref<128x128xf32, #tpu.memory_space<vmem_shared>>
      tpu.enqueue_dma source(%dma_start3A_92 : memref<128x128xf32, #tpu.memory_space<vmem_shared>>) target(%arg11 : memref<128x128xf32, #tpu.memory_space<vmem>>) target_semaphore(%run_scoped3A : memref<!tpu.dma_semaphore, #tpu.memory_space<semaphore_mem>>)
      %dma_wait3A_93 = arith.constant 0 : i32
      %dma_wait3A_94 = tpu.memref_slice %arg13[%add3A_71, %dma_wait3A_93] : memref<10240x128xf32, #tpu.memory_space<vmem_shared>> -> memref<128x128xf32, #tpu.memory_space<vmem_shared>>
      %dma_wait3A_95 = arith.constant 0 : i32
      %dma_wait3A_96 = tpu.memref_slice %arg13[%add3A_71, %dma_wait3A_95] : memref<10240x128xf32, #tpu.memory_space<vmem_shared>> -> memref<128x128xf32, #tpu.memory_space<vmem_shared>>
      tpu.wait_dma2 semaphore(%run_scoped3A : memref<!tpu.dma_semaphore, #tpu.memory_space<semaphore_mem>>) src(%dma_wait3A_96 : memref<128x128xf32, #tpu.memory_space<vmem_shared>>) dst(%arg11 : memref<128x128xf32, #tpu.memory_space<vmem>>)
      tpu.yield
    }) : () -> ()
    %mul3A_72 = arith.constant 10240 : i32
    %mul3A_73 = arith.muli %arg0, %mul3A_72 : i32
    %add3A_74 = arith.addi %mul3A_73, %add3A_71 : i32
    "tpu.region"() ({
      %run_scoped3A = tpu.sem_alloc : memref<!tpu.dma_semaphore, #tpu.memory_space<semaphore_mem>>
      %dma_start3A_89 = arith.constant 0 : i32
      %dma_start3A_90 = tpu.memref_slice %arg6[%add3A_74, %dma_start3A_89] : memref<20480x128xf32, #tpu.memory_space<hbm>> -> memref<128x128xf32, #tpu.memory_space<hbm>>
      %dma_start3A_91 = arith.constant 0 : i32
      %dma_start3A_92 = tpu.memref_slice %arg6[%add3A_74, %dma_start3A_91] : memref<20480x128xf32, #tpu.memory_space<hbm>> -> memref<128x128xf32, #tpu.memory_space<hbm>>
      tpu.enqueue_dma source(%arg11 : memref<128x128xf32, #tpu.memory_space<vmem>>) target(%dma_start3A_92 : memref<128x128xf32, #tpu.memory_space<hbm>>) target_semaphore(%run_scoped3A : memref<!tpu.dma_semaphore, #tpu.memory_space<semaphore_mem>>)
      %dma_wait3A_93 = arith.constant 0 : i32
      %dma_wait3A_94 = tpu.memref_slice %arg6[%add3A_74, %dma_wait3A_93] : memref<20480x128xf32, #tpu.memory_space<hbm>> -> memref<128x128xf32, #tpu.memory_space<hbm>>
      %dma_wait3A_95 = arith.constant 0 : i32
      %dma_wait3A_96 = tpu.memref_slice %arg6[%add3A_74, %dma_wait3A_95] : memref<20480x128xf32, #tpu.memory_space<hbm>> -> memref<128x128xf32, #tpu.memory_space<hbm>>
      tpu.wait_dma2 semaphore(%run_scoped3A : memref<!tpu.dma_semaphore, #tpu.memory_space<semaphore_mem>>) src(%arg11 : memref<128x128xf32, #tpu.memory_space<vmem>>) dst(%dma_wait3A_96 : memref<128x128xf32, #tpu.memory_space<hbm>>)
      tpu.yield
    }) : () -> ()
    %mul3A_75 = arith.constant 640 : i32
    %mul3A_76 = arith.muli %arg1, %mul3A_75 : i32
    %add3A_77 = arith.constant 384 : i32
    %add3A_78 = arith.addi %mul3A_76, %add3A_77 : i32
    "tpu.region"() ({
      %run_scoped3A = tpu.sem_alloc : memref<!tpu.dma_semaphore, #tpu.memory_space<semaphore_mem>>
      %dma_start3A_89 = arith.constant 0 : i32
      %dma_start3A_90 = tpu.memref_slice %arg13[%add3A_78, %dma_start3A_89] : memref<10240x128xf32, #tpu.memory_space<vmem_shared>> -> memref<128x128xf32, #tpu.memory_space<vmem_shared>>
      %dma_start3A_91 = arith.constant 0 : i32
      %dma_start3A_92 = tpu.memref_slice %arg13[%add3A_78, %dma_start3A_91] : memref<10240x128xf32, #tpu.memory_space<vmem_shared>> -> memref<128x128xf32, #tpu.memory_space<vmem_shared>>
      tpu.enqueue_dma source(%dma_start3A_92 : memref<128x128xf32, #tpu.memory_space<vmem_shared>>) target(%arg11 : memref<128x128xf32, #tpu.memory_space<vmem>>) target_semaphore(%run_scoped3A : memref<!tpu.dma_semaphore, #tpu.memory_space<semaphore_mem>>)
      %dma_wait3A_93 = arith.constant 0 : i32
      %dma_wait3A_94 = tpu.memref_slice %arg13[%add3A_78, %dma_wait3A_93] : memref<10240x128xf32, #tpu.memory_space<vmem_shared>> -> memref<128x128xf32, #tpu.memory_space<vmem_shared>>
      %dma_wait3A_95 = arith.constant 0 : i32
      %dma_wait3A_96 = tpu.memref_slice %arg13[%add3A_78, %dma_wait3A_95] : memref<10240x128xf32, #tpu.memory_space<vmem_shared>> -> memref<128x128xf32, #tpu.memory_space<vmem_shared>>
      tpu.wait_dma2 semaphore(%run_scoped3A : memref<!tpu.dma_semaphore, #tpu.memory_space<semaphore_mem>>) src(%dma_wait3A_96 : memref<128x128xf32, #tpu.memory_space<vmem_shared>>) dst(%arg11 : memref<128x128xf32, #tpu.memory_space<vmem>>)
      tpu.yield
    }) : () -> ()
    %mul3A_79 = arith.constant 10240 : i32
    %mul3A_80 = arith.muli %arg0, %mul3A_79 : i32
    %add3A_81 = arith.addi %mul3A_80, %add3A_78 : i32
    "tpu.region"() ({
      %run_scoped3A = tpu.sem_alloc : memref<!tpu.dma_semaphore, #tpu.memory_space<semaphore_mem>>
      %dma_start3A_89 = arith.constant 0 : i32
      %dma_start3A_90 = tpu.memref_slice %arg6[%add3A_81, %dma_start3A_89] : memref<20480x128xf32, #tpu.memory_space<hbm>> -> memref<128x128xf32, #tpu.memory_space<hbm>>
      %dma_start3A_91 = arith.constant 0 : i32
      %dma_start3A_92 = tpu.memref_slice %arg6[%add3A_81, %dma_start3A_91] : memref<20480x128xf32, #tpu.memory_space<hbm>> -> memref<128x128xf32, #tpu.memory_space<hbm>>
      tpu.enqueue_dma source(%arg11 : memref<128x128xf32, #tpu.memory_space<vmem>>) target(%dma_start3A_92 : memref<128x128xf32, #tpu.memory_space<hbm>>) target_semaphore(%run_scoped3A : memref<!tpu.dma_semaphore, #tpu.memory_space<semaphore_mem>>)
      %dma_wait3A_93 = arith.constant 0 : i32
      %dma_wait3A_94 = tpu.memref_slice %arg6[%add3A_81, %dma_wait3A_93] : memref<20480x128xf32, #tpu.memory_space<hbm>> -> memref<128x128xf32, #tpu.memory_space<hbm>>
      %dma_wait3A_95 = arith.constant 0 : i32
      %dma_wait3A_96 = tpu.memref_slice %arg6[%add3A_81, %dma_wait3A_95] : memref<20480x128xf32, #tpu.memory_space<hbm>> -> memref<128x128xf32, #tpu.memory_space<hbm>>
      tpu.wait_dma2 semaphore(%run_scoped3A : memref<!tpu.dma_semaphore, #tpu.memory_space<semaphore_mem>>) src(%arg11 : memref<128x128xf32, #tpu.memory_space<vmem>>) dst(%dma_wait3A_96 : memref<128x128xf32, #tpu.memory_space<hbm>>)
      tpu.yield
    }) : () -> ()
    %mul3A_82 = arith.constant 640 : i32
    %mul3A_83 = arith.muli %arg1, %mul3A_82 : i32
    %add3A_84 = arith.constant 512 : i32
    %add3A_85 = arith.addi %mul3A_83, %add3A_84 : i32
    "tpu.region"() ({
      %run_scoped3A = tpu.sem_alloc : memref<!tpu.dma_semaphore, #tpu.memory_space<semaphore_mem>>
      %dma_start3A_89 = arith.constant 0 : i32
      %dma_start3A_90 = tpu.memref_slice %arg13[%add3A_85, %dma_start3A_89] : memref<10240x128xf32, #tpu.memory_space<vmem_shared>> -> memref<128x128xf32, #tpu.memory_space<vmem_shared>>
      %dma_start3A_91 = arith.constant 0 : i32
      %dma_start3A_92 = tpu.memref_slice %arg13[%add3A_85, %dma_start3A_91] : memref<10240x128xf32, #tpu.memory_space<vmem_shared>> -> memref<128x128xf32, #tpu.memory_space<vmem_shared>>
      tpu.enqueue_dma source(%dma_start3A_92 : memref<128x128xf32, #tpu.memory_space<vmem_shared>>) target(%arg11 : memref<128x128xf32, #tpu.memory_space<vmem>>) target_semaphore(%run_scoped3A : memref<!tpu.dma_semaphore, #tpu.memory_space<semaphore_mem>>)
      %dma_wait3A_93 = arith.constant 0 : i32
      %dma_wait3A_94 = tpu.memref_slice %arg13[%add3A_85, %dma_wait3A_93] : memref<10240x128xf32, #tpu.memory_space<vmem_shared>> -> memref<128x128xf32, #tpu.memory_space<vmem_shared>>
      %dma_wait3A_95 = arith.constant 0 : i32
      %dma_wait3A_96 = tpu.memref_slice %arg13[%add3A_85, %dma_wait3A_95] : memref<10240x128xf32, #tpu.memory_space<vmem_shared>> -> memref<128x128xf32, #tpu.memory_space<vmem_shared>>
      tpu.wait_dma2 semaphore(%run_scoped3A : memref<!tpu.dma_semaphore, #tpu.memory_space<semaphore_mem>>) src(%dma_wait3A_96 : memref<128x128xf32, #tpu.memory_space<vmem_shared>>) dst(%arg11 : memref<128x128xf32, #tpu.memory_space<vmem>>)
      tpu.yield
    }) : () -> ()
    %mul3A_86 = arith.constant 10240 : i32
    %mul3A_87 = arith.muli %arg0, %mul3A_86 : i32
    %add3A_88 = arith.addi %mul3A_87, %add3A_85 : i32
    "tpu.region"() ({
      %run_scoped3A = tpu.sem_alloc : memref<!tpu.dma_semaphore, #tpu.memory_space<semaphore_mem>>
      %dma_start3A_89 = arith.constant 0 : i32
      %dma_start3A_90 = tpu.memref_slice %arg6[%add3A_88, %dma_start3A_89] : memref<20480x128xf32, #tpu.memory_space<hbm>> -> memref<128x128xf32, #tpu.memory_space<hbm>>
      %dma_start3A_91 = arith.constant 0 : i32
      %dma_start3A_92 = tpu.memref_slice %arg6[%add3A_88, %dma_start3A_91] : memref<20480x128xf32, #tpu.memory_space<hbm>> -> memref<128x128xf32, #tpu.memory_space<hbm>>
      tpu.enqueue_dma source(%arg11 : memref<128x128xf32, #tpu.memory_space<vmem>>) target(%dma_start3A_92 : memref<128x128xf32, #tpu.memory_space<hbm>>) target_semaphore(%run_scoped3A : memref<!tpu.dma_semaphore, #tpu.memory_space<semaphore_mem>>)
      %dma_wait3A_93 = arith.constant 0 : i32
      %dma_wait3A_94 = tpu.memref_slice %arg6[%add3A_88, %dma_wait3A_93] : memref<20480x128xf32, #tpu.memory_space<hbm>> -> memref<128x128xf32, #tpu.memory_space<hbm>>
      %dma_wait3A_95 = arith.constant 0 : i32
      %dma_wait3A_96 = tpu.memref_slice %arg6[%add3A_88, %dma_wait3A_95] : memref<20480x128xf32, #tpu.memory_space<hbm>> -> memref<128x128xf32, #tpu.memory_space<hbm>>
      tpu.wait_dma2 semaphore(%run_scoped3A : memref<!tpu.dma_semaphore, #tpu.memory_space<semaphore_mem>>) src(%arg11 : memref<128x128xf32, #tpu.memory_space<vmem>>) dst(%dma_wait3A_96 : memref<128x128xf32, #tpu.memory_space<hbm>>)
      tpu.yield
    }) : () -> ()
    return
  }
}

module attributes {stable_mosaic.version = 14 : i64} {
  func.func @_layer_body(%arg0: memref<10000x128xf32, #tpu.memory_space<vmem>>, %arg1: memref<2x10240x128xf32, #tpu.memory_space<vmem>>, %arg2: memref<128x128xf32, #tpu.memory_space<vmem>>, %arg3: memref<128x128xf32, #tpu.memory_space<vmem>>, %arg4: memref<128xf32, #tpu.memory_space<vmem>>, %arg5: memref<128xf32, #tpu.memory_space<vmem>>, %arg6: memref<128xf32, #tpu.memory_space<vmem>>, %arg7: memref<128xf32, #tpu.memory_space<vmem>>, %arg8: memref<10000x128xf32, #tpu.memory_space<vmem>>, %arg9: memref<1x128xf32, #tpu.memory_space<vmem>>) attributes {dimension_semantics = [], scalar_prefetch = 0 : i64, scratch_operands = 0 : i64, tpu.core_type = #tpu.core_type<tc>} {
    %get3A = arith.constant 0 : index
    %get3A_0 = arith.constant 0 : index
    %get3A_1 = arith.constant 0 : index
    %get3A_2 = vector.load %arg1[%get3A, %get3A_0, %get3A_1] : memref<2x10240x128xf32, #tpu.memory_space<vmem>>, vector<2x10240x128xf32>
    %get3A_3 = arith.constant 0 : index
    %get3A_4 = arith.constant 0 : index
    %get3A_5 = vector.load %arg0[%get3A_3, %get3A_4] : memref<10000x128xf32, #tpu.memory_space<vmem>>, vector<10000x128xf32>
    %slice3A = vector.extract_strided_slice %get3A_2 {offsets = [0, 0, 0], sizes = [1, 10000, 128], strides = [1, 1, 1]} : vector<2x10240x128xf32> to vector<1x10000x128xf32>
    %squeeze3A = vector.shape_cast %slice3A : vector<1x10000x128xf32> to vector<10000x128xf32>
    %add3A = arith.addf %get3A_5, %squeeze3A : vector<10000x128xf32>
    %slice3A_6 = vector.extract_strided_slice %get3A_2 {offsets = [1, 0, 0], sizes = [1, 10000, 128], strides = [1, 1, 1]} : vector<2x10240x128xf32> to vector<1x10000x128xf32>
    %squeeze3A_7 = vector.shape_cast %slice3A_6 : vector<1x10000x128xf32> to vector<10000x128xf32>
    %add3A_8 = arith.addf %add3A, %squeeze3A_7 : vector<10000x128xf32>
    %get3A_9 = arith.constant 0 : index
    %get3A_10 = arith.constant 0 : index
    %get3A_11 = vector.load %arg2[%get3A_9, %get3A_10] : memref<128x128xf32, #tpu.memory_space<vmem>>, vector<128x128xf32>
    %dot_general3A = arith.constant dense<0.000000e+00> : vector<10000x128xf32>
    %dot_general3A_12 = tpu.matmul %add3A_8, %get3A_11, %dot_general3A {dimension_numbers = #tpu.dot_dimension_numbers<[1], [0], [0], [1], [0, 0, 1, 1], [], []>, transpose_lhs_hint = false} : vector<10000x128xf32>, vector<128x128xf32>, vector<10000x128xf32> -> vector<10000x128xf32>
    %reduce_sum3A = arith.constant dense<0.000000e+00> : vector<128xf32>
    %reduce_sum3A_13 = vector.multi_reduction <add>, %dot_general3A_12, %reduce_sum3A [0] : vector<10000x128xf32> to vector<128xf32>
    %div3A = arith.constant 1.000000e+04 : f32
    %div3A_14 = vector.broadcast %div3A : f32 to vector<128xf32>
    %div3A_15 = arith.divf %reduce_sum3A_13, %div3A_14 : vector<128xf32>
    %broadcast_in_dim3A = vector.shape_cast %div3A_15 : vector<128xf32> to vector<1x128xf32>
    %sub3A = vector.broadcast %broadcast_in_dim3A : vector<1x128xf32> to vector<10000x128xf32>
    %sub3A_16 = arith.subf %dot_general3A_12, %sub3A : vector<10000x128xf32>
    %integer_pow3A = arith.mulf %sub3A_16, %sub3A_16 : vector<10000x128xf32>
    %reduce_sum3A_17 = arith.constant dense<0.000000e+00> : vector<128xf32>
    %reduce_sum3A_18 = vector.multi_reduction <add>, %integer_pow3A, %reduce_sum3A_17 [0] : vector<10000x128xf32> to vector<128xf32>
    %div3A_19 = arith.constant 1.000000e+04 : f32
    %div3A_20 = vector.broadcast %div3A_19 : f32 to vector<128xf32>
    %div3A_21 = arith.divf %reduce_sum3A_18, %div3A_20 : vector<128xf32>
    %broadcast_in_dim3A_22 = vector.shape_cast %div3A_15 : vector<128xf32> to vector<1x128xf32>
    %sub3A_23 = vector.broadcast %broadcast_in_dim3A_22 : vector<1x128xf32> to vector<10000x128xf32>
    %sub3A_24 = arith.subf %dot_general3A_12, %sub3A_23 : vector<10000x128xf32>
    %add3A_25 = arith.constant 9.99999974E-6 : f32
    %add3A_26 = vector.broadcast %add3A_25 : f32 to vector<128xf32>
    %add3A_27 = arith.addf %div3A_21, %add3A_26 : vector<128xf32>
    %rsqrt3A = math.rsqrt %add3A_27 : vector<128xf32>
    %broadcast_in_dim3A_28 = vector.shape_cast %rsqrt3A : vector<128xf32> to vector<1x128xf32>
    %mul3A = vector.broadcast %broadcast_in_dim3A_28 : vector<1x128xf32> to vector<10000x128xf32>
    %mul3A_29 = arith.mulf %sub3A_24, %mul3A : vector<10000x128xf32>
    %get3A_30 = arith.constant 0 : index
    %get3A_31 = vector.load %arg4[%get3A_30] : memref<128xf32, #tpu.memory_space<vmem>>, vector<128xf32>
    %broadcast_in_dim3A_32 = vector.shape_cast %get3A_31 : vector<128xf32> to vector<1x128xf32>
    %mul3A_33 = vector.broadcast %broadcast_in_dim3A_32 : vector<1x128xf32> to vector<10000x128xf32>
    %mul3A_34 = arith.mulf %mul3A_29, %mul3A_33 : vector<10000x128xf32>
    %get3A_35 = arith.constant 0 : index
    %get3A_36 = vector.load %arg5[%get3A_35] : memref<128xf32, #tpu.memory_space<vmem>>, vector<128xf32>
    %broadcast_in_dim3A_37 = vector.shape_cast %get3A_36 : vector<128xf32> to vector<1x128xf32>
    %add3A_38 = vector.broadcast %broadcast_in_dim3A_37 : vector<1x128xf32> to vector<10000x128xf32>
    %add3A_39 = arith.addf %mul3A_34, %add3A_38 : vector<10000x128xf32>
    %max3A = arith.constant 0.000000e+00 : f32
    %max3A_40 = vector.broadcast %max3A : f32 to vector<10000x128xf32>
    %max3A_41 = arith.maximumf %add3A_39, %max3A_40 : vector<10000x128xf32>
    %get3A_42 = arith.constant 0 : index
    %get3A_43 = arith.constant 0 : index
    %get3A_44 = vector.load %arg3[%get3A_42, %get3A_43] : memref<128x128xf32, #tpu.memory_space<vmem>>, vector<128x128xf32>
    %dot_general3A_45 = arith.constant dense<0.000000e+00> : vector<10000x128xf32>
    %dot_general3A_46 = tpu.matmul %max3A_41, %get3A_44, %dot_general3A_45 {dimension_numbers = #tpu.dot_dimension_numbers<[1], [0], [0], [1], [0, 0, 1, 1], [], []>, transpose_lhs_hint = false} : vector<10000x128xf32>, vector<128x128xf32>, vector<10000x128xf32> -> vector<10000x128xf32>
    %reduce_sum3A_47 = arith.constant dense<0.000000e+00> : vector<128xf32>
    %reduce_sum3A_48 = vector.multi_reduction <add>, %dot_general3A_46, %reduce_sum3A_47 [0] : vector<10000x128xf32> to vector<128xf32>
    %div3A_49 = arith.constant 1.000000e+04 : f32
    %div3A_50 = vector.broadcast %div3A_49 : f32 to vector<128xf32>
    %div3A_51 = arith.divf %reduce_sum3A_48, %div3A_50 : vector<128xf32>
    %broadcast_in_dim3A_52 = vector.shape_cast %div3A_51 : vector<128xf32> to vector<1x128xf32>
    %sub3A_53 = vector.broadcast %broadcast_in_dim3A_52 : vector<1x128xf32> to vector<10000x128xf32>
    %sub3A_54 = arith.subf %dot_general3A_46, %sub3A_53 : vector<10000x128xf32>
    %integer_pow3A_55 = arith.mulf %sub3A_54, %sub3A_54 : vector<10000x128xf32>
    %reduce_sum3A_56 = arith.constant dense<0.000000e+00> : vector<128xf32>
    %reduce_sum3A_57 = vector.multi_reduction <add>, %integer_pow3A_55, %reduce_sum3A_56 [0] : vector<10000x128xf32> to vector<128xf32>
    %div3A_58 = arith.constant 1.000000e+04 : f32
    %div3A_59 = vector.broadcast %div3A_58 : f32 to vector<128xf32>
    %div3A_60 = arith.divf %reduce_sum3A_57, %div3A_59 : vector<128xf32>
    %broadcast_in_dim3A_61 = vector.shape_cast %div3A_51 : vector<128xf32> to vector<1x128xf32>
    %sub3A_62 = vector.broadcast %broadcast_in_dim3A_61 : vector<1x128xf32> to vector<10000x128xf32>
    %sub3A_63 = arith.subf %dot_general3A_46, %sub3A_62 : vector<10000x128xf32>
    %add3A_64 = arith.constant 9.99999974E-6 : f32
    %add3A_65 = vector.broadcast %add3A_64 : f32 to vector<128xf32>
    %add3A_66 = arith.addf %div3A_60, %add3A_65 : vector<128xf32>
    %rsqrt3A_67 = math.rsqrt %add3A_66 : vector<128xf32>
    %broadcast_in_dim3A_68 = vector.shape_cast %rsqrt3A_67 : vector<128xf32> to vector<1x128xf32>
    %mul3A_69 = vector.broadcast %broadcast_in_dim3A_68 : vector<1x128xf32> to vector<10000x128xf32>
    %mul3A_70 = arith.mulf %sub3A_63, %mul3A_69 : vector<10000x128xf32>
    %get3A_71 = arith.constant 0 : index
    %get3A_72 = vector.load %arg6[%get3A_71] : memref<128xf32, #tpu.memory_space<vmem>>, vector<128xf32>
    %broadcast_in_dim3A_73 = vector.shape_cast %get3A_72 : vector<128xf32> to vector<1x128xf32>
    %mul3A_74 = vector.broadcast %broadcast_in_dim3A_73 : vector<1x128xf32> to vector<10000x128xf32>
    %mul3A_75 = arith.mulf %mul3A_70, %mul3A_74 : vector<10000x128xf32>
    %get3A_76 = arith.constant 0 : index
    %get3A_77 = vector.load %arg7[%get3A_76] : memref<128xf32, #tpu.memory_space<vmem>>, vector<128xf32>
    %broadcast_in_dim3A_78 = vector.shape_cast %get3A_77 : vector<128xf32> to vector<1x128xf32>
    %add3A_79 = vector.broadcast %broadcast_in_dim3A_78 : vector<1x128xf32> to vector<10000x128xf32>
    %add3A_80 = arith.addf %mul3A_75, %add3A_79 : vector<10000x128xf32>
    %max3A_81 = arith.constant 0.000000e+00 : f32
    %max3A_82 = vector.broadcast %max3A_81 : f32 to vector<10000x128xf32>
    %max3A_83 = arith.maximumf %add3A_80, %max3A_82 : vector<10000x128xf32>
    %swap3A = arith.constant 0 : index
    %swap3A_84 = arith.constant 0 : index
    %swap3A_85 = vector.load %arg8[%swap3A, %swap3A_84] : memref<10000x128xf32, #tpu.memory_space<vmem>>, vector<10000x128xf32>
    tpu.vector_store %arg8[%swap3A, %swap3A_84], %max3A_83 {strides = array<i32>} : memref<10000x128xf32, #tpu.memory_space<vmem>>, vector<10000x128xf32>,
    %reduce_sum3A_86 = arith.constant dense<0.000000e+00> : vector<128xf32>
    %reduce_sum3A_87 = vector.multi_reduction <add>, %max3A_83, %reduce_sum3A_86 [0] : vector<10000x128xf32> to vector<128xf32>
    %broadcast_in_dim3A_88 = vector.shape_cast %reduce_sum3A_87 : vector<128xf32> to vector<1x128xf32>
    %swap3A_89 = arith.constant 0 : index
    %swap3A_90 = arith.constant 0 : index
    %swap3A_91 = vector.load %arg9[%swap3A_89, %swap3A_90] : memref<1x128xf32, #tpu.memory_space<vmem>>, vector<1x128xf32>
    tpu.vector_store %arg9[%swap3A_89, %swap3A_90], %broadcast_in_dim3A_88 {strides = array<i32>} : memref<1x128xf32, #tpu.memory_space<vmem>>, vector<1x128xf32>,
    return
  }
}

module attributes {stable_mosaic.version = 14 : i64} {
  func.func @_layer_body(%arg0: memref<10000x128xf32, #tpu.memory_space<vmem>>, %arg1: memref<2x10240x128xf32, #tpu.memory_space<vmem>>, %arg2: memref<128x128xf32, #tpu.memory_space<vmem>>, %arg3: memref<128x128xf32, #tpu.memory_space<vmem>>, %arg4: memref<128xf32, #tpu.memory_space<vmem>>, %arg5: memref<128xf32, #tpu.memory_space<vmem>>, %arg6: memref<128xf32, #tpu.memory_space<vmem>>, %arg7: memref<128xf32, #tpu.memory_space<vmem>>, %arg8: memref<10000x128xf32, #tpu.memory_space<vmem>>, %arg9: memref<1x128xf32, #tpu.memory_space<vmem>>) attributes {dimension_semantics = [], scalar_prefetch = 0 : i64, scratch_operands = 0 : i64, tpu.core_type = #tpu.core_type<tc>} {
    %get3A = arith.constant 0 : index
    %get3A_0 = arith.constant 0 : index
    %get3A_1 = arith.constant 0 : index
    %get3A_2 = vector.load %arg1[%get3A, %get3A_0, %get3A_1] : memref<2x10240x128xf32, #tpu.memory_space<vmem>>, vector<2x10240x128xf32>
    %get3A_3 = arith.constant 0 : index
    %get3A_4 = arith.constant 0 : index
    %get3A_5 = vector.load %arg0[%get3A_3, %get3A_4] : memref<10000x128xf32, #tpu.memory_space<vmem>>, vector<10000x128xf32>
    %slice3A = vector.extract_strided_slice %get3A_2 {offsets = [0, 0, 0], sizes = [1, 10000, 128], strides = [1, 1, 1]} : vector<2x10240x128xf32> to vector<1x10000x128xf32>
    %squeeze3A = vector.shape_cast %slice3A : vector<1x10000x128xf32> to vector<10000x128xf32>
    %add3A = arith.addf %get3A_5, %squeeze3A : vector<10000x128xf32>
    %slice3A_6 = vector.extract_strided_slice %get3A_2 {offsets = [1, 0, 0], sizes = [1, 10000, 128], strides = [1, 1, 1]} : vector<2x10240x128xf32> to vector<1x10000x128xf32>
    %squeeze3A_7 = vector.shape_cast %slice3A_6 : vector<1x10000x128xf32> to vector<10000x128xf32>
    %add3A_8 = arith.addf %add3A, %squeeze3A_7 : vector<10000x128xf32>
    %get3A_9 = arith.constant 0 : index
    %get3A_10 = arith.constant 0 : index
    %get3A_11 = vector.load %arg2[%get3A_9, %get3A_10] : memref<128x128xf32, #tpu.memory_space<vmem>>, vector<128x128xf32>
    %dot_general3A = arith.constant dense<0.000000e+00> : vector<10000x128xf32>
    %dot_general3A_12 = tpu.matmul %add3A_8, %get3A_11, %dot_general3A {dimension_numbers = #tpu.dot_dimension_numbers<[1], [0], [0], [1], [0, 0, 1, 1], [], []>, transpose_lhs_hint = false} : vector<10000x128xf32>, vector<128x128xf32>, vector<10000x128xf32> -> vector<10000x128xf32>
    %reduce_sum3A = arith.constant dense<0.000000e+00> : vector<128xf32>
    %reduce_sum3A_13 = vector.multi_reduction <add>, %dot_general3A_12, %reduce_sum3A [0] : vector<10000x128xf32> to vector<128xf32>
    %div3A = arith.constant 1.000000e+04 : f32
    %div3A_14 = vector.broadcast %div3A : f32 to vector<128xf32>
    %div3A_15 = arith.divf %reduce_sum3A_13, %div3A_14 : vector<128xf32>
    %broadcast_in_dim3A = vector.shape_cast %div3A_15 : vector<128xf32> to vector<1x128xf32>
    %sub3A = vector.broadcast %broadcast_in_dim3A : vector<1x128xf32> to vector<10000x128xf32>
    %sub3A_16 = arith.subf %dot_general3A_12, %sub3A : vector<10000x128xf32>
    %integer_pow3A = arith.mulf %sub3A_16, %sub3A_16 : vector<10000x128xf32>
    %reduce_sum3A_17 = arith.constant dense<0.000000e+00> : vector<128xf32>
    %reduce_sum3A_18 = vector.multi_reduction <add>, %integer_pow3A, %reduce_sum3A_17 [0] : vector<10000x128xf32> to vector<128xf32>
    %div3A_19 = arith.constant 1.000000e+04 : f32
    %div3A_20 = vector.broadcast %div3A_19 : f32 to vector<128xf32>
    %div3A_21 = arith.divf %reduce_sum3A_18, %div3A_20 : vector<128xf32>
    %broadcast_in_dim3A_22 = vector.shape_cast %div3A_15 : vector<128xf32> to vector<1x128xf32>
    %sub3A_23 = vector.broadcast %broadcast_in_dim3A_22 : vector<1x128xf32> to vector<10000x128xf32>
    %sub3A_24 = arith.subf %dot_general3A_12, %sub3A_23 : vector<10000x128xf32>
    %add3A_25 = arith.constant 9.99999974E-6 : f32
    %add3A_26 = vector.broadcast %add3A_25 : f32 to vector<128xf32>
    %add3A_27 = arith.addf %div3A_21, %add3A_26 : vector<128xf32>
    %rsqrt3A = math.rsqrt %add3A_27 : vector<128xf32>
    %broadcast_in_dim3A_28 = vector.shape_cast %rsqrt3A : vector<128xf32> to vector<1x128xf32>
    %mul3A = vector.broadcast %broadcast_in_dim3A_28 : vector<1x128xf32> to vector<10000x128xf32>
    %mul3A_29 = arith.mulf %sub3A_24, %mul3A : vector<10000x128xf32>
    %get3A_30 = arith.constant 0 : index
    %get3A_31 = vector.load %arg4[%get3A_30] : memref<128xf32, #tpu.memory_space<vmem>>, vector<128xf32>
    %broadcast_in_dim3A_32 = vector.shape_cast %get3A_31 : vector<128xf32> to vector<1x128xf32>
    %mul3A_33 = vector.broadcast %broadcast_in_dim3A_32 : vector<1x128xf32> to vector<10000x128xf32>
    %mul3A_34 = arith.mulf %mul3A_29, %mul3A_33 : vector<10000x128xf32>
    %get3A_35 = arith.constant 0 : index
    %get3A_36 = vector.load %arg5[%get3A_35] : memref<128xf32, #tpu.memory_space<vmem>>, vector<128xf32>
    %broadcast_in_dim3A_37 = vector.shape_cast %get3A_36 : vector<128xf32> to vector<1x128xf32>
    %add3A_38 = vector.broadcast %broadcast_in_dim3A_37 : vector<1x128xf32> to vector<10000x128xf32>
    %add3A_39 = arith.addf %mul3A_34, %add3A_38 : vector<10000x128xf32>
    %max3A = arith.constant 0.000000e+00 : f32
    %max3A_40 = vector.broadcast %max3A : f32 to vector<10000x128xf32>
    %max3A_41 = arith.maximumf %add3A_39, %max3A_40 : vector<10000x128xf32>
    %get3A_42 = arith.constant 0 : index
    %get3A_43 = arith.constant 0 : index
    %get3A_44 = vector.load %arg3[%get3A_42, %get3A_43] : memref<128x128xf32, #tpu.memory_space<vmem>>, vector<128x128xf32>
    %dot_general3A_45 = arith.constant dense<0.000000e+00> : vector<10000x128xf32>
    %dot_general3A_46 = tpu.matmul %max3A_41, %get3A_44, %dot_general3A_45 {dimension_numbers = #tpu.dot_dimension_numbers<[1], [0], [0], [1], [0, 0, 1, 1], [], []>, transpose_lhs_hint = false} : vector<10000x128xf32>, vector<128x128xf32>, vector<10000x128xf32> -> vector<10000x128xf32>
    %reduce_sum3A_47 = arith.constant dense<0.000000e+00> : vector<128xf32>
    %reduce_sum3A_48 = vector.multi_reduction <add>, %dot_general3A_46, %reduce_sum3A_47 [0] : vector<10000x128xf32> to vector<128xf32>
    %div3A_49 = arith.constant 1.000000e+04 : f32
    %div3A_50 = vector.broadcast %div3A_49 : f32 to vector<128xf32>
    %div3A_51 = arith.divf %reduce_sum3A_48, %div3A_50 : vector<128xf32>
    %broadcast_in_dim3A_52 = vector.shape_cast %div3A_51 : vector<128xf32> to vector<1x128xf32>
    %sub3A_53 = vector.broadcast %broadcast_in_dim3A_52 : vector<1x128xf32> to vector<10000x128xf32>
    %sub3A_54 = arith.subf %dot_general3A_46, %sub3A_53 : vector<10000x128xf32>
    %integer_pow3A_55 = arith.mulf %sub3A_54, %sub3A_54 : vector<10000x128xf32>
    %reduce_sum3A_56 = arith.constant dense<0.000000e+00> : vector<128xf32>
    %reduce_sum3A_57 = vector.multi_reduction <add>, %integer_pow3A_55, %reduce_sum3A_56 [0] : vector<10000x128xf32> to vector<128xf32>
    %div3A_58 = arith.constant 1.000000e+04 : f32
    %div3A_59 = vector.broadcast %div3A_58 : f32 to vector<128xf32>
    %div3A_60 = arith.divf %reduce_sum3A_57, %div3A_59 : vector<128xf32>
    %broadcast_in_dim3A_61 = vector.shape_cast %div3A_51 : vector<128xf32> to vector<1x128xf32>
    %sub3A_62 = vector.broadcast %broadcast_in_dim3A_61 : vector<1x128xf32> to vector<10000x128xf32>
    %sub3A_63 = arith.subf %dot_general3A_46, %sub3A_62 : vector<10000x128xf32>
    %add3A_64 = arith.constant 9.99999974E-6 : f32
    %add3A_65 = vector.broadcast %add3A_64 : f32 to vector<128xf32>
    %add3A_66 = arith.addf %div3A_60, %add3A_65 : vector<128xf32>
    %rsqrt3A_67 = math.rsqrt %add3A_66 : vector<128xf32>
    %broadcast_in_dim3A_68 = vector.shape_cast %rsqrt3A_67 : vector<128xf32> to vector<1x128xf32>
    %mul3A_69 = vector.broadcast %broadcast_in_dim3A_68 : vector<1x128xf32> to vector<10000x128xf32>
    %mul3A_70 = arith.mulf %sub3A_63, %mul3A_69 : vector<10000x128xf32>
    %get3A_71 = arith.constant 0 : index
    %get3A_72 = vector.load %arg6[%get3A_71] : memref<128xf32, #tpu.memory_space<vmem>>, vector<128xf32>
    %broadcast_in_dim3A_73 = vector.shape_cast %get3A_72 : vector<128xf32> to vector<1x128xf32>
    %mul3A_74 = vector.broadcast %broadcast_in_dim3A_73 : vector<1x128xf32> to vector<10000x128xf32>
    %mul3A_75 = arith.mulf %mul3A_70, %mul3A_74 : vector<10000x128xf32>
    %get3A_76 = arith.constant 0 : index
    %get3A_77 = vector.load %arg7[%get3A_76] : memref<128xf32, #tpu.memory_space<vmem>>, vector<128xf32>
    %broadcast_in_dim3A_78 = vector.shape_cast %get3A_77 : vector<128xf32> to vector<1x128xf32>
    %add3A_79 = vector.broadcast %broadcast_in_dim3A_78 : vector<1x128xf32> to vector<10000x128xf32>
    %add3A_80 = arith.addf %mul3A_75, %add3A_79 : vector<10000x128xf32>
    %max3A_81 = arith.constant 0.000000e+00 : f32
    %max3A_82 = vector.broadcast %max3A_81 : f32 to vector<10000x128xf32>
    %max3A_83 = arith.maximumf %add3A_80, %max3A_82 : vector<10000x128xf32>
    %swap3A = arith.constant 0 : index
    %swap3A_84 = arith.constant 0 : index
    %swap3A_85 = vector.load %arg8[%swap3A, %swap3A_84] : memref<10000x128xf32, #tpu.memory_space<vmem>>, vector<10000x128xf32>
    tpu.vector_store %arg8[%swap3A, %swap3A_84], %max3A_83 {strides = array<i32>} : memref<10000x128xf32, #tpu.memory_space<vmem>>, vector<10000x128xf32>,
    %reduce_sum3A_86 = arith.constant dense<0.000000e+00> : vector<128xf32>
    %reduce_sum3A_87 = vector.multi_reduction <add>, %max3A_83, %reduce_sum3A_86 [0] : vector<10000x128xf32> to vector<128xf32>
    %broadcast_in_dim3A_88 = vector.shape_cast %reduce_sum3A_87 : vector<128xf32> to vector<1x128xf32>
    %swap3A_89 = arith.constant 0 : index
    %swap3A_90 = arith.constant 0 : index
    %swap3A_91 = vector.load %arg9[%swap3A_89, %swap3A_90] : memref<1x128xf32, #tpu.memory_space<vmem>>, vector<1x128xf32>
    tpu.vector_store %arg9[%swap3A_89, %swap3A_90], %broadcast_in_dim3A_88 {strides = array<i32>} : memref<1x128xf32, #tpu.memory_space<vmem>>, vector<1x128xf32>,
    return
  }
}

module attributes {stable_mosaic.version = 14 : i64} {
  func.func @_head_body(%arg0: memref<10000x128xf32, #tpu.memory_space<vmem>>, %arg1: memref<4x128xf32, #tpu.memory_space<vmem>>, %arg2: memref<5x128x128xf32, #tpu.memory_space<vmem>>, %arg3: memref<5x128xf32, #tpu.memory_space<vmem>>, %arg4: memref<1x128xf32, #tpu.memory_space<vmem>>, %arg5: memref<1x128xf32, #tpu.memory_space<vmem>>) attributes {dimension_semantics = [], scalar_prefetch = 0 : i64, scratch_operands = 0 : i64, tpu.core_type = #tpu.core_type<tc>} {
    %get3A = arith.constant 0 : index
    %get3A_0 = arith.constant 0 : index
    %get3A_1 = vector.load %arg0[%get3A, %get3A_0] : memref<10000x128xf32, #tpu.memory_space<vmem>>, vector<10000x128xf32>
    %reduce_sum3A = arith.constant dense<0.000000e+00> : vector<128xf32>
    %reduce_sum3A_2 = vector.multi_reduction <add>, %get3A_1, %reduce_sum3A [0] : vector<10000x128xf32> to vector<128xf32>
    %broadcast_in_dim3A = vector.shape_cast %reduce_sum3A_2 : vector<128xf32> to vector<1x128xf32>
    %get3A_3 = arith.constant 0 : index
    %get3A_4 = arith.constant 0 : index
    %get3A_5 = arith.constant 0 : index
    %get3A_6 = vector.load %arg2[%get3A_3, %get3A_4, %get3A_5] : memref<5x128x128xf32, #tpu.memory_space<vmem>>, vector<1x128x128xf32>
    %get3A_7 = vector.shape_cast %get3A_6 : vector<1x128x128xf32> to vector<128x128xf32>
    %dot_general3A = arith.constant dense<0.000000e+00> : vector<1x128xf32>
    %dot_general3A_8 = tpu.matmul %broadcast_in_dim3A, %get3A_7, %dot_general3A {dimension_numbers = #tpu.dot_dimension_numbers<[1], [0], [0], [1], [0, 0, 1, 1], [], []>, transpose_lhs_hint = false} : vector<1x128xf32>, vector<128x128xf32>, vector<1x128xf32> -> vector<1x128xf32>
    %get3A_9 = arith.constant 0 : index
    %get3A_10 = arith.constant 0 : index
    %get3A_11 = vector.load %arg3[%get3A_9, %get3A_10] : memref<5x128xf32, #tpu.memory_space<vmem>>, vector<1x128xf32>
    %add3A = arith.addf %dot_general3A_8, %get3A_11 : vector<1x128xf32>
    %get3A_12 = arith.constant 0 : index
    %get3A_13 = arith.constant 0 : index
    %get3A_14 = vector.load %arg1[%get3A_12, %get3A_13] : memref<4x128xf32, #tpu.memory_space<vmem>>, vector<1x128xf32>
    %get3A_15 = arith.constant 1 : index
    %get3A_16 = arith.constant 0 : index
    %get3A_17 = arith.constant 0 : index
    %get3A_18 = vector.load %arg2[%get3A_15, %get3A_16, %get3A_17] : memref<5x128x128xf32, #tpu.memory_space<vmem>>, vector<1x128x128xf32>
    %get3A_19 = vector.shape_cast %get3A_18 : vector<1x128x128xf32> to vector<128x128xf32>
    %dot_general3A_20 = arith.constant dense<0.000000e+00> : vector<1x128xf32>
    %dot_general3A_21 = tpu.matmul %get3A_14, %get3A_19, %dot_general3A_20 {dimension_numbers = #tpu.dot_dimension_numbers<[1], [0], [0], [1], [0, 0, 1, 1], [], []>, transpose_lhs_hint = false} : vector<1x128xf32>, vector<128x128xf32>, vector<1x128xf32> -> vector<1x128xf32>
    %add3A_22 = arith.addf %add3A, %dot_general3A_21 : vector<1x128xf32>
    %get3A_23 = arith.constant 1 : index
    %get3A_24 = arith.constant 0 : index
    %get3A_25 = vector.load %arg3[%get3A_23, %get3A_24] : memref<5x128xf32, #tpu.memory_space<vmem>>, vector<1x128xf32>
    %add3A_26 = arith.addf %add3A_22, %get3A_25 : vector<1x128xf32>
    %get3A_27 = arith.constant 1 : index
    %get3A_28 = arith.constant 0 : index
    %get3A_29 = vector.load %arg1[%get3A_27, %get3A_28] : memref<4x128xf32, #tpu.memory_space<vmem>>, vector<1x128xf32>
    %get3A_30 = arith.constant 2 : index
    %get3A_31 = arith.constant 0 : index
    %get3A_32 = arith.constant 0 : index
    %get3A_33 = vector.load %arg2[%get3A_30, %get3A_31, %get3A_32] : memref<5x128x128xf32, #tpu.memory_space<vmem>>, vector<1x128x128xf32>
    %get3A_34 = vector.shape_cast %get3A_33 : vector<1x128x128xf32> to vector<128x128xf32>
    %dot_general3A_35 = arith.constant dense<0.000000e+00> : vector<1x128xf32>
    %dot_general3A_36 = tpu.matmul %get3A_29, %get3A_34, %dot_general3A_35 {dimension_numbers = #tpu.dot_dimension_numbers<[1], [0], [0], [1], [0, 0, 1, 1], [], []>, transpose_lhs_hint = false} : vector<1x128xf32>, vector<128x128xf32>, vector<1x128xf32> -> vector<1x128xf32>
    %add3A_37 = arith.addf %add3A_26, %dot_general3A_36 : vector<1x128xf32>
    %get3A_38 = arith.constant 2 : index
    %get3A_39 = arith.constant 0 : index
    %get3A_40 = vector.load %arg3[%get3A_38, %get3A_39] : memref<5x128xf32, #tpu.memory_space<vmem>>, vector<1x128xf32>
    %add3A_41 = arith.addf %add3A_37, %get3A_40 : vector<1x128xf32>
    %get3A_42 = arith.constant 2 : index
    %get3A_43 = arith.constant 0 : index
    %get3A_44 = vector.load %arg1[%get3A_42, %get3A_43] : memref<4x128xf32, #tpu.memory_space<vmem>>, vector<1x128xf32>
    %get3A_45 = arith.constant 3 : index
    %get3A_46 = arith.constant 0 : index
    %get3A_47 = arith.constant 0 : index
    %get3A_48 = vector.load %arg2[%get3A_45, %get3A_46, %get3A_47] : memref<5x128x128xf32, #tpu.memory_space<vmem>>, vector<1x128x128xf32>
    %get3A_49 = vector.shape_cast %get3A_48 : vector<1x128x128xf32> to vector<128x128xf32>
    %dot_general3A_50 = arith.constant dense<0.000000e+00> : vector<1x128xf32>
    %dot_general3A_51 = tpu.matmul %get3A_44, %get3A_49, %dot_general3A_50 {dimension_numbers = #tpu.dot_dimension_numbers<[1], [0], [0], [1], [0, 0, 1, 1], [], []>, transpose_lhs_hint = false} : vector<1x128xf32>, vector<128x128xf32>, vector<1x128xf32> -> vector<1x128xf32>
    %add3A_52 = arith.addf %add3A_41, %dot_general3A_51 : vector<1x128xf32>
    %get3A_53 = arith.constant 3 : index
    %get3A_54 = arith.constant 0 : index
    %get3A_55 = vector.load %arg3[%get3A_53, %get3A_54] : memref<5x128xf32, #tpu.memory_space<vmem>>, vector<1x128xf32>
    %add3A_56 = arith.addf %add3A_52, %get3A_55 : vector<1x128xf32>
    %get3A_57 = arith.constant 3 : index
    %get3A_58 = arith.constant 0 : index
    %get3A_59 = vector.load %arg1[%get3A_57, %get3A_58] : memref<4x128xf32, #tpu.memory_space<vmem>>, vector<1x128xf32>
    %get3A_60 = arith.constant 4 : index
    %get3A_61 = arith.constant 0 : index
    %get3A_62 = arith.constant 0 : index
    %get3A_63 = vector.load %arg2[%get3A_60, %get3A_61, %get3A_62] : memref<5x128x128xf32, #tpu.memory_space<vmem>>, vector<1x128x128xf32>
    %get3A_64 = vector.shape_cast %get3A_63 : vector<1x128x128xf32> to vector<128x128xf32>
    %dot_general3A_65 = arith.constant dense<0.000000e+00> : vector<1x128xf32>
    %dot_general3A_66 = tpu.matmul %get3A_59, %get3A_64, %dot_general3A_65 {dimension_numbers = #tpu.dot_dimension_numbers<[1], [0], [0], [1], [0, 0, 1, 1], [], []>, transpose_lhs_hint = false} : vector<1x128xf32>, vector<128x128xf32>, vector<1x128xf32> -> vector<1x128xf32>
    %add3A_67 = arith.addf %add3A_56, %dot_general3A_66 : vector<1x128xf32>
    %get3A_68 = arith.constant 4 : index
    %get3A_69 = arith.constant 0 : index
    %get3A_70 = vector.load %arg3[%get3A_68, %get3A_69] : memref<5x128xf32, #tpu.memory_space<vmem>>, vector<1x128xf32>
    %add3A_71 = arith.addf %add3A_67, %get3A_70 : vector<1x128xf32>
    %reduce_max3A = vector.shape_cast %add3A_71 : vector<1x128xf32> to vector<1x1x128xf32>
    %reduce_max3A_72 = arith.constant dense<0xFF800000> : vector<1xf32>
    %reduce_max3A_73 = vector.multi_reduction <maximumf>, %reduce_max3A, %reduce_max3A_72 [1, 2] : vector<1x1x128xf32> to vector<1xf32>
    %reduce_max3A_74 = vector.shape_cast %reduce_max3A_73 : vector<1xf32> to vector<1x1x1xf32>
    %reduce_max3A_75 = vector.extract %reduce_max3A_74[0, 0, 0] : f32 from vector<1x1x1xf32>
    %sub3A = vector.broadcast %reduce_max3A_75 : f32 to vector<1x128xf32>
    %sub3A_76 = arith.subf %add3A_71, %sub3A : vector<1x128xf32>
    %exp3A = math.exp %sub3A_76 : vector<1x128xf32>
    %reduce_sum3A_77 = vector.shape_cast %exp3A : vector<1x128xf32> to vector<1x1x128xf32>
    %reduce_sum3A_78 = arith.constant dense<0.000000e+00> : vector<1xf32>
    %reduce_sum3A_79 = vector.multi_reduction <add>, %reduce_sum3A_77, %reduce_sum3A_78 [1, 2] : vector<1x1x128xf32> to vector<1xf32>
    %reduce_sum3A_80 = vector.shape_cast %reduce_sum3A_79 : vector<1xf32> to vector<1x1x1xf32>
    %reduce_sum3A_81 = vector.extract %reduce_sum3A_80[0, 0, 0] : f32 from vector<1x1x1xf32>
    %log3A = math.log %reduce_sum3A_81 : f32
    %add3A_82 = arith.addf %log3A, %reduce_max3A_75 : f32
    %sub3A_83 = vector.broadcast %add3A_82 : f32 to vector<1x128xf32>
    %sub3A_84 = arith.subf %add3A_71, %sub3A_83 : vector<1x128xf32>
    %swap3A = arith.constant 0 : index
    %swap3A_85 = arith.constant 0 : index
    %swap3A_86 = vector.load %arg4[%swap3A, %swap3A_85] : memref<1x128xf32, #tpu.memory_space<vmem>>, vector<1x128xf32>
    tpu.vector_store %arg4[%swap3A, %swap3A_85], %sub3A_84 {strides = array<i32>} : memref<1x128xf32, #tpu.memory_space<vmem>>, vector<1x128xf32>,
    %swap3A_87 = arith.constant 0 : index
    %swap3A_88 = arith.constant 0 : index
    %swap3A_89 = vector.load %arg5[%swap3A_87, %swap3A_88] : memref<1x128xf32, #tpu.memory_space<vmem>>, vector<1x128xf32>
    tpu.vector_store %arg5[%swap3A_87, %swap3A_88], %add3A_71 {strides = array<i32>} : memref<1x128xf32, #tpu.memory_space<vmem>>, vector<1x128xf32>,
    return
  }
}

</mosaic_0001>

<sc_bundles>
// kernel: kernel.11.cloned.1.call-start
scs
__scs_entry_jumppad:
0x0: {  	(pc) =	sbr.rel $0x88, $3  }
0x1: {  	(tag) =	ssettag $0x0;
	lr =	simm.s32 $0x1  }
0x2: {  	[smem:$0x3F97] =	sst lr;
	_ =	strace $0xD0000000  }
0x3: {  	_ = 	snop  }
0x4: {  	_ = 	snop  }
0x5: {  	_ = 	snop  }
0x6: {  	_ = 	snop  }
0x7: {  	_ = 	snop  }
__scs_overlays_trampoline_lowered:
0x8: {  	[smem:$0x3FA6] =	sst s0  }
0x9: {  	[smem:$0x3FA7] =	sst s1  }
0xa: {  	[smem:$0x3FA8] =	sst s2  }
0xb: {  	[smem:$0x3FA9] =	sst s3  }
0xc: {  	[smem:$0x3FAA] =	sst s4  }
0xd: {  	[smem:$0x3FAB] =	sst s5  }
0xe: {  	[smem:$0x3FAC] =	sst s6  }
0xf: {  	[smem:$0x3FAD] =	sst s7  }
0x10: {  	[smem:$0x3FAE] =	sst s8  }
0x11: {  	[smem:$0x3FAF] =	sst s9;
	s0 =	simm.s32 @!p0 $0x0  }
0x12: {  	s1 =	sld [smem:$0x3F95];
	s0 =	simm.s32 @p0 $0x1  }
0x13: {  	[smem:$0x3FB0] =	sst s0;
	s0 =	simm.s32 @!p1 $0x0  }
0x14: {  	s2 =	sld [smem:$0x3F94];
	s0 =	simm.s32 @p1 $0x1  }
0x15: {  	[smem:$0x3FB1] =	sst s0;
	s0 =	simm.s32 @!p2 $0x0  }
0x16: {  	s3 =	sld [smem:$0x3FDB];
	s0 =	simm.s32 @p2 $0x1  }
0x17: {  	s4 =	simm.s32 $0x1BF5;
	[smem:$0x3FB3] =	sst s0  }
0x18: {  	s0 =	sld [smem:$0x3F96];
	_ =	swait.ge [sflag:s4], $0x0  }
0x19: {  	s7 =	sld [smem:$0x3F97]  }
0x1a: {  	s8 =	sadd.s32 $0xFFFFE003, lr  }
0x1b: {  	s9 =	sadd.s32 $0xFFFFFEF7, lr;
	s5 =	simm.s32 $0xFFFFFFFF;
	p2 =	slt.u32 s8, $0xFFFFF086  }
0x1c: {  	p1 =	slt.u32 s9, $0xF7A;
	s5 =	simm.s32 @!p2 $0x0  }
0x1d: {  	s5 =	simm.s32 @p1 $0x1;
	p0 =	seq.s32 s7, s2  }
0x1e: {  	s7 =	smul.u32 @!p0 $0xF7A, s2;
	p2 =	seq.s32 @!p0 s5, $0x0  }
0x1f: {  	s9 =	smul.u32 $0xF7A, s1;
	s8 =	simm.s32 @!p0 $0x1BF5;
	p2 =	por !p2, p0  }
0x20: {  	[sflag:s8] =	ssyncset.s32 @!p0 $0xFFFFF086;
	s6 =	sadd.s32 @!p0 s3, s7;
	s7 =	simm.s32 @!p0 $0x108  }
0x21: {  	s3 =	sadd.s32 s3, s9;
	s6 =	sadd.s32 @!p0 $0x88, s6;
	s7 =	simm.s32 @p2 $0x1082  }
0x22: {  	[simem:s7], [sflag:s8] =	dma.local @!p0 [hbm:s6], $0xF7A  }
0x23: {  	s9 =	sor.u32 $0xD0000000, s2;
	s6 =	simm.s32 $0x108;
	_ =	swait.ge @!p0 [sflag:s8], $0x0  }
0x24: {  	s3 =	sadd.s32 $0x88, s3;
	s6 =	simm.s32 @!p1 $0x1082;
	[sflag:s4] =	ssyncset.s32 $0xFFFFF086  }
0x25: {  	[simem:s6], [sflag:s4] =	dma.local [hbm:s3], $0xF7A  }
0x26: {  	[smem:$0x3F97] =	sst s1;
	(tag) =	ssettag s2;
	_ =	strace s9  }
0x27: {  	s1 =	sld [smem:$0x3FA7]  }
0x28: {  	s2 =	sld [smem:$0x3FA8]  }
0x29: {  	s4 =	sld [smem:$0x3FAA]  }
0x2a: {  	p0 =	seq.s32 s5, $0x0;
	s5 =	sld [smem:$0x3FAB]  }
0x2b: {  	s6 =	sld [smem:$0x3FAC]  }
0x2c: {  	s7 =	sld [smem:$0x3FAD]  }
0x2d: {  	s3 =	simm.s32 $0x108;
	s8 =	sld [smem:$0x3FAE]  }
0x2e: {  	s3 =	simm.s32 @!p0 $0x1082;
	s9 =	sld [smem:$0x3FAF]  }
0x2f: {  	lr =	sadd.s32 s0, s3;
	s0 =	sld [smem:$0x3FA6]  }
0x30: {  	s3 =	sld [smem:$0x3FA9]  }
0x31: {  	[smem:$0x3FB2] =	sst s10  }
0x32: {  	s10 =	sld [smem:$0x3FB0];
	_ =	sdelay $0x3  }
0x33: {  	p0 =	seq.s32 s10, $0x1;
	s10 =	sld [smem:$0x3FB2];
	_ =	sdelay $0x3  }
0x34: {  	[smem:$0x3FB2] =	sst s10  }
0x35: {  	s10 =	sld [smem:$0x3FB1];
	_ =	sdelay $0x3  }
0x36: {  	p1 =	seq.s32 s10, $0x1;
	s10 =	sld [smem:$0x3FB2];
	_ =	sdelay $0x3  }
0x37: {  	[smem:$0x3FB2] =	sst s10  }
0x38: {  	s10 =	sld [smem:$0x3FB3]  }
0x39: {  	_ = 	snop;
	(pc) =	sbr.ind lr, $3  }
0x3a: {  	_ = 	snop  }
0x3b: {  	_ = 	snop  }
0x3c: {  	p2 =	seq.s32 s10, $0x1;
	s10 =	sld [smem:$0x3FB2]  }
0x3d: {  	_ =	shalt  }
0x3e: {  	_ =	shalt  }
0x3f: {  	_ =	shalt  }
0x40: {  	_ =	shalt  }
0x41: {  	_ =	shalt  }
0x42: {  	_ =	shalt  }
0x43: {  	_ =	shalt  }
0x44: {  	_ =	shalt  }
0x45: {  	_ =	shalt  }
0x46: {  	_ =	shalt  }
0x47: {  	_ =	shalt  }
0x48: {  	_ =	shalt  }
0x49: {  	_ =	shalt  }
0x4a: {  	_ =	shalt  }
0x4b: {  	_ =	shalt  }
0x4c: {  	_ =	shalt  }
0x4d: {  	_ =	shalt  }
0x4e: {  	_ =	shalt  }
0x4f: {  	_ =	shalt  }
0x50: {  	_ =	shalt  }
0x51: {  	_ =	shalt  }
0x52: {  	_ =	shalt  }
0x53: {  	_ =	shalt  }
0x54: {  	_ =	shalt  }
0x55: {  	_ =	shalt  }
0x56: {  	_ =	shalt  }
0x57: {  	_ =	shalt  }
0x58: {  	_ =	shalt  }
0x59: {  	_ =	shalt  }
0x5a: {  	_ =	shalt  }
0x5b: {  	_ =	shalt  }
0x5c: {  	_ =	shalt  }
0x5d: {  	_ =	shalt  }
0x5e: {  	_ =	shalt  }
0x5f: {  	_ =	shalt  }
0x60: {  	_ =	shalt  }
0x61: {  	_ =	shalt  }
0x62: {  	_ =	shalt  }
0x63: {  	_ =	shalt  }
0x64: {  	_ =	shalt  }
0x65: {  	_ =	shalt  }
0x66: {  	_ =	shalt  }
0x67: {  	_ =	shalt  }
0x68: {  	_ =	shalt  }
0x69: {  	_ =	shalt  }
0x6a: {  	_ =	shalt  }
0x6b: {  	_ =	shalt  }
0x6c: {  	_ =	shalt  }
0x6d: {  	_ =	shalt  }
0x6e: {  	_ =	shalt  }
0x6f: {  	_ =	shalt  }
0x70: {  	_ =	shalt  }
0x71: {  	_ =	shalt  }
0x72: {  	_ =	shalt  }
0x73: {  	_ =	shalt  }
0x74: {  	_ =	shalt  }
0x75: {  	_ =	shalt  }
0x76: {  	_ =	shalt  }
0x77: {  	_ =	shalt  }
0x78: {  	_ =	shalt  }
0x79: {  	_ =	shalt  }
0x7a: {  	_ =	shalt  }
0x7b: {  	_ =	shalt  }
0x7c: {  	_ =	shalt  }
0x7d: {  	_ =	shalt  }
0x7e: {  	_ =	shalt  }
0x7f: {  	_ =	shalt  }
0x80: {  	_ =	shalt  }
0x81: {  	_ =	shalt  }
0x82: {  	_ =	shalt  }
0x83: {  	_ =	shalt  }
0x84: {  	_ =	shalt  }
0x85: {  	_ =	shalt  }
0x86: {  	_ =	shalt  }
0x87: {  	_ =	shalt  }
.Lfunc_end0:
.L_simem_size_0:
called_computation_lowered:
.L_overlay_start_0:
0x88: {  	s2 =	sld [smem:$0x3FD9]  }
0x89: {  	s3 =	sld [smem:$0x3FFE];
	_ =	sdelay $0x1  }
0x8a: {  	s1 =	srdreg.scid  }
0x8b: {  	s0 =	sand.u32 $0x1, s1  }
0x8c: {  	s17 =	sshll.u32 s0, $0xA;
	s2 =	sadd.s32 s3, s2  }
0x8d: {  	s2 =	sadd.s32 s2, s17  }
0x8e: {  	[smem:$0x3FBE] =	sst s2  }
0x8f: {  	_ = 	snop  }
0x90: {  	s2 =	sld [smem:$0x3FC9];
	(tm) =	ssettm $0x1  }
0x91: {  	s18 =	sld [smem:$0x3FFB];
	_ =	sdelay $0x3  }
0x92: {  	_ =	strace s18  }
0x93: {  	s3 =	sld [smem:$0x3FFC];
	_ =	sdelay $0x3  }
0x94: {  	_ =	strace s3  }
0x95: {  	s3 =	sld [smem:$0x3FFD];
	_ =	sdelay $0x3  }
0x96: {  	_ =	strace s3  }
0x97: {  	_ =	strace $0x8FFFFFFF  }
0x98: {  	s19 =	sld [smem:$0x3FDB];
	_ =	sdelay $0x1  }
0x99: {  	s4 =	simm.s32 $_scs_section_size  }
0x9a: {  	s5 =	simm.s32 $_size__tile_overlayer_lowered;
	s6 =	simm.s32 $_tile_overlayer_lowered  }
0x9b: {  	s22 =	simm.s32 $0x1BFF;
	s21 =	sshll.u32 s6, $0x1;
	s3 =	sadd.s32 s4, s19  }
0x9c: {  	s7 =	simm.s32 $0x0;
	s20 =	sshll.u32 s5, $0x1;
	s5 =	sadd.s32 s21, s3  }
0x9d: {  	[timem:s7], [sflag:s22] =	dma.local [hbm:s5], s20  }
0x9e: {  	_ =	swait.ge [sflag:s22], s20  }
0x9f: {  	s4 =	ssub.s32 $0x0, s20;
	[sflag:s22] =	ssyncset.done $0x0  }
0xa0: {  	[sflag:s22] =	ssyncadd.s32 s4;
	_ =	sdelay $0x1  }
0xa1: {  	s23 =	simm.s32 $0x1B8B  }
0xa2: {  	_ =	swait.ge [sflag:s23], $0x1  }
0xa3: {  	[sflag:s23] =	ssyncset.done $0x0  }
0xa4: {  	s25 =	simm.s32 $0x1B8E;
	s24 =	sld [smem:$0x3FFE];
	[sflag:s23] =	ssyncadd.s32 $0xFFFFFFFF  }
0xa5: {  	s26 =	simm.s32 $execute0_lowered;
	[smem:$0x3FD2] =	sst s25  }
0xa6: {  	s5 =	sshll.u32 s26, $0x1;
	_ =	strace $0x80000046;
	[dreg:$0x1] =	wrdreg $0xFFFFFFFF  }
0xa7: {  	s28 =	simm.s32 $_size_execute0_lowered;
	s3 =	sadd.s32 s3, s5;
	[dreg:$0x0] =	wrdreg $0x0  }
0xa8: {  	s5 =	sshll.u32 s28, $0x1;
	[dreg:$0x2] =	wrdreg s3  }
0xa9: {  	[dreg:$0x3] =	wrdreg s5  }
0xaa: {  	[dreg:$0x4] =	wrdreg $0xC0  }
0xab: {  	_ =	task [dreg:s7], $0x5FFFF  }
0xac: {  	[dreg:$0x1] =	wrdreg $0xFFFFFFFF  }
0xad: {  	[dreg:$0x0] =	wrdreg $0x60  }
0xae: {  	[dreg:$0x2] =	wrdreg s2  }
0xaf: {  	[dreg:$0x3] =	wrdreg s24  }
0xb0: {  	[dreg:$0x4] =	wrdreg $0x82000  }
0xb1: {  	[dreg:$0x5] =	wrdreg $0x9  }
0xb2: {  	_ =	task.clear_ibuf [dreg:s7], $0x6FFFF;
	_ =	strace $0x90000046  }
0xb3: {  	s29 =	simm.s32 $0x9;
	_ =	strace $0x80000048  }
0xb4: {  	_ =	swait.ge [sflag:s29], $0x1  }
0xb5: {  	[sflag:s29] =	ssyncadd.s32 $0xFFFFFFFF  }
0xb6: {  	_ =	strace $0x90000048  }
0xb7: {  	_ =	sfence  }
0xb8: {  	s30 =	sld [smem:$0x0];
	_ =	sdelay $0x2  }
0xb9: {  	s31 =	sshll.u32 s1, $0xD;
	s1 =	sshrl.u32 s1, $0x2  }
0xba: {  	s3 =	sand.u32 $0x4000, s31;
	s1 =	sadd.s32 s1, s30  }
0xbb: {  	s0 =	sor.u32 s3, s0;
	s1 =	sshll.u32 s1, $0x11  }
0xbc: {  	s0 =	sor.u32 s1, s0  }
0xbd: {  	s0 =	sadd.s32 $0x8F2B, s0  }
0xbe: {  	[sflag:s0] =	ssyncadd.remote.s32 $0x1  }
0xbf: {  	_ =	sfence.sel $0xFFFF  }
0xc0: {  	[dreg:$0x0] =	wrdreg $0xFFFFFFFF;
	(pc) =	sbr.abs _section_cstart, $3  }
0xc1: {  	[dreg:$0x1] =	wrdreg $0xFFFFFFFF  }
0xc2: {  	_ =	task.clear_ibuf [dreg:s7], $0x2FFFF;
	_ =	strace $0x9FFFFFFF  }
0xc3: {  	(tm) =	ssettm $0x7FFFFFFF  }
tec
execute0_lowered:
.L_overlay_start_1:
0x0: {  	(tag) =	ssettag $0x1  }
0x1: {  	s1 =	rddreg [dreg:$0x0]  }
0x2: {  	s0 =	rddreg [dreg:$0x1]  }
0x3: {  	s2 =	rddreg [dreg:$0x2];
	s3 =	simm.s32 $0x0;
	s5 =	srdreg.scid  }
0x4: {  	s21 =	stileid.u32;
	s28 =	simm.s32 $0x100;
	s29 =	simm.s32 $0x80  }
0x5: {  	s30 =	simm.s32 $0x180;
	s31 =	simm.s32 $0x1;
	[smem:$0x7FF] =	sst s3  }
0x6: {  	s4 =	sadd.s32 $0x5600, s0;
	s11 =	sadd.s32 $0xF600, s0;
	s12 =	smul.u32 $0x280, s21  }
0x7: {  	s5 =	sand.u32 $0x1, s5;
	s6 =	sadd.s32 $0x19600, s0;
	s9 =	smul.u32 $0x50000, s21  }
0x8: {  	s0 =	sadd.s32 $0x19E00, s0;
	_ =	strace $0x80000047;
	s17 =	ssub.s32 $0x2, s5  }
0x9: {  	[dreg:$0x4] =	wrdreg s6;
	s8 =	sshll.u32 s5, $0x4;
	s7 =	sshrl.u32 s17, $0x1  }
0xa: {  	s18 =	sor.u32 s21, s8;
	s19 =	sshrl.u32 s9, $0x2;
	s14 =	sadd.s32 $0x80, s12  }
0xb: {  	s16 =	sadd.s32 $0x100, s12;
	s21 =	smul.u32 $0x2800, s21;
	s13 =	ssub.s32 s17, s7  }
0xc: {  	s10 =	smul.u32 $0x2800, s18;
	s6 =	sadd.s32 s19, s2;
	s20 =	sshll.u32 s14, $0x7  }
0xd: {  	s22 =	sshll.u32 s16, $0x7;
	s17 =	sadd.s32 $0x180, s12;
	s18 =	sadd.s32 $0x200, s12  }
0xe: {  	s7 =	sadd.s32 s20, s2;
	s8 =	sadd.s32 s22, s2;
	s20 =	smul.u32 $0x2800, s5  }
0xf: {  	s23 =	sshll.u32 s17, $0x7;
	s15 =	sshll.u32 s18, $0x7;
	s5 =	smul.u32 $0x28000, s5  }
0x10: {  	s19 =	sshrl.u32 s10, $0x3;
	s9 =	sadd.s32 s23, s2;
	s10 =	sadd.s32 s15, s2  }
0x11: {  	s24 =	sadd.s32 s4, s19;
	s25 =	sadd.s32 s11, s19;
	s26 =	sor.u32 $0x10, s19  }
0x12: {  	s12 =	sadd.s32 s12, s20;
	s22 =	sadd.s32 s20, s16;
	[dreg:$0x5] =	wrdreg s24  }
0x13: {  	s23 =	sadd.s32 s20, s17;
	s5 =	sadd.s32 s21, s5;
	[dreg:$0x6] =	wrdreg s25  }
0x14: {  	s19 =	sadd.s32 s4, s26;
	s15 =	sadd.s32 s11, s26;
	s12 =	sshll.u32 s12, $0x4  }
0x15: {  	s24 =	sshll.u32 s23, $0x4;
	s26 =	sor.u32 $0x180, s5;
	[dreg:$0x7] =	wrdreg s19  }
0x16: {  	s5 =	sor.u32 $0x100, s5;
	[dreg:$0x8] =	wrdreg s15;
	s12 =	sadd.s32 s0, s12  }
0x17: {  	s19 =	sadd.s32 s20, s14;
	s14 =	sshll.u32 s22, $0x4;
	s20 =	sadd.s32 s20, s18  }
0x18: {  	s18 =	sadd.s32 s0, s24;
	s5 =	sshrl.u32 s5, $0x3;
	[dreg:$0x9] =	wrdreg s12  }
0x19: {  	s12 =	sshll.u32 s19, $0x4;
	s17 =	sadd.s32 s0, s14;
	s25 =	sshll.u32 s20, $0x4  }
0x1a: {  	s20 =	smax.u32 s13, $0x1;
	s23 =	sadd.s32 s5, s11;
	s24 =	sadd.s32 s5, s4  }
0x1b: {  	s5 =	simm.s32 $0x3;
	s16 =	sadd.s32 s0, s12;
	s19 =	sadd.s32 s0, s25  }
0x1c: {  	s0 =	sshrl.u32 s26, $0x3;
	s25 =	simm.s32 $0x200;
	s26 =	simm.s32 $0x5  }
0x1d: {  	s12 =	simm.s32 $0x0;
	s21 =	sadd.s32 s0, s11;
	s22 =	sadd.s32 s0, s4  }
0x1e: {  	s0 =	simm.s32 $0x2;
	s4 =	simm.s32 $0x4200;
	s11 =	simm.s32 $0x4  }
.LBB2_1:
0x1f: {  	s13 =	rddreg [dreg:$0x4]  }
0x20: {  	[tilespmem:s25], [sflag:$0x5] =	stream.linear.gather [hbm4b:s13+s3], $0x4000, $0x38;
	[tilespmem:$0x1C200] =	vst v63  }
0x21: {  	_ =	swait.ge [sflag:s26], $0x4000  }
0x22: {  	[sflag:s26] =	ssyncset.done $0x0  }
0x23: {  	[sflag:s26] =	ssyncadd.s32 $0xFFFFC000  }
0x24: {  	[spmem:s6] =	stream.linear.scatter [tilespmem:s25], [sflag:$0x5], $0x4000, $0x38;
	[tilespmem:$0x1C200] =	vst v63  }
0x25: {  	_ =	swait.ge [sflag:s26], $0x4000  }
0x26: {  	[sflag:s26] =	ssyncset.done $0x0  }
0x27: {  	[sflag:s26] =	ssyncadd.s32 $0xFFFFC000  }
0x28: {  	[spmem:s7] =	stream.linear.scatter [tilespmem:s25], [sflag:$0x5], $0x4000, $0x38;
	[tilespmem:$0x1C200] =	vst v63  }
0x29: {  	_ =	swait.ge [sflag:s26], $0x4000  }
0x2a: {  	[sflag:s26] =	ssyncset.done $0x0  }
0x2b: {  	[sflag:s26] =	ssyncadd.s32 $0xFFFFC000  }
0x2c: {  	[spmem:s8] =	stream.linear.scatter [tilespmem:s25], [sflag:$0x5], $0x4000, $0x38;
	[tilespmem:$0x1C200] =	vst v63  }
0x2d: {  	_ =	swait.ge [sflag:s26], $0x4000  }
0x2e: {  	[sflag:s26] =	ssyncset.done $0x0  }
0x2f: {  	[sflag:s26] =	ssyncadd.s32 $0xFFFFC000  }
0x30: {  	[spmem:s9] =	stream.linear.scatter [tilespmem:s25], [sflag:$0x5], $0x4000, $0x38;
	[tilespmem:$0x1C200] =	vst v63  }
0x31: {  	_ =	swait.ge [sflag:s26], $0x4000  }
0x32: {  	[sflag:s26] =	ssyncset.done $0x0  }
0x33: {  	[sflag:s26] =	ssyncadd.s32 $0xFFFFC000  }
0x34: {  	[spmem:s10] =	stream.linear.scatter [tilespmem:s25], [sflag:$0x5], $0x4000, $0x38;
	[tilespmem:$0x1C200] =	vst v63  }
0x35: {  	_ =	swait.ge [sflag:s26], $0x4000  }
0x36: {  	[sflag:s26] =	ssyncset.done $0x0  }
0x37: {  	[sflag:s26] =	ssyncadd.s32 $0xFFFFC000  }
0x38: {  	[bflag:$0x0] =	sbarrier.arrive $0xFFFF  }
0x39: {  	s15 =	rddreg [dreg:$0x5]  }
0x3a: {  	[tilespmem:s3], [sflag:$0x1] =	stream.linear.gather [hbm4b:s15+s3], $0x80, $0x38;
	[tilespmem:$0x1C200] =	vst v63  }
0x3b: {  	s14 =	rddreg [dreg:$0x6]  }
0x3c: {  	[tilespmem:s28], [sflag:$0x1] =	stream.linear.gather [hbm4b:s14+s3], $0x80, $0x38;
	[tilespmem:$0x1C200] =	vst v63  }
0x3d: {  	s15 =	rddreg [dreg:$0x7]  }
0x3e: {  	[tilespmem:s29], [sflag:$0x2] =	stream.linear.gather [hbm4b:s15+s3], $0x80, $0x38;
	[tilespmem:$0x1C200] =	vst v63  }
0x3f: {  	s14 =	rddreg [dreg:$0x8]  }
0x40: {  	[tilespmem:s30], [sflag:$0x2] =	stream.linear.gather [hbm4b:s14+s3], $0x80, $0x38;
	[tilespmem:$0x1C200] =	vst v63  }
0x41: {  	_ =	swait.ge [sflag:s31], $0x80  }
0x42: {  	[sflag:s31] =	ssyncset.done $0x0  }
0x43: {  	[sflag:s31] =	ssyncadd.s32 $0xFFFFFF80  }
0x44: {  	_ =	swait.ge [sflag:s31], $0x80  }
0x45: {  	[sflag:s31] =	ssyncset.done $0x0  }
0x46: {  	[sflag:s31] =	ssyncadd.s32 $0xFFFFFF80  }
0x47: {  	[tilespmem:s25], [sflag:$0x3] =	stream.indirect.gather [hbm4b:s1+s29], $0x80, s3, s29, $0xb8;
	[tilespmem:$0x1C200] =	vst v63  }
0x48: {  	_ =	swait.ge [sflag:s0], $0x80  }
0x49: {  	[sflag:s0] =	ssyncset.done $0x0  }
0x4a: {  	[sflag:s0] =	ssyncadd.s32 $0xFFFFFF80  }
0x4b: {  	_ =	swait.ge [sflag:s0], $0x80  }
0x4c: {  	[sflag:s0] =	ssyncset.done $0x0  }
0x4d: {  	[sflag:s0] =	ssyncadd.s32 $0xFFFFFF80  }
0x4e: {  	[tilespmem:s4], [sflag:$0x4] =	stream.indirect.gather [hbm4b:s1+s29], $0x80, s29, s29, $0xb8;
	[tilespmem:$0x1C200] =	vst v63  }
0x4f: {  	_ =	swait.ge [sflag:s5], $0x4000  }
0x50: {  	[sflag:s5] =	ssyncset.done $0x0  }
0x51: {  	[sflag:s5] =	ssyncadd.s32 $0xFFFFC000  }
0x52: {  	[spmem:s2] =	stream.indirect.scatter.add.f32 [tilespmem:s25], [sflag:$0x5], $0x80, s28, s29, $0xb8;
	[tilespmem:$0x1C200] =	vst v63  }
0x53: {  	_ =	swait.ge [sflag:s26], $0x4000  }
0x54: {  	[sflag:s26] =	ssyncset.done $0x0  }
0x55: {  	s15 =	sadd.s32 $0x0, s24;
	[sflag:s26] =	ssyncadd.s32 $0xFFFFC000  }
0x56: {  	[tilespmem:s3], [sflag:$0x1] =	stream.linear.gather [hbm4b:s15+s3], $0x80, $0x38;
	[tilespmem:$0x1C200] =	vst v63  }
0x57: {  	s14 =	sadd.s32 $0x0, s23  }
0x58: {  	[tilespmem:s28], [sflag:$0x1] =	stream.linear.gather [hbm4b:s14+s3], $0x80, $0x38;
	[tilespmem:$0x1C200] =	vst v63  }
0x59: {  	_ =	swait.ge [sflag:s31], $0x80  }
0x5a: {  	[sflag:s31] =	ssyncset.done $0x0  }
0x5b: {  	[sflag:s31] =	ssyncadd.s32 $0xFFFFFF80  }
0x5c: {  	_ =	swait.ge [sflag:s31], $0x80  }
0x5d: {  	[sflag:s31] =	ssyncset.done $0x0  }
0x5e: {  	[sflag:s31] =	ssyncadd.s32 $0xFFFFFF80  }
0x5f: {  	[tilespmem:s25], [sflag:$0x3] =	stream.indirect.gather [hbm4b:s1+s29], $0x80, s3, s29, $0xb8;
	[tilespmem:$0x1C200] =	vst v63  }
0x60: {  	_ =	swait.ge [sflag:s11], $0x4000  }
0x61: {  	[sflag:s11] =	ssyncset.done $0x0  }
0x62: {  	[sflag:s11] =	ssyncadd.s32 $0xFFFFC000  }
0x63: {  	[spmem:s2] =	stream.indirect.scatter.add.f32 [tilespmem:s4], [sflag:$0x5], $0x80, s30, s29, $0xb8;
	[tilespmem:$0x1C200] =	vst v63  }
0x64: {  	_ =	swait.ge [sflag:s26], $0x4000  }
0x65: {  	s13 =	simm.s32 $0x20;
	[sflag:s26] =	ssyncset.done $0x0  }
0x66: {  	s15 =	sadd.s32 $0x0, s22;
	s14 =	sadd.s32 $0x0, s21;
	[sflag:s26] =	ssyncadd.s32 $0xFFFFC000  }
0x67: {  	[tilespmem:s29], [sflag:$0x2] =	stream.linear.gather [hbm4b:s15+s3], $0x80, $0x38;
	[tilespmem:$0x1C200] =	vst v63  }
.LBB2_2:
0x68: {  	[tilespmem:s30], [sflag:$0x2] =	stream.linear.gather [hbm4b:s14+s3], $0x80, $0x38;
	[tilespmem:$0x1C200] =	vst v63  }
0x69: {  	s14 =	smov.u32 s13  }
0x6a: {  	p0 =	sne.s32 s13, $0x4C0;
	s13 =	sadd.s32 $0x20, s13;
	_ =	swait.ge [sflag:s0], $0x80  }
0x6b: {  	[sflag:s0] =	ssyncset.done $0x0  }
0x6c: {  	[sflag:s0] =	ssyncadd.s32 $0xFFFFFF80  }
0x6d: {  	_ =	swait.ge [sflag:s0], $0x80  }
0x6e: {  	[sflag:s0] =	ssyncset.done $0x0  }
0x6f: {  	[sflag:s0] =	ssyncadd.s32 $0xFFFFFF80  }
0x70: {  	[tilespmem:s4], [sflag:$0x4] =	stream.indirect.gather [hbm4b:s1+s29], $0x80, s29, s29, $0xb8;
	[tilespmem:$0x1C200] =	vst v63  }
0x71: {  	_ =	swait.ge [sflag:s5], $0x4000  }
0x72: {  	[sflag:s5] =	ssyncset.done $0x0  }
0x73: {  	[sflag:s5] =	ssyncadd.s32 $0xFFFFC000  }
0x74: {  	[spmem:s2] =	stream.indirect.scatter.add.f32 [tilespmem:s25], [sflag:$0x5], $0x80, s28, s29, $0xb8;
	[tilespmem:$0x1C200] =	vst v63  }
0x75: {  	_ =	swait.ge [sflag:s26], $0x4000  }
0x76: {  	[sflag:s26] =	ssyncset.done $0x0  }
0x77: {  	s15 =	sadd.s32 s14, s24;
	[sflag:s26] =	ssyncadd.s32 $0xFFFFC000  }
0x78: {  	[tilespmem:s3], [sflag:$0x1] =	stream.linear.gather [hbm4b:s15+s3], $0x80, $0x38;
	[tilespmem:$0x1C200] =	vst v63  }
0x79: {  	s15 =	sadd.s32 s14, s23  }
0x7a: {  	[tilespmem:s28], [sflag:$0x1] =	stream.linear.gather [hbm4b:s15+s3], $0x80, $0x38;
	[tilespmem:$0x1C200] =	vst v63  }
0x7b: {  	_ =	swait.ge [sflag:s31], $0x80  }
0x7c: {  	[sflag:s31] =	ssyncset.done $0x0  }
0x7d: {  	[sflag:s31] =	ssyncadd.s32 $0xFFFFFF80  }
0x7e: {  	_ =	swait.ge [sflag:s31], $0x80  }
0x7f: {  	[sflag:s31] =	ssyncset.done $0x0  }
0x80: {  	[sflag:s31] =	ssyncadd.s32 $0xFFFFFF80  }
0x81: {  	[tilespmem:s25], [sflag:$0x3] =	stream.indirect.gather [hbm4b:s1+s29], $0x80, s3, s29, $0xb8;
	[tilespmem:$0x1C200] =	vst v63  }
0x82: {  	_ =	swait.ge [sflag:s11], $0x4000  }
0x83: {  	[sflag:s11] =	ssyncset.done $0x0  }
0x84: {  	[sflag:s11] =	ssyncadd.s32 $0xFFFFC000  }
0x85: {  	[spmem:s2] =	stream.indirect.scatter.add.f32 [tilespmem:s4], [sflag:$0x5], $0x80, s30, s29, $0xb8;
	[tilespmem:$0x1C200] =	vst v63  }
.Ltmp0:
0x86: {  	_ =	swait.ge [sflag:s26], $0x4000;
	(pc) =	sbr.rel @p0 .LBB2_2-.Ltmp0, $4  }
0x87: {  	[sflag:s26] =	ssyncset.done $0x0  }
0x88: {  	s15 =	sadd.s32 s14, s22;
	[sflag:s26] =	ssyncadd.s32 $0xFFFFC000  }
0x89: {  	[tilespmem:s29], [sflag:$0x2] =	stream.linear.gather [hbm4b:s15+s3], $0x80, $0x38;
	[tilespmem:$0x1C200] =	vst v63  }
0x8a: {  	s14 =	sadd.s32 s14, s21  }
0x8b: {  	[tilespmem:s30], [sflag:$0x2] =	stream.linear.gather [hbm4b:s14+s3], $0x80, $0x38;
	[tilespmem:$0x1C200] =	vst v63  }
0x8c: {  	_ =	swait.ge [sflag:s0], $0x80  }
0x8d: {  	[sflag:s0] =	ssyncset.done $0x0  }
0x8e: {  	[sflag:s0] =	ssyncadd.s32 $0xFFFFFF80  }
0x8f: {  	_ =	swait.ge [sflag:s0], $0x80  }
0x90: {  	[sflag:s0] =	ssyncset.done $0x0  }
0x91: {  	[sflag:s0] =	ssyncadd.s32 $0xFFFFFF80  }
0x92: {  	[tilespmem:s4], [sflag:$0x4] =	stream.indirect.gather [hbm4b:s1+s29], $0x80, s29, s29, $0xb8;
	[tilespmem:$0x1C200] =	vst v63  }
0x93: {  	_ =	swait.ge [sflag:s5], $0x4000  }
0x94: {  	[sflag:s5] =	ssyncset.done $0x0  }
0x95: {  	[sflag:s5] =	ssyncadd.s32 $0xFFFFC000  }
0x96: {  	[spmem:s2] =	stream.indirect.scatter.add.f32 [tilespmem:s25], [sflag:$0x5], $0x80, s28, s29, $0xb8;
	[tilespmem:$0x1C200] =	vst v63  }
0x97: {  	_ =	swait.ge [sflag:s26], $0x4000  }
0x98: {  	[sflag:s26] =	ssyncset.done $0x0  }
0x99: {  	[sflag:s26] =	ssyncadd.s32 $0xFFFFC000  }
0x9a: {  	_ =	swait.ge [sflag:s11], $0x4000  }
0x9b: {  	[sflag:s11] =	ssyncset.done $0x0  }
0x9c: {  	[sflag:s11] =	ssyncadd.s32 $0xFFFFC000  }
0x9d: {  	[spmem:s2] =	stream.indirect.scatter.add.f32 [tilespmem:s4], [sflag:$0x5], $0x80, s30, s29, $0xb8;
	[tilespmem:$0x1C200] =	vst v63  }
0x9e: {  	_ =	swait.ge [sflag:s26], $0x4000  }
0x9f: {  	[sflag:s26] =	ssyncset.done $0x0  }
0xa0: {  	[sflag:s26] =	ssyncadd.s32 $0xFFFFC000  }
0xa1: {  	[bflag:$0x0] =	sbarrier.arrive $0xFFFF  }
0xa2: {  	[tilespmem:s25], [sflag:$0x5] =	stream.linear.gather [spmem:s6], $0x4000, $0x38;
	[tilespmem:$0x1C200] =	vst v63  }
0xa3: {  	_ =	swait.ge [sflag:s26], $0x4000  }
0xa4: {  	[sflag:s26] =	ssyncset.done $0x0  }
0xa5: {  	s13 =	rddreg [dreg:$0x9];
	[sflag:s26] =	ssyncadd.s32 $0xFFFFC000  }
0xa6: {  	[hbm4b:s13+s3] =	stream.linear.scatter [tilespmem:s25], [sflag:$0x5], $0x4000, $0x38;
	[tilespmem:$0x1C200] =	vst v63  }
0xa7: {  	_ =	swait.ge [sflag:s26], $0x4000  }
0xa8: {  	[sflag:s26] =	ssyncset.done $0x0  }
0xa9: {  	[sflag:s26] =	ssyncadd.s32 $0xFFFFC000  }
0xaa: {  	[tilespmem:s25], [sflag:$0x5] =	stream.linear.gather [spmem:s7], $0x4000, $0x38;
	[tilespmem:$0x1C200] =	vst v63  }
0xab: {  	_ =	swait.ge [sflag:s26], $0x4000  }
0xac: {  	[sflag:s26] =	ssyncset.done $0x0  }
0xad: {  	[sflag:s26] =	ssyncadd.s32 $0xFFFFC000  }
0xae: {  	[hbm4b:s16+s3] =	stream.linear.scatter [tilespmem:s25], [sflag:$0x5], $0x4000, $0x38;
	[tilespmem:$0x1C200] =	vst v63  }
0xaf: {  	_ =	swait.ge [sflag:s26], $0x4000  }
0xb0: {  	[sflag:s26] =	ssyncset.done $0x0  }
0xb1: {  	[sflag:s26] =	ssyncadd.s32 $0xFFFFC000  }
0xb2: {  	[tilespmem:s25], [sflag:$0x5] =	stream.linear.gather [spmem:s8], $0x4000, $0x38;
	[tilespmem:$0x1C200] =	vst v63  }
0xb3: {  	_ =	swait.ge [sflag:s26], $0x4000  }
0xb4: {  	[sflag:s26] =	ssyncset.done $0x0  }
0xb5: {  	[sflag:s26] =	ssyncadd.s32 $0xFFFFC000  }
0xb6: {  	[hbm4b:s17+s3] =	stream.linear.scatter [tilespmem:s25], [sflag:$0x5], $0x4000, $0x38;
	[tilespmem:$0x1C200] =	vst v63  }
0xb7: {  	_ =	swait.ge [sflag:s26], $0x4000  }
0xb8: {  	[sflag:s26] =	ssyncset.done $0x0  }
0xb9: {  	[sflag:s26] =	ssyncadd.s32 $0xFFFFC000  }
0xba: {  	[tilespmem:s25], [sflag:$0x5] =	stream.linear.gather [spmem:s9], $0x4000, $0x38;
	[tilespmem:$0x1C200] =	vst v63  }
0xbb: {  	_ =	swait.ge [sflag:s26], $0x4000  }
0xbc: {  	[sflag:s26] =	ssyncset.done $0x0  }
0xbd: {  	[sflag:s26] =	ssyncadd.s32 $0xFFFFC000  }
0xbe: {  	[hbm4b:s18+s3] =	stream.linear.scatter [tilespmem:s25], [sflag:$0x5], $0x4000, $0x38;
	[tilespmem:$0x1C200] =	vst v63  }
0xbf: {  	_ =	swait.ge [sflag:s26], $0x4000  }
0xc0: {  	[sflag:s26] =	ssyncset.done $0x0  }
0xc1: {  	[sflag:s26] =	ssyncadd.s32 $0xFFFFC000  }
0xc2: {  	[tilespmem:s25], [sflag:$0x5] =	stream.linear.gather [spmem:s10], $0x4000, $0x38;
	[tilespmem:$0x1C200] =	vst v63  }
0xc3: {  	s12 =	sadd.s32 $0x1, s12;
	_ =	swait.ge [sflag:s26], $0x4000  }
0xc4: {  	p0 =	sne.s32 s12, s20;
	[sflag:s26] =	ssyncset.done $0x0  }
.Ltmp1:
0xc5: {  	[sflag:s26] =	ssyncadd.s32 $0xFFFFC000;
	(pc) =	sbr.rel @p0 .LBB2_1-.Ltmp1, $4  }
0xc6: {  	[hbm4b:s19+s3] =	stream.linear.scatter [tilespmem:s25], [sflag:$0x5], $0x4000, $0x38;
	[tilespmem:$0x1C200] =	vst v63  }
0xc7: {  	_ =	swait.ge [sflag:s26], $0x4000  }
0xc8: {  	[sflag:s26] =	ssyncset.done $0x0  }
0xc9: {  	[sflag:s26] =	ssyncadd.s32 $0xFFFFC000  }
0xca: {  	_ =	sfence.sel $0x180000  }
0xcb: {  	[bflag:$0x0] =	sbarrier.arrive $0xFFFF  }
0xcc: {  	_ =	strace $0x90000047  }
0xcd: {  	s0 =	stileid.u32;
	[bflag:$0x2] =	sbarrier.arrive $0xFFFF  }
0xce: {  	p0 =	sne.s32 s0, $0x0;
	s0 =	rddreg [dreg:$0x3]  }
0xcf: {  	s0 =	sadd.s32 @!p0 $0x100000, s0  }
0xd0: {  	[sflag:s0] =	ssyncadd.tile.s32 @!p0 $0x1;
	_ =	shalt  }
.Lfunc_end2:
_tile_overlayer_lowered:
.L_overlay_start_2:
0xd1: {  	(tag) =	ssettag $0x2  }
0xd2: {  	s0 =	rddreg [dreg:$0x0];
	s2 =	stileid.u32  }
0xd3: {  	s1 =	rddreg [dreg:$0x1];
	p0 =	sne.s32 s2, $0x0  }
0xd4: {  	s3 =	rddreg [dreg:$0x2];
	[bflag:$0x3] =	sbarrier.arrive $0xFFFF;
	s2 =	simm.s32 @!p0 $0x1C05  }
0xd5: {  	[timem:s3], [sflag:s2] =	dma.local @!p0 [hbm:s0], s1  }
0xd6: {  	s0 =	simm.s32 @!p0 $0x5  }
0xd7: {  	_ =	swait.ge @!p0 [sflag:s0], s1  }
0xd8: {  	s1 =	ssub.s32 @!p0 $0x0, s1;
	[sflag:s0] =	ssyncset.done @!p0 $0x0  }
0xd9: {  	[sflag:s0] =	ssyncadd.s32 @!p0 s1  }
0xda: {  	[bflag:$0x3] =	sbarrier.arrive $0xFFFF  }
0xdb: {  	_ =	shalt  }

// kernel: kernel.14.cloned.1.call-start
scs
__scs_entry_jumppad:
0x0: {  	(pc) =	sbr.rel $0x88, $3  }
0x1: {  	(tag) =	ssettag $0x0;
	lr =	simm.s32 $0x1  }
0x2: {  	[smem:$0x3F97] =	sst lr;
	_ =	strace $0xD0000000  }
0x3: {  	_ = 	snop  }
0x4: {  	_ = 	snop  }
0x5: {  	_ = 	snop  }
0x6: {  	_ = 	snop  }
0x7: {  	_ = 	snop  }
__scs_overlays_trampoline_lowered:
0x8: {  	[smem:$0x3FA6] =	sst s0  }
0x9: {  	[smem:$0x3FA7] =	sst s1  }
0xa: {  	[smem:$0x3FA8] =	sst s2  }
0xb: {  	[smem:$0x3FA9] =	sst s3  }
0xc: {  	[smem:$0x3FAA] =	sst s4  }
0xd: {  	[smem:$0x3FAB] =	sst s5  }
0xe: {  	[smem:$0x3FAC] =	sst s6  }
0xf: {  	[smem:$0x3FAD] =	sst s7  }
0x10: {  	[smem:$0x3FAE] =	sst s8  }
0x11: {  	[smem:$0x3FAF] =	sst s9;
	s0 =	simm.s32 @!p0 $0x0  }
0x12: {  	s1 =	sld [smem:$0x3F95];
	s0 =	simm.s32 @p0 $0x1  }
0x13: {  	[smem:$0x3FB0] =	sst s0;
	s0 =	simm.s32 @!p1 $0x0  }
0x14: {  	s2 =	sld [smem:$0x3F94];
	s0 =	simm.s32 @p1 $0x1  }
0x15: {  	[smem:$0x3FB1] =	sst s0;
	s0 =	simm.s32 @!p2 $0x0  }
0x16: {  	s3 =	sld [smem:$0x3FDB];
	s0 =	simm.s32 @p2 $0x1  }
0x17: {  	s4 =	simm.s32 $0x1BF5;
	[smem:$0x3FB3] =	sst s0  }
0x18: {  	s0 =	sld [smem:$0x3F96];
	_ =	swait.ge [sflag:s4], $0x0  }
0x19: {  	s7 =	sld [smem:$0x3F97]  }
0x1a: {  	s8 =	sadd.s32 $0xFFFFE003, lr  }
0x1b: {  	s9 =	sadd.s32 $0xFFFFFEF7, lr;
	s5 =	simm.s32 $0xFFFFFFFF;
	p2 =	slt.u32 s8, $0xFFFFF086  }
0x1c: {  	p1 =	slt.u32 s9, $0xF7A;
	s5 =	simm.s32 @!p2 $0x0  }
0x1d: {  	s5 =	simm.s32 @p1 $0x1;
	p0 =	seq.s32 s7, s2  }
0x1e: {  	s7 =	smul.u32 @!p0 $0xF7A, s2;
	p2 =	seq.s32 @!p0 s5, $0x0  }
0x1f: {  	s9 =	smul.u32 $0xF7A, s1;
	s8 =	simm.s32 @!p0 $0x1BF5;
	p2 =	por !p2, p0  }
0x20: {  	[sflag:s8] =	ssyncset.s32 @!p0 $0xFFFFF086;
	s6 =	sadd.s32 @!p0 s3, s7;
	s7 =	simm.s32 @!p0 $0x108  }
0x21: {  	s3 =	sadd.s32 s3, s9;
	s6 =	sadd.s32 @!p0 $0x88, s6;
	s7 =	simm.s32 @p2 $0x1082  }
0x22: {  	[simem:s7], [sflag:s8] =	dma.local @!p0 [hbm:s6], $0xF7A  }
0x23: {  	s9 =	sor.u32 $0xD0000000, s2;
	s6 =	simm.s32 $0x108;
	_ =	swait.ge @!p0 [sflag:s8], $0x0  }
0x24: {  	s3 =	sadd.s32 $0x88, s3;
	s6 =	simm.s32 @!p1 $0x1082;
	[sflag:s4] =	ssyncset.s32 $0xFFFFF086  }
0x25: {  	[simem:s6], [sflag:s4] =	dma.local [hbm:s3], $0xF7A  }
0x26: {  	[smem:$0x3F97] =	sst s1;
	(tag) =	ssettag s2;
	_ =	strace s9  }
0x27: {  	s1 =	sld [smem:$0x3FA7]  }
0x28: {  	s2 =	sld [smem:$0x3FA8]  }
0x29: {  	s4 =	sld [smem:$0x3FAA]  }
0x2a: {  	p0 =	seq.s32 s5, $0x0;
	s5 =	sld [smem:$0x3FAB]  }
0x2b: {  	s6 =	sld [smem:$0x3FAC]  }
0x2c: {  	s7 =	sld [smem:$0x3FAD]  }
0x2d: {  	s3 =	simm.s32 $0x108;
	s8 =	sld [smem:$0x3FAE]  }
0x2e: {  	s3 =	simm.s32 @!p0 $0x1082;
	s9 =	sld [smem:$0x3FAF]  }
0x2f: {  	lr =	sadd.s32 s0, s3;
	s0 =	sld [smem:$0x3FA6]  }
0x30: {  	s3 =	sld [smem:$0x3FA9]  }
0x31: {  	[smem:$0x3FB2] =	sst s10  }
0x32: {  	s10 =	sld [smem:$0x3FB0];
	_ =	sdelay $0x3  }
0x33: {  	p0 =	seq.s32 s10, $0x1;
	s10 =	sld [smem:$0x3FB2];
	_ =	sdelay $0x3  }
0x34: {  	[smem:$0x3FB2] =	sst s10  }
0x35: {  	s10 =	sld [smem:$0x3FB1];
	_ =	sdelay $0x3  }
0x36: {  	p1 =	seq.s32 s10, $0x1;
	s10 =	sld [smem:$0x3FB2];
	_ =	sdelay $0x3  }
0x37: {  	[smem:$0x3FB2] =	sst s10  }
0x38: {  	s10 =	sld [smem:$0x3FB3]  }
0x39: {  	_ = 	snop;
	(pc) =	sbr.ind lr, $3  }
0x3a: {  	_ = 	snop  }
0x3b: {  	_ = 	snop  }
0x3c: {  	p2 =	seq.s32 s10, $0x1;
	s10 =	sld [smem:$0x3FB2]  }
0x3d: {  	_ =	shalt  }
0x3e: {  	_ =	shalt  }
0x3f: {  	_ =	shalt  }
0x40: {  	_ =	shalt  }
0x41: {  	_ =	shalt  }
0x42: {  	_ =	shalt  }
0x43: {  	_ =	shalt  }
0x44: {  	_ =	shalt  }
0x45: {  	_ =	shalt  }
0x46: {  	_ =	shalt  }
0x47: {  	_ =	shalt  }
0x48: {  	_ =	shalt  }
0x49: {  	_ =	shalt  }
0x4a: {  	_ =	shalt  }
0x4b: {  	_ =	shalt  }
0x4c: {  	_ =	shalt  }
0x4d: {  	_ =	shalt  }
0x4e: {  	_ =	shalt  }
0x4f: {  	_ =	shalt  }
0x50: {  	_ =	shalt  }
0x51: {  	_ =	shalt  }
0x52: {  	_ =	shalt  }
0x53: {  	_ =	shalt  }
0x54: {  	_ =	shalt  }
0x55: {  	_ =	shalt  }
0x56: {  	_ =	shalt  }
0x57: {  	_ =	shalt  }
0x58: {  	_ =	shalt  }
0x59: {  	_ =	shalt  }
0x5a: {  	_ =	shalt  }
0x5b: {  	_ =	shalt  }
0x5c: {  	_ =	shalt  }
0x5d: {  	_ =	shalt  }
0x5e: {  	_ =	shalt  }
0x5f: {  	_ =	shalt  }
0x60: {  	_ =	shalt  }
0x61: {  	_ =	shalt  }
0x62: {  	_ =	shalt  }
0x63: {  	_ =	shalt  }
0x64: {  	_ =	shalt  }
0x65: {  	_ =	shalt  }
0x66: {  	_ =	shalt  }
0x67: {  	_ =	shalt  }
0x68: {  	_ =	shalt  }
0x69: {  	_ =	shalt  }
0x6a: {  	_ =	shalt  }
0x6b: {  	_ =	shalt  }
0x6c: {  	_ =	shalt  }
0x6d: {  	_ =	shalt  }
0x6e: {  	_ =	shalt  }
0x6f: {  	_ =	shalt  }
0x70: {  	_ =	shalt  }
0x71: {  	_ =	shalt  }
0x72: {  	_ =	shalt  }
0x73: {  	_ =	shalt  }
0x74: {  	_ =	shalt  }
0x75: {  	_ =	shalt  }
0x76: {  	_ =	shalt  }
0x77: {  	_ =	shalt  }
0x78: {  	_ =	shalt  }
0x79: {  	_ =	shalt  }
0x7a: {  	_ =	shalt  }
0x7b: {  	_ =	shalt  }
0x7c: {  	_ =	shalt  }
0x7d: {  	_ =	shalt  }
0x7e: {  	_ =	shalt  }
0x7f: {  	_ =	shalt  }
0x80: {  	_ =	shalt  }
0x81: {  	_ =	shalt  }
0x82: {  	_ =	shalt  }
0x83: {  	_ =	shalt  }
0x84: {  	_ =	shalt  }
0x85: {  	_ =	shalt  }
0x86: {  	_ =	shalt  }
0x87: {  	_ =	shalt  }
.Lfunc_end0:
.L_simem_size_0:
called_computation.1_lowered:
.L_overlay_start_0:
0x88: {  	s2 =	sld [smem:$0x3FD9]  }
0x89: {  	s3 =	sld [smem:$0x3FFE];
	_ =	sdelay $0x1  }
0x8a: {  	s1 =	srdreg.scid  }
0x8b: {  	s0 =	sand.u32 $0x1, s1  }
0x8c: {  	s16 =	sshll.u32 s0, $0xA;
	s2 =	sadd.s32 s3, s2  }
0x8d: {  	s2 =	sadd.s32 s2, s16  }
0x8e: {  	[smem:$0x3FBE] =	sst s2  }
0x8f: {  	_ = 	snop  }
0x90: {  	(tm) =	ssettm $0x1  }
0x91: {  	s17 =	sld [smem:$0x3FFB];
	_ =	sdelay $0x3  }
0x92: {  	_ =	strace s17  }
0x93: {  	s2 =	sld [smem:$0x3FFC];
	_ =	sdelay $0x3  }
0x94: {  	_ =	strace s2  }
0x95: {  	s2 =	sld [smem:$0x3FFD];
	_ =	sdelay $0x3  }
0x96: {  	_ =	strace s2  }
0x97: {  	_ =	strace $0x8FFFFFFF  }
0x98: {  	s18 =	sld [smem:$0x3FDB];
	_ =	sdelay $0x1  }
0x99: {  	s19 =	simm.s32 $_scs_section_size  }
0x9a: {  	s4 =	simm.s32 $_size__tile_overlayer_lowered;
	s5 =	simm.s32 $_tile_overlayer_lowered  }
0x9b: {  	s22 =	simm.s32 $0x1BFF;
	s21 =	sshll.u32 s5, $0x1;
	s2 =	sadd.s32 s19, s18  }
0x9c: {  	s6 =	simm.s32 $0x0;
	s20 =	sshll.u32 s4, $0x1;
	s4 =	sadd.s32 s21, s2  }
0x9d: {  	[timem:s6], [sflag:s22] =	dma.local [hbm:s4], s20  }
0x9e: {  	_ =	swait.ge [sflag:s22], s20  }
0x9f: {  	s3 =	ssub.s32 $0x0, s20;
	[sflag:s22] =	ssyncset.done $0x0  }
0xa0: {  	[sflag:s22] =	ssyncadd.s32 s3;
	_ =	sdelay $0x1  }
0xa1: {  	s23 =	simm.s32 $0x1B8B  }
0xa2: {  	_ =	swait.ge [sflag:s23], $0x1  }
0xa3: {  	[sflag:s23] =	ssyncset.done $0x0  }
0xa4: {  	s25 =	simm.s32 $0x1B8E;
	s24 =	sld [smem:$0x3FFE];
	[sflag:s23] =	ssyncadd.s32 $0xFFFFFFFF  }
0xa5: {  	s26 =	simm.s32 $execute0_lowered;
	[smem:$0x3FD2] =	sst s25  }
0xa6: {  	s4 =	sshll.u32 s26, $0x1;
	_ =	strace $0x80000049;
	[dreg:$0x1] =	wrdreg $0xFFFFFFFF  }
0xa7: {  	s28 =	simm.s32 $_size_execute0_lowered;
	s2 =	sadd.s32 s2, s4;
	[dreg:$0x0] =	wrdreg $0x0  }
0xa8: {  	s4 =	sshll.u32 s28, $0x1;
	[dreg:$0x2] =	wrdreg s2  }
0xa9: {  	[dreg:$0x3] =	wrdreg s4  }
0xaa: {  	[dreg:$0x4] =	wrdreg $0xC0  }
0xab: {  	_ =	task [dreg:s6], $0x5FFFF  }
0xac: {  	[dreg:$0x1] =	wrdreg $0xFFFFFFFF  }
0xad: {  	[dreg:$0x0] =	wrdreg $0x60  }
0xae: {  	[dreg:$0x2] =	wrdreg s24  }
0xaf: {  	[dreg:$0x3] =	wrdreg $0x82000  }
0xb0: {  	[dreg:$0x4] =	wrdreg $0x9  }
0xb1: {  	_ =	task.clear_ibuf [dreg:s6], $0x5FFFF;
	_ =	strace $0x90000049  }
0xb2: {  	s29 =	simm.s32 $0x9;
	_ =	strace $0x8000004B  }
0xb3: {  	_ =	swait.ge [sflag:s29], $0x1  }
0xb4: {  	[sflag:s29] =	ssyncadd.s32 $0xFFFFFFFF  }
0xb5: {  	_ =	strace $0x9000004B  }
0xb6: {  	_ =	sfence  }
0xb7: {  	s30 =	sld [smem:$0x0];
	_ =	sdelay $0x2  }
0xb8: {  	s31 =	sshll.u32 s1, $0xD;
	s1 =	sshrl.u32 s1, $0x2  }
0xb9: {  	s3 =	sand.u32 $0x4000, s31;
	s1 =	sadd.s32 s1, s30  }
0xba: {  	s0 =	sor.u32 s3, s0;
	s1 =	sshll.u32 s1, $0x11  }
0xbb: {  	s0 =	sor.u32 s1, s0  }
0xbc: {  	s0 =	sadd.s32 $0x8F2B, s0  }
0xbd: {  	[sflag:s0] =	ssyncadd.remote.s32 $0x1  }
0xbe: {  	_ =	sfence.sel $0xFFFF  }
0xbf: {  	[dreg:$0x0] =	wrdreg $0xFFFFFFFF;
	(pc) =	sbr.abs _section_cstart, $3  }
0xc0: {  	[dreg:$0x1] =	wrdreg $0xFFFFFFFF  }
0xc1: {  	_ =	task.clear_ibuf [dreg:s6], $0x2FFFF;
	_ =	strace $0x9FFFFFFF  }
0xc2: {  	(tm) =	ssettm $0x7FFFFFFF  }
0xc3: {  	_ =	shalt  }
tec
execute0_lowered:
.L_overlay_start_1:
0x0: {  	(tag) =	ssettag $0x1  }
0x1: {  	s0 =	rddreg [dreg:$0x0]  }
0x2: {  	s1 =	rddreg [dreg:$0x1]  }
0x3: {  	s2 =	simm.s32 $0x0;
	s5 =	srdreg.scid;
	s21 =	stileid.u32  }
0x4: {  	s28 =	simm.s32 $0x100;
	s29 =	simm.s32 $0x80;
	s30 =	simm.s32 $0x180  }
0x5: {  	s31 =	simm.s32 $0x1;
	[smem:$0x7FF] =	sst s2;
	s4 =	sadd.s32 $0x19E00, s0  }
0x6: {  	s3 =	sadd.s32 $0x5600, s0;
	s11 =	sadd.s32 $0xF600, s0;
	s12 =	smul.u32 $0x280, s21  }
0x7: {  	s5 =	sand.u32 $0x1, s5;
	s6 =	sadd.s32 $0x19600, s0;
	s9 =	smul.u32 $0x50000, s21  }
0x8: {  	s0 =	sadd.s32 $0x41000, s0;
	_ =	strace $0x8000004A;
	s17 =	ssub.s32 $0x2, s5  }
0x9: {  	[dreg:$0x3] =	wrdreg s6;
	s8 =	sshll.u32 s5, $0x4;
	s7 =	sshrl.u32 s17, $0x1  }
0xa: {  	s18 =	sor.u32 s21, s8;
	s19 =	sshrl.u32 s9, $0x2;
	s14 =	sadd.s32 $0x80, s12  }
0xb: {  	s16 =	sadd.s32 $0x100, s12;
	s21 =	smul.u32 $0x2800, s21;
	s13 =	ssub.s32 s17, s7  }
0xc: {  	s10 =	smul.u32 $0x2800, s18;
	s6 =	sadd.s32 s19, s1;
	s20 =	sshll.u32 s14, $0x7  }
0xd: {  	s22 =	sshll.u32 s16, $0x7;
	s17 =	sadd.s32 $0x180, s12;
	s18 =	sadd.s32 $0x200, s12  }
0xe: {  	s7 =	sadd.s32 s20, s1;
	s8 =	sadd.s32 s22, s1;
	s20 =	smul.u32 $0x2800, s5  }
0xf: {  	s23 =	sshll.u32 s17, $0x7;
	s15 =	sshll.u32 s18, $0x7;
	s5 =	smul.u32 $0x28000, s5  }
0x10: {  	s19 =	sshrl.u32 s10, $0x3;
	s9 =	sadd.s32 s23, s1;
	s10 =	sadd.s32 s15, s1  }
0x11: {  	s24 =	sadd.s32 s3, s19;
	s25 =	sadd.s32 s11, s19;
	s26 =	sor.u32 $0x10, s19  }
0x12: {  	s12 =	sadd.s32 s12, s20;
	s22 =	sadd.s32 s20, s16;
	[dreg:$0x4] =	wrdreg s24  }
0x13: {  	s23 =	sadd.s32 s20, s17;
	s5 =	sadd.s32 s21, s5;
	[dreg:$0x5] =	wrdreg s25  }
0x14: {  	s19 =	sadd.s32 s3, s26;
	s15 =	sadd.s32 s11, s26;
	s12 =	sshll.u32 s12, $0x4  }
0x15: {  	s24 =	sshll.u32 s23, $0x4;
	s26 =	sor.u32 $0x180, s5;
	[dreg:$0x6] =	wrdreg s19  }
0x16: {  	s5 =	sor.u32 $0x100, s5;
	[dreg:$0x7] =	wrdreg s15;
	s12 =	sadd.s32 s0, s12  }
0x17: {  	s19 =	sadd.s32 s20, s14;
	s14 =	sshll.u32 s22, $0x4;
	s20 =	sadd.s32 s20, s18  }
0x18: {  	s18 =	sadd.s32 s0, s24;
	s5 =	sshrl.u32 s5, $0x3;
	[dreg:$0x8] =	wrdreg s12  }
0x19: {  	s12 =	sshll.u32 s19, $0x4;
	s17 =	sadd.s32 s0, s14;
	s25 =	sshll.u32 s20, $0x4  }
0x1a: {  	s20 =	smax.u32 s13, $0x1;
	s23 =	sadd.s32 s5, s11;
	s24 =	sadd.s32 s5, s3  }
0x1b: {  	s5 =	simm.s32 $0x3;
	s16 =	sadd.s32 s0, s12;
	s19 =	sadd.s32 s0, s25  }
0x1c: {  	s0 =	sshrl.u32 s26, $0x3;
	s25 =	simm.s32 $0x200;
	s26 =	simm.s32 $0x5  }
0x1d: {  	s12 =	simm.s32 $0x0;
	s21 =	sadd.s32 s0, s11;
	s22 =	sadd.s32 s0, s3  }
0x1e: {  	s0 =	simm.s32 $0x2;
	s3 =	simm.s32 $0x4200;
	s11 =	simm.s32 $0x4  }
.LBB2_1:
0x1f: {  	s13 =	rddreg [dreg:$0x3]  }
0x20: {  	[tilespmem:s25], [sflag:$0x5] =	stream.linear.gather [hbm4b:s13+s2], $0x4000, $0x38;
	[tilespmem:$0x1C200] =	vst v63  }
0x21: {  	_ =	swait.ge [sflag:s26], $0x4000  }
0x22: {  	[sflag:s26] =	ssyncset.done $0x0  }
0x23: {  	[sflag:s26] =	ssyncadd.s32 $0xFFFFC000  }
0x24: {  	[spmem:s6] =	stream.linear.scatter [tilespmem:s25], [sflag:$0x5], $0x4000, $0x38;
	[tilespmem:$0x1C200] =	vst v63  }
0x25: {  	_ =	swait.ge [sflag:s26], $0x4000  }
0x26: {  	[sflag:s26] =	ssyncset.done $0x0  }
0x27: {  	[sflag:s26] =	ssyncadd.s32 $0xFFFFC000  }
0x28: {  	[spmem:s7] =	stream.linear.scatter [tilespmem:s25], [sflag:$0x5], $0x4000, $0x38;
	[tilespmem:$0x1C200] =	vst v63  }
0x29: {  	_ =	swait.ge [sflag:s26], $0x4000  }
0x2a: {  	[sflag:s26] =	ssyncset.done $0x0  }
0x2b: {  	[sflag:s26] =	ssyncadd.s32 $0xFFFFC000  }
0x2c: {  	[spmem:s8] =	stream.linear.scatter [tilespmem:s25], [sflag:$0x5], $0x4000, $0x38;
	[tilespmem:$0x1C200] =	vst v63  }
0x2d: {  	_ =	swait.ge [sflag:s26], $0x4000  }
0x2e: {  	[sflag:s26] =	ssyncset.done $0x0  }
0x2f: {  	[sflag:s26] =	ssyncadd.s32 $0xFFFFC000  }
0x30: {  	[spmem:s9] =	stream.linear.scatter [tilespmem:s25], [sflag:$0x5], $0x4000, $0x38;
	[tilespmem:$0x1C200] =	vst v63  }
0x31: {  	_ =	swait.ge [sflag:s26], $0x4000  }
0x32: {  	[sflag:s26] =	ssyncset.done $0x0  }
0x33: {  	[sflag:s26] =	ssyncadd.s32 $0xFFFFC000  }
0x34: {  	[spmem:s10] =	stream.linear.scatter [tilespmem:s25], [sflag:$0x5], $0x4000, $0x38;
	[tilespmem:$0x1C200] =	vst v63  }
0x35: {  	_ =	swait.ge [sflag:s26], $0x4000  }
0x36: {  	[sflag:s26] =	ssyncset.done $0x0  }
0x37: {  	[sflag:s26] =	ssyncadd.s32 $0xFFFFC000  }
0x38: {  	[bflag:$0x0] =	sbarrier.arrive $0xFFFF  }
0x39: {  	s15 =	rddreg [dreg:$0x4]  }
0x3a: {  	[tilespmem:s2], [sflag:$0x1] =	stream.linear.gather [hbm4b:s15+s2], $0x80, $0x38;
	[tilespmem:$0x1C200] =	vst v63  }
0x3b: {  	s14 =	rddreg [dreg:$0x5]  }
0x3c: {  	[tilespmem:s28], [sflag:$0x1] =	stream.linear.gather [hbm4b:s14+s2], $0x80, $0x38;
	[tilespmem:$0x1C200] =	vst v63  }
0x3d: {  	s15 =	rddreg [dreg:$0x6]  }
0x3e: {  	[tilespmem:s29], [sflag:$0x2] =	stream.linear.gather [hbm4b:s15+s2], $0x80, $0x38;
	[tilespmem:$0x1C200] =	vst v63  }
0x3f: {  	s14 =	rddreg [dreg:$0x7]  }
0x40: {  	[tilespmem:s30], [sflag:$0x2] =	stream.linear.gather [hbm4b:s14+s2], $0x80, $0x38;
	[tilespmem:$0x1C200] =	vst v63  }
0x41: {  	_ =	swait.ge [sflag:s31], $0x80  }
0x42: {  	[sflag:s31] =	ssyncset.done $0x0  }
0x43: {  	[sflag:s31] =	ssyncadd.s32 $0xFFFFFF80  }
0x44: {  	_ =	swait.ge [sflag:s31], $0x80  }
0x45: {  	[sflag:s31] =	ssyncset.done $0x0  }
0x46: {  	[sflag:s31] =	ssyncadd.s32 $0xFFFFFF80  }
0x47: {  	[tilespmem:s25], [sflag:$0x3] =	stream.indirect.gather [hbm4b:s4+s29], $0x80, s2, s29, $0xb8;
	[tilespmem:$0x1C200] =	vst v63  }
0x48: {  	_ =	swait.ge [sflag:s0], $0x80  }
0x49: {  	[sflag:s0] =	ssyncset.done $0x0  }
0x4a: {  	[sflag:s0] =	ssyncadd.s32 $0xFFFFFF80  }
0x4b: {  	_ =	swait.ge [sflag:s0], $0x80  }
0x4c: {  	[sflag:s0] =	ssyncset.done $0x0  }
0x4d: {  	[sflag:s0] =	ssyncadd.s32 $0xFFFFFF80  }
0x4e: {  	[tilespmem:s3], [sflag:$0x4] =	stream.indirect.gather [hbm4b:s4+s29], $0x80, s29, s29, $0xb8;
	[tilespmem:$0x1C200] =	vst v63  }
0x4f: {  	_ =	swait.ge [sflag:s5], $0x4000  }
0x50: {  	[sflag:s5] =	ssyncset.done $0x0  }
0x51: {  	[sflag:s5] =	ssyncadd.s32 $0xFFFFC000  }
0x52: {  	[spmem:s1] =	stream.indirect.scatter.add.f32 [tilespmem:s25], [sflag:$0x5], $0x80, s28, s29, $0xb8;
	[tilespmem:$0x1C200] =	vst v63  }
0x53: {  	_ =	swait.ge [sflag:s26], $0x4000  }
0x54: {  	[sflag:s26] =	ssyncset.done $0x0  }
0x55: {  	s15 =	sadd.s32 $0x0, s24;
	[sflag:s26] =	ssyncadd.s32 $0xFFFFC000  }
0x56: {  	[tilespmem:s2], [sflag:$0x1] =	stream.linear.gather [hbm4b:s15+s2], $0x80, $0x38;
	[tilespmem:$0x1C200] =	vst v63  }
0x57: {  	s14 =	sadd.s32 $0x0, s23  }
0x58: {  	[tilespmem:s28], [sflag:$0x1] =	stream.linear.gather [hbm4b:s14+s2], $0x80, $0x38;
	[tilespmem:$0x1C200] =	vst v63  }
0x59: {  	_ =	swait.ge [sflag:s31], $0x80  }
0x5a: {  	[sflag:s31] =	ssyncset.done $0x0  }
0x5b: {  	[sflag:s31] =	ssyncadd.s32 $0xFFFFFF80  }
0x5c: {  	_ =	swait.ge [sflag:s31], $0x80  }
0x5d: {  	[sflag:s31] =	ssyncset.done $0x0  }
0x5e: {  	[sflag:s31] =	ssyncadd.s32 $0xFFFFFF80  }
0x5f: {  	[tilespmem:s25], [sflag:$0x3] =	stream.indirect.gather [hbm4b:s4+s29], $0x80, s2, s29, $0xb8;
	[tilespmem:$0x1C200] =	vst v63  }
0x60: {  	_ =	swait.ge [sflag:s11], $0x4000  }
0x61: {  	[sflag:s11] =	ssyncset.done $0x0  }
0x62: {  	[sflag:s11] =	ssyncadd.s32 $0xFFFFC000  }
0x63: {  	[spmem:s1] =	stream.indirect.scatter.add.f32 [tilespmem:s3], [sflag:$0x5], $0x80, s30, s29, $0xb8;
	[tilespmem:$0x1C200] =	vst v63  }
0x64: {  	_ =	swait.ge [sflag:s26], $0x4000  }
0x65: {  	s13 =	simm.s32 $0x20;
	[sflag:s26] =	ssyncset.done $0x0  }
0x66: {  	s15 =	sadd.s32 $0x0, s22;
	s14 =	sadd.s32 $0x0, s21;
	[sflag:s26] =	ssyncadd.s32 $0xFFFFC000  }
0x67: {  	[tilespmem:s29], [sflag:$0x2] =	stream.linear.gather [hbm4b:s15+s2], $0x80, $0x38;
	[tilespmem:$0x1C200] =	vst v63  }
.LBB2_2:
0x68: {  	[tilespmem:s30], [sflag:$0x2] =	stream.linear.gather [hbm4b:s14+s2], $0x80, $0x38;
	[tilespmem:$0x1C200] =	vst v63  }
0x69: {  	s14 =	smov.u32 s13  }
0x6a: {  	p0 =	sne.s32 s13, $0x4C0;
	s13 =	sadd.s32 $0x20, s13;
	_ =	swait.ge [sflag:s0], $0x80  }
0x6b: {  	[sflag:s0] =	ssyncset.done $0x0  }
0x6c: {  	[sflag:s0] =	ssyncadd.s32 $0xFFFFFF80  }
0x6d: {  	_ =	swait.ge [sflag:s0], $0x80  }
0x6e: {  	[sflag:s0] =	ssyncset.done $0x0  }
0x6f: {  	[sflag:s0] =	ssyncadd.s32 $0xFFFFFF80  }
0x70: {  	[tilespmem:s3], [sflag:$0x4] =	stream.indirect.gather [hbm4b:s4+s29], $0x80, s29, s29, $0xb8;
	[tilespmem:$0x1C200] =	vst v63  }
0x71: {  	_ =	swait.ge [sflag:s5], $0x4000  }
0x72: {  	[sflag:s5] =	ssyncset.done $0x0  }
0x73: {  	[sflag:s5] =	ssyncadd.s32 $0xFFFFC000  }
0x74: {  	[spmem:s1] =	stream.indirect.scatter.add.f32 [tilespmem:s25], [sflag:$0x5], $0x80, s28, s29, $0xb8;
	[tilespmem:$0x1C200] =	vst v63  }
0x75: {  	_ =	swait.ge [sflag:s26], $0x4000  }
0x76: {  	[sflag:s26] =	ssyncset.done $0x0  }
0x77: {  	s15 =	sadd.s32 s14, s24;
	[sflag:s26] =	ssyncadd.s32 $0xFFFFC000  }
0x78: {  	[tilespmem:s2], [sflag:$0x1] =	stream.linear.gather [hbm4b:s15+s2], $0x80, $0x38;
	[tilespmem:$0x1C200] =	vst v63  }
0x79: {  	s15 =	sadd.s32 s14, s23  }
0x7a: {  	[tilespmem:s28], [sflag:$0x1] =	stream.linear.gather [hbm4b:s15+s2], $0x80, $0x38;
	[tilespmem:$0x1C200] =	vst v63  }
0x7b: {  	_ =	swait.ge [sflag:s31], $0x80  }
0x7c: {  	[sflag:s31] =	ssyncset.done $0x0  }
0x7d: {  	[sflag:s31] =	ssyncadd.s32 $0xFFFFFF80  }
0x7e: {  	_ =	swait.ge [sflag:s31], $0x80  }
0x7f: {  	[sflag:s31] =	ssyncset.done $0x0  }
0x80: {  	[sflag:s31] =	ssyncadd.s32 $0xFFFFFF80  }
0x81: {  	[tilespmem:s25], [sflag:$0x3] =	stream.indirect.gather [hbm4b:s4+s29], $0x80, s2, s29, $0xb8;
	[tilespmem:$0x1C200] =	vst v63  }
0x82: {  	_ =	swait.ge [sflag:s11], $0x4000  }
0x83: {  	[sflag:s11] =	ssyncset.done $0x0  }
0x84: {  	[sflag:s11] =	ssyncadd.s32 $0xFFFFC000  }
0x85: {  	[spmem:s1] =	stream.indirect.scatter.add.f32 [tilespmem:s3], [sflag:$0x5], $0x80, s30, s29, $0xb8;
	[tilespmem:$0x1C200] =	vst v63  }
.Ltmp0:
0x86: {  	_ =	swait.ge [sflag:s26], $0x4000;
	(pc) =	sbr.rel @p0 .LBB2_2-.Ltmp0, $4  }
0x87: {  	[sflag:s26] =	ssyncset.done $0x0  }
0x88: {  	s15 =	sadd.s32 s14, s22;
	[sflag:s26] =	ssyncadd.s32 $0xFFFFC000  }
0x89: {  	[tilespmem:s29], [sflag:$0x2] =	stream.linear.gather [hbm4b:s15+s2], $0x80, $0x38;
	[tilespmem:$0x1C200] =	vst v63  }
0x8a: {  	s14 =	sadd.s32 s14, s21  }
0x8b: {  	[tilespmem:s30], [sflag:$0x2] =	stream.linear.gather [hbm4b:s14+s2], $0x80, $0x38;
	[tilespmem:$0x1C200] =	vst v63  }
0x8c: {  	_ =	swait.ge [sflag:s0], $0x80  }
0x8d: {  	[sflag:s0] =	ssyncset.done $0x0  }
0x8e: {  	[sflag:s0] =	ssyncadd.s32 $0xFFFFFF80  }
0x8f: {  	_ =	swait.ge [sflag:s0], $0x80  }
0x90: {  	[sflag:s0] =	ssyncset.done $0x0  }
0x91: {  	[sflag:s0] =	ssyncadd.s32 $0xFFFFFF80  }
0x92: {  	[tilespmem:s3], [sflag:$0x4] =	stream.indirect.gather [hbm4b:s4+s29], $0x80, s29, s29, $0xb8;
	[tilespmem:$0x1C200] =	vst v63  }
0x93: {  	_ =	swait.ge [sflag:s5], $0x4000  }
0x94: {  	[sflag:s5] =	ssyncset.done $0x0  }
0x95: {  	[sflag:s5] =	ssyncadd.s32 $0xFFFFC000  }
0x96: {  	[spmem:s1] =	stream.indirect.scatter.add.f32 [tilespmem:s25], [sflag:$0x5], $0x80, s28, s29, $0xb8;
	[tilespmem:$0x1C200] =	vst v63  }
0x97: {  	_ =	swait.ge [sflag:s26], $0x4000  }
0x98: {  	[sflag:s26] =	ssyncset.done $0x0  }
0x99: {  	[sflag:s26] =	ssyncadd.s32 $0xFFFFC000  }
0x9a: {  	_ =	swait.ge [sflag:s11], $0x4000  }
0x9b: {  	[sflag:s11] =	ssyncset.done $0x0  }
0x9c: {  	[sflag:s11] =	ssyncadd.s32 $0xFFFFC000  }
0x9d: {  	[spmem:s1] =	stream.indirect.scatter.add.f32 [tilespmem:s3], [sflag:$0x5], $0x80, s30, s29, $0xb8;
	[tilespmem:$0x1C200] =	vst v63  }
0x9e: {  	_ =	swait.ge [sflag:s26], $0x4000  }
0x9f: {  	[sflag:s26] =	ssyncset.done $0x0  }
0xa0: {  	[sflag:s26] =	ssyncadd.s32 $0xFFFFC000  }
0xa1: {  	[bflag:$0x0] =	sbarrier.arrive $0xFFFF  }
0xa2: {  	[tilespmem:s25], [sflag:$0x5] =	stream.linear.gather [spmem:s6], $0x4000, $0x38;
	[tilespmem:$0x1C200] =	vst v63  }
0xa3: {  	_ =	swait.ge [sflag:s26], $0x4000  }
0xa4: {  	[sflag:s26] =	ssyncset.done $0x0  }
0xa5: {  	s13 =	rddreg [dreg:$0x8];
	[sflag:s26] =	ssyncadd.s32 $0xFFFFC000  }
0xa6: {  	[hbm4b:s13+s2] =	stream.linear.scatter [tilespmem:s25], [sflag:$0x5], $0x4000, $0x38;
	[tilespmem:$0x1C200] =	vst v63  }
0xa7: {  	_ =	swait.ge [sflag:s26], $0x4000  }
0xa8: {  	[sflag:s26] =	ssyncset.done $0x0  }
0xa9: {  	[sflag:s26] =	ssyncadd.s32 $0xFFFFC000  }
0xaa: {  	[tilespmem:s25], [sflag:$0x5] =	stream.linear.gather [spmem:s7], $0x4000, $0x38;
	[tilespmem:$0x1C200] =	vst v63  }
0xab: {  	_ =	swait.ge [sflag:s26], $0x4000  }
0xac: {  	[sflag:s26] =	ssyncset.done $0x0  }
0xad: {  	[sflag:s26] =	ssyncadd.s32 $0xFFFFC000  }
0xae: {  	[hbm4b:s16+s2] =	stream.linear.scatter [tilespmem:s25], [sflag:$0x5], $0x4000, $0x38;
	[tilespmem:$0x1C200] =	vst v63  }
0xaf: {  	_ =	swait.ge [sflag:s26], $0x4000  }
0xb0: {  	[sflag:s26] =	ssyncset.done $0x0  }
0xb1: {  	[sflag:s26] =	ssyncadd.s32 $0xFFFFC000  }
0xb2: {  	[tilespmem:s25], [sflag:$0x5] =	stream.linear.gather [spmem:s8], $0x4000, $0x38;
	[tilespmem:$0x1C200] =	vst v63  }
0xb3: {  	_ =	swait.ge [sflag:s26], $0x4000  }
0xb4: {  	[sflag:s26] =	ssyncset.done $0x0  }
0xb5: {  	[sflag:s26] =	ssyncadd.s32 $0xFFFFC000  }
0xb6: {  	[hbm4b:s17+s2] =	stream.linear.scatter [tilespmem:s25], [sflag:$0x5], $0x4000, $0x38;
	[tilespmem:$0x1C200] =	vst v63  }
0xb7: {  	_ =	swait.ge [sflag:s26], $0x4000  }
0xb8: {  	[sflag:s26] =	ssyncset.done $0x0  }
0xb9: {  	[sflag:s26] =	ssyncadd.s32 $0xFFFFC000  }
0xba: {  	[tilespmem:s25], [sflag:$0x5] =	stream.linear.gather [spmem:s9], $0x4000, $0x38;
	[tilespmem:$0x1C200] =	vst v63  }
0xbb: {  	_ =	swait.ge [sflag:s26], $0x4000  }
0xbc: {  	[sflag:s26] =	ssyncset.done $0x0  }
0xbd: {  	[sflag:s26] =	ssyncadd.s32 $0xFFFFC000  }
0xbe: {  	[hbm4b:s18+s2] =	stream.linear.scatter [tilespmem:s25], [sflag:$0x5], $0x4000, $0x38;
	[tilespmem:$0x1C200] =	vst v63  }
0xbf: {  	_ =	swait.ge [sflag:s26], $0x4000  }
0xc0: {  	[sflag:s26] =	ssyncset.done $0x0  }
0xc1: {  	[sflag:s26] =	ssyncadd.s32 $0xFFFFC000  }
0xc2: {  	[tilespmem:s25], [sflag:$0x5] =	stream.linear.gather [spmem:s10], $0x4000, $0x38;
	[tilespmem:$0x1C200] =	vst v63  }
0xc3: {  	s12 =	sadd.s32 $0x1, s12;
	_ =	swait.ge [sflag:s26], $0x4000  }
0xc4: {  	p0 =	sne.s32 s12, s20;
	[sflag:s26] =	ssyncset.done $0x0  }
.Ltmp1:
0xc5: {  	[sflag:s26] =	ssyncadd.s32 $0xFFFFC000;
	(pc) =	sbr.rel @p0 .LBB2_1-.Ltmp1, $4  }
0xc6: {  	[hbm4b:s19+s2] =	stream.linear.scatter [tilespmem:s25], [sflag:$0x5], $0x4000, $0x38;
	[tilespmem:$0x1C200] =	vst v63  }
0xc7: {  	_ =	swait.ge [sflag:s26], $0x4000  }
0xc8: {  	[sflag:s26] =	ssyncset.done $0x0  }
0xc9: {  	[sflag:s26] =	ssyncadd.s32 $0xFFFFC000  }
0xca: {  	_ =	sfence.sel $0x180000  }
0xcb: {  	[bflag:$0x0] =	sbarrier.arrive $0xFFFF  }
0xcc: {  	_ =	strace $0x9000004A  }
0xcd: {  	s0 =	stileid.u32;
	[bflag:$0x2] =	sbarrier.arrive $0xFFFF  }
0xce: {  	p0 =	sne.s32 s0, $0x0;
	s0 =	rddreg [dreg:$0x2]  }
0xcf: {  	s0 =	sadd.s32 @!p0 $0x100000, s0  }
0xd0: {  	[sflag:s0] =	ssyncadd.tile.s32 @!p0 $0x1;
	_ =	shalt  }
.Lfunc_end2:
_tile_overlayer_lowered:
.L_overlay_start_2:
0xd1: {  	(tag) =	ssettag $0x2  }
0xd2: {  	s0 =	rddreg [dreg:$0x0];
	s2 =	stileid.u32  }
0xd3: {  	s1 =	rddreg [dreg:$0x1];
	p0 =	sne.s32 s2, $0x0  }
0xd4: {  	s3 =	rddreg [dreg:$0x2];
	[bflag:$0x3] =	sbarrier.arrive $0xFFFF;
	s2 =	simm.s32 @!p0 $0x1C05  }
0xd5: {  	[timem:s3], [sflag:s2] =	dma.local @!p0 [hbm:s0], s1  }
0xd6: {  	s0 =	simm.s32 @!p0 $0x5  }
0xd7: {  	_ =	swait.ge @!p0 [sflag:s0], s1  }
0xd8: {  	s1 =	ssub.s32 @!p0 $0x0, s1;
	[sflag:s0] =	ssyncset.done @!p0 $0x0  }
0xd9: {  	[sflag:s0] =	ssyncadd.s32 @!p0 s1  }
0xda: {  	[bflag:$0x3] =	sbarrier.arrive $0xFFFF  }
0xdb: {  	_ =	shalt  }

// kernel: kernel.17.cloned.1.call-start
scs
__scs_entry_jumppad:
0x0: {  	(pc) =	sbr.rel $0x88, $3  }
0x1: {  	(tag) =	ssettag $0x0;
	lr =	simm.s32 $0x1  }
0x2: {  	[smem:$0x3F97] =	sst lr;
	_ =	strace $0xD0000000  }
0x3: {  	_ = 	snop  }
0x4: {  	_ = 	snop  }
0x5: {  	_ = 	snop  }
0x6: {  	_ = 	snop  }
0x7: {  	_ = 	snop  }
__scs_overlays_trampoline_lowered:
0x8: {  	[smem:$0x3FA6] =	sst s0  }
0x9: {  	[smem:$0x3FA7] =	sst s1  }
0xa: {  	[smem:$0x3FA8] =	sst s2  }
0xb: {  	[smem:$0x3FA9] =	sst s3  }
0xc: {  	[smem:$0x3FAA] =	sst s4  }
0xd: {  	[smem:$0x3FAB] =	sst s5  }
0xe: {  	[smem:$0x3FAC] =	sst s6  }
0xf: {  	[smem:$0x3FAD] =	sst s7  }
0x10: {  	[smem:$0x3FAE] =	sst s8  }
0x11: {  	[smem:$0x3FAF] =	sst s9;
	s0 =	simm.s32 @!p0 $0x0  }
0x12: {  	s1 =	sld [smem:$0x3F95];
	s0 =	simm.s32 @p0 $0x1  }
0x13: {  	[smem:$0x3FB0] =	sst s0;
	s0 =	simm.s32 @!p1 $0x0  }
0x14: {  	s2 =	sld [smem:$0x3F94];
	s0 =	simm.s32 @p1 $0x1  }
0x15: {  	[smem:$0x3FB1] =	sst s0;
	s0 =	simm.s32 @!p2 $0x0  }
0x16: {  	s3 =	sld [smem:$0x3FDB];
	s0 =	simm.s32 @p2 $0x1  }
0x17: {  	s4 =	simm.s32 $0x1BF5;
	[smem:$0x3FB3] =	sst s0  }
0x18: {  	s0 =	sld [smem:$0x3F96];
	_ =	swait.ge [sflag:s4], $0x0  }
0x19: {  	s7 =	sld [smem:$0x3F97]  }
0x1a: {  	s8 =	sadd.s32 $0xFFFFE003, lr  }
0x1b: {  	s9 =	sadd.s32 $0xFFFFFEF7, lr;
	s5 =	simm.s32 $0xFFFFFFFF;
	p2 =	slt.u32 s8, $0xFFFFF086  }
0x1c: {  	p1 =	slt.u32 s9, $0xF7A;
	s5 =	simm.s32 @!p2 $0x0  }
0x1d: {  	s5 =	simm.s32 @p1 $0x1;
	p0 =	seq.s32 s7, s2  }
0x1e: {  	s7 =	smul.u32 @!p0 $0xF7A, s2;
	p2 =	seq.s32 @!p0 s5, $0x0  }
0x1f: {  	s9 =	smul.u32 $0xF7A, s1;
	s8 =	simm.s32 @!p0 $0x1BF5;
	p2 =	por !p2, p0  }
0x20: {  	[sflag:s8] =	ssyncset.s32 @!p0 $0xFFFFF086;
	s6 =	sadd.s32 @!p0 s3, s7;
	s7 =	simm.s32 @!p0 $0x108  }
0x21: {  	s3 =	sadd.s32 s3, s9;
	s6 =	sadd.s32 @!p0 $0x88, s6;
	s7 =	simm.s32 @p2 $0x1082  }
0x22: {  	[simem:s7], [sflag:s8] =	dma.local @!p0 [hbm:s6], $0xF7A  }
0x23: {  	s9 =	sor.u32 $0xD0000000, s2;
	s6 =	simm.s32 $0x108;
	_ =	swait.ge @!p0 [sflag:s8], $0x0  }
0x24: {  	s3 =	sadd.s32 $0x88, s3;
	s6 =	simm.s32 @!p1 $0x1082;
	[sflag:s4] =	ssyncset.s32 $0xFFFFF086  }
0x25: {  	[simem:s6], [sflag:s4] =	dma.local [hbm:s3], $0xF7A  }
0x26: {  	[smem:$0x3F97] =	sst s1;
	(tag) =	ssettag s2;
	_ =	strace s9  }
0x27: {  	s1 =	sld [smem:$0x3FA7]  }
0x28: {  	s2 =	sld [smem:$0x3FA8]  }
0x29: {  	s4 =	sld [smem:$0x3FAA]  }
0x2a: {  	p0 =	seq.s32 s5, $0x0;
	s5 =	sld [smem:$0x3FAB]  }
0x2b: {  	s6 =	sld [smem:$0x3FAC]  }
0x2c: {  	s7 =	sld [smem:$0x3FAD]  }
0x2d: {  	s3 =	simm.s32 $0x108;
	s8 =	sld [smem:$0x3FAE]  }
0x2e: {  	s3 =	simm.s32 @!p0 $0x1082;
	s9 =	sld [smem:$0x3FAF]  }
0x2f: {  	lr =	sadd.s32 s0, s3;
	s0 =	sld [smem:$0x3FA6]  }
0x30: {  	s3 =	sld [smem:$0x3FA9]  }
0x31: {  	[smem:$0x3FB2] =	sst s10  }
0x32: {  	s10 =	sld [smem:$0x3FB0];
	_ =	sdelay $0x3  }
0x33: {  	p0 =	seq.s32 s10, $0x1;
	s10 =	sld [smem:$0x3FB2];
	_ =	sdelay $0x3  }
0x34: {  	[smem:$0x3FB2] =	sst s10  }
0x35: {  	s10 =	sld [smem:$0x3FB1];
	_ =	sdelay $0x3  }
0x36: {  	p1 =	seq.s32 s10, $0x1;
	s10 =	sld [smem:$0x3FB2];
	_ =	sdelay $0x3  }
0x37: {  	[smem:$0x3FB2] =	sst s10  }
0x38: {  	s10 =	sld [smem:$0x3FB3]  }
0x39: {  	_ = 	snop;
	(pc) =	sbr.ind lr, $3  }
0x3a: {  	_ = 	snop  }
0x3b: {  	_ = 	snop  }
0x3c: {  	p2 =	seq.s32 s10, $0x1;
	s10 =	sld [smem:$0x3FB2]  }
0x3d: {  	_ =	shalt  }
0x3e: {  	_ =	shalt  }
0x3f: {  	_ =	shalt  }
0x40: {  	_ =	shalt  }
0x41: {  	_ =	shalt  }
0x42: {  	_ =	shalt  }
0x43: {  	_ =	shalt  }
0x44: {  	_ =	shalt  }
0x45: {  	_ =	shalt  }
0x46: {  	_ =	shalt  }
0x47: {  	_ =	shalt  }
0x48: {  	_ =	shalt  }
0x49: {  	_ =	shalt  }
0x4a: {  	_ =	shalt  }
0x4b: {  	_ =	shalt  }
0x4c: {  	_ =	shalt  }
0x4d: {  	_ =	shalt  }
0x4e: {  	_ =	shalt  }
0x4f: {  	_ =	shalt  }
0x50: {  	_ =	shalt  }
0x51: {  	_ =	shalt  }
0x52: {  	_ =	shalt  }
0x53: {  	_ =	shalt  }
0x54: {  	_ =	shalt  }
0x55: {  	_ =	shalt  }
0x56: {  	_ =	shalt  }
0x57: {  	_ =	shalt  }
0x58: {  	_ =	shalt  }
0x59: {  	_ =	shalt  }
0x5a: {  	_ =	shalt  }
0x5b: {  	_ =	shalt  }
0x5c: {  	_ =	shalt  }
0x5d: {  	_ =	shalt  }
0x5e: {  	_ =	shalt  }
0x5f: {  	_ =	shalt  }
0x60: {  	_ =	shalt  }
0x61: {  	_ =	shalt  }
0x62: {  	_ =	shalt  }
0x63: {  	_ =	shalt  }
0x64: {  	_ =	shalt  }
0x65: {  	_ =	shalt  }
0x66: {  	_ =	shalt  }
0x67: {  	_ =	shalt  }
0x68: {  	_ =	shalt  }
0x69: {  	_ =	shalt  }
0x6a: {  	_ =	shalt  }
0x6b: {  	_ =	shalt  }
0x6c: {  	_ =	shalt  }
0x6d: {  	_ =	shalt  }
0x6e: {  	_ =	shalt  }
0x6f: {  	_ =	shalt  }
0x70: {  	_ =	shalt  }
0x71: {  	_ =	shalt  }
0x72: {  	_ =	shalt  }
0x73: {  	_ =	shalt  }
0x74: {  	_ =	shalt  }
0x75: {  	_ =	shalt  }
0x76: {  	_ =	shalt  }
0x77: {  	_ =	shalt  }
0x78: {  	_ =	shalt  }
0x79: {  	_ =	shalt  }
0x7a: {  	_ =	shalt  }
0x7b: {  	_ =	shalt  }
0x7c: {  	_ =	shalt  }
0x7d: {  	_ =	shalt  }
0x7e: {  	_ =	shalt  }
0x7f: {  	_ =	shalt  }
0x80: {  	_ =	shalt  }
0x81: {  	_ =	shalt  }
0x82: {  	_ =	shalt  }
0x83: {  	_ =	shalt  }
0x84: {  	_ =	shalt  }
0x85: {  	_ =	shalt  }
0x86: {  	_ =	shalt  }
0x87: {  	_ =	shalt  }
.Lfunc_end0:
.L_simem_size_0:
called_computation.2_lowered:
.L_overlay_start_0:
0x88: {  	s2 =	sld [smem:$0x3FD9]  }
0x89: {  	s3 =	sld [smem:$0x3FFE];
	_ =	sdelay $0x1  }
0x8a: {  	s1 =	srdreg.scid  }
0x8b: {  	s0 =	sand.u32 $0x1, s1  }
0x8c: {  	s16 =	sshll.u32 s0, $0xA;
	s2 =	sadd.s32 s3, s2  }
0x8d: {  	s2 =	sadd.s32 s2, s16  }
0x8e: {  	[smem:$0x3FBE] =	sst s2  }
0x8f: {  	_ = 	snop  }
0x90: {  	(tm) =	ssettm $0x1  }
0x91: {  	s17 =	sld [smem:$0x3FFB];
	_ =	sdelay $0x3  }
0x92: {  	_ =	strace s17  }
0x93: {  	s2 =	sld [smem:$0x3FFC];
	_ =	sdelay $0x3  }
0x94: {  	_ =	strace s2  }
0x95: {  	s2 =	sld [smem:$0x3FFD];
	_ =	sdelay $0x3  }
0x96: {  	_ =	strace s2  }
0x97: {  	_ =	strace $0x8FFFFFFF  }
0x98: {  	s18 =	sld [smem:$0x3FDB];
	_ =	sdelay $0x1  }
0x99: {  	s19 =	simm.s32 $_scs_section_size  }
0x9a: {  	s4 =	simm.s32 $_size__tile_overlayer_lowered;
	s5 =	simm.s32 $_tile_overlayer_lowered  }
0x9b: {  	s22 =	simm.s32 $0x1BFF;
	s21 =	sshll.u32 s5, $0x1;
	s2 =	sadd.s32 s19, s18  }
0x9c: {  	s6 =	simm.s32 $0x0;
	s20 =	sshll.u32 s4, $0x1;
	s4 =	sadd.s32 s21, s2  }
0x9d: {  	[timem:s6], [sflag:s22] =	dma.local [hbm:s4], s20  }
0x9e: {  	_ =	swait.ge [sflag:s22], s20  }
0x9f: {  	s3 =	ssub.s32 $0x0, s20;
	[sflag:s22] =	ssyncset.done $0x0  }
0xa0: {  	[sflag:s22] =	ssyncadd.s32 s3;
	_ =	sdelay $0x1  }
0xa1: {  	s23 =	simm.s32 $0x1B8B  }
0xa2: {  	_ =	swait.ge [sflag:s23], $0x1  }
0xa3: {  	[sflag:s23] =	ssyncset.done $0x0  }
0xa4: {  	s25 =	simm.s32 $0x1B8E;
	s24 =	sld [smem:$0x3FFE];
	[sflag:s23] =	ssyncadd.s32 $0xFFFFFFFF  }
0xa5: {  	s26 =	simm.s32 $execute0_lowered;
	[smem:$0x3FD2] =	sst s25  }
0xa6: {  	s4 =	sshll.u32 s26, $0x1;
	_ =	strace $0x8000004C;
	[dreg:$0x1] =	wrdreg $0xFFFFFFFF  }
0xa7: {  	s28 =	simm.s32 $_size_execute0_lowered;
	s2 =	sadd.s32 s2, s4;
	[dreg:$0x0] =	wrdreg $0x0  }
0xa8: {  	s4 =	sshll.u32 s28, $0x1;
	[dreg:$0x2] =	wrdreg s2  }
0xa9: {  	[dreg:$0x3] =	wrdreg s4  }
0xaa: {  	[dreg:$0x4] =	wrdreg $0xC0  }
0xab: {  	_ =	task [dreg:s6], $0x5FFFF  }
0xac: {  	[dreg:$0x1] =	wrdreg $0xFFFFFFFF  }
0xad: {  	[dreg:$0x0] =	wrdreg $0x60  }
0xae: {  	[dreg:$0x2] =	wrdreg s24  }
0xaf: {  	[dreg:$0x3] =	wrdreg $0x82000  }
0xb0: {  	[dreg:$0x4] =	wrdreg $0x9  }
0xb1: {  	_ =	task.clear_ibuf [dreg:s6], $0x5FFFF;
	_ =	strace $0x9000004C  }
0xb2: {  	s29 =	simm.s32 $0x9;
	_ =	strace $0x8000004E  }
0xb3: {  	_ =	swait.ge [sflag:s29], $0x1  }
0xb4: {  	[sflag:s29] =	ssyncadd.s32 $0xFFFFFFFF  }
0xb5: {  	_ =	strace $0x9000004E  }
0xb6: {  	_ =	sfence  }
0xb7: {  	s30 =	sld [smem:$0x0];
	_ =	sdelay $0x2  }
0xb8: {  	s31 =	sshll.u32 s1, $0xD;
	s1 =	sshrl.u32 s1, $0x2  }
0xb9: {  	s3 =	sand.u32 $0x4000, s31;
	s1 =	sadd.s32 s1, s30  }
0xba: {  	s0 =	sor.u32 s3, s0;
	s1 =	sshll.u32 s1, $0x11  }
0xbb: {  	s0 =	sor.u32 s1, s0  }
0xbc: {  	s0 =	sadd.s32 $0x8F2B, s0  }
0xbd: {  	[sflag:s0] =	ssyncadd.remote.s32 $0x1  }
0xbe: {  	_ =	sfence.sel $0xFFFF  }
0xbf: {  	[dreg:$0x0] =	wrdreg $0xFFFFFFFF;
	(pc) =	sbr.abs _section_cstart, $3  }
0xc0: {  	[dreg:$0x1] =	wrdreg $0xFFFFFFFF  }
0xc1: {  	_ =	task.clear_ibuf [dreg:s6], $0x2FFFF;
	_ =	strace $0x9FFFFFFF  }
0xc2: {  	(tm) =	ssettm $0x7FFFFFFF  }
0xc3: {  	_ =	shalt  }
tec
execute0_lowered:
.L_overlay_start_1:
0x0: {  	(tag) =	ssettag $0x1  }
0x1: {  	s0 =	rddreg [dreg:$0x0]  }
0x2: {  	s1 =	rddreg [dreg:$0x1]  }
0x3: {  	s2 =	simm.s32 $0x0;
	s5 =	srdreg.scid;
	s21 =	stileid.u32  }
0x4: {  	s28 =	simm.s32 $0x100;
	s29 =	simm.s32 $0x80;
	s30 =	simm.s32 $0x180  }
0x5: {  	s31 =	simm.s32 $0x1;
	[smem:$0x7FF] =	sst s2;
	s4 =	sadd.s32 $0x19E00, s0  }
0x6: {  	s3 =	sadd.s32 $0x5600, s0;
	s11 =	sadd.s32 $0xF600, s0;
	s12 =	smul.u32 $0x280, s21  }
0x7: {  	s5 =	sand.u32 $0x1, s5;
	s6 =	sadd.s32 $0x19600, s0;
	s9 =	smul.u32 $0x50000, s21  }
0x8: {  	s0 =	sadd.s32 $0x41000, s0;
	_ =	strace $0x8000004D;
	s17 =	ssub.s32 $0x2, s5  }
0x9: {  	[dreg:$0x3] =	wrdreg s6;
	s8 =	sshll.u32 s5, $0x4;
	s7 =	sshrl.u32 s17, $0x1  }
0xa: {  	s18 =	sor.u32 s21, s8;
	s19 =	sshrl.u32 s9, $0x2;
	s14 =	sadd.s32 $0x80, s12  }
0xb: {  	s16 =	sadd.s32 $0x100, s12;
	s21 =	smul.u32 $0x2800, s21;
	s13 =	ssub.s32 s17, s7  }
0xc: {  	s10 =	smul.u32 $0x2800, s18;
	s6 =	sadd.s32 s19, s1;
	s20 =	sshll.u32 s14, $0x7  }
0xd: {  	s22 =	sshll.u32 s16, $0x7;
	s17 =	sadd.s32 $0x180, s12;
	s18 =	sadd.s32 $0x200, s12  }
0xe: {  	s7 =	sadd.s32 s20, s1;
	s8 =	sadd.s32 s22, s1;
	s20 =	smul.u32 $0x2800, s5  }
0xf: {  	s23 =	sshll.u32 s17, $0x7;
	s15 =	sshll.u32 s18, $0x7;
	s5 =	smul.u32 $0x28000, s5  }
0x10: {  	s19 =	sshrl.u32 s10, $0x3;
	s9 =	sadd.s32 s23, s1;
	s10 =	sadd.s32 s15, s1  }
0x11: {  	s24 =	sadd.s32 s3, s19;
	s25 =	sadd.s32 s11, s19;
	s26 =	sor.u32 $0x10, s19  }
0x12: {  	s12 =	sadd.s32 s12, s20;
	s22 =	sadd.s32 s20, s16;
	[dreg:$0x4] =	wrdreg s24  }
0x13: {  	s23 =	sadd.s32 s20, s17;
	s5 =	sadd.s32 s21, s5;
	[dreg:$0x5] =	wrdreg s25  }
0x14: {  	s19 =	sadd.s32 s3, s26;
	s15 =	sadd.s32 s11, s26;
	s12 =	sshll.u32 s12, $0x4  }
0x15: {  	s24 =	sshll.u32 s23, $0x4;
	s26 =	sor.u32 $0x180, s5;
	[dreg:$0x6] =	wrdreg s19  }
0x16: {  	s5 =	sor.u32 $0x100, s5;
	[dreg:$0x7] =	wrdreg s15;
	s12 =	sadd.s32 s0, s12  }
0x17: {  	s19 =	sadd.s32 s20, s14;
	s14 =	sshll.u32 s22, $0x4;
	s20 =	sadd.s32 s20, s18  }
0x18: {  	s18 =	sadd.s32 s0, s24;
	s5 =	sshrl.u32 s5, $0x3;
	[dreg:$0x8] =	wrdreg s12  }
0x19: {  	s12 =	sshll.u32 s19, $0x4;
	s17 =	sadd.s32 s0, s14;
	s25 =	sshll.u32 s20, $0x4  }
0x1a: {  	s20 =	smax.u32 s13, $0x1;
	s23 =	sadd.s32 s5, s11;
	s24 =	sadd.s32 s5, s3  }
0x1b: {  	s5 =	simm.s32 $0x3;
	s16 =	sadd.s32 s0, s12;
	s19 =	sadd.s32 s0, s25  }
0x1c: {  	s0 =	sshrl.u32 s26, $0x3;
	s25 =	simm.s32 $0x200;
	s26 =	simm.s32 $0x5  }
0x1d: {  	s12 =	simm.s32 $0x0;
	s21 =	sadd.s32 s0, s11;
	s22 =	sadd.s32 s0, s3  }
0x1e: {  	s0 =	simm.s32 $0x2;
	s3 =	simm.s32 $0x4200;
	s11 =	simm.s32 $0x4  }
.LBB2_1:
0x1f: {  	s13 =	rddreg [dreg:$0x3]  }
0x20: {  	[tilespmem:s25], [sflag:$0x5] =	stream.linear.gather [hbm4b:s13+s2], $0x4000, $0x38;
	[tilespmem:$0x1C200] =	vst v63  }
0x21: {  	_ =	swait.ge [sflag:s26], $0x4000  }
0x22: {  	[sflag:s26] =	ssyncset.done $0x0  }
0x23: {  	[sflag:s26] =	ssyncadd.s32 $0xFFFFC000  }
0x24: {  	[spmem:s6] =	stream.linear.scatter [tilespmem:s25], [sflag:$0x5], $0x4000, $0x38;
	[tilespmem:$0x1C200] =	vst v63  }
0x25: {  	_ =	swait.ge [sflag:s26], $0x4000  }
0x26: {  	[sflag:s26] =	ssyncset.done $0x0  }
0x27: {  	[sflag:s26] =	ssyncadd.s32 $0xFFFFC000  }
0x28: {  	[spmem:s7] =	stream.linear.scatter [tilespmem:s25], [sflag:$0x5], $0x4000, $0x38;
	[tilespmem:$0x1C200] =	vst v63  }
0x29: {  	_ =	swait.ge [sflag:s26], $0x4000  }
0x2a: {  	[sflag:s26] =	ssyncset.done $0x0  }
0x2b: {  	[sflag:s26] =	ssyncadd.s32 $0xFFFFC000  }
0x2c: {  	[spmem:s8] =	stream.linear.scatter [tilespmem:s25], [sflag:$0x5], $0x4000, $0x38;
	[tilespmem:$0x1C200] =	vst v63  }
0x2d: {  	_ =	swait.ge [sflag:s26], $0x4000  }
0x2e: {  	[sflag:s26] =	ssyncset.done $0x0  }
0x2f: {  	[sflag:s26] =	ssyncadd.s32 $0xFFFFC000  }
0x30: {  	[spmem:s9] =	stream.linear.scatter [tilespmem:s25], [sflag:$0x5], $0x4000, $0x38;
	[tilespmem:$0x1C200] =	vst v63  }
0x31: {  	_ =	swait.ge [sflag:s26], $0x4000  }
0x32: {  	[sflag:s26] =	ssyncset.done $0x0  }
0x33: {  	[sflag:s26] =	ssyncadd.s32 $0xFFFFC000  }
0x34: {  	[spmem:s10] =	stream.linear.scatter [tilespmem:s25], [sflag:$0x5], $0x4000, $0x38;
	[tilespmem:$0x1C200] =	vst v63  }
0x35: {  	_ =	swait.ge [sflag:s26], $0x4000  }
0x36: {  	[sflag:s26] =	ssyncset.done $0x0  }
0x37: {  	[sflag:s26] =	ssyncadd.s32 $0xFFFFC000  }
0x38: {  	[bflag:$0x0] =	sbarrier.arrive $0xFFFF  }
0x39: {  	s15 =	rddreg [dreg:$0x4]  }
0x3a: {  	[tilespmem:s2], [sflag:$0x1] =	stream.linear.gather [hbm4b:s15+s2], $0x80, $0x38;
	[tilespmem:$0x1C200] =	vst v63  }
0x3b: {  	s14 =	rddreg [dreg:$0x5]  }
0x3c: {  	[tilespmem:s28], [sflag:$0x1] =	stream.linear.gather [hbm4b:s14+s2], $0x80, $0x38;
	[tilespmem:$0x1C200] =	vst v63  }
0x3d: {  	s15 =	rddreg [dreg:$0x6]  }
0x3e: {  	[tilespmem:s29], [sflag:$0x2] =	stream.linear.gather [hbm4b:s15+s2], $0x80, $0x38;
	[tilespmem:$0x1C200] =	vst v63  }
0x3f: {  	s14 =	rddreg [dreg:$0x7]  }
0x40: {  	[tilespmem:s30], [sflag:$0x2] =	stream.linear.gather [hbm4b:s14+s2], $0x80, $0x38;
	[tilespmem:$0x1C200] =	vst v63  }
0x41: {  	_ =	swait.ge [sflag:s31], $0x80  }
0x42: {  	[sflag:s31] =	ssyncset.done $0x0  }
0x43: {  	[sflag:s31] =	ssyncadd.s32 $0xFFFFFF80  }
0x44: {  	_ =	swait.ge [sflag:s31], $0x80  }
0x45: {  	[sflag:s31] =	ssyncset.done $0x0  }
0x46: {  	[sflag:s31] =	ssyncadd.s32 $0xFFFFFF80  }
0x47: {  	[tilespmem:s25], [sflag:$0x3] =	stream.indirect.gather [hbm4b:s4+s29], $0x80, s2, s29, $0xb8;
	[tilespmem:$0x1C200] =	vst v63  }
0x48: {  	_ =	swait.ge [sflag:s0], $0x80  }
0x49: {  	[sflag:s0] =	ssyncset.done $0x0  }
0x4a: {  	[sflag:s0] =	ssyncadd.s32 $0xFFFFFF80  }
0x4b: {  	_ =	swait.ge [sflag:s0], $0x80  }
0x4c: {  	[sflag:s0] =	ssyncset.done $0x0  }
0x4d: {  	[sflag:s0] =	ssyncadd.s32 $0xFFFFFF80  }
0x4e: {  	[tilespmem:s3], [sflag:$0x4] =	stream.indirect.gather [hbm4b:s4+s29], $0x80, s29, s29, $0xb8;
	[tilespmem:$0x1C200] =	vst v63  }
0x4f: {  	_ =	swait.ge [sflag:s5], $0x4000  }
0x50: {  	[sflag:s5] =	ssyncset.done $0x0  }
0x51: {  	[sflag:s5] =	ssyncadd.s32 $0xFFFFC000  }
0x52: {  	[spmem:s1] =	stream.indirect.scatter.add.f32 [tilespmem:s25], [sflag:$0x5], $0x80, s28, s29, $0xb8;
	[tilespmem:$0x1C200] =	vst v63  }
0x53: {  	_ =	swait.ge [sflag:s26], $0x4000  }
0x54: {  	[sflag:s26] =	ssyncset.done $0x0  }
0x55: {  	s15 =	sadd.s32 $0x0, s24;
	[sflag:s26] =	ssyncadd.s32 $0xFFFFC000  }
0x56: {  	[tilespmem:s2], [sflag:$0x1] =	stream.linear.gather [hbm4b:s15+s2], $0x80, $0x38;
	[tilespmem:$0x1C200] =	vst v63  }
0x57: {  	s14 =	sadd.s32 $0x0, s23  }
0x58: {  	[tilespmem:s28], [sflag:$0x1] =	stream.linear.gather [hbm4b:s14+s2], $0x80, $0x38;
	[tilespmem:$0x1C200] =	vst v63  }
0x59: {  	_ =	swait.ge [sflag:s31], $0x80  }
0x5a: {  	[sflag:s31] =	ssyncset.done $0x0  }
0x5b: {  	[sflag:s31] =	ssyncadd.s32 $0xFFFFFF80  }
0x5c: {  	_ =	swait.ge [sflag:s31], $0x80  }
0x5d: {  	[sflag:s31] =	ssyncset.done $0x0  }
0x5e: {  	[sflag:s31] =	ssyncadd.s32 $0xFFFFFF80  }
0x5f: {  	[tilespmem:s25], [sflag:$0x3] =	stream.indirect.gather [hbm4b:s4+s29], $0x80, s2, s29, $0xb8;
	[tilespmem:$0x1C200] =	vst v63  }
0x60: {  	_ =	swait.ge [sflag:s11], $0x4000  }
0x61: {  	[sflag:s11] =	ssyncset.done $0x0  }
0x62: {  	[sflag:s11] =	ssyncadd.s32 $0xFFFFC000  }
0x63: {  	[spmem:s1] =	stream.indirect.scatter.add.f32 [tilespmem:s3], [sflag:$0x5], $0x80, s30, s29, $0xb8;
	[tilespmem:$0x1C200] =	vst v63  }
0x64: {  	_ =	swait.ge [sflag:s26], $0x4000  }
0x65: {  	s13 =	simm.s32 $0x20;
	[sflag:s26] =	ssyncset.done $0x0  }
0x66: {  	s15 =	sadd.s32 $0x0, s22;
	s14 =	sadd.s32 $0x0, s21;
	[sflag:s26] =	ssyncadd.s32 $0xFFFFC000  }
0x67: {  	[tilespmem:s29], [sflag:$0x2] =	stream.linear.gather [hbm4b:s15+s2], $0x80, $0x38;
	[tilespmem:$0x1C200] =	vst v63  }
.LBB2_2:
0x68: {  	[tilespmem:s30], [sflag:$0x2] =	stream.linear.gather [hbm4b:s14+s2], $0x80, $0x38;
	[tilespmem:$0x1C200] =	vst v63  }
0x69: {  	s14 =	smov.u32 s13  }
0x6a: {  	p0 =	sne.s32 s13, $0x4C0;
	s13 =	sadd.s32 $0x20, s13;
	_ =	swait.ge [sflag:s0], $0x80  }
0x6b: {  	[sflag:s0] =	ssyncset.done $0x0  }
0x6c: {  	[sflag:s0] =	ssyncadd.s32 $0xFFFFFF80  }
0x6d: {  	_ =	swait.ge [sflag:s0], $0x80  }
0x6e: {  	[sflag:s0] =	ssyncset.done $0x0  }
0x6f: {  	[sflag:s0] =	ssyncadd.s32 $0xFFFFFF80  }
0x70: {  	[tilespmem:s3], [sflag:$0x4] =	stream.indirect.gather [hbm4b:s4+s29], $0x80, s29, s29, $0xb8;
	[tilespmem:$0x1C200] =	vst v63  }
0x71: {  	_ =	swait.ge [sflag:s5], $0x4000  }
0x72: {  	[sflag:s5] =	ssyncset.done $0x0  }
0x73: {  	[sflag:s5] =	ssyncadd.s32 $0xFFFFC000  }
0x74: {  	[spmem:s1] =	stream.indirect.scatter.add.f32 [tilespmem:s25], [sflag:$0x5], $0x80, s28, s29, $0xb8;
	[tilespmem:$0x1C200] =	vst v63  }
0x75: {  	_ =	swait.ge [sflag:s26], $0x4000  }
0x76: {  	[sflag:s26] =	ssyncset.done $0x0  }
0x77: {  	s15 =	sadd.s32 s14, s24;
	[sflag:s26] =	ssyncadd.s32 $0xFFFFC000  }
0x78: {  	[tilespmem:s2], [sflag:$0x1] =	stream.linear.gather [hbm4b:s15+s2], $0x80, $0x38;
	[tilespmem:$0x1C200] =	vst v63  }
0x79: {  	s15 =	sadd.s32 s14, s23  }
0x7a: {  	[tilespmem:s28], [sflag:$0x1] =	stream.linear.gather [hbm4b:s15+s2], $0x80, $0x38;
	[tilespmem:$0x1C200] =	vst v63  }
0x7b: {  	_ =	swait.ge [sflag:s31], $0x80  }
0x7c: {  	[sflag:s31] =	ssyncset.done $0x0  }
0x7d: {  	[sflag:s31] =	ssyncadd.s32 $0xFFFFFF80  }
0x7e: {  	_ =	swait.ge [sflag:s31], $0x80  }
0x7f: {  	[sflag:s31] =	ssyncset.done $0x0  }
0x80: {  	[sflag:s31] =	ssyncadd.s32 $0xFFFFFF80  }
0x81: {  	[tilespmem:s25], [sflag:$0x3] =	stream.indirect.gather [hbm4b:s4+s29], $0x80, s2, s29, $0xb8;
	[tilespmem:$0x1C200] =	vst v63  }
0x82: {  	_ =	swait.ge [sflag:s11], $0x4000  }
0x83: {  	[sflag:s11] =	ssyncset.done $0x0  }
0x84: {  	[sflag:s11] =	ssyncadd.s32 $0xFFFFC000  }
0x85: {  	[spmem:s1] =	stream.indirect.scatter.add.f32 [tilespmem:s3], [sflag:$0x5], $0x80, s30, s29, $0xb8;
	[tilespmem:$0x1C200] =	vst v63  }
.Ltmp0:
0x86: {  	_ =	swait.ge [sflag:s26], $0x4000;
	(pc) =	sbr.rel @p0 .LBB2_2-.Ltmp0, $4  }
0x87: {  	[sflag:s26] =	ssyncset.done $0x0  }
0x88: {  	s15 =	sadd.s32 s14, s22;
	[sflag:s26] =	ssyncadd.s32 $0xFFFFC000  }
0x89: {  	[tilespmem:s29], [sflag:$0x2] =	stream.linear.gather [hbm4b:s15+s2], $0x80, $0x38;
	[tilespmem:$0x1C200] =	vst v63  }
0x8a: {  	s14 =	sadd.s32 s14, s21  }
0x8b: {  	[tilespmem:s30], [sflag:$0x2] =	stream.linear.gather [hbm4b:s14+s2], $0x80, $0x38;
	[tilespmem:$0x1C200] =	vst v63  }
0x8c: {  	_ =	swait.ge [sflag:s0], $0x80  }
0x8d: {  	[sflag:s0] =	ssyncset.done $0x0  }
0x8e: {  	[sflag:s0] =	ssyncadd.s32 $0xFFFFFF80  }
0x8f: {  	_ =	swait.ge [sflag:s0], $0x80  }
0x90: {  	[sflag:s0] =	ssyncset.done $0x0  }
0x91: {  	[sflag:s0] =	ssyncadd.s32 $0xFFFFFF80  }
0x92: {  	[tilespmem:s3], [sflag:$0x4] =	stream.indirect.gather [hbm4b:s4+s29], $0x80, s29, s29, $0xb8;
	[tilespmem:$0x1C200] =	vst v63  }
0x93: {  	_ =	swait.ge [sflag:s5], $0x4000  }
0x94: {  	[sflag:s5] =	ssyncset.done $0x0  }
0x95: {  	[sflag:s5] =	ssyncadd.s32 $0xFFFFC000  }
0x96: {  	[spmem:s1] =	stream.indirect.scatter.add.f32 [tilespmem:s25], [sflag:$0x5], $0x80, s28, s29, $0xb8;
	[tilespmem:$0x1C200] =	vst v63  }
0x97: {  	_ =	swait.ge [sflag:s26], $0x4000  }
0x98: {  	[sflag:s26] =	ssyncset.done $0x0  }
0x99: {  	[sflag:s26] =	ssyncadd.s32 $0xFFFFC000  }
0x9a: {  	_ =	swait.ge [sflag:s11], $0x4000  }
0x9b: {  	[sflag:s11] =	ssyncset.done $0x0  }
0x9c: {  	[sflag:s11] =	ssyncadd.s32 $0xFFFFC000  }
0x9d: {  	[spmem:s1] =	stream.indirect.scatter.add.f32 [tilespmem:s3], [sflag:$0x5], $0x80, s30, s29, $0xb8;
	[tilespmem:$0x1C200] =	vst v63  }
0x9e: {  	_ =	swait.ge [sflag:s26], $0x4000  }
0x9f: {  	[sflag:s26] =	ssyncset.done $0x0  }
0xa0: {  	[sflag:s26] =	ssyncadd.s32 $0xFFFFC000  }
0xa1: {  	[bflag:$0x0] =	sbarrier.arrive $0xFFFF  }
0xa2: {  	[tilespmem:s25], [sflag:$0x5] =	stream.linear.gather [spmem:s6], $0x4000, $0x38;
	[tilespmem:$0x1C200] =	vst v63  }
0xa3: {  	_ =	swait.ge [sflag:s26], $0x4000  }
0xa4: {  	[sflag:s26] =	ssyncset.done $0x0  }
0xa5: {  	s13 =	rddreg [dreg:$0x8];
	[sflag:s26] =	ssyncadd.s32 $0xFFFFC000  }
0xa6: {  	[hbm4b:s13+s2] =	stream.linear.scatter [tilespmem:s25], [sflag:$0x5], $0x4000, $0x38;
	[tilespmem:$0x1C200] =	vst v63  }
0xa7: {  	_ =	swait.ge [sflag:s26], $0x4000  }
0xa8: {  	[sflag:s26] =	ssyncset.done $0x0  }
0xa9: {  	[sflag:s26] =	ssyncadd.s32 $0xFFFFC000  }
0xaa: {  	[tilespmem:s25], [sflag:$0x5] =	stream.linear.gather [spmem:s7], $0x4000, $0x38;
	[tilespmem:$0x1C200] =	vst v63  }
0xab: {  	_ =	swait.ge [sflag:s26], $0x4000  }
0xac: {  	[sflag:s26] =	ssyncset.done $0x0  }
0xad: {  	[sflag:s26] =	ssyncadd.s32 $0xFFFFC000  }
0xae: {  	[hbm4b:s16+s2] =	stream.linear.scatter [tilespmem:s25], [sflag:$0x5], $0x4000, $0x38;
	[tilespmem:$0x1C200] =	vst v63  }
0xaf: {  	_ =	swait.ge [sflag:s26], $0x4000  }
0xb0: {  	[sflag:s26] =	ssyncset.done $0x0  }
0xb1: {  	[sflag:s26] =	ssyncadd.s32 $0xFFFFC000  }
0xb2: {  	[tilespmem:s25], [sflag:$0x5] =	stream.linear.gather [spmem:s8], $0x4000, $0x38;
	[tilespmem:$0x1C200] =	vst v63  }
0xb3: {  	_ =	swait.ge [sflag:s26], $0x4000  }
0xb4: {  	[sflag:s26] =	ssyncset.done $0x0  }
0xb5: {  	[sflag:s26] =	ssyncadd.s32 $0xFFFFC000  }
0xb6: {  	[hbm4b:s17+s2] =	stream.linear.scatter [tilespmem:s25], [sflag:$0x5], $0x4000, $0x38;
	[tilespmem:$0x1C200] =	vst v63  }
0xb7: {  	_ =	swait.ge [sflag:s26], $0x4000  }
0xb8: {  	[sflag:s26] =	ssyncset.done $0x0  }
0xb9: {  	[sflag:s26] =	ssyncadd.s32 $0xFFFFC000  }
0xba: {  	[tilespmem:s25], [sflag:$0x5] =	stream.linear.gather [spmem:s9], $0x4000, $0x38;
	[tilespmem:$0x1C200] =	vst v63  }
0xbb: {  	_ =	swait.ge [sflag:s26], $0x4000  }
0xbc: {  	[sflag:s26] =	ssyncset.done $0x0  }
0xbd: {  	[sflag:s26] =	ssyncadd.s32 $0xFFFFC000  }
0xbe: {  	[hbm4b:s18+s2] =	stream.linear.scatter [tilespmem:s25], [sflag:$0x5], $0x4000, $0x38;
	[tilespmem:$0x1C200] =	vst v63  }
0xbf: {  	_ =	swait.ge [sflag:s26], $0x4000  }
0xc0: {  	[sflag:s26] =	ssyncset.done $0x0  }
0xc1: {  	[sflag:s26] =	ssyncadd.s32 $0xFFFFC000  }
0xc2: {  	[tilespmem:s25], [sflag:$0x5] =	stream.linear.gather [spmem:s10], $0x4000, $0x38;
	[tilespmem:$0x1C200] =	vst v63  }
0xc3: {  	s12 =	sadd.s32 $0x1, s12;
	_ =	swait.ge [sflag:s26], $0x4000  }
0xc4: {  	p0 =	sne.s32 s12, s20;
	[sflag:s26] =	ssyncset.done $0x0  }
.Ltmp1:
0xc5: {  	[sflag:s26] =	ssyncadd.s32 $0xFFFFC000;
	(pc) =	sbr.rel @p0 .LBB2_1-.Ltmp1, $4  }
0xc6: {  	[hbm4b:s19+s2] =	stream.linear.scatter [tilespmem:s25], [sflag:$0x5], $0x4000, $0x38;
	[tilespmem:$0x1C200] =	vst v63  }
0xc7: {  	_ =	swait.ge [sflag:s26], $0x4000  }
0xc8: {  	[sflag:s26] =	ssyncset.done $0x0  }
0xc9: {  	[sflag:s26] =	ssyncadd.s32 $0xFFFFC000  }
0xca: {  	_ =	sfence.sel $0x180000  }
0xcb: {  	[bflag:$0x0] =	sbarrier.arrive $0xFFFF  }
0xcc: {  	_ =	strace $0x9000004D  }
0xcd: {  	s0 =	stileid.u32;
	[bflag:$0x2] =	sbarrier.arrive $0xFFFF  }
0xce: {  	p0 =	sne.s32 s0, $0x0;
	s0 =	rddreg [dreg:$0x2]  }
0xcf: {  	s0 =	sadd.s32 @!p0 $0x100000, s0  }
0xd0: {  	[sflag:s0] =	ssyncadd.tile.s32 @!p0 $0x1;
	_ =	shalt  }
.Lfunc_end2:
_tile_overlayer_lowered:
.L_overlay_start_2:
0xd1: {  	(tag) =	ssettag $0x2  }
0xd2: {  	s0 =	rddreg [dreg:$0x0];
	s2 =	stileid.u32  }
0xd3: {  	s1 =	rddreg [dreg:$0x1];
	p0 =	sne.s32 s2, $0x0  }
0xd4: {  	s3 =	rddreg [dreg:$0x2];
	[bflag:$0x3] =	sbarrier.arrive $0xFFFF;
	s2 =	simm.s32 @!p0 $0x1C05  }
0xd5: {  	[timem:s3], [sflag:s2] =	dma.local @!p0 [hbm:s0], s1  }
0xd6: {  	s0 =	simm.s32 @!p0 $0x5  }
0xd7: {  	_ =	swait.ge @!p0 [sflag:s0], s1  }
0xd8: {  	s1 =	ssub.s32 @!p0 $0x0, s1;
	[sflag:s0] =	ssyncset.done @!p0 $0x0  }
0xd9: {  	[sflag:s0] =	ssyncadd.s32 @!p0 s1  }
0xda: {  	[bflag:$0x3] =	sbarrier.arrive $0xFFFF  }
0xdb: {  	_ =	shalt  }

// kernel: kernel.20.cloned.1.call-start
scs
__scs_entry_jumppad:
0x0: {  	(pc) =	sbr.rel $0x88, $3  }
0x1: {  	(tag) =	ssettag $0x0;
	lr =	simm.s32 $0x1  }
0x2: {  	[smem:$0x3F97] =	sst lr;
	_ =	strace $0xD0000000  }
0x3: {  	_ = 	snop  }
0x4: {  	_ = 	snop  }
0x5: {  	_ = 	snop  }
0x6: {  	_ = 	snop  }
0x7: {  	_ = 	snop  }
__scs_overlays_trampoline_lowered:
0x8: {  	[smem:$0x3FA6] =	sst s0  }
0x9: {  	[smem:$0x3FA7] =	sst s1  }
0xa: {  	[smem:$0x3FA8] =	sst s2  }
0xb: {  	[smem:$0x3FA9] =	sst s3  }
0xc: {  	[smem:$0x3FAA] =	sst s4  }
0xd: {  	[smem:$0x3FAB] =	sst s5  }
0xe: {  	[smem:$0x3FAC] =	sst s6  }
0xf: {  	[smem:$0x3FAD] =	sst s7  }
0x10: {  	[smem:$0x3FAE] =	sst s8  }
0x11: {  	[smem:$0x3FAF] =	sst s9;
	s0 =	simm.s32 @!p0 $0x0  }
0x12: {  	s1 =	sld [smem:$0x3F95];
	s0 =	simm.s32 @p0 $0x1  }
0x13: {  	[smem:$0x3FB0] =	sst s0;
	s0 =	simm.s32 @!p1 $0x0  }
0x14: {  	s2 =	sld [smem:$0x3F94];
	s0 =	simm.s32 @p1 $0x1  }
0x15: {  	[smem:$0x3FB1] =	sst s0;
	s0 =	simm.s32 @!p2 $0x0  }
0x16: {  	s3 =	sld [smem:$0x3FDB];
	s0 =	simm.s32 @p2 $0x1  }
0x17: {  	s4 =	simm.s32 $0x1BF5;
	[smem:$0x3FB3] =	sst s0  }
0x18: {  	s0 =	sld [smem:$0x3F96];
	_ =	swait.ge [sflag:s4], $0x0  }
0x19: {  	s7 =	sld [smem:$0x3F97]  }
0x1a: {  	s8 =	sadd.s32 $0xFFFFE003, lr  }
0x1b: {  	s9 =	sadd.s32 $0xFFFFFEF7, lr;
	s5 =	simm.s32 $0xFFFFFFFF;
	p2 =	slt.u32 s8, $0xFFFFF086  }
0x1c: {  	p1 =	slt.u32 s9, $0xF7A;
	s5 =	simm.s32 @!p2 $0x0  }
0x1d: {  	s5 =	simm.s32 @p1 $0x1;
	p0 =	seq.s32 s7, s2  }
0x1e: {  	s7 =	smul.u32 @!p0 $0xF7A, s2;
	p2 =	seq.s32 @!p0 s5, $0x0  }
0x1f: {  	s9 =	smul.u32 $0xF7A, s1;
	s8 =	simm.s32 @!p0 $0x1BF5;
	p2 =	por !p2, p0  }
0x20: {  	[sflag:s8] =	ssyncset.s32 @!p0 $0xFFFFF086;
	s6 =	sadd.s32 @!p0 s3, s7;
	s7 =	simm.s32 @!p0 $0x108  }
0x21: {  	s3 =	sadd.s32 s3, s9;
	s6 =	sadd.s32 @!p0 $0x88, s6;
	s7 =	simm.s32 @p2 $0x1082  }
0x22: {  	[simem:s7], [sflag:s8] =	dma.local @!p0 [hbm:s6], $0xF7A  }
0x23: {  	s9 =	sor.u32 $0xD0000000, s2;
	s6 =	simm.s32 $0x108;
	_ =	swait.ge @!p0 [sflag:s8], $0x0  }
0x24: {  	s3 =	sadd.s32 $0x88, s3;
	s6 =	simm.s32 @!p1 $0x1082;
	[sflag:s4] =	ssyncset.s32 $0xFFFFF086  }
0x25: {  	[simem:s6], [sflag:s4] =	dma.local [hbm:s3], $0xF7A  }
0x26: {  	[smem:$0x3F97] =	sst s1;
	(tag) =	ssettag s2;
	_ =	strace s9  }
0x27: {  	s1 =	sld [smem:$0x3FA7]  }
0x28: {  	s2 =	sld [smem:$0x3FA8]  }
0x29: {  	s4 =	sld [smem:$0x3FAA]  }
0x2a: {  	p0 =	seq.s32 s5, $0x0;
	s5 =	sld [smem:$0x3FAB]  }
0x2b: {  	s6 =	sld [smem:$0x3FAC]  }
0x2c: {  	s7 =	sld [smem:$0x3FAD]  }
0x2d: {  	s3 =	simm.s32 $0x108;
	s8 =	sld [smem:$0x3FAE]  }
0x2e: {  	s3 =	simm.s32 @!p0 $0x1082;
	s9 =	sld [smem:$0x3FAF]  }
0x2f: {  	lr =	sadd.s32 s0, s3;
	s0 =	sld [smem:$0x3FA6]  }
0x30: {  	s3 =	sld [smem:$0x3FA9]  }
0x31: {  	[smem:$0x3FB2] =	sst s10  }
0x32: {  	s10 =	sld [smem:$0x3FB0];
	_ =	sdelay $0x3  }
0x33: {  	p0 =	seq.s32 s10, $0x1;
	s10 =	sld [smem:$0x3FB2];
	_ =	sdelay $0x3  }
0x34: {  	[smem:$0x3FB2] =	sst s10  }
0x35: {  	s10 =	sld [smem:$0x3FB1];
	_ =	sdelay $0x3  }
0x36: {  	p1 =	seq.s32 s10, $0x1;
	s10 =	sld [smem:$0x3FB2];
	_ =	sdelay $0x3  }
0x37: {  	[smem:$0x3FB2] =	sst s10  }
0x38: {  	s10 =	sld [smem:$0x3FB3]  }
0x39: {  	_ = 	snop;
	(pc) =	sbr.ind lr, $3  }
0x3a: {  	_ = 	snop  }
0x3b: {  	_ = 	snop  }
0x3c: {  	p2 =	seq.s32 s10, $0x1;
	s10 =	sld [smem:$0x3FB2]  }
0x3d: {  	_ =	shalt  }
0x3e: {  	_ =	shalt  }
0x3f: {  	_ =	shalt  }
0x40: {  	_ =	shalt  }
0x41: {  	_ =	shalt  }
0x42: {  	_ =	shalt  }
0x43: {  	_ =	shalt  }
0x44: {  	_ =	shalt  }
0x45: {  	_ =	shalt  }
0x46: {  	_ =	shalt  }
0x47: {  	_ =	shalt  }
0x48: {  	_ =	shalt  }
0x49: {  	_ =	shalt  }
0x4a: {  	_ =	shalt  }
0x4b: {  	_ =	shalt  }
0x4c: {  	_ =	shalt  }
0x4d: {  	_ =	shalt  }
0x4e: {  	_ =	shalt  }
0x4f: {  	_ =	shalt  }
0x50: {  	_ =	shalt  }
0x51: {  	_ =	shalt  }
0x52: {  	_ =	shalt  }
0x53: {  	_ =	shalt  }
0x54: {  	_ =	shalt  }
0x55: {  	_ =	shalt  }
0x56: {  	_ =	shalt  }
0x57: {  	_ =	shalt  }
0x58: {  	_ =	shalt  }
0x59: {  	_ =	shalt  }
0x5a: {  	_ =	shalt  }
0x5b: {  	_ =	shalt  }
0x5c: {  	_ =	shalt  }
0x5d: {  	_ =	shalt  }
0x5e: {  	_ =	shalt  }
0x5f: {  	_ =	shalt  }
0x60: {  	_ =	shalt  }
0x61: {  	_ =	shalt  }
0x62: {  	_ =	shalt  }
0x63: {  	_ =	shalt  }
0x64: {  	_ =	shalt  }
0x65: {  	_ =	shalt  }
0x66: {  	_ =	shalt  }
0x67: {  	_ =	shalt  }
0x68: {  	_ =	shalt  }
0x69: {  	_ =	shalt  }
0x6a: {  	_ =	shalt  }
0x6b: {  	_ =	shalt  }
0x6c: {  	_ =	shalt  }
0x6d: {  	_ =	shalt  }
0x6e: {  	_ =	shalt  }
0x6f: {  	_ =	shalt  }
0x70: {  	_ =	shalt  }
0x71: {  	_ =	shalt  }
0x72: {  	_ =	shalt  }
0x73: {  	_ =	shalt  }
0x74: {  	_ =	shalt  }
0x75: {  	_ =	shalt  }
0x76: {  	_ =	shalt  }
0x77: {  	_ =	shalt  }
0x78: {  	_ =	shalt  }
0x79: {  	_ =	shalt  }
0x7a: {  	_ =	shalt  }
0x7b: {  	_ =	shalt  }
0x7c: {  	_ =	shalt  }
0x7d: {  	_ =	shalt  }
0x7e: {  	_ =	shalt  }
0x7f: {  	_ =	shalt  }
0x80: {  	_ =	shalt  }
0x81: {  	_ =	shalt  }
0x82: {  	_ =	shalt  }
0x83: {  	_ =	shalt  }
0x84: {  	_ =	shalt  }
0x85: {  	_ =	shalt  }
0x86: {  	_ =	shalt  }
0x87: {  	_ =	shalt  }
.Lfunc_end0:
.L_simem_size_0:
called_computation.3_lowered:
.L_overlay_start_0:
0x88: {  	s2 =	sld [smem:$0x3FD9]  }
0x89: {  	s3 =	sld [smem:$0x3FFE];
	_ =	sdelay $0x1  }
0x8a: {  	s1 =	srdreg.scid  }
0x8b: {  	s0 =	sand.u32 $0x1, s1  }
0x8c: {  	s16 =	sshll.u32 s0, $0xA;
	s2 =	sadd.s32 s3, s2  }
0x8d: {  	s2 =	sadd.s32 s2, s16  }
0x8e: {  	[smem:$0x3FBE] =	sst s2  }
0x8f: {  	_ = 	snop  }
0x90: {  	(tm) =	ssettm $0x1  }
0x91: {  	s17 =	sld [smem:$0x3FFB];
	_ =	sdelay $0x3  }
0x92: {  	_ =	strace s17  }
0x93: {  	s2 =	sld [smem:$0x3FFC];
	_ =	sdelay $0x3  }
0x94: {  	_ =	strace s2  }
0x95: {  	s2 =	sld [smem:$0x3FFD];
	_ =	sdelay $0x3  }
0x96: {  	_ =	strace s2  }
0x97: {  	_ =	strace $0x8FFFFFFF  }
0x98: {  	s18 =	sld [smem:$0x3FDB];
	_ =	sdelay $0x1  }
0x99: {  	s19 =	simm.s32 $_scs_section_size  }
0x9a: {  	s4 =	simm.s32 $_size__tile_overlayer_lowered;
	s5 =	simm.s32 $_tile_overlayer_lowered  }
0x9b: {  	s22 =	simm.s32 $0x1BFF;
	s21 =	sshll.u32 s5, $0x1;
	s2 =	sadd.s32 s19, s18  }
0x9c: {  	s6 =	simm.s32 $0x0;
	s20 =	sshll.u32 s4, $0x1;
	s4 =	sadd.s32 s21, s2  }
0x9d: {  	[timem:s6], [sflag:s22] =	dma.local [hbm:s4], s20  }
0x9e: {  	_ =	swait.ge [sflag:s22], s20  }
0x9f: {  	s3 =	ssub.s32 $0x0, s20;
	[sflag:s22] =	ssyncset.done $0x0  }
0xa0: {  	[sflag:s22] =	ssyncadd.s32 s3;
	_ =	sdelay $0x1  }
0xa1: {  	s23 =	simm.s32 $0x1B8B  }
0xa2: {  	_ =	swait.ge [sflag:s23], $0x1  }
0xa3: {  	[sflag:s23] =	ssyncset.done $0x0  }
0xa4: {  	s25 =	simm.s32 $0x1B8E;
	s24 =	sld [smem:$0x3FFE];
	[sflag:s23] =	ssyncadd.s32 $0xFFFFFFFF  }
0xa5: {  	s26 =	simm.s32 $execute0_lowered;
	[smem:$0x3FD2] =	sst s25  }
0xa6: {  	s4 =	sshll.u32 s26, $0x1;
	_ =	strace $0x8000004F;
	[dreg:$0x1] =	wrdreg $0xFFFFFFFF  }
0xa7: {  	s28 =	simm.s32 $_size_execute0_lowered;
	s2 =	sadd.s32 s2, s4;
	[dreg:$0x0] =	wrdreg $0x0  }
0xa8: {  	s4 =	sshll.u32 s28, $0x1;
	[dreg:$0x2] =	wrdreg s2  }
0xa9: {  	[dreg:$0x3] =	wrdreg s4  }
0xaa: {  	[dreg:$0x4] =	wrdreg $0xC0  }
0xab: {  	_ =	task [dreg:s6], $0x5FFFF  }
0xac: {  	[dreg:$0x1] =	wrdreg $0xFFFFFFFF  }
0xad: {  	[dreg:$0x0] =	wrdreg $0x60  }
0xae: {  	[dreg:$0x2] =	wrdreg s24  }
0xaf: {  	[dreg:$0x3] =	wrdreg $0x82000  }
0xb0: {  	[dreg:$0x4] =	wrdreg $0x9  }
0xb1: {  	_ =	task.clear_ibuf [dreg:s6], $0x5FFFF;
	_ =	strace $0x9000004F  }
0xb2: {  	s29 =	simm.s32 $0x9;
	_ =	strace $0x80000051  }
0xb3: {  	_ =	swait.ge [sflag:s29], $0x1  }
0xb4: {  	[sflag:s29] =	ssyncadd.s32 $0xFFFFFFFF  }
0xb5: {  	_ =	strace $0x90000051  }
0xb6: {  	_ =	sfence  }
0xb7: {  	s30 =	sld [smem:$0x0];
	_ =	sdelay $0x2  }
0xb8: {  	s31 =	sshll.u32 s1, $0xD;
	s1 =	sshrl.u32 s1, $0x2  }
0xb9: {  	s3 =	sand.u32 $0x4000, s31;
	s1 =	sadd.s32 s1, s30  }
0xba: {  	s0 =	sor.u32 s3, s0;
	s1 =	sshll.u32 s1, $0x11  }
0xbb: {  	s0 =	sor.u32 s1, s0  }
0xbc: {  	s0 =	sadd.s32 $0x8F2B, s0  }
0xbd: {  	[sflag:s0] =	ssyncadd.remote.s32 $0x1  }
0xbe: {  	_ =	sfence.sel $0xFFFF  }
0xbf: {  	[dreg:$0x0] =	wrdreg $0xFFFFFFFF;
	(pc) =	sbr.abs _section_cstart, $3  }
0xc0: {  	[dreg:$0x1] =	wrdreg $0xFFFFFFFF  }
0xc1: {  	_ =	task.clear_ibuf [dreg:s6], $0x2FFFF;
	_ =	strace $0x9FFFFFFF  }
0xc2: {  	(tm) =	ssettm $0x7FFFFFFF  }
0xc3: {  	_ =	shalt  }
tec
execute0_lowered:
.L_overlay_start_1:
0x0: {  	(tag) =	ssettag $0x1  }
0x1: {  	s0 =	rddreg [dreg:$0x0]  }
0x2: {  	s1 =	rddreg [dreg:$0x1]  }
0x3: {  	s2 =	simm.s32 $0x0;
	s5 =	srdreg.scid;
	s21 =	stileid.u32  }
0x4: {  	s28 =	simm.s32 $0x100;
	s29 =	simm.s32 $0x80;
	s30 =	simm.s32 $0x180  }
0x5: {  	s31 =	simm.s32 $0x1;
	[smem:$0x7FF] =	sst s2;
	s4 =	sadd.s32 $0x19E00, s0  }
0x6: {  	s3 =	sadd.s32 $0x5600, s0;
	s11 =	sadd.s32 $0xF600, s0;
	s12 =	smul.u32 $0x280, s21  }
0x7: {  	s5 =	sand.u32 $0x1, s5;
	s6 =	sadd.s32 $0x19600, s0;
	s9 =	smul.u32 $0x50000, s21  }
0x8: {  	s0 =	sadd.s32 $0x41000, s0;
	_ =	strace $0x80000050;
	s17 =	ssub.s32 $0x2, s5  }
0x9: {  	[dreg:$0x3] =	wrdreg s6;
	s8 =	sshll.u32 s5, $0x4;
	s7 =	sshrl.u32 s17, $0x1  }
0xa: {  	s18 =	sor.u32 s21, s8;
	s19 =	sshrl.u32 s9, $0x2;
	s14 =	sadd.s32 $0x80, s12  }
0xb: {  	s16 =	sadd.s32 $0x100, s12;
	s21 =	smul.u32 $0x2800, s21;
	s13 =	ssub.s32 s17, s7  }
0xc: {  	s10 =	smul.u32 $0x2800, s18;
	s6 =	sadd.s32 s19, s1;
	s20 =	sshll.u32 s14, $0x7  }
0xd: {  	s22 =	sshll.u32 s16, $0x7;
	s17 =	sadd.s32 $0x180, s12;
	s18 =	sadd.s32 $0x200, s12  }
0xe: {  	s7 =	sadd.s32 s20, s1;
	s8 =	sadd.s32 s22, s1;
	s20 =	smul.u32 $0x2800, s5  }
0xf: {  	s23 =	sshll.u32 s17, $0x7;
	s15 =	sshll.u32 s18, $0x7;
	s5 =	smul.u32 $0x28000, s5  }
0x10: {  	s19 =	sshrl.u32 s10, $0x3;
	s9 =	sadd.s32 s23, s1;
	s10 =	sadd.s32 s15, s1  }
0x11: {  	s24 =	sadd.s32 s3, s19;
	s25 =	sadd.s32 s11, s19;
	s26 =	sor.u32 $0x10, s19  }
0x12: {  	s12 =	sadd.s32 s12, s20;
	s22 =	sadd.s32 s20, s16;
	[dreg:$0x4] =	wrdreg s24  }
0x13: {  	s23 =	sadd.s32 s20, s17;
	s5 =	sadd.s32 s21, s5;
	[dreg:$0x5] =	wrdreg s25  }
0x14: {  	s19 =	sadd.s32 s3, s26;
	s15 =	sadd.s32 s11, s26;
	s12 =	sshll.u32 s12, $0x4  }
0x15: {  	s24 =	sshll.u32 s23, $0x4;
	s26 =	sor.u32 $0x180, s5;
	[dreg:$0x6] =	wrdreg s19  }
0x16: {  	s5 =	sor.u32 $0x100, s5;
	[dreg:$0x7] =	wrdreg s15;
	s12 =	sadd.s32 s0, s12  }
0x17: {  	s19 =	sadd.s32 s20, s14;
	s14 =	sshll.u32 s22, $0x4;
	s20 =	sadd.s32 s20, s18  }
0x18: {  	s18 =	sadd.s32 s0, s24;
	s5 =	sshrl.u32 s5, $0x3;
	[dreg:$0x8] =	wrdreg s12  }
0x19: {  	s12 =	sshll.u32 s19, $0x4;
	s17 =	sadd.s32 s0, s14;
	s25 =	sshll.u32 s20, $0x4  }
0x1a: {  	s20 =	smax.u32 s13, $0x1;
	s23 =	sadd.s32 s5, s11;
	s24 =	sadd.s32 s5, s3  }
0x1b: {  	s5 =	simm.s32 $0x3;
	s16 =	sadd.s32 s0, s12;
	s19 =	sadd.s32 s0, s25  }
0x1c: {  	s0 =	sshrl.u32 s26, $0x3;
	s25 =	simm.s32 $0x200;
	s26 =	simm.s32 $0x5  }
0x1d: {  	s12 =	simm.s32 $0x0;
	s21 =	sadd.s32 s0, s11;
	s22 =	sadd.s32 s0, s3  }
0x1e: {  	s0 =	simm.s32 $0x2;
	s3 =	simm.s32 $0x4200;
	s11 =	simm.s32 $0x4  }
.LBB2_1:
0x1f: {  	s13 =	rddreg [dreg:$0x3]  }
0x20: {  	[tilespmem:s25], [sflag:$0x5] =	stream.linear.gather [hbm4b:s13+s2], $0x4000, $0x38;
	[tilespmem:$0x1C200] =	vst v63  }
0x21: {  	_ =	swait.ge [sflag:s26], $0x4000  }
0x22: {  	[sflag:s26] =	ssyncset.done $0x0  }
0x23: {  	[sflag:s26] =	ssyncadd.s32 $0xFFFFC000  }
0x24: {  	[spmem:s6] =	stream.linear.scatter [tilespmem:s25], [sflag:$0x5], $0x4000, $0x38;
	[tilespmem:$0x1C200] =	vst v63  }
0x25: {  	_ =	swait.ge [sflag:s26], $0x4000  }
0x26: {  	[sflag:s26] =	ssyncset.done $0x0  }
0x27: {  	[sflag:s26] =	ssyncadd.s32 $0xFFFFC000  }
0x28: {  	[spmem:s7] =	stream.linear.scatter [tilespmem:s25], [sflag:$0x5], $0x4000, $0x38;
	[tilespmem:$0x1C200] =	vst v63  }
0x29: {  	_ =	swait.ge [sflag:s26], $0x4000  }
0x2a: {  	[sflag:s26] =	ssyncset.done $0x0  }
0x2b: {  	[sflag:s26] =	ssyncadd.s32 $0xFFFFC000  }
0x2c: {  	[spmem:s8] =	stream.linear.scatter [tilespmem:s25], [sflag:$0x5], $0x4000, $0x38;
	[tilespmem:$0x1C200] =	vst v63  }
0x2d: {  	_ =	swait.ge [sflag:s26], $0x4000  }
0x2e: {  	[sflag:s26] =	ssyncset.done $0x0  }
0x2f: {  	[sflag:s26] =	ssyncadd.s32 $0xFFFFC000  }
0x30: {  	[spmem:s9] =	stream.linear.scatter [tilespmem:s25], [sflag:$0x5], $0x4000, $0x38;
	[tilespmem:$0x1C200] =	vst v63  }
0x31: {  	_ =	swait.ge [sflag:s26], $0x4000  }
0x32: {  	[sflag:s26] =	ssyncset.done $0x0  }
0x33: {  	[sflag:s26] =	ssyncadd.s32 $0xFFFFC000  }
0x34: {  	[spmem:s10] =	stream.linear.scatter [tilespmem:s25], [sflag:$0x5], $0x4000, $0x38;
	[tilespmem:$0x1C200] =	vst v63  }
0x35: {  	_ =	swait.ge [sflag:s26], $0x4000  }
0x36: {  	[sflag:s26] =	ssyncset.done $0x0  }
0x37: {  	[sflag:s26] =	ssyncadd.s32 $0xFFFFC000  }
0x38: {  	[bflag:$0x0] =	sbarrier.arrive $0xFFFF  }
0x39: {  	s15 =	rddreg [dreg:$0x4]  }
0x3a: {  	[tilespmem:s2], [sflag:$0x1] =	stream.linear.gather [hbm4b:s15+s2], $0x80, $0x38;
	[tilespmem:$0x1C200] =	vst v63  }
0x3b: {  	s14 =	rddreg [dreg:$0x5]  }
0x3c: {  	[tilespmem:s28], [sflag:$0x1] =	stream.linear.gather [hbm4b:s14+s2], $0x80, $0x38;
	[tilespmem:$0x1C200] =	vst v63  }
0x3d: {  	s15 =	rddreg [dreg:$0x6]  }
0x3e: {  	[tilespmem:s29], [sflag:$0x2] =	stream.linear.gather [hbm4b:s15+s2], $0x80, $0x38;
	[tilespmem:$0x1C200] =	vst v63  }
0x3f: {  	s14 =	rddreg [dreg:$0x7]  }
0x40: {  	[tilespmem:s30], [sflag:$0x2] =	stream.linear.gather [hbm4b:s14+s2], $0x80, $0x38;
	[tilespmem:$0x1C200] =	vst v63  }
0x41: {  	_ =	swait.ge [sflag:s31], $0x80  }
0x42: {  	[sflag:s31] =	ssyncset.done $0x0  }
0x43: {  	[sflag:s31] =	ssyncadd.s32 $0xFFFFFF80  }
0x44: {  	_ =	swait.ge [sflag:s31], $0x80  }
0x45: {  	[sflag:s31] =	ssyncset.done $0x0  }
0x46: {  	[sflag:s31] =	ssyncadd.s32 $0xFFFFFF80  }
0x47: {  	[tilespmem:s25], [sflag:$0x3] =	stream.indirect.gather [hbm4b:s4+s29], $0x80, s2, s29, $0xb8;
	[tilespmem:$0x1C200] =	vst v63  }
0x48: {  	_ =	swait.ge [sflag:s0], $0x80  }
0x49: {  	[sflag:s0] =	ssyncset.done $0x0  }
0x4a: {  	[sflag:s0] =	ssyncadd.s32 $0xFFFFFF80  }
0x4b: {  	_ =	swait.ge [sflag:s0], $0x80  }
0x4c: {  	[sflag:s0] =	ssyncset.done $0x0  }
0x4d: {  	[sflag:s0] =	ssyncadd.s32 $0xFFFFFF80  }
0x4e: {  	[tilespmem:s3], [sflag:$0x4] =	stream.indirect.gather [hbm4b:s4+s29], $0x80, s29, s29, $0xb8;
	[tilespmem:$0x1C200] =	vst v63  }
0x4f: {  	_ =	swait.ge [sflag:s5], $0x4000  }
0x50: {  	[sflag:s5] =	ssyncset.done $0x0  }
0x51: {  	[sflag:s5] =	ssyncadd.s32 $0xFFFFC000  }
0x52: {  	[spmem:s1] =	stream.indirect.scatter.add.f32 [tilespmem:s25], [sflag:$0x5], $0x80, s28, s29, $0xb8;
	[tilespmem:$0x1C200] =	vst v63  }
0x53: {  	_ =	swait.ge [sflag:s26], $0x4000  }
0x54: {  	[sflag:s26] =	ssyncset.done $0x0  }
0x55: {  	s15 =	sadd.s32 $0x0, s24;
	[sflag:s26] =	ssyncadd.s32 $0xFFFFC000  }
0x56: {  	[tilespmem:s2], [sflag:$0x1] =	stream.linear.gather [hbm4b:s15+s2], $0x80, $0x38;
	[tilespmem:$0x1C200] =	vst v63  }
0x57: {  	s14 =	sadd.s32 $0x0, s23  }
0x58: {  	[tilespmem:s28], [sflag:$0x1] =	stream.linear.gather [hbm4b:s14+s2], $0x80, $0x38;
	[tilespmem:$0x1C200] =	vst v63  }
0x59: {  	_ =	swait.ge [sflag:s31], $0x80  }
0x5a: {  	[sflag:s31] =	ssyncset.done $0x0  }
0x5b: {  	[sflag:s31] =	ssyncadd.s32 $0xFFFFFF80  }
0x5c: {  	_ =	swait.ge [sflag:s31], $0x80  }
0x5d: {  	[sflag:s31] =	ssyncset.done $0x0  }
0x5e: {  	[sflag:s31] =	ssyncadd.s32 $0xFFFFFF80  }
0x5f: {  	[tilespmem:s25], [sflag:$0x3] =	stream.indirect.gather [hbm4b:s4+s29], $0x80, s2, s29, $0xb8;
	[tilespmem:$0x1C200] =	vst v63  }
0x60: {  	_ =	swait.ge [sflag:s11], $0x4000  }
0x61: {  	[sflag:s11] =	ssyncset.done $0x0  }
0x62: {  	[sflag:s11] =	ssyncadd.s32 $0xFFFFC000  }
0x63: {  	[spmem:s1] =	stream.indirect.scatter.add.f32 [tilespmem:s3], [sflag:$0x5], $0x80, s30, s29, $0xb8;
	[tilespmem:$0x1C200] =	vst v63  }
0x64: {  	_ =	swait.ge [sflag:s26], $0x4000  }
0x65: {  	s13 =	simm.s32 $0x20;
	[sflag:s26] =	ssyncset.done $0x0  }
0x66: {  	s15 =	sadd.s32 $0x0, s22;
	s14 =	sadd.s32 $0x0, s21;
	[sflag:s26] =	ssyncadd.s32 $0xFFFFC000  }
0x67: {  	[tilespmem:s29], [sflag:$0x2] =	stream.linear.gather [hbm4b:s15+s2], $0x80, $0x38;
	[tilespmem:$0x1C200] =	vst v63  }
.LBB2_2:
0x68: {  	[tilespmem:s30], [sflag:$0x2] =	stream.linear.gather [hbm4b:s14+s2], $0x80, $0x38;
	[tilespmem:$0x1C200] =	vst v63  }
0x69: {  	s14 =	smov.u32 s13  }
0x6a: {  	p0 =	sne.s32 s13, $0x4C0;
	s13 =	sadd.s32 $0x20, s13;
	_ =	swait.ge [sflag:s0], $0x80  }
0x6b: {  	[sflag:s0] =	ssyncset.done $0x0  }
0x6c: {  	[sflag:s0] =	ssyncadd.s32 $0xFFFFFF80  }
0x6d: {  	_ =	swait.ge [sflag:s0], $0x80  }
0x6e: {  	[sflag:s0] =	ssyncset.done $0x0  }
0x6f: {  	[sflag:s0] =	ssyncadd.s32 $0xFFFFFF80  }
0x70: {  	[tilespmem:s3], [sflag:$0x4] =	stream.indirect.gather [hbm4b:s4+s29], $0x80, s29, s29, $0xb8;
	[tilespmem:$0x1C200] =	vst v63  }
0x71: {  	_ =	swait.ge [sflag:s5], $0x4000  }
0x72: {  	[sflag:s5] =	ssyncset.done $0x0  }
0x73: {  	[sflag:s5] =	ssyncadd.s32 $0xFFFFC000  }
0x74: {  	[spmem:s1] =	stream.indirect.scatter.add.f32 [tilespmem:s25], [sflag:$0x5], $0x80, s28, s29, $0xb8;
	[tilespmem:$0x1C200] =	vst v63  }
0x75: {  	_ =	swait.ge [sflag:s26], $0x4000  }
0x76: {  	[sflag:s26] =	ssyncset.done $0x0  }
0x77: {  	s15 =	sadd.s32 s14, s24;
	[sflag:s26] =	ssyncadd.s32 $0xFFFFC000  }
0x78: {  	[tilespmem:s2], [sflag:$0x1] =	stream.linear.gather [hbm4b:s15+s2], $0x80, $0x38;
	[tilespmem:$0x1C200] =	vst v63  }
0x79: {  	s15 =	sadd.s32 s14, s23  }
0x7a: {  	[tilespmem:s28], [sflag:$0x1] =	stream.linear.gather [hbm4b:s15+s2], $0x80, $0x38;
	[tilespmem:$0x1C200] =	vst v63  }
0x7b: {  	_ =	swait.ge [sflag:s31], $0x80  }
0x7c: {  	[sflag:s31] =	ssyncset.done $0x0  }
0x7d: {  	[sflag:s31] =	ssyncadd.s32 $0xFFFFFF80  }
0x7e: {  	_ =	swait.ge [sflag:s31], $0x80  }
0x7f: {  	[sflag:s31] =	ssyncset.done $0x0  }
0x80: {  	[sflag:s31] =	ssyncadd.s32 $0xFFFFFF80  }
0x81: {  	[tilespmem:s25], [sflag:$0x3] =	stream.indirect.gather [hbm4b:s4+s29], $0x80, s2, s29, $0xb8;
	[tilespmem:$0x1C200] =	vst v63  }
0x82: {  	_ =	swait.ge [sflag:s11], $0x4000  }
0x83: {  	[sflag:s11] =	ssyncset.done $0x0  }
0x84: {  	[sflag:s11] =	ssyncadd.s32 $0xFFFFC000  }
0x85: {  	[spmem:s1] =	stream.indirect.scatter.add.f32 [tilespmem:s3], [sflag:$0x5], $0x80, s30, s29, $0xb8;
	[tilespmem:$0x1C200] =	vst v63  }
.Ltmp0:
0x86: {  	_ =	swait.ge [sflag:s26], $0x4000;
	(pc) =	sbr.rel @p0 .LBB2_2-.Ltmp0, $4  }
0x87: {  	[sflag:s26] =	ssyncset.done $0x0  }
0x88: {  	s15 =	sadd.s32 s14, s22;
	[sflag:s26] =	ssyncadd.s32 $0xFFFFC000  }
0x89: {  	[tilespmem:s29], [sflag:$0x2] =	stream.linear.gather [hbm4b:s15+s2], $0x80, $0x38;
	[tilespmem:$0x1C200] =	vst v63  }
0x8a: {  	s14 =	sadd.s32 s14, s21  }
0x8b: {  	[tilespmem:s30], [sflag:$0x2] =	stream.linear.gather [hbm4b:s14+s2], $0x80, $0x38;
	[tilespmem:$0x1C200] =	vst v63  }
0x8c: {  	_ =	swait.ge [sflag:s0], $0x80  }
0x8d: {  	[sflag:s0] =	ssyncset.done $0x0  }
0x8e: {  	[sflag:s0] =	ssyncadd.s32 $0xFFFFFF80  }
0x8f: {  	_ =	swait.ge [sflag:s0], $0x80  }
0x90: {  	[sflag:s0] =	ssyncset.done $0x0  }
0x91: {  	[sflag:s0] =	ssyncadd.s32 $0xFFFFFF80  }
0x92: {  	[tilespmem:s3], [sflag:$0x4] =	stream.indirect.gather [hbm4b:s4+s29], $0x80, s29, s29, $0xb8;
	[tilespmem:$0x1C200] =	vst v63  }
0x93: {  	_ =	swait.ge [sflag:s5], $0x4000  }
0x94: {  	[sflag:s5] =	ssyncset.done $0x0  }
0x95: {  	[sflag:s5] =	ssyncadd.s32 $0xFFFFC000  }
0x96: {  	[spmem:s1] =	stream.indirect.scatter.add.f32 [tilespmem:s25], [sflag:$0x5], $0x80, s28, s29, $0xb8;
	[tilespmem:$0x1C200] =	vst v63  }
0x97: {  	_ =	swait.ge [sflag:s26], $0x4000  }
0x98: {  	[sflag:s26] =	ssyncset.done $0x0  }
0x99: {  	[sflag:s26] =	ssyncadd.s32 $0xFFFFC000  }
0x9a: {  	_ =	swait.ge [sflag:s11], $0x4000  }
0x9b: {  	[sflag:s11] =	ssyncset.done $0x0  }
0x9c: {  	[sflag:s11] =	ssyncadd.s32 $0xFFFFC000  }
0x9d: {  	[spmem:s1] =	stream.indirect.scatter.add.f32 [tilespmem:s3], [sflag:$0x5], $0x80, s30, s29, $0xb8;
	[tilespmem:$0x1C200] =	vst v63  }
0x9e: {  	_ =	swait.ge [sflag:s26], $0x4000  }
0x9f: {  	[sflag:s26] =	ssyncset.done $0x0  }
0xa0: {  	[sflag:s26] =	ssyncadd.s32 $0xFFFFC000  }
0xa1: {  	[bflag:$0x0] =	sbarrier.arrive $0xFFFF  }
0xa2: {  	[tilespmem:s25], [sflag:$0x5] =	stream.linear.gather [spmem:s6], $0x4000, $0x38;
	[tilespmem:$0x1C200] =	vst v63  }
0xa3: {  	_ =	swait.ge [sflag:s26], $0x4000  }
0xa4: {  	[sflag:s26] =	ssyncset.done $0x0  }
0xa5: {  	s13 =	rddreg [dreg:$0x8];
	[sflag:s26] =	ssyncadd.s32 $0xFFFFC000  }
0xa6: {  	[hbm4b:s13+s2] =	stream.linear.scatter [tilespmem:s25], [sflag:$0x5], $0x4000, $0x38;
	[tilespmem:$0x1C200] =	vst v63  }
0xa7: {  	_ =	swait.ge [sflag:s26], $0x4000  }
0xa8: {  	[sflag:s26] =	ssyncset.done $0x0  }
0xa9: {  	[sflag:s26] =	ssyncadd.s32 $0xFFFFC000  }
0xaa: {  	[tilespmem:s25], [sflag:$0x5] =	stream.linear.gather [spmem:s7], $0x4000, $0x38;
	[tilespmem:$0x1C200] =	vst v63  }
0xab: {  	_ =	swait.ge [sflag:s26], $0x4000  }
0xac: {  	[sflag:s26] =	ssyncset.done $0x0  }
0xad: {  	[sflag:s26] =	ssyncadd.s32 $0xFFFFC000  }
0xae: {  	[hbm4b:s16+s2] =	stream.linear.scatter [tilespmem:s25], [sflag:$0x5], $0x4000, $0x38;
	[tilespmem:$0x1C200] =	vst v63  }
0xaf: {  	_ =	swait.ge [sflag:s26], $0x4000  }
0xb0: {  	[sflag:s26] =	ssyncset.done $0x0  }
0xb1: {  	[sflag:s26] =	ssyncadd.s32 $0xFFFFC000  }
0xb2: {  	[tilespmem:s25], [sflag:$0x5] =	stream.linear.gather [spmem:s8], $0x4000, $0x38;
	[tilespmem:$0x1C200] =	vst v63  }
0xb3: {  	_ =	swait.ge [sflag:s26], $0x4000  }
0xb4: {  	[sflag:s26] =	ssyncset.done $0x0  }
0xb5: {  	[sflag:s26] =	ssyncadd.s32 $0xFFFFC000  }
0xb6: {  	[hbm4b:s17+s2] =	stream.linear.scatter [tilespmem:s25], [sflag:$0x5], $0x4000, $0x38;
	[tilespmem:$0x1C200] =	vst v63  }
0xb7: {  	_ =	swait.ge [sflag:s26], $0x4000  }
0xb8: {  	[sflag:s26] =	ssyncset.done $0x0  }
0xb9: {  	[sflag:s26] =	ssyncadd.s32 $0xFFFFC000  }
0xba: {  	[tilespmem:s25], [sflag:$0x5] =	stream.linear.gather [spmem:s9], $0x4000, $0x38;
	[tilespmem:$0x1C200] =	vst v63  }
0xbb: {  	_ =	swait.ge [sflag:s26], $0x4000  }
0xbc: {  	[sflag:s26] =	ssyncset.done $0x0  }
0xbd: {  	[sflag:s26] =	ssyncadd.s32 $0xFFFFC000  }
0xbe: {  	[hbm4b:s18+s2] =	stream.linear.scatter [tilespmem:s25], [sflag:$0x5], $0x4000, $0x38;
	[tilespmem:$0x1C200] =	vst v63  }
0xbf: {  	_ =	swait.ge [sflag:s26], $0x4000  }
0xc0: {  	[sflag:s26] =	ssyncset.done $0x0  }
0xc1: {  	[sflag:s26] =	ssyncadd.s32 $0xFFFFC000  }
0xc2: {  	[tilespmem:s25], [sflag:$0x5] =	stream.linear.gather [spmem:s10], $0x4000, $0x38;
	[tilespmem:$0x1C200] =	vst v63  }
0xc3: {  	s12 =	sadd.s32 $0x1, s12;
	_ =	swait.ge [sflag:s26], $0x4000  }
0xc4: {  	p0 =	sne.s32 s12, s20;
	[sflag:s26] =	ssyncset.done $0x0  }
.Ltmp1:
0xc5: {  	[sflag:s26] =	ssyncadd.s32 $0xFFFFC000;
	(pc) =	sbr.rel @p0 .LBB2_1-.Ltmp1, $4  }
0xc6: {  	[hbm4b:s19+s2] =	stream.linear.scatter [tilespmem:s25], [sflag:$0x5], $0x4000, $0x38;
	[tilespmem:$0x1C200] =	vst v63  }
0xc7: {  	_ =	swait.ge [sflag:s26], $0x4000  }
0xc8: {  	[sflag:s26] =	ssyncset.done $0x0  }
0xc9: {  	[sflag:s26] =	ssyncadd.s32 $0xFFFFC000  }
0xca: {  	_ =	sfence.sel $0x180000  }
0xcb: {  	[bflag:$0x0] =	sbarrier.arrive $0xFFFF  }
0xcc: {  	_ =	strace $0x90000050  }
0xcd: {  	s0 =	stileid.u32;
	[bflag:$0x2] =	sbarrier.arrive $0xFFFF  }
0xce: {  	p0 =	sne.s32 s0, $0x0;
	s0 =	rddreg [dreg:$0x2]  }
0xcf: {  	s0 =	sadd.s32 @!p0 $0x100000, s0  }
0xd0: {  	[sflag:s0] =	ssyncadd.tile.s32 @!p0 $0x1;
	_ =	shalt  }
.Lfunc_end2:
_tile_overlayer_lowered:
.L_overlay_start_2:
0xd1: {  	(tag) =	ssettag $0x2  }
0xd2: {  	s0 =	rddreg [dreg:$0x0];
	s2 =	stileid.u32  }
0xd3: {  	s1 =	rddreg [dreg:$0x1];
	p0 =	sne.s32 s2, $0x0  }
0xd4: {  	s3 =	rddreg [dreg:$0x2];
	[bflag:$0x3] =	sbarrier.arrive $0xFFFF;
	s2 =	simm.s32 @!p0 $0x1C05  }
0xd5: {  	[timem:s3], [sflag:s2] =	dma.local @!p0 [hbm:s0], s1  }
0xd6: {  	s0 =	simm.s32 @!p0 $0x5  }
0xd7: {  	_ =	swait.ge @!p0 [sflag:s0], s1  }
0xd8: {  	s1 =	ssub.s32 @!p0 $0x0, s1;
	[sflag:s0] =	ssyncset.done @!p0 $0x0  }
0xd9: {  	[sflag:s0] =	ssyncadd.s32 @!p0 s1  }
0xda: {  	[bflag:$0x3] =	sbarrier.arrive $0xFFFF  }
0xdb: {  	_ =	shalt  }

</sc_bundles>
